<compile_context>
chip_gen: v7x
topology: tpu7x:2x2x1
jax: 0.10.2.dev20260603
libtpu: 0.0.44.dev20260713+nightly
codegen_flags: <defaults>
</compile_context>

<pallas_src>
import functools

import jax
import jax.numpy as jnp
from jax import lax
from jax.experimental import pallas as pl
from jax.experimental.pallas import tpu as pltpu
from jax.experimental.pallas import tpu_sc as plsc

N = 50000
NP = 50176
E = 800000
EP = 819200
NG = 64
NC = 2
NS = 16
NW = NC * NS
EW = EP // NW
BW = 128
NWIN = EW // BW
BN_BLK = 1024
GRID_N = NP // BN_BLK
BE_BLK = 6400
GRID_E = EP // BE_BLK
ZB = 32
NPS = NP // NS
ZW = NPS // ZB
NPW = NP // NW
BP = 112
NPWIN = NPW // BP
F32 = jnp.float32
I32 = jnp.int32


def _elu(x):
    return jnp.where(x > 0, x, jnp.exp(jnp.where(x > 0, 0.0, x)) - 1.0)



BE2 = 2048
GRID_E2 = EP // BE2


def _bex_body(e_ref, o_ref):
    f0 = e_ref[:, 0:1]
    f1 = e_ref[:, 1:2]
    parts = []
    for b in [(1.0 - f0) * (1.0 - f1), f0 * (1.0 - f1),
              (1.0 - f0) * f1, f0 * f1]:
        parts.append(jnp.broadcast_to(b, (BE2, 16)))
    o_ref[...] = jnp.concatenate(parts, axis=1)


def _bex(eap):
    return pl.pallas_call(
        _bex_body,
        grid=(GRID_E2,),
        in_specs=[pl.BlockSpec((BE2, 8), lambda i: (i, 0))],
        out_specs=pl.BlockSpec((BE2, 64), lambda i: (i, 0)),
        out_shape=jax.ShapeDtypeStruct((EP, 64), F32),
    )(eap)


def _mm_body(x_ref, w_ref, o_ref):
    o_ref[...] = jnp.dot(x_ref[...], w_ref[...], preferred_element_type=F32)


def _mm_plain(xp, wc):
    cin, r = wc.shape
    return pl.pallas_call(
        _mm_body,
        grid=(GRID_N,),
        in_specs=[
            pl.BlockSpec((BN_BLK, cin), lambda i: (i, 0)),
            pl.BlockSpec((cin, r), lambda i: (0, 0)),
        ],
        out_specs=pl.BlockSpec((BN_BLK, r), lambda i: (i, 0)),
        out_shape=jax.ShapeDtypeStruct((NP, r), F32),
    )(xp, wc)


def _mm_bn_body(t_ref, s1_ref, s2_ref, g_ref, b_ref, w_ref, o_ref):
    mu = s1_ref[...] / N
    var = s2_ref[...] / N - mu * mu
    a = g_ref[...] * lax.rsqrt(var + 1e-5)
    c = b_ref[...] - mu * a
    o_ref[...] = jnp.dot(t_ref[...] * a + c, w_ref[...],
                         preferred_element_type=F32)


def _mm_bn(t, s1, s2, g, b, wc):
    cin, r = wc.shape
    return pl.pallas_call(
        _mm_bn_body,
        grid=(GRID_N,),
        in_specs=[
            pl.BlockSpec((BN_BLK, cin), lambda i: (i, 0)),
            pl.BlockSpec((1, cin), lambda i: (0, 0)),
            pl.BlockSpec((1, cin), lambda i: (0, 0)),
            pl.BlockSpec((1, cin), lambda i: (0, 0)),
            pl.BlockSpec((1, cin), lambda i: (0, 0)),
            pl.BlockSpec((cin, r), lambda i: (0, 0)),
        ],
        out_specs=pl.BlockSpec((BN_BLK, r), lambda i: (i, 0)),
        out_shape=jax.ShapeDtypeStruct((NP, r), F32),
    )(t, s1, s2, g, b, wc)


def _fin1_body(acc_ref, t_ref, inv_ref, s1_ref, s2_ref):
    i = pl.program_id(0)
    a = acc_ref[0] + acc_ref[1]
    cnt = a[:, 8:9]
    inv = 1.0 / jnp.maximum(cnt, 1.0)
    rows = i * BN_BLK + lax.broadcasted_iota(I32, (BN_BLK, 16), 0)
    cols = lax.broadcasted_iota(I32, (BN_BLK, 16), 1)
    t = _elu(a * inv)
    t = jnp.where((rows < N) & (cols < 8), t, 0.0)
    t_ref[...] = t
    inv_ref[...] = jnp.broadcast_to(inv, (BN_BLK, 16))

    @pl.when(i == 0)
    def _():
        s1_ref[...] = jnp.zeros_like(s1_ref)
        s2_ref[...] = jnp.zeros_like(s2_ref)

    s1_ref[...] += jnp.sum(t, axis=0, keepdims=True)
    s2_ref[...] += jnp.sum(t * t, axis=0, keepdims=True)


def _fin1(acc):
    return pl.pallas_call(
        _fin1_body,
        grid=(GRID_N,),
        in_specs=[pl.BlockSpec((2, BN_BLK, 16), lambda i: (0, i, 0))],
        out_specs=[
            pl.BlockSpec((BN_BLK, 16), lambda i: (i, 0)),
            pl.BlockSpec((BN_BLK, 16), lambda i: (i, 0)),
            pl.BlockSpec((1, 16), lambda i: (0, 0)),
            pl.BlockSpec((1, 16), lambda i: (0, 0)),
        ],
        out_shape=[
            jax.ShapeDtypeStruct((NP, 16), F32),
            jax.ShapeDtypeStruct((NP, 16), F32),
            jax.ShapeDtypeStruct((1, 16), F32),
            jax.ShapeDtypeStruct((1, 16), F32),
        ],
    )(acc)


def _fin23_body(c_dim, acc_ref, inv_ref, t_ref, s1_ref, s2_ref):
    i = pl.program_id(0)
    a = acc_ref[0] + acc_ref[1]
    inv = inv_ref[:, 0:1]
    rows = i * BN_BLK + lax.broadcasted_iota(I32, (BN_BLK, c_dim), 0)
    t = _elu(a * inv)
    t = jnp.where(rows < N, t, 0.0)
    t_ref[...] = t

    @pl.when(i == 0)
    def _():
        s1_ref[...] = jnp.zeros_like(s1_ref)
        s2_ref[...] = jnp.zeros_like(s2_ref)

    s1_ref[...] += jnp.sum(t, axis=0, keepdims=True)
    s2_ref[...] += jnp.sum(t * t, axis=0, keepdims=True)


def _fin23(acc, inv16, c_dim):
    return pl.pallas_call(
        functools.partial(_fin23_body, c_dim),
        grid=(GRID_N,),
        in_specs=[
            pl.BlockSpec((2, BN_BLK, c_dim), lambda i: (0, i, 0)),
            pl.BlockSpec((BN_BLK, 16), lambda i: (i, 0)),
        ],
        out_specs=[
            pl.BlockSpec((BN_BLK, c_dim), lambda i: (i, 0)),
            pl.BlockSpec((1, c_dim), lambda i: (0, 0)),
            pl.BlockSpec((1, c_dim), lambda i: (0, 0)),
        ],
        out_shape=[
            jax.ShapeDtypeStruct((NP, c_dim), F32),
            jax.ShapeDtypeStruct((1, c_dim), F32),
            jax.ShapeDtypeStruct((1, c_dim), F32),
        ],
    )(acc, inv16)


def _head_body(pa_ref, pc_ref, s1_ref, s2_ref, g_ref, b_ref, w_ref, o_ref):
    ps = (pa_ref[0] + pa_ref[1])[0:NG, :]
    cnt = (pc_ref[0] + pc_ref[1])[0:NG, 0:1]
    pooled = ps / jnp.maximum(cnt, 1.0)
    mu = s1_ref[...] / N
    var = s2_ref[...] / N - mu * mu
    a = g_ref[...] * lax.rsqrt(var + 1e-5)
    c = b_ref[...] - mu * a
    o_ref[...] = jnp.dot(pooled * a + c, w_ref[...],
                         preferred_element_type=F32)


def _head(pa, pc, s1, s2, g, b, fcwp):
    return pl.pallas_call(
        _head_body,
        out_shape=jax.ShapeDtypeStruct((NG, 128), F32),
    )(pa, pc, s1, s2, g, b, fcwp)



def _sc_edge(y, srcp, dstp, bex, cout, cacc, with_count):
    gw = max(cout, 16)
    nh = gw // 16
    r = 4 * gw
    mesh = plsc.VectorSubcoreMesh(core_axis_name="c", subcore_axis_name="s")

    @functools.partial(
        pl.kernel,
        out_type=jax.ShapeDtypeStruct((NC, NP, cacc), F32),
        mesh=mesh,
        compiler_params=pltpu.CompilerParams(
            needs_layout_passes=False, use_tc_tiling_on_sc=False),
        scratch_types=[
            pltpu.VMEM((BW,), I32),
            pltpu.VMEM((BW,), I32),
            pltpu.VMEM((BW, 64), F32),
            pltpu.VMEM((BW, r), F32),
            pltpu.VMEM((BW, cacc), F32),
            pltpu.VMEM((ZB, cacc), F32),
            pltpu.VMEM_SHARED((NP, cacc), F32),
            pltpu.SemaphoreType.DMA,
        ],
    )
    def k(y_hbm, src_hbm, dst_hbm, bex_hbm, out_hbm,
          src_v, dst_v, bex_v, rows_v, msg_v, zb_v, acc_sh, sem):
        cid = lax.axis_index("c")
        sid = lax.axis_index("s")
        wid = sid * NC + cid
        iot = lax.iota(I32, 16)
        zvec = jnp.zeros((16,), F32)

        for i in range(ZB):
            for c0 in range(0, cacc, 16):
                zb_v[i, pl.ds(c0, 16)] = zvec
        r0 = sid * NPS

        def zbody(w, carry):
            pltpu.sync_copy(zb_v, acc_sh.at[pl.ds(r0 + w * ZB, ZB), :])
            return carry
        lax.fori_loop(0, ZW, zbody, 0)
        plsc.subcore_barrier()

        e_base = wid * EW
        cntvec = (iot == 8).astype(F32)

        def wbody(w, carry):
            e0 = e_base + w * BW
            pltpu.sync_copy(src_hbm.at[pl.ds(e0, BW)], src_v)
            gd = pltpu.async_copy(y_hbm.at[src_v], rows_v, sem)
            pltpu.sync_copy(dst_hbm.at[pl.ds(e0, BW)], dst_v)
            pltpu.sync_copy(bex_hbm.at[pl.ds(e0, BW), :], bex_v)
            gd.wait()

            @plsc.parallel_loop(0, BW, unroll=8)
            def bbody(b):
                bs = [bex_v[b, pl.ds(16 * kk, 16)] for kk in range(4)]
                for h in range(nh):
                    acc = bs[0] * rows_v[b, pl.ds(16 * h, 16)]
                    for kk in range(1, 4):
                        acc = acc + bs[kk] * rows_v[
                            b, pl.ds(kk * gw + 16 * h, 16)]
                    if with_count and h == 0:
                        acc = acc + cntvec
                    msg_v[b, pl.ds(16 * h, 16)] = acc
            pltpu.sync_copy(msg_v, acc_sh.at[dst_v], add=True)
            return carry
        lax.fori_loop(0, NWIN, wbody, 0)
        plsc.subcore_barrier()

        def obody(w, carry):
            sl = pl.ds(r0 + w * ZB, ZB)
            pltpu.sync_copy(acc_sh.at[sl, :], out_hbm.at[cid, sl, :])
            return carry
        lax.fori_loop(0, ZW, obody, 0)

    return k(y, srcp, dstp, bex)


def _sc_pool(t3, bidp):
    mesh = plsc.VectorSubcoreMesh(core_axis_name="c", subcore_axis_name="s")

    @functools.partial(
        pl.kernel,
        out_type=(
            jax.ShapeDtypeStruct((NC, NG + 1, 32), F32),
            jax.ShapeDtypeStruct((NC, NG + 1, 16), F32),
        ),
        mesh=mesh,
        compiler_params=pltpu.CompilerParams(
            needs_layout_passes=False, use_tc_tiling_on_sc=False),
        scratch_types=[
            pltpu.VMEM((BP, 32), F32),
            pltpu.VMEM((BP, 16), F32),
            pltpu.VMEM((BP,), I32),
            pltpu.VMEM_SHARED((NG + 1, 32), F32),
            pltpu.VMEM_SHARED((NG + 1, 16), F32),
        ],
    )
    def k(t3_hbm, bid_hbm, pa_hbm, pc_hbm,
          tw_v, ones_v, bid_v, pacc_sh, pcnt_sh):
        cid = lax.axis_index("c")
        sid = lax.axis_index("s")
        wid = sid * NC + cid
        iot = lax.iota(I32, 16)
        zvec = jnp.zeros((16,), F32)
        zrow = jnp.zeros((16,), I32)
        ovec = jnp.ones((16,), F32)

        def zb(i, carry):
            plsc.store_scatter(tw_v, [zrow + i, iot], zvec)
            plsc.store_scatter(tw_v, [zrow + i, iot + 16], zvec)
            plsc.store_scatter(ones_v, [zrow + i, iot], ovec)
            return carry
        lax.fori_loop(0, BP, zb, 0)

        @pl.when(sid == 0)
        def _():
            pltpu.sync_copy(tw_v.at[pl.ds(0, NG + 1), :], pacc_sh)
            pltpu.sync_copy(tw_v.at[pl.ds(0, NG + 1), 0:16], pcnt_sh)
        plsc.subcore_barrier()

        n_base = wid * NPW

        def wbody(w, carry):
            n0 = n_base + w * BP
            pltpu.sync_copy(t3_hbm.at[pl.ds(n0, BP), :], tw_v)
            pltpu.sync_copy(bid_hbm.at[pl.ds(n0, BP)], bid_v)
            pltpu.sync_copy(tw_v, pacc_sh.at[bid_v], add=True)
            pltpu.sync_copy(ones_v, pcnt_sh.at[bid_v], add=True)
            return carry
        lax.fori_loop(0, NPWIN, wbody, 0)
        plsc.subcore_barrier()

        @pl.when(sid == 0)
        def _():
            pltpu.sync_copy(pacc_sh, pa_hbm.at[cid])
            pltpu.sync_copy(pcnt_sh, pc_hbm.at[cid])

    return k(t3, bidp)



def _wcat(w):
    return jnp.transpose(w, (1, 0, 2)).reshape(w.shape[1], 4 * w.shape[2])


@jax.jit
def kernel(x, edge_index, edge_attr, batch,
           W1, g1, b1, W2, g2, b2, W3, g3, b3, fcW):
    src = edge_index[0]
    dst = edge_index[1]
    srcp = jnp.pad(src, (0, EP - E))
    dstp = jnp.pad(dst, (0, EP - E), constant_values=N)
    eap = jnp.pad(edge_attr, ((0, EP - E), (0, 6)))
    xp = jnp.pad(x, ((0, NP - N), (0, 5)))
    bidp = jnp.pad(batch, (0, NP - N), constant_values=NG)

    w1c = jnp.pad(_wcat(W1).reshape(3, 4, 8), ((0, 5), (0, 0), (0, 8)))
    w1c = w1c.reshape(8, 64)
    w2c = jnp.pad(_wcat(W2), ((0, 8), (0, 0)))
    w3c = _wcat(W3)
    g1p = jnp.pad(g1, (0, 8)).reshape(1, 16)
    b1p = jnp.pad(b1, (0, 8)).reshape(1, 16)
    g2r = g2.reshape(1, 16)
    b2r = b2.reshape(1, 16)
    g3r = g3.reshape(1, 32)
    b3r = b3.reshape(1, 32)
    fcwp = jnp.pad(fcW, ((0, 0), (0, 118)))

    bex = _bex(eap)
    y1 = _mm_plain(xp, w1c)
    acc1 = _sc_edge(y1, srcp, dstp, bex, cout=8, cacc=16,
                    with_count=True)
    t1, inv16, s1a, s2a = _fin1(acc1)
    y2 = _mm_bn(t1, s1a, s2a, g1p, b1p, w2c)
    acc2 = _sc_edge(y2, srcp, dstp, bex, cout=16, cacc=16,
                    with_count=False)
    t2, s1b, s2b = _fin23(acc2, inv16, 16)
    y3 = _mm_bn(t2, s1b, s2b, g2r, b2r, w3c)
    acc3 = _sc_edge(y3, srcp, dstp, bex, cout=32, cacc=32,
                    with_count=False)
    t3, s1c, s2c = _fin23(acc3, inv16, 32)
    pa, pc = _sc_pool(t3, bidp)
    out = _head(pa, pc, s1c, s2c, g3r, b3r, fcwp)
    return out[:, :10]

# --- scband reference (transcript-rebuilt; emitter-appended) ---
"""Pipeline reference for scband-model2-3l-30073361006597 (READ-ONLY COPY).

The authoritative reference and input builder live on the scoring server;
editing this copy changes nothing except your own understanding.
"""

import jax, jax.numpy as jnp
import numpy as np

N = 50000
E = 800000
KS = 2
DIM = 2
K = KS ** DIM
NG = 64


def spline_basis(pseudo):
    # open B-spline basis, degree=1, kernel_size=2 per dim (as in torch_spline_conv)
    v = pseudo * (KS - 1)
    k_lo = jnp.clip(jnp.floor(v), 0, KS - 2).astype(jnp.int32)
    f = v - k_lo
    bs, ix = [], []
    for s1 in range(2):
        for s0 in range(2):
            b0 = (1.0 - f[:, 0]) if s0 == 0 else f[:, 0]
            b1 = (1.0 - f[:, 1]) if s1 == 0 else f[:, 1]
            bs.append(b0 * b1)
            ix.append((k_lo[:, 0] + s0) + KS * (k_lo[:, 1] + s1))
    return jnp.stack(bs, axis=1), jnp.stack(ix, axis=1)


def spline_conv(x, src, dst, basis, widx, W, num_nodes):
    # SplineConv with root_weight=False, bias=False, aggr='mean'
    x_j = jnp.take(x, src, axis=0)                      # gather source features [E, Cin]
    xWk = jnp.einsum('ec,kco->eko', x_j, W)             # [E, K, Cout]
    sel = jnp.take_along_axis(xWk, widx[:, :, None], axis=1)  # [E, S, Cout]
    msg = jnp.einsum('es,eso->eo', basis, sel)          # [E, Cout]
    out = jax.ops.segment_sum(msg, dst, num_segments=num_nodes)
    cnt = jax.ops.segment_sum(jnp.ones((msg.shape[0],), x.dtype), dst, num_segments=num_nodes)
    return out / jnp.clip(cnt, 1.0)[:, None]


def batch_norm(x, g, b, eps=1e-5):
    mu = jnp.mean(x, axis=0)
    var = jnp.mean((x - mu) ** 2, axis=0)
    return (x - mu) / jnp.sqrt(var + eps) * g + b


def setup_inputs(seed: int = 0):
    key = jax.random.key(seed)
    ks = jax.random.split(key, 10)
    x = jax.random.normal(ks[0], (N, 3), dtype=jnp.float32)
    edge_index = jax.random.randint(ks[1], (2, E), 0, N, dtype=jnp.int32)
    edge_attr = jax.random.uniform(ks[2], (E, DIM), dtype=jnp.float32)
    batch = jnp.sort(jax.random.randint(ks[3], (N,), 0, NG, dtype=jnp.int32))
    W1 = jax.random.normal(ks[4], (K, 3, 8), dtype=jnp.float32) * (1.0 / np.sqrt(3 * K))
    W2 = jax.random.normal(ks[5], (K, 8, 16), dtype=jnp.float32) * (1.0 / np.sqrt(8 * K))
    W3 = jax.random.normal(ks[6], (K, 16, 32), dtype=jnp.float32) * (1.0 / np.sqrt(16 * K))
    fcW = jax.random.normal(ks[7], (32, 10), dtype=jnp.float32) * (1.0 / np.sqrt(32))
    g1, b1 = jnp.ones((8,), jnp.float32), jnp.zeros((8,), jnp.float32)
    g2, b2 = jnp.ones((16,), jnp.float32), jnp.zeros((16,), jnp.float32)
    g3, b3 = jnp.ones((32,), jnp.float32), jnp.zeros((32,), jnp.float32)
    return {"x": x, "edge_index": edge_index, "edge_attr": edge_attr, "batch": batch,
            "W1": W1, "g1": g1, "b1": b1, "W2": W2, "g2": g2, "b2": b2,
            "W3": W3, "g3": g3, "b3": b3, "fcW": fcW}


def reference(x, edge_index, edge_attr, batch, W1, g1, b1, W2, g2, b2, W3, g3, b3, fcW):
    src, dst = edge_index[0], edge_index[1]
    basis, widx = spline_basis(edge_attr)
    h = jax.nn.elu(spline_conv(x, src, dst, basis, widx, W1, N))
    h = batch_norm(h, g1, b1)
    h = jax.nn.elu(spline_conv(h, src, dst, basis, widx, W2, N))
    h = batch_norm(h, g2, b2)
    h = jax.nn.elu(spline_conv(h, src, dst, basis, widx, W3, N))
    h = batch_norm(h, g3, b3)
    gc = jax.ops.segment_sum(jnp.ones((N,), h.dtype), batch, num_segments=NG)
    pooled = jax.ops.segment_sum(h, batch, num_segments=NG) / jnp.clip(gc, 1.0)[:, None]
    return pooled @ fcW

if __name__ == "__main__":
    import jax
    _d = setup_inputs()
    print(jax.jit(kernel)(*tuple(_d.values())))

</pallas_src>

<mosaic_0001>
#map = affine_map<(d0, d1) -> (0, 0)>
#map1 = affine_map<(d0, d1) -> (0)>
#map2 = affine_map<(d0, d1) -> (0, 0, 0)>
module attributes {stable_mosaic.version = 14 : i64} {
  func.func @k(%arg0: i32, %arg1: i32, %arg2: memref<50176x128xf32, #tpu.memory_space<hbm>>, %arg3: memref<819200xi32, #tpu.memory_space<hbm>>, %arg4: memref<819200xi32, #tpu.memory_space<hbm>>, %arg5: memref<819200x64xf32, #tpu.memory_space<hbm>>, %arg6: memref<2x50176x32xf32, #tpu.memory_space<hbm>>, %arg7: memref<128xi32, #tpu.memory_space<vmem>>, %arg8: memref<128xi32, #tpu.memory_space<vmem>>, %arg9: memref<128x64xf32, #tpu.memory_space<vmem>>, %arg10: memref<128x128xf32, #tpu.memory_space<vmem>>, %arg11: memref<128x32xf32, #tpu.memory_space<vmem>>, %arg12: memref<32x32xf32, #tpu.memory_space<vmem>>, %arg13: memref<50176x32xf32, #tpu.memory_space<vmem_shared>>, %arg14: memref<!tpu.dma_semaphore, #tpu.memory_space<semaphore_mem>>) attributes {dimension_semantics = [#tpu.dimension_semantics<core_parallel>, #tpu.dimension_semantics<subcore_parallel>], iteration_bounds = array<i64: 2, 16>, scalar_prefetch = 0 : i64, scratch_operands = 8 : i64, tpu.core_type = #tpu.core_type<sc_vector_subcore>, window_params = [{transform_indices = #map}, {transform_indices = #map1}, {transform_indices = #map1}, {transform_indices = #map}, {transform_indices = #map2}]} {
    %mul3A = arith.constant 2 : i32
    %mul3A_0 = arith.muli %arg1, %mul3A : i32
    %add3A = arith.addi %mul3A_0, %arg0 : i32
    %iota3A = tpu.iota {dimensions = array<i32: 0>} : vector<16xi32>
    %broadcast_in_dim3A = arith.constant 0.000000e+00 : f32
    %broadcast_in_dim3A_1 = vector.broadcast %broadcast_in_dim3A : f32 to vector<16xf32>
    %swap3A = arith.constant 0 : i32
    %swap3A_2 = arith.index_cast %swap3A : i32 to index
    %swap3A_3 = arith.constant 0 : index
    %swap3A_4 = tpu.vector_load %arg12[%swap3A_2, %swap3A_3] {strides = array<i32>} : memref<32x32xf32, #tpu.memory_space<vmem>>, vector<16xf32>,
    tpu.vector_store %arg12[%swap3A_2, %swap3A_3], %broadcast_in_dim3A_1 {strides = array<i32>} : memref<32x32xf32, #tpu.memory_space<vmem>>, vector<16xf32>,
    %swap3A_5 = arith.constant 0 : i32
    %swap3A_6 = arith.index_cast %swap3A_5 : i32 to index
    %swap3A_7 = arith.constant 16 : index
    %swap3A_8 = tpu.vector_load %arg12[%swap3A_6, %swap3A_7] {strides = array<i32>} : memref<32x32xf32, #tpu.memory_space<vmem>>, vector<16xf32>,
    tpu.vector_store %arg12[%swap3A_6, %swap3A_7], %broadcast_in_dim3A_1 {strides = array<i32>} : memref<32x32xf32, #tpu.memory_space<vmem>>, vector<16xf32>,
    %swap3A_9 = arith.constant 1 : i32
    %swap3A_10 = arith.index_cast %swap3A_9 : i32 to index
    %swap3A_11 = arith.constant 0 : index
    %swap3A_12 = tpu.vector_load %arg12[%swap3A_10, %swap3A_11] {strides = array<i32>} : memref<32x32xf32, #tpu.memory_space<vmem>>, vector<16xf32>,
    tpu.vector_store %arg12[%swap3A_10, %swap3A_11], %broadcast_in_dim3A_1 {strides = array<i32>} : memref<32x32xf32, #tpu.memory_space<vmem>>, vector<16xf32>,
    %swap3A_13 = arith.constant 1 : i32
    %swap3A_14 = arith.index_cast %swap3A_13 : i32 to index
    %swap3A_15 = arith.constant 16 : index
    %swap3A_16 = tpu.vector_load %arg12[%swap3A_14, %swap3A_15] {strides = array<i32>} : memref<32x32xf32, #tpu.memory_space<vmem>>, vector<16xf32>,
    tpu.vector_store %arg12[%swap3A_14, %swap3A_15], %broadcast_in_dim3A_1 {strides = array<i32>} : memref<32x32xf32, #tpu.memory_space<vmem>>, vector<16xf32>,
    %swap3A_17 = arith.constant 2 : i32
    %swap3A_18 = arith.index_cast %swap3A_17 : i32 to index
    %swap3A_19 = arith.constant 0 : index
    %swap3A_20 = tpu.vector_load %arg12[%swap3A_18, %swap3A_19] {strides = array<i32>} : memref<32x32xf32, #tpu.memory_space<vmem>>, vector<16xf32>,
    tpu.vector_store %arg12[%swap3A_18, %swap3A_19], %broadcast_in_dim3A_1 {strides = array<i32>} : memref<32x32xf32, #tpu.memory_space<vmem>>, vector<16xf32>,
    %swap3A_21 = arith.constant 2 : i32
    %swap3A_22 = arith.index_cast %swap3A_21 : i32 to index
    %swap3A_23 = arith.constant 16 : index
    %swap3A_24 = tpu.vector_load %arg12[%swap3A_22, %swap3A_23] {strides = array<i32>} : memref<32x32xf32, #tpu.memory_space<vmem>>, vector<16xf32>,
    tpu.vector_store %arg12[%swap3A_22, %swap3A_23], %broadcast_in_dim3A_1 {strides = array<i32>} : memref<32x32xf32, #tpu.memory_space<vmem>>, vector<16xf32>,
    %swap3A_25 = arith.constant 3 : i32
    %swap3A_26 = arith.index_cast %swap3A_25 : i32 to index
    %swap3A_27 = arith.constant 0 : index
    %swap3A_28 = tpu.vector_load %arg12[%swap3A_26, %swap3A_27] {strides = array<i32>} : memref<32x32xf32, #tpu.memory_space<vmem>>, vector<16xf32>,
    tpu.vector_store %arg12[%swap3A_26, %swap3A_27], %broadcast_in_dim3A_1 {strides = array<i32>} : memref<32x32xf32, #tpu.memory_space<vmem>>, vector<16xf32>,
    %swap3A_29 = arith.constant 3 : i32
    %swap3A_30 = arith.index_cast %swap3A_29 : i32 to index
    %swap3A_31 = arith.constant 16 : index
    %swap3A_32 = tpu.vector_load %arg12[%swap3A_30, %swap3A_31] {strides = array<i32>} : memref<32x32xf32, #tpu.memory_space<vmem>>, vector<16xf32>,
    tpu.vector_store %arg12[%swap3A_30, %swap3A_31], %broadcast_in_dim3A_1 {strides = array<i32>} : memref<32x32xf32, #tpu.memory_space<vmem>>, vector<16xf32>,
    %swap3A_33 = arith.constant 4 : i32
    %swap3A_34 = arith.index_cast %swap3A_33 : i32 to index
    %swap3A_35 = arith.constant 0 : index
    %swap3A_36 = tpu.vector_load %arg12[%swap3A_34, %swap3A_35] {strides = array<i32>} : memref<32x32xf32, #tpu.memory_space<vmem>>, vector<16xf32>,
    tpu.vector_store %arg12[%swap3A_34, %swap3A_35], %broadcast_in_dim3A_1 {strides = array<i32>} : memref<32x32xf32, #tpu.memory_space<vmem>>, vector<16xf32>,
    %swap3A_37 = arith.constant 4 : i32
    %swap3A_38 = arith.index_cast %swap3A_37 : i32 to index
    %swap3A_39 = arith.constant 16 : index
    %swap3A_40 = tpu.vector_load %arg12[%swap3A_38, %swap3A_39] {strides = array<i32>} : memref<32x32xf32, #tpu.memory_space<vmem>>, vector<16xf32>,
    tpu.vector_store %arg12[%swap3A_38, %swap3A_39], %broadcast_in_dim3A_1 {strides = array<i32>} : memref<32x32xf32, #tpu.memory_space<vmem>>, vector<16xf32>,
    %swap3A_41 = arith.constant 5 : i32
    %swap3A_42 = arith.index_cast %swap3A_41 : i32 to index
    %swap3A_43 = arith.constant 0 : index
    %swap3A_44 = tpu.vector_load %arg12[%swap3A_42, %swap3A_43] {strides = array<i32>} : memref<32x32xf32, #tpu.memory_space<vmem>>, vector<16xf32>,
    tpu.vector_store %arg12[%swap3A_42, %swap3A_43], %broadcast_in_dim3A_1 {strides = array<i32>} : memref<32x32xf32, #tpu.memory_space<vmem>>, vector<16xf32>,
    %swap3A_45 = arith.constant 5 : i32
    %swap3A_46 = arith.index_cast %swap3A_45 : i32 to index
    %swap3A_47 = arith.constant 16 : index
    %swap3A_48 = tpu.vector_load %arg12[%swap3A_46, %swap3A_47] {strides = array<i32>} : memref<32x32xf32, #tpu.memory_space<vmem>>, vector<16xf32>,
    tpu.vector_store %arg12[%swap3A_46, %swap3A_47], %broadcast_in_dim3A_1 {strides = array<i32>} : memref<32x32xf32, #tpu.memory_space<vmem>>, vector<16xf32>,
    %swap3A_49 = arith.constant 6 : i32
    %swap3A_50 = arith.index_cast %swap3A_49 : i32 to index
    %swap3A_51 = arith.constant 0 : index
    %swap3A_52 = tpu.vector_load %arg12[%swap3A_50, %swap3A_51] {strides = array<i32>} : memref<32x32xf32, #tpu.memory_space<vmem>>, vector<16xf32>,
    tpu.vector_store %arg12[%swap3A_50, %swap3A_51], %broadcast_in_dim3A_1 {strides = array<i32>} : memref<32x32xf32, #tpu.memory_space<vmem>>, vector<16xf32>,
    %swap3A_53 = arith.constant 6 : i32
    %swap3A_54 = arith.index_cast %swap3A_53 : i32 to index
    %swap3A_55 = arith.constant 16 : index
    %swap3A_56 = tpu.vector_load %arg12[%swap3A_54, %swap3A_55] {strides = array<i32>} : memref<32x32xf32, #tpu.memory_space<vmem>>, vector<16xf32>,
    tpu.vector_store %arg12[%swap3A_54, %swap3A_55], %broadcast_in_dim3A_1 {strides = array<i32>} : memref<32x32xf32, #tpu.memory_space<vmem>>, vector<16xf32>,
    %swap3A_57 = arith.constant 7 : i32
    %swap3A_58 = arith.index_cast %swap3A_57 : i32 to index
    %swap3A_59 = arith.constant 0 : index
    %swap3A_60 = tpu.vector_load %arg12[%swap3A_58, %swap3A_59] {strides = array<i32>} : memref<32x32xf32, #tpu.memory_space<vmem>>, vector<16xf32>,
    tpu.vector_store %arg12[%swap3A_58, %swap3A_59], %broadcast_in_dim3A_1 {strides = array<i32>} : memref<32x32xf32, #tpu.memory_space<vmem>>, vector<16xf32>,
    %swap3A_61 = arith.constant 7 : i32
    %swap3A_62 = arith.index_cast %swap3A_61 : i32 to index
    %swap3A_63 = arith.constant 16 : index
    %swap3A_64 = tpu.vector_load %arg12[%swap3A_62, %swap3A_63] {strides = array<i32>} : memref<32x32xf32, #tpu.memory_space<vmem>>, vector<16xf32>,
    tpu.vector_store %arg12[%swap3A_62, %swap3A_63], %broadcast_in_dim3A_1 {strides = array<i32>} : memref<32x32xf32, #tpu.memory_space<vmem>>, vector<16xf32>,
    %swap3A_65 = arith.constant 8 : i32
    %swap3A_66 = arith.index_cast %swap3A_65 : i32 to index
    %swap3A_67 = arith.constant 0 : index
    %swap3A_68 = tpu.vector_load %arg12[%swap3A_66, %swap3A_67] {strides = array<i32>} : memref<32x32xf32, #tpu.memory_space<vmem>>, vector<16xf32>,
    tpu.vector_store %arg12[%swap3A_66, %swap3A_67], %broadcast_in_dim3A_1 {strides = array<i32>} : memref<32x32xf32, #tpu.memory_space<vmem>>, vector<16xf32>,
    %swap3A_69 = arith.constant 8 : i32
    %swap3A_70 = arith.index_cast %swap3A_69 : i32 to index
    %swap3A_71 = arith.constant 16 : index
    %swap3A_72 = tpu.vector_load %arg12[%swap3A_70, %swap3A_71] {strides = array<i32>} : memref<32x32xf32, #tpu.memory_space<vmem>>, vector<16xf32>,
    tpu.vector_store %arg12[%swap3A_70, %swap3A_71], %broadcast_in_dim3A_1 {strides = array<i32>} : memref<32x32xf32, #tpu.memory_space<vmem>>, vector<16xf32>,
    %swap3A_73 = arith.constant 9 : i32
    %swap3A_74 = arith.index_cast %swap3A_73 : i32 to index
    %swap3A_75 = arith.constant 0 : index
    %swap3A_76 = tpu.vector_load %arg12[%swap3A_74, %swap3A_75] {strides = array<i32>} : memref<32x32xf32, #tpu.memory_space<vmem>>, vector<16xf32>,
    tpu.vector_store %arg12[%swap3A_74, %swap3A_75], %broadcast_in_dim3A_1 {strides = array<i32>} : memref<32x32xf32, #tpu.memory_space<vmem>>, vector<16xf32>,
    %swap3A_77 = arith.constant 9 : i32
    %swap3A_78 = arith.index_cast %swap3A_77 : i32 to index
    %swap3A_79 = arith.constant 16 : index
    %swap3A_80 = tpu.vector_load %arg12[%swap3A_78, %swap3A_79] {strides = array<i32>} : memref<32x32xf32, #tpu.memory_space<vmem>>, vector<16xf32>,
    tpu.vector_store %arg12[%swap3A_78, %swap3A_79], %broadcast_in_dim3A_1 {strides = array<i32>} : memref<32x32xf32, #tpu.memory_space<vmem>>, vector<16xf32>,
    %swap3A_81 = arith.constant 10 : i32
    %swap3A_82 = arith.index_cast %swap3A_81 : i32 to index
    %swap3A_83 = arith.constant 0 : index
    %swap3A_84 = tpu.vector_load %arg12[%swap3A_82, %swap3A_83] {strides = array<i32>} : memref<32x32xf32, #tpu.memory_space<vmem>>, vector<16xf32>,
    tpu.vector_store %arg12[%swap3A_82, %swap3A_83], %broadcast_in_dim3A_1 {strides = array<i32>} : memref<32x32xf32, #tpu.memory_space<vmem>>, vector<16xf32>,
    %swap3A_85 = arith.constant 10 : i32
    %swap3A_86 = arith.index_cast %swap3A_85 : i32 to index
    %swap3A_87 = arith.constant 16 : index
    %swap3A_88 = tpu.vector_load %arg12[%swap3A_86, %swap3A_87] {strides = array<i32>} : memref<32x32xf32, #tpu.memory_space<vmem>>, vector<16xf32>,
    tpu.vector_store %arg12[%swap3A_86, %swap3A_87], %broadcast_in_dim3A_1 {strides = array<i32>} : memref<32x32xf32, #tpu.memory_space<vmem>>, vector<16xf32>,
    %swap3A_89 = arith.constant 11 : i32
    %swap3A_90 = arith.index_cast %swap3A_89 : i32 to index
    %swap3A_91 = arith.constant 0 : index
    %swap3A_92 = tpu.vector_load %arg12[%swap3A_90, %swap3A_91] {strides = array<i32>} : memref<32x32xf32, #tpu.memory_space<vmem>>, vector<16xf32>,
    tpu.vector_store %arg12[%swap3A_90, %swap3A_91], %broadcast_in_dim3A_1 {strides = array<i32>} : memref<32x32xf32, #tpu.memory_space<vmem>>, vector<16xf32>,
    %swap3A_93 = arith.constant 11 : i32
    %swap3A_94 = arith.index_cast %swap3A_93 : i32 to index
    %swap3A_95 = arith.constant 16 : index
    %swap3A_96 = tpu.vector_load %arg12[%swap3A_94, %swap3A_95] {strides = array<i32>} : memref<32x32xf32, #tpu.memory_space<vmem>>, vector<16xf32>,
    tpu.vector_store %arg12[%swap3A_94, %swap3A_95], %broadcast_in_dim3A_1 {strides = array<i32>} : memref<32x32xf32, #tpu.memory_space<vmem>>, vector<16xf32>,
    %swap3A_97 = arith.constant 12 : i32
    %swap3A_98 = arith.index_cast %swap3A_97 : i32 to index
    %swap3A_99 = arith.constant 0 : index
    %swap3A_100 = tpu.vector_load %arg12[%swap3A_98, %swap3A_99] {strides = array<i32>} : memref<32x32xf32, #tpu.memory_space<vmem>>, vector<16xf32>,
    tpu.vector_store %arg12[%swap3A_98, %swap3A_99], %broadcast_in_dim3A_1 {strides = array<i32>} : memref<32x32xf32, #tpu.memory_space<vmem>>, vector<16xf32>,
    %swap3A_101 = arith.constant 12 : i32
    %swap3A_102 = arith.index_cast %swap3A_101 : i32 to index
    %swap3A_103 = arith.constant 16 : index
    %swap3A_104 = tpu.vector_load %arg12[%swap3A_102, %swap3A_103] {strides = array<i32>} : memref<32x32xf32, #tpu.memory_space<vmem>>, vector<16xf32>,
    tpu.vector_store %arg12[%swap3A_102, %swap3A_103], %broadcast_in_dim3A_1 {strides = array<i32>} : memref<32x32xf32, #tpu.memory_space<vmem>>, vector<16xf32>,
    %swap3A_105 = arith.constant 13 : i32
    %swap3A_106 = arith.index_cast %swap3A_105 : i32 to index
    %swap3A_107 = arith.constant 0 : index
    %swap3A_108 = tpu.vector_load %arg12[%swap3A_106, %swap3A_107] {strides = array<i32>} : memref<32x32xf32, #tpu.memory_space<vmem>>, vector<16xf32>,
    tpu.vector_store %arg12[%swap3A_106, %swap3A_107], %broadcast_in_dim3A_1 {strides = array<i32>} : memref<32x32xf32, #tpu.memory_space<vmem>>, vector<16xf32>,
    %swap3A_109 = arith.constant 13 : i32
    %swap3A_110 = arith.index_cast %swap3A_109 : i32 to index
    %swap3A_111 = arith.constant 16 : index
    %swap3A_112 = tpu.vector_load %arg12[%swap3A_110, %swap3A_111] {strides = array<i32>} : memref<32x32xf32, #tpu.memory_space<vmem>>, vector<16xf32>,
    tpu.vector_store %arg12[%swap3A_110, %swap3A_111], %broadcast_in_dim3A_1 {strides = array<i32>} : memref<32x32xf32, #tpu.memory_space<vmem>>, vector<16xf32>,
    %swap3A_113 = arith.constant 14 : i32
    %swap3A_114 = arith.index_cast %swap3A_113 : i32 to index
    %swap3A_115 = arith.constant 0 : index
    %swap3A_116 = tpu.vector_load %arg12[%swap3A_114, %swap3A_115] {strides = array<i32>} : memref<32x32xf32, #tpu.memory_space<vmem>>, vector<16xf32>,
    tpu.vector_store %arg12[%swap3A_114, %swap3A_115], %broadcast_in_dim3A_1 {strides = array<i32>} : memref<32x32xf32, #tpu.memory_space<vmem>>, vector<16xf32>,
    %swap3A_117 = arith.constant 14 : i32
    %swap3A_118 = arith.index_cast %swap3A_117 : i32 to index
    %swap3A_119 = arith.constant 16 : index
    %swap3A_120 = tpu.vector_load %arg12[%swap3A_118, %swap3A_119] {strides = array<i32>} : memref<32x32xf32, #tpu.memory_space<vmem>>, vector<16xf32>,
    tpu.vector_store %arg12[%swap3A_118, %swap3A_119], %broadcast_in_dim3A_1 {strides = array<i32>} : memref<32x32xf32, #tpu.memory_space<vmem>>, vector<16xf32>,
    %swap3A_121 = arith.constant 15 : i32
    %swap3A_122 = arith.index_cast %swap3A_121 : i32 to index
    %swap3A_123 = arith.constant 0 : index
    %swap3A_124 = tpu.vector_load %arg12[%swap3A_122, %swap3A_123] {strides = array<i32>} : memref<32x32xf32, #tpu.memory_space<vmem>>, vector<16xf32>,
    tpu.vector_store %arg12[%swap3A_122, %swap3A_123], %broadcast_in_dim3A_1 {strides = array<i32>} : memref<32x32xf32, #tpu.memory_space<vmem>>, vector<16xf32>,
    %swap3A_125 = arith.constant 15 : i32
    %swap3A_126 = arith.index_cast %swap3A_125 : i32 to index
    %swap3A_127 = arith.constant 16 : index
    %swap3A_128 = tpu.vector_load %arg12[%swap3A_126, %swap3A_127] {strides = array<i32>} : memref<32x32xf32, #tpu.memory_space<vmem>>, vector<16xf32>,
    tpu.vector_store %arg12[%swap3A_126, %swap3A_127], %broadcast_in_dim3A_1 {strides = array<i32>} : memref<32x32xf32, #tpu.memory_space<vmem>>, vector<16xf32>,
    %swap3A_129 = arith.constant 16 : i32
    %swap3A_130 = arith.index_cast %swap3A_129 : i32 to index
    %swap3A_131 = arith.constant 0 : index
    %swap3A_132 = tpu.vector_load %arg12[%swap3A_130, %swap3A_131] {strides = array<i32>} : memref<32x32xf32, #tpu.memory_space<vmem>>, vector<16xf32>,
    tpu.vector_store %arg12[%swap3A_130, %swap3A_131], %broadcast_in_dim3A_1 {strides = array<i32>} : memref<32x32xf32, #tpu.memory_space<vmem>>, vector<16xf32>,
    %swap3A_133 = arith.constant 16 : i32
    %swap3A_134 = arith.index_cast %swap3A_133 : i32 to index
    %swap3A_135 = arith.constant 16 : index
    %swap3A_136 = tpu.vector_load %arg12[%swap3A_134, %swap3A_135] {strides = array<i32>} : memref<32x32xf32, #tpu.memory_space<vmem>>, vector<16xf32>,
    tpu.vector_store %arg12[%swap3A_134, %swap3A_135], %broadcast_in_dim3A_1 {strides = array<i32>} : memref<32x32xf32, #tpu.memory_space<vmem>>, vector<16xf32>,
    %swap3A_137 = arith.constant 17 : i32
    %swap3A_138 = arith.index_cast %swap3A_137 : i32 to index
    %swap3A_139 = arith.constant 0 : index
    %swap3A_140 = tpu.vector_load %arg12[%swap3A_138, %swap3A_139] {strides = array<i32>} : memref<32x32xf32, #tpu.memory_space<vmem>>, vector<16xf32>,
    tpu.vector_store %arg12[%swap3A_138, %swap3A_139], %broadcast_in_dim3A_1 {strides = array<i32>} : memref<32x32xf32, #tpu.memory_space<vmem>>, vector<16xf32>,
    %swap3A_141 = arith.constant 17 : i32
    %swap3A_142 = arith.index_cast %swap3A_141 : i32 to index
    %swap3A_143 = arith.constant 16 : index
    %swap3A_144 = tpu.vector_load %arg12[%swap3A_142, %swap3A_143] {strides = array<i32>} : memref<32x32xf32, #tpu.memory_space<vmem>>, vector<16xf32>,
    tpu.vector_store %arg12[%swap3A_142, %swap3A_143], %broadcast_in_dim3A_1 {strides = array<i32>} : memref<32x32xf32, #tpu.memory_space<vmem>>, vector<16xf32>,
    %swap3A_145 = arith.constant 18 : i32
    %swap3A_146 = arith.index_cast %swap3A_145 : i32 to index
    %swap3A_147 = arith.constant 0 : index
    %swap3A_148 = tpu.vector_load %arg12[%swap3A_146, %swap3A_147] {strides = array<i32>} : memref<32x32xf32, #tpu.memory_space<vmem>>, vector<16xf32>,
    tpu.vector_store %arg12[%swap3A_146, %swap3A_147], %broadcast_in_dim3A_1 {strides = array<i32>} : memref<32x32xf32, #tpu.memory_space<vmem>>, vector<16xf32>,
    %swap3A_149 = arith.constant 18 : i32
    %swap3A_150 = arith.index_cast %swap3A_149 : i32 to index
    %swap3A_151 = arith.constant 16 : index
    %swap3A_152 = tpu.vector_load %arg12[%swap3A_150, %swap3A_151] {strides = array<i32>} : memref<32x32xf32, #tpu.memory_space<vmem>>, vector<16xf32>,
    tpu.vector_store %arg12[%swap3A_150, %swap3A_151], %broadcast_in_dim3A_1 {strides = array<i32>} : memref<32x32xf32, #tpu.memory_space<vmem>>, vector<16xf32>,
    %swap3A_153 = arith.constant 19 : i32
    %swap3A_154 = arith.index_cast %swap3A_153 : i32 to index
    %swap3A_155 = arith.constant 0 : index
    %swap3A_156 = tpu.vector_load %arg12[%swap3A_154, %swap3A_155] {strides = array<i32>} : memref<32x32xf32, #tpu.memory_space<vmem>>, vector<16xf32>,
    tpu.vector_store %arg12[%swap3A_154, %swap3A_155], %broadcast_in_dim3A_1 {strides = array<i32>} : memref<32x32xf32, #tpu.memory_space<vmem>>, vector<16xf32>,
    %swap3A_157 = arith.constant 19 : i32
    %swap3A_158 = arith.index_cast %swap3A_157 : i32 to index
    %swap3A_159 = arith.constant 16 : index
    %swap3A_160 = tpu.vector_load %arg12[%swap3A_158, %swap3A_159] {strides = array<i32>} : memref<32x32xf32, #tpu.memory_space<vmem>>, vector<16xf32>,
    tpu.vector_store %arg12[%swap3A_158, %swap3A_159], %broadcast_in_dim3A_1 {strides = array<i32>} : memref<32x32xf32, #tpu.memory_space<vmem>>, vector<16xf32>,
    %swap3A_161 = arith.constant 20 : i32
    %swap3A_162 = arith.index_cast %swap3A_161 : i32 to index
    %swap3A_163 = arith.constant 0 : index
    %swap3A_164 = tpu.vector_load %arg12[%swap3A_162, %swap3A_163] {strides = array<i32>} : memref<32x32xf32, #tpu.memory_space<vmem>>, vector<16xf32>,
    tpu.vector_store %arg12[%swap3A_162, %swap3A_163], %broadcast_in_dim3A_1 {strides = array<i32>} : memref<32x32xf32, #tpu.memory_space<vmem>>, vector<16xf32>,
    %swap3A_165 = arith.constant 20 : i32
    %swap3A_166 = arith.index_cast %swap3A_165 : i32 to index
    %swap3A_167 = arith.constant 16 : index
    %swap3A_168 = tpu.vector_load %arg12[%swap3A_166, %swap3A_167] {strides = array<i32>} : memref<32x32xf32, #tpu.memory_space<vmem>>, vector<16xf32>,
    tpu.vector_store %arg12[%swap3A_166, %swap3A_167], %broadcast_in_dim3A_1 {strides = array<i32>} : memref<32x32xf32, #tpu.memory_space<vmem>>, vector<16xf32>,
    %swap3A_169 = arith.constant 21 : i32
    %swap3A_170 = arith.index_cast %swap3A_169 : i32 to index
    %swap3A_171 = arith.constant 0 : index
    %swap3A_172 = tpu.vector_load %arg12[%swap3A_170, %swap3A_171] {strides = array<i32>} : memref<32x32xf32, #tpu.memory_space<vmem>>, vector<16xf32>,
    tpu.vector_store %arg12[%swap3A_170, %swap3A_171], %broadcast_in_dim3A_1 {strides = array<i32>} : memref<32x32xf32, #tpu.memory_space<vmem>>, vector<16xf32>,
    %swap3A_173 = arith.constant 21 : i32
    %swap3A_174 = arith.index_cast %swap3A_173 : i32 to index
    %swap3A_175 = arith.constant 16 : index
    %swap3A_176 = tpu.vector_load %arg12[%swap3A_174, %swap3A_175] {strides = array<i32>} : memref<32x32xf32, #tpu.memory_space<vmem>>, vector<16xf32>,
    tpu.vector_store %arg12[%swap3A_174, %swap3A_175], %broadcast_in_dim3A_1 {strides = array<i32>} : memref<32x32xf32, #tpu.memory_space<vmem>>, vector<16xf32>,
    %swap3A_177 = arith.constant 22 : i32
    %swap3A_178 = arith.index_cast %swap3A_177 : i32 to index
    %swap3A_179 = arith.constant 0 : index
    %swap3A_180 = tpu.vector_load %arg12[%swap3A_178, %swap3A_179] {strides = array<i32>} : memref<32x32xf32, #tpu.memory_space<vmem>>, vector<16xf32>,
    tpu.vector_store %arg12[%swap3A_178, %swap3A_179], %broadcast_in_dim3A_1 {strides = array<i32>} : memref<32x32xf32, #tpu.memory_space<vmem>>, vector<16xf32>,
    %swap3A_181 = arith.constant 22 : i32
    %swap3A_182 = arith.index_cast %swap3A_181 : i32 to index
    %swap3A_183 = arith.constant 16 : index
    %swap3A_184 = tpu.vector_load %arg12[%swap3A_182, %swap3A_183] {strides = array<i32>} : memref<32x32xf32, #tpu.memory_space<vmem>>, vector<16xf32>,
    tpu.vector_store %arg12[%swap3A_182, %swap3A_183], %broadcast_in_dim3A_1 {strides = array<i32>} : memref<32x32xf32, #tpu.memory_space<vmem>>, vector<16xf32>,
    %swap3A_185 = arith.constant 23 : i32
    %swap3A_186 = arith.index_cast %swap3A_185 : i32 to index
    %swap3A_187 = arith.constant 0 : index
    %swap3A_188 = tpu.vector_load %arg12[%swap3A_186, %swap3A_187] {strides = array<i32>} : memref<32x32xf32, #tpu.memory_space<vmem>>, vector<16xf32>,
    tpu.vector_store %arg12[%swap3A_186, %swap3A_187], %broadcast_in_dim3A_1 {strides = array<i32>} : memref<32x32xf32, #tpu.memory_space<vmem>>, vector<16xf32>,
    %swap3A_189 = arith.constant 23 : i32
    %swap3A_190 = arith.index_cast %swap3A_189 : i32 to index
    %swap3A_191 = arith.constant 16 : index
    %swap3A_192 = tpu.vector_load %arg12[%swap3A_190, %swap3A_191] {strides = array<i32>} : memref<32x32xf32, #tpu.memory_space<vmem>>, vector<16xf32>,
    tpu.vector_store %arg12[%swap3A_190, %swap3A_191], %broadcast_in_dim3A_1 {strides = array<i32>} : memref<32x32xf32, #tpu.memory_space<vmem>>, vector<16xf32>,
    %swap3A_193 = arith.constant 24 : i32
    %swap3A_194 = arith.index_cast %swap3A_193 : i32 to index
    %swap3A_195 = arith.constant 0 : index
    %swap3A_196 = tpu.vector_load %arg12[%swap3A_194, %swap3A_195] {strides = array<i32>} : memref<32x32xf32, #tpu.memory_space<vmem>>, vector<16xf32>,
    tpu.vector_store %arg12[%swap3A_194, %swap3A_195], %broadcast_in_dim3A_1 {strides = array<i32>} : memref<32x32xf32, #tpu.memory_space<vmem>>, vector<16xf32>,
    %swap3A_197 = arith.constant 24 : i32
    %swap3A_198 = arith.index_cast %swap3A_197 : i32 to index
    %swap3A_199 = arith.constant 16 : index
    %swap3A_200 = tpu.vector_load %arg12[%swap3A_198, %swap3A_199] {strides = array<i32>} : memref<32x32xf32, #tpu.memory_space<vmem>>, vector<16xf32>,
    tpu.vector_store %arg12[%swap3A_198, %swap3A_199], %broadcast_in_dim3A_1 {strides = array<i32>} : memref<32x32xf32, #tpu.memory_space<vmem>>, vector<16xf32>,
    %swap3A_201 = arith.constant 25 : i32
    %swap3A_202 = arith.index_cast %swap3A_201 : i32 to index
    %swap3A_203 = arith.constant 0 : index
    %swap3A_204 = tpu.vector_load %arg12[%swap3A_202, %swap3A_203] {strides = array<i32>} : memref<32x32xf32, #tpu.memory_space<vmem>>, vector<16xf32>,
    tpu.vector_store %arg12[%swap3A_202, %swap3A_203], %broadcast_in_dim3A_1 {strides = array<i32>} : memref<32x32xf32, #tpu.memory_space<vmem>>, vector<16xf32>,
    %swap3A_205 = arith.constant 25 : i32
    %swap3A_206 = arith.index_cast %swap3A_205 : i32 to index
    %swap3A_207 = arith.constant 16 : index
    %swap3A_208 = tpu.vector_load %arg12[%swap3A_206, %swap3A_207] {strides = array<i32>} : memref<32x32xf32, #tpu.memory_space<vmem>>, vector<16xf32>,
    tpu.vector_store %arg12[%swap3A_206, %swap3A_207], %broadcast_in_dim3A_1 {strides = array<i32>} : memref<32x32xf32, #tpu.memory_space<vmem>>, vector<16xf32>,
    %swap3A_209 = arith.constant 26 : i32
    %swap3A_210 = arith.index_cast %swap3A_209 : i32 to index
    %swap3A_211 = arith.constant 0 : index
    %swap3A_212 = tpu.vector_load %arg12[%swap3A_210, %swap3A_211] {strides = array<i32>} : memref<32x32xf32, #tpu.memory_space<vmem>>, vector<16xf32>,
    tpu.vector_store %arg12[%swap3A_210, %swap3A_211], %broadcast_in_dim3A_1 {strides = array<i32>} : memref<32x32xf32, #tpu.memory_space<vmem>>, vector<16xf32>,
    %swap3A_213 = arith.constant 26 : i32
    %swap3A_214 = arith.index_cast %swap3A_213 : i32 to index
    %swap3A_215 = arith.constant 16 : index
    %swap3A_216 = tpu.vector_load %arg12[%swap3A_214, %swap3A_215] {strides = array<i32>} : memref<32x32xf32, #tpu.memory_space<vmem>>, vector<16xf32>,
    tpu.vector_store %arg12[%swap3A_214, %swap3A_215], %broadcast_in_dim3A_1 {strides = array<i32>} : memref<32x32xf32, #tpu.memory_space<vmem>>, vector<16xf32>,
    %swap3A_217 = arith.constant 27 : i32
    %swap3A_218 = arith.index_cast %swap3A_217 : i32 to index
    %swap3A_219 = arith.constant 0 : index
    %swap3A_220 = tpu.vector_load %arg12[%swap3A_218, %swap3A_219] {strides = array<i32>} : memref<32x32xf32, #tpu.memory_space<vmem>>, vector<16xf32>,
    tpu.vector_store %arg12[%swap3A_218, %swap3A_219], %broadcast_in_dim3A_1 {strides = array<i32>} : memref<32x32xf32, #tpu.memory_space<vmem>>, vector<16xf32>,
    %swap3A_221 = arith.constant 27 : i32
    %swap3A_222 = arith.index_cast %swap3A_221 : i32 to index
    %swap3A_223 = arith.constant 16 : index
    %swap3A_224 = tpu.vector_load %arg12[%swap3A_222, %swap3A_223] {strides = array<i32>} : memref<32x32xf32, #tpu.memory_space<vmem>>, vector<16xf32>,
    tpu.vector_store %arg12[%swap3A_222, %swap3A_223], %broadcast_in_dim3A_1 {strides = array<i32>} : memref<32x32xf32, #tpu.memory_space<vmem>>, vector<16xf32>,
    %swap3A_225 = arith.constant 28 : i32
    %swap3A_226 = arith.index_cast %swap3A_225 : i32 to index
    %swap3A_227 = arith.constant 0 : index
    %swap3A_228 = tpu.vector_load %arg12[%swap3A_226, %swap3A_227] {strides = array<i32>} : memref<32x32xf32, #tpu.memory_space<vmem>>, vector<16xf32>,
    tpu.vector_store %arg12[%swap3A_226, %swap3A_227], %broadcast_in_dim3A_1 {strides = array<i32>} : memref<32x32xf32, #tpu.memory_space<vmem>>, vector<16xf32>,
    %swap3A_229 = arith.constant 28 : i32
    %swap3A_230 = arith.index_cast %swap3A_229 : i32 to index
    %swap3A_231 = arith.constant 16 : index
    %swap3A_232 = tpu.vector_load %arg12[%swap3A_230, %swap3A_231] {strides = array<i32>} : memref<32x32xf32, #tpu.memory_space<vmem>>, vector<16xf32>,
    tpu.vector_store %arg12[%swap3A_230, %swap3A_231], %broadcast_in_dim3A_1 {strides = array<i32>} : memref<32x32xf32, #tpu.memory_space<vmem>>, vector<16xf32>,
    %swap3A_233 = arith.constant 29 : i32
    %swap3A_234 = arith.index_cast %swap3A_233 : i32 to index
    %swap3A_235 = arith.constant 0 : index
    %swap3A_236 = tpu.vector_load %arg12[%swap3A_234, %swap3A_235] {strides = array<i32>} : memref<32x32xf32, #tpu.memory_space<vmem>>, vector<16xf32>,
    tpu.vector_store %arg12[%swap3A_234, %swap3A_235], %broadcast_in_dim3A_1 {strides = array<i32>} : memref<32x32xf32, #tpu.memory_space<vmem>>, vector<16xf32>,
    %swap3A_237 = arith.constant 29 : i32
    %swap3A_238 = arith.index_cast %swap3A_237 : i32 to index
    %swap3A_239 = arith.constant 16 : index
    %swap3A_240 = tpu.vector_load %arg12[%swap3A_238, %swap3A_239] {strides = array<i32>} : memref<32x32xf32, #tpu.memory_space<vmem>>, vector<16xf32>,
    tpu.vector_store %arg12[%swap3A_238, %swap3A_239], %broadcast_in_dim3A_1 {strides = array<i32>} : memref<32x32xf32, #tpu.memory_space<vmem>>, vector<16xf32>,
    %swap3A_241 = arith.constant 30 : i32
    %swap3A_242 = arith.index_cast %swap3A_241 : i32 to index
    %swap3A_243 = arith.constant 0 : index
    %swap3A_244 = tpu.vector_load %arg12[%swap3A_242, %swap3A_243] {strides = array<i32>} : memref<32x32xf32, #tpu.memory_space<vmem>>, vector<16xf32>,
    tpu.vector_store %arg12[%swap3A_242, %swap3A_243], %broadcast_in_dim3A_1 {strides = array<i32>} : memref<32x32xf32, #tpu.memory_space<vmem>>, vector<16xf32>,
    %swap3A_245 = arith.constant 30 : i32
    %swap3A_246 = arith.index_cast %swap3A_245 : i32 to index
    %swap3A_247 = arith.constant 16 : index
    %swap3A_248 = tpu.vector_load %arg12[%swap3A_246, %swap3A_247] {strides = array<i32>} : memref<32x32xf32, #tpu.memory_space<vmem>>, vector<16xf32>,
    tpu.vector_store %arg12[%swap3A_246, %swap3A_247], %broadcast_in_dim3A_1 {strides = array<i32>} : memref<32x32xf32, #tpu.memory_space<vmem>>, vector<16xf32>,
    %swap3A_249 = arith.constant 31 : i32
    %swap3A_250 = arith.index_cast %swap3A_249 : i32 to index
    %swap3A_251 = arith.constant 0 : index
    %swap3A_252 = tpu.vector_load %arg12[%swap3A_250, %swap3A_251] {strides = array<i32>} : memref<32x32xf32, #tpu.memory_space<vmem>>, vector<16xf32>,
    tpu.vector_store %arg12[%swap3A_250, %swap3A_251], %broadcast_in_dim3A_1 {strides = array<i32>} : memref<32x32xf32, #tpu.memory_space<vmem>>, vector<16xf32>,
    %swap3A_253 = arith.constant 31 : i32
    %swap3A_254 = arith.index_cast %swap3A_253 : i32 to index
    %swap3A_255 = arith.constant 16 : index
    %swap3A_256 = tpu.vector_load %arg12[%swap3A_254, %swap3A_255] {strides = array<i32>} : memref<32x32xf32, #tpu.memory_space<vmem>>, vector<16xf32>,
    tpu.vector_store %arg12[%swap3A_254, %swap3A_255], %broadcast_in_dim3A_1 {strides = array<i32>} : memref<32x32xf32, #tpu.memory_space<vmem>>, vector<16xf32>,
    %mul3A_257 = arith.constant 3136 : i32
    %mul3A_258 = arith.muli %arg1, %mul3A_257 : i32
    %scan3A = arith.constant 0 : i32
    %scan3A_259 = arith.constant 0 : i32
    %scan3A_260 = arith.constant 98 : i32
    %scan3A_261 = arith.addi %scan3A_259, %scan3A_260 : i32
    %scan3A_262 = arith.constant 1 : i32
    scf.for %scan3A_282 = %scan3A_259 to %scan3A_261 step %scan3A_262  : i32 {
      %mul3A_283 = arith.constant 32 : i32
      %mul3A_284 = arith.muli %scan3A_282, %mul3A_283 : i32
      %add3A_285 = arith.addi %mul3A_258, %mul3A_284 : i32
      "tpu.region"() ({
        %run_scoped3A = tpu.sem_alloc : memref<!tpu.dma_semaphore, #tpu.memory_space<semaphore_mem>>
        %dma_start3A = arith.constant 0 : i32
        %dma_start3A_286 = tpu.memref_slice %arg13[%add3A_285, %dma_start3A] : memref<50176x32xf32, #tpu.memory_space<vmem_shared>> -> memref<32x32xf32, #tpu.memory_space<vmem_shared>>
        %dma_start3A_287 = arith.constant 0 : i32
        %dma_start3A_288 = tpu.memref_slice %arg13[%add3A_285, %dma_start3A_287] : memref<50176x32xf32, #tpu.memory_space<vmem_shared>> -> memref<32x32xf32, #tpu.memory_space<vmem_shared>>
        tpu.enqueue_dma source(%arg12 : memref<32x32xf32, #tpu.memory_space<vmem>>) target(%dma_start3A_288 : memref<32x32xf32, #tpu.memory_space<vmem_shared>>) target_semaphore(%run_scoped3A : memref<!tpu.dma_semaphore, #tpu.memory_space<semaphore_mem>>)
        %dma_wait3A = arith.constant 0 : i32
        %dma_wait3A_289 = tpu.memref_slice %arg13[%add3A_285, %dma_wait3A] : memref<50176x32xf32, #tpu.memory_space<vmem_shared>> -> memref<32x32xf32, #tpu.memory_space<vmem_shared>>
        %dma_wait3A_290 = arith.constant 0 : i32
        %dma_wait3A_291 = tpu.memref_slice %arg13[%add3A_285, %dma_wait3A_290] : memref<50176x32xf32, #tpu.memory_space<vmem_shared>> -> memref<32x32xf32, #tpu.memory_space<vmem_shared>>
        tpu.wait_dma2 semaphore(%run_scoped3A : memref<!tpu.dma_semaphore, #tpu.memory_space<semaphore_mem>>) src(%arg12 : memref<32x32xf32, #tpu.memory_space<vmem>>) dst(%dma_wait3A_291 : memref<32x32xf32, #tpu.memory_space<vmem_shared>>)
        tpu.yield
      }) : () -> ()
    }
    %scan3A_263 = arith.constant 98 : i32
    %barrier3A = arith.constant 0 : index
    tpu.barrier barrier_id(%barrier3A)
    %mul3A_264 = arith.constant 25600 : i32
    %mul3A_265 = arith.muli %add3A, %mul3A_264 : i32
    %eq3A = arith.constant 8 : i32
    %eq3A_266 = vector.broadcast %eq3A : i32 to vector<16xi32>
    %eq3A_267 = arith.cmpi eq, %iota3A, %eq3A_266 : vector<16xi32>
    %convert_element_type3A = arith.extui %eq3A_267 : vector<16xi1> to vector<16xi32>
    %convert_element_type3A_268 = arith.sitofp %convert_element_type3A : vector<16xi32> to vector<16xf32>
    %scan3A_269 = arith.constant 0 : i32
    %scan3A_270 = arith.constant 0 : i32
    %scan3A_271 = arith.constant 200 : i32
    %scan3A_272 = arith.addi %scan3A_270, %scan3A_271 : i32
    %scan3A_273 = arith.constant 1 : i32
    scf.for %scan3A_282 = %scan3A_270 to %scan3A_272 step %scan3A_273  : i32 {
      %mul3A_283 = arith.constant 128 : i32
      %mul3A_284 = arith.muli %scan3A_282, %mul3A_283 : i32
      %add3A_285 = arith.addi %mul3A_265, %mul3A_284 : i32
      "tpu.region"() ({
        %run_scoped3A = tpu.sem_alloc : memref<!tpu.dma_semaphore, #tpu.memory_space<semaphore_mem>>
        %dma_start3A_292 = tpu.memref_slice %arg3[%add3A_285] : memref<819200xi32, #tpu.memory_space<hbm>> -> memref<128xi32, #tpu.memory_space<hbm>>
        %dma_start3A_293 = tpu.memref_slice %arg3[%add3A_285] : memref<819200xi32, #tpu.memory_space<hbm>> -> memref<128xi32, #tpu.memory_space<hbm>>
        tpu.enqueue_dma source(%dma_start3A_293 : memref<128xi32, #tpu.memory_space<hbm>>) target(%arg7 : memref<128xi32, #tpu.memory_space<vmem>>) target_semaphore(%run_scoped3A : memref<!tpu.dma_semaphore, #tpu.memory_space<semaphore_mem>>)
        %dma_wait3A_294 = tpu.memref_slice %arg3[%add3A_285] : memref<819200xi32, #tpu.memory_space<hbm>> -> memref<128xi32, #tpu.memory_space<hbm>>
        %dma_wait3A_295 = tpu.memref_slice %arg3[%add3A_285] : memref<819200xi32, #tpu.memory_space<hbm>> -> memref<128xi32, #tpu.memory_space<hbm>>
        tpu.wait_dma2 semaphore(%run_scoped3A : memref<!tpu.dma_semaphore, #tpu.memory_space<semaphore_mem>>) src(%dma_wait3A_295 : memref<128xi32, #tpu.memory_space<hbm>>) dst(%arg7 : memref<128xi32, #tpu.memory_space<vmem>>)
        tpu.yield
      }) : () -> ()
      %dma_start3A = arith.constant 0 : i32
      %dma_start3A_286 = arith.constant 0 : i32
      %dma_start3A_287 = tpu.memref_slice %arg2[%dma_start3A, %dma_start3A_286] : memref<50176x128xf32, #tpu.memory_space<hbm>> -> memref<50176x128xf32, #tpu.memory_space<hbm>>
      tpu.enqueue_indirect_dma source(%dma_start3A_287 : memref<50176x128xf32, #tpu.memory_space<hbm>>) target(%arg10 : memref<128x128xf32, #tpu.memory_space<vmem>>) offsets(%arg7 : memref<128xi32, #tpu.memory_space<vmem>>) semaphore(%arg14 : memref<!tpu.dma_semaphore, #tpu.memory_space<semaphore_mem>>)
      "tpu.region"() ({
        %run_scoped3A = tpu.sem_alloc : memref<!tpu.dma_semaphore, #tpu.memory_space<semaphore_mem>>
        %dma_start3A_292 = tpu.memref_slice %arg4[%add3A_285] : memref<819200xi32, #tpu.memory_space<hbm>> -> memref<128xi32, #tpu.memory_space<hbm>>
        %dma_start3A_293 = tpu.memref_slice %arg4[%add3A_285] : memref<819200xi32, #tpu.memory_space<hbm>> -> memref<128xi32, #tpu.memory_space<hbm>>
        tpu.enqueue_dma source(%dma_start3A_293 : memref<128xi32, #tpu.memory_space<hbm>>) target(%arg8 : memref<128xi32, #tpu.memory_space<vmem>>) target_semaphore(%run_scoped3A : memref<!tpu.dma_semaphore, #tpu.memory_space<semaphore_mem>>)
        %dma_wait3A_294 = tpu.memref_slice %arg4[%add3A_285] : memref<819200xi32, #tpu.memory_space<hbm>> -> memref<128xi32, #tpu.memory_space<hbm>>
        %dma_wait3A_295 = tpu.memref_slice %arg4[%add3A_285] : memref<819200xi32, #tpu.memory_space<hbm>> -> memref<128xi32, #tpu.memory_space<hbm>>
        tpu.wait_dma2 semaphore(%run_scoped3A : memref<!tpu.dma_semaphore, #tpu.memory_space<semaphore_mem>>) src(%dma_wait3A_295 : memref<128xi32, #tpu.memory_space<hbm>>) dst(%arg8 : memref<128xi32, #tpu.memory_space<vmem>>)
        tpu.yield
      }) : () -> ()
      "tpu.region"() ({
        %run_scoped3A = tpu.sem_alloc : memref<!tpu.dma_semaphore, #tpu.memory_space<semaphore_mem>>
        %dma_start3A_292 = arith.constant 0 : i32
        %dma_start3A_293 = tpu.memref_slice %arg5[%add3A_285, %dma_start3A_292] : memref<819200x64xf32, #tpu.memory_space<hbm>> -> memref<128x64xf32, #tpu.memory_space<hbm>>
        %dma_start3A_294 = arith.constant 0 : i32
        %dma_start3A_295 = tpu.memref_slice %arg5[%add3A_285, %dma_start3A_294] : memref<819200x64xf32, #tpu.memory_space<hbm>> -> memref<128x64xf32, #tpu.memory_space<hbm>>
        tpu.enqueue_dma source(%dma_start3A_295 : memref<128x64xf32, #tpu.memory_space<hbm>>) target(%arg9 : memref<128x64xf32, #tpu.memory_space<vmem>>) target_semaphore(%run_scoped3A : memref<!tpu.dma_semaphore, #tpu.memory_space<semaphore_mem>>)
        %dma_wait3A_296 = arith.constant 0 : i32
        %dma_wait3A_297 = tpu.memref_slice %arg5[%add3A_285, %dma_wait3A_296] : memref<819200x64xf32, #tpu.memory_space<hbm>> -> memref<128x64xf32, #tpu.memory_space<hbm>>
        %dma_wait3A_298 = arith.constant 0 : i32
        %dma_wait3A_299 = tpu.memref_slice %arg5[%add3A_285, %dma_wait3A_298] : memref<819200x64xf32, #tpu.memory_space<hbm>> -> memref<128x64xf32, #tpu.memory_space<hbm>>
        tpu.wait_dma2 semaphore(%run_scoped3A : memref<!tpu.dma_semaphore, #tpu.memory_space<semaphore_mem>>) src(%dma_wait3A_299 : memref<128x64xf32, #tpu.memory_space<hbm>>) dst(%arg9 : memref<128x64xf32, #tpu.memory_space<vmem>>)
        tpu.yield
      }) : () -> ()
      %dma_wait3A = arith.constant 0 : i32
      %dma_wait3A_288 = arith.constant 0 : i32
      %dma_wait3A_289 = tpu.memref_slice %arg2[%dma_wait3A, %dma_wait3A_288] : memref<50176x128xf32, #tpu.memory_space<hbm>> -> memref<50176x128xf32, #tpu.memory_space<hbm>>
      tpu.wait_indirect_dma semaphore(%arg14 : memref<!tpu.dma_semaphore, #tpu.memory_space<semaphore_mem>>) src(%dma_wait3A_289 : memref<50176x128xf32, #tpu.memory_space<hbm>>) dst(%arg10 : memref<128x128xf32, #tpu.memory_space<vmem>>)
      %parallel_loop3A = arith.constant 0 : i32
      %parallel_loop3A_290 = arith.constant 128 : i32
      %parallel_loop3A_291 = arith.constant 1 : i32
      scf.for %parallel_loop3A_292 = %parallel_loop3A to %parallel_loop3A_290 step %parallel_loop3A_291  : i32 {
        %parallel_loop3A_293 = arith.index_cast %parallel_loop3A_292 : i32 to index
        %parallel_loop3A_294 = arith.constant 0 : index
        %parallel_loop3A_295 = tpu.vector_load %arg9[%parallel_loop3A_293, %parallel_loop3A_294] {strides = array<i32>} : memref<128x64xf32, #tpu.memory_space<vmem>>, vector<16xf32>,
        %parallel_loop3A_296 = arith.index_cast %parallel_loop3A_292 : i32 to index
        %parallel_loop3A_297 = arith.constant 16 : index
        %parallel_loop3A_298 = tpu.vector_load %arg9[%parallel_loop3A_296, %parallel_loop3A_297] {strides = array<i32>} : memref<128x64xf32, #tpu.memory_space<vmem>>, vector<16xf32>,
        %parallel_loop3A_299 = arith.index_cast %parallel_loop3A_292 : i32 to index
        %parallel_loop3A_300 = arith.constant 32 : index
        %parallel_loop3A_301 = tpu.vector_load %arg9[%parallel_loop3A_299, %parallel_loop3A_300] {strides = array<i32>} : memref<128x64xf32, #tpu.memory_space<vmem>>, vector<16xf32>,
        %parallel_loop3A_302 = arith.index_cast %parallel_loop3A_292 : i32 to index
        %parallel_loop3A_303 = arith.constant 48 : index
        %parallel_loop3A_304 = tpu.vector_load %arg9[%parallel_loop3A_302, %parallel_loop3A_303] {strides = array<i32>} : memref<128x64xf32, #tpu.memory_space<vmem>>, vector<16xf32>,
        %parallel_loop3A_305 = arith.index_cast %parallel_loop3A_292 : i32 to index
        %parallel_loop3A_306 = arith.constant 0 : index
        %parallel_loop3A_307 = tpu.vector_load %arg10[%parallel_loop3A_305, %parallel_loop3A_306] {strides = array<i32>} : memref<128x128xf32, #tpu.memory_space<vmem>>, vector<16xf32>,
        %parallel_loop3A_308 = arith.mulf %parallel_loop3A_295, %parallel_loop3A_307 : vector<16xf32>
        %parallel_loop3A_309 = arith.index_cast %parallel_loop3A_292 : i32 to index
        %parallel_loop3A_310 = arith.constant 32 : index
        %parallel_loop3A_311 = tpu.vector_load %arg10[%parallel_loop3A_309, %parallel_loop3A_310] {strides = array<i32>} : memref<128x128xf32, #tpu.memory_space<vmem>>, vector<16xf32>,
        %parallel_loop3A_312 = arith.mulf %parallel_loop3A_298, %parallel_loop3A_311 : vector<16xf32>
        %parallel_loop3A_313 = arith.addf %parallel_loop3A_308, %parallel_loop3A_312 : vector<16xf32>
        %parallel_loop3A_314 = arith.index_cast %parallel_loop3A_292 : i32 to index
        %parallel_loop3A_315 = arith.constant 64 : index
        %parallel_loop3A_316 = tpu.vector_load %arg10[%parallel_loop3A_314, %parallel_loop3A_315] {strides = array<i32>} : memref<128x128xf32, #tpu.memory_space<vmem>>, vector<16xf32>,
        %parallel_loop3A_317 = arith.mulf %parallel_loop3A_301, %parallel_loop3A_316 : vector<16xf32>
        %parallel_loop3A_318 = arith.addf %parallel_loop3A_313, %parallel_loop3A_317 : vector<16xf32>
        %parallel_loop3A_319 = arith.index_cast %parallel_loop3A_292 : i32 to index
        %parallel_loop3A_320 = arith.constant 96 : index
        %parallel_loop3A_321 = tpu.vector_load %arg10[%parallel_loop3A_319, %parallel_loop3A_320] {strides = array<i32>} : memref<128x128xf32, #tpu.memory_space<vmem>>, vector<16xf32>,
        %parallel_loop3A_322 = arith.mulf %parallel_loop3A_304, %parallel_loop3A_321 : vector<16xf32>
        %parallel_loop3A_323 = arith.addf %parallel_loop3A_318, %parallel_loop3A_322 : vector<16xf32>
        %parallel_loop3A_324 = arith.index_cast %parallel_loop3A_292 : i32 to index
        %parallel_loop3A_325 = arith.constant 0 : index
        %parallel_loop3A_326 = tpu.vector_load %arg11[%parallel_loop3A_324, %parallel_loop3A_325] {strides = array<i32>} : memref<128x32xf32, #tpu.memory_space<vmem>>, vector<16xf32>,
        tpu.vector_store %arg11[%parallel_loop3A_324, %parallel_loop3A_325], %parallel_loop3A_323 {strides = array<i32>} : memref<128x32xf32, #tpu.memory_space<vmem>>, vector<16xf32>,
        %parallel_loop3A_327 = arith.index_cast %parallel_loop3A_292 : i32 to index
        %parallel_loop3A_328 = arith.constant 16 : index
        %parallel_loop3A_329 = tpu.vector_load %arg10[%parallel_loop3A_327, %parallel_loop3A_328] {strides = array<i32>} : memref<128x128xf32, #tpu.memory_space<vmem>>, vector<16xf32>,
        %parallel_loop3A_330 = arith.mulf %parallel_loop3A_295, %parallel_loop3A_329 : vector<16xf32>
        %parallel_loop3A_331 = arith.index_cast %parallel_loop3A_292 : i32 to index
        %parallel_loop3A_332 = arith.constant 48 : index
        %parallel_loop3A_333 = tpu.vector_load %arg10[%parallel_loop3A_331, %parallel_loop3A_332] {strides = array<i32>} : memref<128x128xf32, #tpu.memory_space<vmem>>, vector<16xf32>,
        %parallel_loop3A_334 = arith.mulf %parallel_loop3A_298, %parallel_loop3A_333 : vector<16xf32>
        %parallel_loop3A_335 = arith.addf %parallel_loop3A_330, %parallel_loop3A_334 : vector<16xf32>
        %parallel_loop3A_336 = arith.index_cast %parallel_loop3A_292 : i32 to index
        %parallel_loop3A_337 = arith.constant 80 : index
        %parallel_loop3A_338 = tpu.vector_load %arg10[%parallel_loop3A_336, %parallel_loop3A_337] {strides = array<i32>} : memref<128x128xf32, #tpu.memory_space<vmem>>, vector<16xf32>,
        %parallel_loop3A_339 = arith.mulf %parallel_loop3A_301, %parallel_loop3A_338 : vector<16xf32>
        %parallel_loop3A_340 = arith.addf %parallel_loop3A_335, %parallel_loop3A_339 : vector<16xf32>
        %parallel_loop3A_341 = arith.index_cast %parallel_loop3A_292 : i32 to index
        %parallel_loop3A_342 = arith.constant 112 : index
        %parallel_loop3A_343 = tpu.vector_load %arg10[%parallel_loop3A_341, %parallel_loop3A_342] {strides = array<i32>} : memref<128x128xf32, #tpu.memory_space<vmem>>, vector<16xf32>,
        %parallel_loop3A_344 = arith.mulf %parallel_loop3A_304, %parallel_loop3A_343 : vector<16xf32>
        %parallel_loop3A_345 = arith.addf %parallel_loop3A_340, %parallel_loop3A_344 : vector<16xf32>
        %parallel_loop3A_346 = arith.index_cast %parallel_loop3A_292 : i32 to index
        %parallel_loop3A_347 = arith.constant 16 : index
        %parallel_loop3A_348 = tpu.vector_load %arg11[%parallel_loop3A_346, %parallel_loop3A_347] {strides = array<i32>} : memref<128x32xf32, #tpu.memory_space<vmem>>, vector<16xf32>,
        tpu.vector_store %arg11[%parallel_loop3A_346, %parallel_loop3A_347], %parallel_loop3A_345 {strides = array<i32>} : memref<128x32xf32, #tpu.memory_space<vmem>>, vector<16xf32>,
      } {sc.loop_unroll_factor = 8 : i64, sc.parallel_access}
      "tpu.region"() ({
        %run_scoped3A = tpu.sem_alloc : memref<!tpu.dma_semaphore, #tpu.memory_space<semaphore_mem>>
        %dma_start3A_292 = arith.constant 0 : i32
        %dma_start3A_293 = arith.constant 0 : i32
        %dma_start3A_294 = tpu.memref_slice %arg13[%dma_start3A_292, %dma_start3A_293] : memref<50176x32xf32, #tpu.memory_space<vmem_shared>> -> memref<50176x32xf32, #tpu.memory_space<vmem_shared>>
        tpu.enqueue_indirect_dma source(%arg11 : memref<128x32xf32, #tpu.memory_space<vmem>>) target(%dma_start3A_294 : memref<50176x32xf32, #tpu.memory_space<vmem_shared>>) offsets(%arg8 : memref<128xi32, #tpu.memory_space<vmem>>) semaphore(%run_scoped3A : memref<!tpu.dma_semaphore, #tpu.memory_space<semaphore_mem>>) {add = true}
        %dma_wait3A_295 = arith.constant 0 : i32
        %dma_wait3A_296 = arith.constant 0 : i32
        %dma_wait3A_297 = tpu.memref_slice %arg13[%dma_wait3A_295, %dma_wait3A_296] : memref<50176x32xf32, #tpu.memory_space<vmem_shared>> -> memref<50176x32xf32, #tpu.memory_space<vmem_shared>>
        tpu.wait_indirect_dma semaphore(%run_scoped3A : memref<!tpu.dma_semaphore, #tpu.memory_space<semaphore_mem>>) src(%arg11 : memref<128x32xf32, #tpu.memory_space<vmem>>) dst(%dma_wait3A_297 : memref<50176x32xf32, #tpu.memory_space<vmem_shared>>)
        tpu.yield
      }) : () -> ()
    }
    %scan3A_274 = arith.constant 200 : i32
    %barrier3A_275 = arith.constant 0 : index
    tpu.barrier barrier_id(%barrier3A_275)
    %scan3A_276 = arith.constant 0 : i32
    %scan3A_277 = arith.constant 0 : i32
    %scan3A_278 = arith.constant 98 : i32
    %scan3A_279 = arith.addi %scan3A_277, %scan3A_278 : i32
    %scan3A_280 = arith.constant 1 : i32
    scf.for %scan3A_282 = %scan3A_277 to %scan3A_279 step %scan3A_280  : i32 {
      %mul3A_283 = arith.constant 32 : i32
      %mul3A_284 = arith.muli %scan3A_282, %mul3A_283 : i32
      %add3A_285 = arith.addi %mul3A_258, %mul3A_284 : i32
      "tpu.region"() ({
        %run_scoped3A = tpu.sem_alloc : memref<!tpu.dma_semaphore, #tpu.memory_space<semaphore_mem>>
        %dma_start3A = arith.constant 0 : i32
        %dma_start3A_286 = tpu.memref_slice %arg6[%arg0, %add3A_285, %dma_start3A] : memref<2x50176x32xf32, #tpu.memory_space<hbm>> -> memref<1x32x32xf32, #tpu.memory_space<hbm>>
        %dma_start3A_287 = tpu.memref_squeeze %dma_start3A_286 : memref<1x32x32xf32, #tpu.memory_space<hbm>> -> memref<32x32xf32, #tpu.memory_space<hbm>>
        %dma_start3A_288 = arith.constant 0 : i32
        %dma_start3A_289 = tpu.memref_slice %arg13[%add3A_285, %dma_start3A_288] : memref<50176x32xf32, #tpu.memory_space<vmem_shared>> -> memref<32x32xf32, #tpu.memory_space<vmem_shared>>
        tpu.enqueue_dma source(%dma_start3A_289 : memref<32x32xf32, #tpu.memory_space<vmem_shared>>) target(%dma_start3A_287 : memref<32x32xf32, #tpu.memory_space<hbm>>) target_semaphore(%run_scoped3A : memref<!tpu.dma_semaphore, #tpu.memory_space<semaphore_mem>>)
        %dma_wait3A = arith.constant 0 : i32
        %dma_wait3A_290 = tpu.memref_slice %arg6[%arg0, %add3A_285, %dma_wait3A] : memref<2x50176x32xf32, #tpu.memory_space<hbm>> -> memref<1x32x32xf32, #tpu.memory_space<hbm>>
        %dma_wait3A_291 = tpu.memref_squeeze %dma_wait3A_290 : memref<1x32x32xf32, #tpu.memory_space<hbm>> -> memref<32x32xf32, #tpu.memory_space<hbm>>
        %dma_wait3A_292 = arith.constant 0 : i32
        %dma_wait3A_293 = tpu.memref_slice %arg13[%add3A_285, %dma_wait3A_292] : memref<50176x32xf32, #tpu.memory_space<vmem_shared>> -> memref<32x32xf32, #tpu.memory_space<vmem_shared>>
        tpu.wait_dma2 semaphore(%run_scoped3A : memref<!tpu.dma_semaphore, #tpu.memory_space<semaphore_mem>>) src(%dma_wait3A_293 : memref<32x32xf32, #tpu.memory_space<vmem_shared>>) dst(%dma_wait3A_291 : memref<32x32xf32, #tpu.memory_space<hbm>>)
        tpu.yield
      }) : () -> ()
    }
    %scan3A_281 = arith.constant 98 : i32
    return
  }
}

#map = affine_map<(d0, d1) -> (0, 0)>
#map1 = affine_map<(d0, d1) -> (0)>
#map2 = affine_map<(d0, d1) -> (0, 0, 0)>
module attributes {stable_mosaic.version = 14 : i64} {
  func.func @k(%arg0: i32, %arg1: i32, %arg2: memref<50176x64xf32, #tpu.memory_space<hbm>>, %arg3: memref<819200xi32, #tpu.memory_space<hbm>>, %arg4: memref<819200xi32, #tpu.memory_space<hbm>>, %arg5: memref<819200x64xf32, #tpu.memory_space<hbm>>, %arg6: memref<2x50176x16xf32, #tpu.memory_space<hbm>>, %arg7: memref<128xi32, #tpu.memory_space<vmem>>, %arg8: memref<128xi32, #tpu.memory_space<vmem>>, %arg9: memref<128x64xf32, #tpu.memory_space<vmem>>, %arg10: memref<128x64xf32, #tpu.memory_space<vmem>>, %arg11: memref<128x16xf32, #tpu.memory_space<vmem>>, %arg12: memref<32x16xf32, #tpu.memory_space<vmem>>, %arg13: memref<50176x16xf32, #tpu.memory_space<vmem_shared>>, %arg14: memref<!tpu.dma_semaphore, #tpu.memory_space<semaphore_mem>>) attributes {dimension_semantics = [#tpu.dimension_semantics<core_parallel>, #tpu.dimension_semantics<subcore_parallel>], iteration_bounds = array<i64: 2, 16>, scalar_prefetch = 0 : i64, scratch_operands = 8 : i64, tpu.core_type = #tpu.core_type<sc_vector_subcore>, window_params = [{transform_indices = #map}, {transform_indices = #map1}, {transform_indices = #map1}, {transform_indices = #map}, {transform_indices = #map2}]} {
    %mul3A = arith.constant 2 : i32
    %mul3A_0 = arith.muli %arg1, %mul3A : i32
    %add3A = arith.addi %mul3A_0, %arg0 : i32
    %iota3A = tpu.iota {dimensions = array<i32: 0>} : vector<16xi32>
    %broadcast_in_dim3A = arith.constant 0.000000e+00 : f32
    %broadcast_in_dim3A_1 = vector.broadcast %broadcast_in_dim3A : f32 to vector<16xf32>
    %swap3A = arith.constant 0 : i32
    %swap3A_2 = arith.index_cast %swap3A : i32 to index
    %swap3A_3 = arith.constant 0 : index
    %swap3A_4 = tpu.vector_load %arg12[%swap3A_2, %swap3A_3] {strides = array<i32>} : memref<32x16xf32, #tpu.memory_space<vmem>>, vector<16xf32>,
    tpu.vector_store %arg12[%swap3A_2, %swap3A_3], %broadcast_in_dim3A_1 {strides = array<i32>} : memref<32x16xf32, #tpu.memory_space<vmem>>, vector<16xf32>,
    %swap3A_5 = arith.constant 1 : i32
    %swap3A_6 = arith.index_cast %swap3A_5 : i32 to index
    %swap3A_7 = arith.constant 0 : index
    %swap3A_8 = tpu.vector_load %arg12[%swap3A_6, %swap3A_7] {strides = array<i32>} : memref<32x16xf32, #tpu.memory_space<vmem>>, vector<16xf32>,
    tpu.vector_store %arg12[%swap3A_6, %swap3A_7], %broadcast_in_dim3A_1 {strides = array<i32>} : memref<32x16xf32, #tpu.memory_space<vmem>>, vector<16xf32>,
    %swap3A_9 = arith.constant 2 : i32
    %swap3A_10 = arith.index_cast %swap3A_9 : i32 to index
    %swap3A_11 = arith.constant 0 : index
    %swap3A_12 = tpu.vector_load %arg12[%swap3A_10, %swap3A_11] {strides = array<i32>} : memref<32x16xf32, #tpu.memory_space<vmem>>, vector<16xf32>,
    tpu.vector_store %arg12[%swap3A_10, %swap3A_11], %broadcast_in_dim3A_1 {strides = array<i32>} : memref<32x16xf32, #tpu.memory_space<vmem>>, vector<16xf32>,
    %swap3A_13 = arith.constant 3 : i32
    %swap3A_14 = arith.index_cast %swap3A_13 : i32 to index
    %swap3A_15 = arith.constant 0 : index
    %swap3A_16 = tpu.vector_load %arg12[%swap3A_14, %swap3A_15] {strides = array<i32>} : memref<32x16xf32, #tpu.memory_space<vmem>>, vector<16xf32>,
    tpu.vector_store %arg12[%swap3A_14, %swap3A_15], %broadcast_in_dim3A_1 {strides = array<i32>} : memref<32x16xf32, #tpu.memory_space<vmem>>, vector<16xf32>,
    %swap3A_17 = arith.constant 4 : i32
    %swap3A_18 = arith.index_cast %swap3A_17 : i32 to index
    %swap3A_19 = arith.constant 0 : index
    %swap3A_20 = tpu.vector_load %arg12[%swap3A_18, %swap3A_19] {strides = array<i32>} : memref<32x16xf32, #tpu.memory_space<vmem>>, vector<16xf32>,
    tpu.vector_store %arg12[%swap3A_18, %swap3A_19], %broadcast_in_dim3A_1 {strides = array<i32>} : memref<32x16xf32, #tpu.memory_space<vmem>>, vector<16xf32>,
    %swap3A_21 = arith.constant 5 : i32
    %swap3A_22 = arith.index_cast %swap3A_21 : i32 to index
    %swap3A_23 = arith.constant 0 : index
    %swap3A_24 = tpu.vector_load %arg12[%swap3A_22, %swap3A_23] {strides = array<i32>} : memref<32x16xf32, #tpu.memory_space<vmem>>, vector<16xf32>,
    tpu.vector_store %arg12[%swap3A_22, %swap3A_23], %broadcast_in_dim3A_1 {strides = array<i32>} : memref<32x16xf32, #tpu.memory_space<vmem>>, vector<16xf32>,
    %swap3A_25 = arith.constant 6 : i32
    %swap3A_26 = arith.index_cast %swap3A_25 : i32 to index
    %swap3A_27 = arith.constant 0 : index
    %swap3A_28 = tpu.vector_load %arg12[%swap3A_26, %swap3A_27] {strides = array<i32>} : memref<32x16xf32, #tpu.memory_space<vmem>>, vector<16xf32>,
    tpu.vector_store %arg12[%swap3A_26, %swap3A_27], %broadcast_in_dim3A_1 {strides = array<i32>} : memref<32x16xf32, #tpu.memory_space<vmem>>, vector<16xf32>,
    %swap3A_29 = arith.constant 7 : i32
    %swap3A_30 = arith.index_cast %swap3A_29 : i32 to index
    %swap3A_31 = arith.constant 0 : index
    %swap3A_32 = tpu.vector_load %arg12[%swap3A_30, %swap3A_31] {strides = array<i32>} : memref<32x16xf32, #tpu.memory_space<vmem>>, vector<16xf32>,
    tpu.vector_store %arg12[%swap3A_30, %swap3A_31], %broadcast_in_dim3A_1 {strides = array<i32>} : memref<32x16xf32, #tpu.memory_space<vmem>>, vector<16xf32>,
    %swap3A_33 = arith.constant 8 : i32
    %swap3A_34 = arith.index_cast %swap3A_33 : i32 to index
    %swap3A_35 = arith.constant 0 : index
    %swap3A_36 = tpu.vector_load %arg12[%swap3A_34, %swap3A_35] {strides = array<i32>} : memref<32x16xf32, #tpu.memory_space<vmem>>, vector<16xf32>,
    tpu.vector_store %arg12[%swap3A_34, %swap3A_35], %broadcast_in_dim3A_1 {strides = array<i32>} : memref<32x16xf32, #tpu.memory_space<vmem>>, vector<16xf32>,
    %swap3A_37 = arith.constant 9 : i32
    %swap3A_38 = arith.index_cast %swap3A_37 : i32 to index
    %swap3A_39 = arith.constant 0 : index
    %swap3A_40 = tpu.vector_load %arg12[%swap3A_38, %swap3A_39] {strides = array<i32>} : memref<32x16xf32, #tpu.memory_space<vmem>>, vector<16xf32>,
    tpu.vector_store %arg12[%swap3A_38, %swap3A_39], %broadcast_in_dim3A_1 {strides = array<i32>} : memref<32x16xf32, #tpu.memory_space<vmem>>, vector<16xf32>,
    %swap3A_41 = arith.constant 10 : i32
    %swap3A_42 = arith.index_cast %swap3A_41 : i32 to index
    %swap3A_43 = arith.constant 0 : index
    %swap3A_44 = tpu.vector_load %arg12[%swap3A_42, %swap3A_43] {strides = array<i32>} : memref<32x16xf32, #tpu.memory_space<vmem>>, vector<16xf32>,
    tpu.vector_store %arg12[%swap3A_42, %swap3A_43], %broadcast_in_dim3A_1 {strides = array<i32>} : memref<32x16xf32, #tpu.memory_space<vmem>>, vector<16xf32>,
    %swap3A_45 = arith.constant 11 : i32
    %swap3A_46 = arith.index_cast %swap3A_45 : i32 to index
    %swap3A_47 = arith.constant 0 : index
    %swap3A_48 = tpu.vector_load %arg12[%swap3A_46, %swap3A_47] {strides = array<i32>} : memref<32x16xf32, #tpu.memory_space<vmem>>, vector<16xf32>,
    tpu.vector_store %arg12[%swap3A_46, %swap3A_47], %broadcast_in_dim3A_1 {strides = array<i32>} : memref<32x16xf32, #tpu.memory_space<vmem>>, vector<16xf32>,
    %swap3A_49 = arith.constant 12 : i32
    %swap3A_50 = arith.index_cast %swap3A_49 : i32 to index
    %swap3A_51 = arith.constant 0 : index
    %swap3A_52 = tpu.vector_load %arg12[%swap3A_50, %swap3A_51] {strides = array<i32>} : memref<32x16xf32, #tpu.memory_space<vmem>>, vector<16xf32>,
    tpu.vector_store %arg12[%swap3A_50, %swap3A_51], %broadcast_in_dim3A_1 {strides = array<i32>} : memref<32x16xf32, #tpu.memory_space<vmem>>, vector<16xf32>,
    %swap3A_53 = arith.constant 13 : i32
    %swap3A_54 = arith.index_cast %swap3A_53 : i32 to index
    %swap3A_55 = arith.constant 0 : index
    %swap3A_56 = tpu.vector_load %arg12[%swap3A_54, %swap3A_55] {strides = array<i32>} : memref<32x16xf32, #tpu.memory_space<vmem>>, vector<16xf32>,
    tpu.vector_store %arg12[%swap3A_54, %swap3A_55], %broadcast_in_dim3A_1 {strides = array<i32>} : memref<32x16xf32, #tpu.memory_space<vmem>>, vector<16xf32>,
    %swap3A_57 = arith.constant 14 : i32
    %swap3A_58 = arith.index_cast %swap3A_57 : i32 to index
    %swap3A_59 = arith.constant 0 : index
    %swap3A_60 = tpu.vector_load %arg12[%swap3A_58, %swap3A_59] {strides = array<i32>} : memref<32x16xf32, #tpu.memory_space<vmem>>, vector<16xf32>,
    tpu.vector_store %arg12[%swap3A_58, %swap3A_59], %broadcast_in_dim3A_1 {strides = array<i32>} : memref<32x16xf32, #tpu.memory_space<vmem>>, vector<16xf32>,
    %swap3A_61 = arith.constant 15 : i32
    %swap3A_62 = arith.index_cast %swap3A_61 : i32 to index
    %swap3A_63 = arith.constant 0 : index
    %swap3A_64 = tpu.vector_load %arg12[%swap3A_62, %swap3A_63] {strides = array<i32>} : memref<32x16xf32, #tpu.memory_space<vmem>>, vector<16xf32>,
    tpu.vector_store %arg12[%swap3A_62, %swap3A_63], %broadcast_in_dim3A_1 {strides = array<i32>} : memref<32x16xf32, #tpu.memory_space<vmem>>, vector<16xf32>,
    %swap3A_65 = arith.constant 16 : i32
    %swap3A_66 = arith.index_cast %swap3A_65 : i32 to index
    %swap3A_67 = arith.constant 0 : index
    %swap3A_68 = tpu.vector_load %arg12[%swap3A_66, %swap3A_67] {strides = array<i32>} : memref<32x16xf32, #tpu.memory_space<vmem>>, vector<16xf32>,
    tpu.vector_store %arg12[%swap3A_66, %swap3A_67], %broadcast_in_dim3A_1 {strides = array<i32>} : memref<32x16xf32, #tpu.memory_space<vmem>>, vector<16xf32>,
    %swap3A_69 = arith.constant 17 : i32
    %swap3A_70 = arith.index_cast %swap3A_69 : i32 to index
    %swap3A_71 = arith.constant 0 : index
    %swap3A_72 = tpu.vector_load %arg12[%swap3A_70, %swap3A_71] {strides = array<i32>} : memref<32x16xf32, #tpu.memory_space<vmem>>, vector<16xf32>,
    tpu.vector_store %arg12[%swap3A_70, %swap3A_71], %broadcast_in_dim3A_1 {strides = array<i32>} : memref<32x16xf32, #tpu.memory_space<vmem>>, vector<16xf32>,
    %swap3A_73 = arith.constant 18 : i32
    %swap3A_74 = arith.index_cast %swap3A_73 : i32 to index
    %swap3A_75 = arith.constant 0 : index
    %swap3A_76 = tpu.vector_load %arg12[%swap3A_74, %swap3A_75] {strides = array<i32>} : memref<32x16xf32, #tpu.memory_space<vmem>>, vector<16xf32>,
    tpu.vector_store %arg12[%swap3A_74, %swap3A_75], %broadcast_in_dim3A_1 {strides = array<i32>} : memref<32x16xf32, #tpu.memory_space<vmem>>, vector<16xf32>,
    %swap3A_77 = arith.constant 19 : i32
    %swap3A_78 = arith.index_cast %swap3A_77 : i32 to index
    %swap3A_79 = arith.constant 0 : index
    %swap3A_80 = tpu.vector_load %arg12[%swap3A_78, %swap3A_79] {strides = array<i32>} : memref<32x16xf32, #tpu.memory_space<vmem>>, vector<16xf32>,
    tpu.vector_store %arg12[%swap3A_78, %swap3A_79], %broadcast_in_dim3A_1 {strides = array<i32>} : memref<32x16xf32, #tpu.memory_space<vmem>>, vector<16xf32>,
    %swap3A_81 = arith.constant 20 : i32
    %swap3A_82 = arith.index_cast %swap3A_81 : i32 to index
    %swap3A_83 = arith.constant 0 : index
    %swap3A_84 = tpu.vector_load %arg12[%swap3A_82, %swap3A_83] {strides = array<i32>} : memref<32x16xf32, #tpu.memory_space<vmem>>, vector<16xf32>,
    tpu.vector_store %arg12[%swap3A_82, %swap3A_83], %broadcast_in_dim3A_1 {strides = array<i32>} : memref<32x16xf32, #tpu.memory_space<vmem>>, vector<16xf32>,
    %swap3A_85 = arith.constant 21 : i32
    %swap3A_86 = arith.index_cast %swap3A_85 : i32 to index
    %swap3A_87 = arith.constant 0 : index
    %swap3A_88 = tpu.vector_load %arg12[%swap3A_86, %swap3A_87] {strides = array<i32>} : memref<32x16xf32, #tpu.memory_space<vmem>>, vector<16xf32>,
    tpu.vector_store %arg12[%swap3A_86, %swap3A_87], %broadcast_in_dim3A_1 {strides = array<i32>} : memref<32x16xf32, #tpu.memory_space<vmem>>, vector<16xf32>,
    %swap3A_89 = arith.constant 22 : i32
    %swap3A_90 = arith.index_cast %swap3A_89 : i32 to index
    %swap3A_91 = arith.constant 0 : index
    %swap3A_92 = tpu.vector_load %arg12[%swap3A_90, %swap3A_91] {strides = array<i32>} : memref<32x16xf32, #tpu.memory_space<vmem>>, vector<16xf32>,
    tpu.vector_store %arg12[%swap3A_90, %swap3A_91], %broadcast_in_dim3A_1 {strides = array<i32>} : memref<32x16xf32, #tpu.memory_space<vmem>>, vector<16xf32>,
    %swap3A_93 = arith.constant 23 : i32
    %swap3A_94 = arith.index_cast %swap3A_93 : i32 to index
    %swap3A_95 = arith.constant 0 : index
    %swap3A_96 = tpu.vector_load %arg12[%swap3A_94, %swap3A_95] {strides = array<i32>} : memref<32x16xf32, #tpu.memory_space<vmem>>, vector<16xf32>,
    tpu.vector_store %arg12[%swap3A_94, %swap3A_95], %broadcast_in_dim3A_1 {strides = array<i32>} : memref<32x16xf32, #tpu.memory_space<vmem>>, vector<16xf32>,
    %swap3A_97 = arith.constant 24 : i32
    %swap3A_98 = arith.index_cast %swap3A_97 : i32 to index
    %swap3A_99 = arith.constant 0 : index
    %swap3A_100 = tpu.vector_load %arg12[%swap3A_98, %swap3A_99] {strides = array<i32>} : memref<32x16xf32, #tpu.memory_space<vmem>>, vector<16xf32>,
    tpu.vector_store %arg12[%swap3A_98, %swap3A_99], %broadcast_in_dim3A_1 {strides = array<i32>} : memref<32x16xf32, #tpu.memory_space<vmem>>, vector<16xf32>,
    %swap3A_101 = arith.constant 25 : i32
    %swap3A_102 = arith.index_cast %swap3A_101 : i32 to index
    %swap3A_103 = arith.constant 0 : index
    %swap3A_104 = tpu.vector_load %arg12[%swap3A_102, %swap3A_103] {strides = array<i32>} : memref<32x16xf32, #tpu.memory_space<vmem>>, vector<16xf32>,
    tpu.vector_store %arg12[%swap3A_102, %swap3A_103], %broadcast_in_dim3A_1 {strides = array<i32>} : memref<32x16xf32, #tpu.memory_space<vmem>>, vector<16xf32>,
    %swap3A_105 = arith.constant 26 : i32
    %swap3A_106 = arith.index_cast %swap3A_105 : i32 to index
    %swap3A_107 = arith.constant 0 : index
    %swap3A_108 = tpu.vector_load %arg12[%swap3A_106, %swap3A_107] {strides = array<i32>} : memref<32x16xf32, #tpu.memory_space<vmem>>, vector<16xf32>,
    tpu.vector_store %arg12[%swap3A_106, %swap3A_107], %broadcast_in_dim3A_1 {strides = array<i32>} : memref<32x16xf32, #tpu.memory_space<vmem>>, vector<16xf32>,
    %swap3A_109 = arith.constant 27 : i32
    %swap3A_110 = arith.index_cast %swap3A_109 : i32 to index
    %swap3A_111 = arith.constant 0 : index
    %swap3A_112 = tpu.vector_load %arg12[%swap3A_110, %swap3A_111] {strides = array<i32>} : memref<32x16xf32, #tpu.memory_space<vmem>>, vector<16xf32>,
    tpu.vector_store %arg12[%swap3A_110, %swap3A_111], %broadcast_in_dim3A_1 {strides = array<i32>} : memref<32x16xf32, #tpu.memory_space<vmem>>, vector<16xf32>,
    %swap3A_113 = arith.constant 28 : i32
    %swap3A_114 = arith.index_cast %swap3A_113 : i32 to index
    %swap3A_115 = arith.constant 0 : index
    %swap3A_116 = tpu.vector_load %arg12[%swap3A_114, %swap3A_115] {strides = array<i32>} : memref<32x16xf32, #tpu.memory_space<vmem>>, vector<16xf32>,
    tpu.vector_store %arg12[%swap3A_114, %swap3A_115], %broadcast_in_dim3A_1 {strides = array<i32>} : memref<32x16xf32, #tpu.memory_space<vmem>>, vector<16xf32>,
    %swap3A_117 = arith.constant 29 : i32
    %swap3A_118 = arith.index_cast %swap3A_117 : i32 to index
    %swap3A_119 = arith.constant 0 : index
    %swap3A_120 = tpu.vector_load %arg12[%swap3A_118, %swap3A_119] {strides = array<i32>} : memref<32x16xf32, #tpu.memory_space<vmem>>, vector<16xf32>,
    tpu.vector_store %arg12[%swap3A_118, %swap3A_119], %broadcast_in_dim3A_1 {strides = array<i32>} : memref<32x16xf32, #tpu.memory_space<vmem>>, vector<16xf32>,
    %swap3A_121 = arith.constant 30 : i32
    %swap3A_122 = arith.index_cast %swap3A_121 : i32 to index
    %swap3A_123 = arith.constant 0 : index
    %swap3A_124 = tpu.vector_load %arg12[%swap3A_122, %swap3A_123] {strides = array<i32>} : memref<32x16xf32, #tpu.memory_space<vmem>>, vector<16xf32>,
    tpu.vector_store %arg12[%swap3A_122, %swap3A_123], %broadcast_in_dim3A_1 {strides = array<i32>} : memref<32x16xf32, #tpu.memory_space<vmem>>, vector<16xf32>,
    %swap3A_125 = arith.constant 31 : i32
    %swap3A_126 = arith.index_cast %swap3A_125 : i32 to index
    %swap3A_127 = arith.constant 0 : index
    %swap3A_128 = tpu.vector_load %arg12[%swap3A_126, %swap3A_127] {strides = array<i32>} : memref<32x16xf32, #tpu.memory_space<vmem>>, vector<16xf32>,
    tpu.vector_store %arg12[%swap3A_126, %swap3A_127], %broadcast_in_dim3A_1 {strides = array<i32>} : memref<32x16xf32, #tpu.memory_space<vmem>>, vector<16xf32>,
    %mul3A_129 = arith.constant 3136 : i32
    %mul3A_130 = arith.muli %arg1, %mul3A_129 : i32
    %scan3A = arith.constant 0 : i32
    %scan3A_131 = arith.constant 0 : i32
    %scan3A_132 = arith.constant 98 : i32
    %scan3A_133 = arith.addi %scan3A_131, %scan3A_132 : i32
    %scan3A_134 = arith.constant 1 : i32
    scf.for %scan3A_154 = %scan3A_131 to %scan3A_133 step %scan3A_134  : i32 {
      %mul3A_155 = arith.constant 32 : i32
      %mul3A_156 = arith.muli %scan3A_154, %mul3A_155 : i32
      %add3A_157 = arith.addi %mul3A_130, %mul3A_156 : i32
      "tpu.region"() ({
        %run_scoped3A = tpu.sem_alloc : memref<!tpu.dma_semaphore, #tpu.memory_space<semaphore_mem>>
        %dma_start3A = arith.constant 0 : i32
        %dma_start3A_158 = tpu.memref_slice %arg13[%add3A_157, %dma_start3A] : memref<50176x16xf32, #tpu.memory_space<vmem_shared>> -> memref<32x16xf32, #tpu.memory_space<vmem_shared>>
        %dma_start3A_159 = arith.constant 0 : i32
        %dma_start3A_160 = tpu.memref_slice %arg13[%add3A_157, %dma_start3A_159] : memref<50176x16xf32, #tpu.memory_space<vmem_shared>> -> memref<32x16xf32, #tpu.memory_space<vmem_shared>>
        tpu.enqueue_dma source(%arg12 : memref<32x16xf32, #tpu.memory_space<vmem>>) target(%dma_start3A_160 : memref<32x16xf32, #tpu.memory_space<vmem_shared>>) target_semaphore(%run_scoped3A : memref<!tpu.dma_semaphore, #tpu.memory_space<semaphore_mem>>)
        %dma_wait3A = arith.constant 0 : i32
        %dma_wait3A_161 = tpu.memref_slice %arg13[%add3A_157, %dma_wait3A] : memref<50176x16xf32, #tpu.memory_space<vmem_shared>> -> memref<32x16xf32, #tpu.memory_space<vmem_shared>>
        %dma_wait3A_162 = arith.constant 0 : i32
        %dma_wait3A_163 = tpu.memref_slice %arg13[%add3A_157, %dma_wait3A_162] : memref<50176x16xf32, #tpu.memory_space<vmem_shared>> -> memref<32x16xf32, #tpu.memory_space<vmem_shared>>
        tpu.wait_dma2 semaphore(%run_scoped3A : memref<!tpu.dma_semaphore, #tpu.memory_space<semaphore_mem>>) src(%arg12 : memref<32x16xf32, #tpu.memory_space<vmem>>) dst(%dma_wait3A_163 : memref<32x16xf32, #tpu.memory_space<vmem_shared>>)
        tpu.yield
      }) : () -> ()
    }
    %scan3A_135 = arith.constant 98 : i32
    %barrier3A = arith.constant 0 : index
    tpu.barrier barrier_id(%barrier3A)
    %mul3A_136 = arith.constant 25600 : i32
    %mul3A_137 = arith.muli %add3A, %mul3A_136 : i32
    %eq3A = arith.constant 8 : i32
    %eq3A_138 = vector.broadcast %eq3A : i32 to vector<16xi32>
    %eq3A_139 = arith.cmpi eq, %iota3A, %eq3A_138 : vector<16xi32>
    %convert_element_type3A = arith.extui %eq3A_139 : vector<16xi1> to vector<16xi32>
    %convert_element_type3A_140 = arith.sitofp %convert_element_type3A : vector<16xi32> to vector<16xf32>
    %scan3A_141 = arith.constant 0 : i32
    %scan3A_142 = arith.constant 0 : i32
    %scan3A_143 = arith.constant 200 : i32
    %scan3A_144 = arith.addi %scan3A_142, %scan3A_143 : i32
    %scan3A_145 = arith.constant 1 : i32
    scf.for %scan3A_154 = %scan3A_142 to %scan3A_144 step %scan3A_145  : i32 {
      %mul3A_155 = arith.constant 128 : i32
      %mul3A_156 = arith.muli %scan3A_154, %mul3A_155 : i32
      %add3A_157 = arith.addi %mul3A_137, %mul3A_156 : i32
      "tpu.region"() ({
        %run_scoped3A = tpu.sem_alloc : memref<!tpu.dma_semaphore, #tpu.memory_space<semaphore_mem>>
        %dma_start3A_164 = tpu.memref_slice %arg3[%add3A_157] : memref<819200xi32, #tpu.memory_space<hbm>> -> memref<128xi32, #tpu.memory_space<hbm>>
        %dma_start3A_165 = tpu.memref_slice %arg3[%add3A_157] : memref<819200xi32, #tpu.memory_space<hbm>> -> memref<128xi32, #tpu.memory_space<hbm>>
        tpu.enqueue_dma source(%dma_start3A_165 : memref<128xi32, #tpu.memory_space<hbm>>) target(%arg7 : memref<128xi32, #tpu.memory_space<vmem>>) target_semaphore(%run_scoped3A : memref<!tpu.dma_semaphore, #tpu.memory_space<semaphore_mem>>)
        %dma_wait3A_166 = tpu.memref_slice %arg3[%add3A_157] : memref<819200xi32, #tpu.memory_space<hbm>> -> memref<128xi32, #tpu.memory_space<hbm>>
        %dma_wait3A_167 = tpu.memref_slice %arg3[%add3A_157] : memref<819200xi32, #tpu.memory_space<hbm>> -> memref<128xi32, #tpu.memory_space<hbm>>
        tpu.wait_dma2 semaphore(%run_scoped3A : memref<!tpu.dma_semaphore, #tpu.memory_space<semaphore_mem>>) src(%dma_wait3A_167 : memref<128xi32, #tpu.memory_space<hbm>>) dst(%arg7 : memref<128xi32, #tpu.memory_space<vmem>>)
        tpu.yield
      }) : () -> ()
      %dma_start3A = arith.constant 0 : i32
      %dma_start3A_158 = arith.constant 0 : i32
      %dma_start3A_159 = tpu.memref_slice %arg2[%dma_start3A, %dma_start3A_158] : memref<50176x64xf32, #tpu.memory_space<hbm>> -> memref<50176x64xf32, #tpu.memory_space<hbm>>
      tpu.enqueue_indirect_dma source(%dma_start3A_159 : memref<50176x64xf32, #tpu.memory_space<hbm>>) target(%arg10 : memref<128x64xf32, #tpu.memory_space<vmem>>) offsets(%arg7 : memref<128xi32, #tpu.memory_space<vmem>>) semaphore(%arg14 : memref<!tpu.dma_semaphore, #tpu.memory_space<semaphore_mem>>)
      "tpu.region"() ({
        %run_scoped3A = tpu.sem_alloc : memref<!tpu.dma_semaphore, #tpu.memory_space<semaphore_mem>>
        %dma_start3A_164 = tpu.memref_slice %arg4[%add3A_157] : memref<819200xi32, #tpu.memory_space<hbm>> -> memref<128xi32, #tpu.memory_space<hbm>>
        %dma_start3A_165 = tpu.memref_slice %arg4[%add3A_157] : memref<819200xi32, #tpu.memory_space<hbm>> -> memref<128xi32, #tpu.memory_space<hbm>>
        tpu.enqueue_dma source(%dma_start3A_165 : memref<128xi32, #tpu.memory_space<hbm>>) target(%arg8 : memref<128xi32, #tpu.memory_space<vmem>>) target_semaphore(%run_scoped3A : memref<!tpu.dma_semaphore, #tpu.memory_space<semaphore_mem>>)
        %dma_wait3A_166 = tpu.memref_slice %arg4[%add3A_157] : memref<819200xi32, #tpu.memory_space<hbm>> -> memref<128xi32, #tpu.memory_space<hbm>>
        %dma_wait3A_167 = tpu.memref_slice %arg4[%add3A_157] : memref<819200xi32, #tpu.memory_space<hbm>> -> memref<128xi32, #tpu.memory_space<hbm>>
        tpu.wait_dma2 semaphore(%run_scoped3A : memref<!tpu.dma_semaphore, #tpu.memory_space<semaphore_mem>>) src(%dma_wait3A_167 : memref<128xi32, #tpu.memory_space<hbm>>) dst(%arg8 : memref<128xi32, #tpu.memory_space<vmem>>)
        tpu.yield
      }) : () -> ()
      "tpu.region"() ({
        %run_scoped3A = tpu.sem_alloc : memref<!tpu.dma_semaphore, #tpu.memory_space<semaphore_mem>>
        %dma_start3A_164 = arith.constant 0 : i32
        %dma_start3A_165 = tpu.memref_slice %arg5[%add3A_157, %dma_start3A_164] : memref<819200x64xf32, #tpu.memory_space<hbm>> -> memref<128x64xf32, #tpu.memory_space<hbm>>
        %dma_start3A_166 = arith.constant 0 : i32
        %dma_start3A_167 = tpu.memref_slice %arg5[%add3A_157, %dma_start3A_166] : memref<819200x64xf32, #tpu.memory_space<hbm>> -> memref<128x64xf32, #tpu.memory_space<hbm>>
        tpu.enqueue_dma source(%dma_start3A_167 : memref<128x64xf32, #tpu.memory_space<hbm>>) target(%arg9 : memref<128x64xf32, #tpu.memory_space<vmem>>) target_semaphore(%run_scoped3A : memref<!tpu.dma_semaphore, #tpu.memory_space<semaphore_mem>>)
        %dma_wait3A_168 = arith.constant 0 : i32
        %dma_wait3A_169 = tpu.memref_slice %arg5[%add3A_157, %dma_wait3A_168] : memref<819200x64xf32, #tpu.memory_space<hbm>> -> memref<128x64xf32, #tpu.memory_space<hbm>>
        %dma_wait3A_170 = arith.constant 0 : i32
        %dma_wait3A_171 = tpu.memref_slice %arg5[%add3A_157, %dma_wait3A_170] : memref<819200x64xf32, #tpu.memory_space<hbm>> -> memref<128x64xf32, #tpu.memory_space<hbm>>
        tpu.wait_dma2 semaphore(%run_scoped3A : memref<!tpu.dma_semaphore, #tpu.memory_space<semaphore_mem>>) src(%dma_wait3A_171 : memref<128x64xf32, #tpu.memory_space<hbm>>) dst(%arg9 : memref<128x64xf32, #tpu.memory_space<vmem>>)
        tpu.yield
      }) : () -> ()
      %dma_wait3A = arith.constant 0 : i32
      %dma_wait3A_160 = arith.constant 0 : i32
      %dma_wait3A_161 = tpu.memref_slice %arg2[%dma_wait3A, %dma_wait3A_160] : memref<50176x64xf32, #tpu.memory_space<hbm>> -> memref<50176x64xf32, #tpu.memory_space<hbm>>
      tpu.wait_indirect_dma semaphore(%arg14 : memref<!tpu.dma_semaphore, #tpu.memory_space<semaphore_mem>>) src(%dma_wait3A_161 : memref<50176x64xf32, #tpu.memory_space<hbm>>) dst(%arg10 : memref<128x64xf32, #tpu.memory_space<vmem>>)
      %parallel_loop3A = arith.constant 0 : i32
      %parallel_loop3A_162 = arith.constant 128 : i32
      %parallel_loop3A_163 = arith.constant 1 : i32
      scf.for %parallel_loop3A_164 = %parallel_loop3A to %parallel_loop3A_162 step %parallel_loop3A_163  : i32 {
        %parallel_loop3A_165 = arith.index_cast %parallel_loop3A_164 : i32 to index
        %parallel_loop3A_166 = arith.constant 0 : index
        %parallel_loop3A_167 = tpu.vector_load %arg9[%parallel_loop3A_165, %parallel_loop3A_166] {strides = array<i32>} : memref<128x64xf32, #tpu.memory_space<vmem>>, vector<16xf32>,
        %parallel_loop3A_168 = arith.index_cast %parallel_loop3A_164 : i32 to index
        %parallel_loop3A_169 = arith.constant 16 : index
        %parallel_loop3A_170 = tpu.vector_load %arg9[%parallel_loop3A_168, %parallel_loop3A_169] {strides = array<i32>} : memref<128x64xf32, #tpu.memory_space<vmem>>, vector<16xf32>,
        %parallel_loop3A_171 = arith.index_cast %parallel_loop3A_164 : i32 to index
        %parallel_loop3A_172 = arith.constant 32 : index
        %parallel_loop3A_173 = tpu.vector_load %arg9[%parallel_loop3A_171, %parallel_loop3A_172] {strides = array<i32>} : memref<128x64xf32, #tpu.memory_space<vmem>>, vector<16xf32>,
        %parallel_loop3A_174 = arith.index_cast %parallel_loop3A_164 : i32 to index
        %parallel_loop3A_175 = arith.constant 48 : index
        %parallel_loop3A_176 = tpu.vector_load %arg9[%parallel_loop3A_174, %parallel_loop3A_175] {strides = array<i32>} : memref<128x64xf32, #tpu.memory_space<vmem>>, vector<16xf32>,
        %parallel_loop3A_177 = arith.index_cast %parallel_loop3A_164 : i32 to index
        %parallel_loop3A_178 = arith.constant 0 : index
        %parallel_loop3A_179 = tpu.vector_load %arg10[%parallel_loop3A_177, %parallel_loop3A_178] {strides = array<i32>} : memref<128x64xf32, #tpu.memory_space<vmem>>, vector<16xf32>,
        %parallel_loop3A_180 = arith.mulf %parallel_loop3A_167, %parallel_loop3A_179 : vector<16xf32>
        %parallel_loop3A_181 = arith.index_cast %parallel_loop3A_164 : i32 to index
        %parallel_loop3A_182 = arith.constant 16 : index
        %parallel_loop3A_183 = tpu.vector_load %arg10[%parallel_loop3A_181, %parallel_loop3A_182] {strides = array<i32>} : memref<128x64xf32, #tpu.memory_space<vmem>>, vector<16xf32>,
        %parallel_loop3A_184 = arith.mulf %parallel_loop3A_170, %parallel_loop3A_183 : vector<16xf32>
        %parallel_loop3A_185 = arith.addf %parallel_loop3A_180, %parallel_loop3A_184 : vector<16xf32>
        %parallel_loop3A_186 = arith.index_cast %parallel_loop3A_164 : i32 to index
        %parallel_loop3A_187 = arith.constant 32 : index
        %parallel_loop3A_188 = tpu.vector_load %arg10[%parallel_loop3A_186, %parallel_loop3A_187] {strides = array<i32>} : memref<128x64xf32, #tpu.memory_space<vmem>>, vector<16xf32>,
        %parallel_loop3A_189 = arith.mulf %parallel_loop3A_173, %parallel_loop3A_188 : vector<16xf32>
        %parallel_loop3A_190 = arith.addf %parallel_loop3A_185, %parallel_loop3A_189 : vector<16xf32>
        %parallel_loop3A_191 = arith.index_cast %parallel_loop3A_164 : i32 to index
        %parallel_loop3A_192 = arith.constant 48 : index
        %parallel_loop3A_193 = tpu.vector_load %arg10[%parallel_loop3A_191, %parallel_loop3A_192] {strides = array<i32>} : memref<128x64xf32, #tpu.memory_space<vmem>>, vector<16xf32>,
        %parallel_loop3A_194 = arith.mulf %parallel_loop3A_176, %parallel_loop3A_193 : vector<16xf32>
        %parallel_loop3A_195 = arith.addf %parallel_loop3A_190, %parallel_loop3A_194 : vector<16xf32>
        %parallel_loop3A_196 = arith.addf %parallel_loop3A_195, %convert_element_type3A_140 : vector<16xf32>
        %parallel_loop3A_197 = arith.index_cast %parallel_loop3A_164 : i32 to index
        %parallel_loop3A_198 = arith.constant 0 : index
        %parallel_loop3A_199 = tpu.vector_load %arg11[%parallel_loop3A_197, %parallel_loop3A_198] {strides = array<i32>} : memref<128x16xf32, #tpu.memory_space<vmem>>, vector<16xf32>,
        tpu.vector_store %arg11[%parallel_loop3A_197, %parallel_loop3A_198], %parallel_loop3A_196 {strides = array<i32>} : memref<128x16xf32, #tpu.memory_space<vmem>>, vector<16xf32>,
      } {sc.loop_unroll_factor = 8 : i64, sc.parallel_access}
      "tpu.region"() ({
        %run_scoped3A = tpu.sem_alloc : memref<!tpu.dma_semaphore, #tpu.memory_space<semaphore_mem>>
        %dma_start3A_164 = arith.constant 0 : i32
        %dma_start3A_165 = arith.constant 0 : i32
        %dma_start3A_166 = tpu.memref_slice %arg13[%dma_start3A_164, %dma_start3A_165] : memref<50176x16xf32, #tpu.memory_space<vmem_shared>> -> memref<50176x16xf32, #tpu.memory_space<vmem_shared>>
        tpu.enqueue_indirect_dma source(%arg11 : memref<128x16xf32, #tpu.memory_space<vmem>>) target(%dma_start3A_166 : memref<50176x16xf32, #tpu.memory_space<vmem_shared>>) offsets(%arg8 : memref<128xi32, #tpu.memory_space<vmem>>) semaphore(%run_scoped3A : memref<!tpu.dma_semaphore, #tpu.memory_space<semaphore_mem>>) {add = true}
        %dma_wait3A_167 = arith.constant 0 : i32
        %dma_wait3A_168 = arith.constant 0 : i32
        %dma_wait3A_169 = tpu.memref_slice %arg13[%dma_wait3A_167, %dma_wait3A_168] : memref<50176x16xf32, #tpu.memory_space<vmem_shared>> -> memref<50176x16xf32, #tpu.memory_space<vmem_shared>>
        tpu.wait_indirect_dma semaphore(%run_scoped3A : memref<!tpu.dma_semaphore, #tpu.memory_space<semaphore_mem>>) src(%arg11 : memref<128x16xf32, #tpu.memory_space<vmem>>) dst(%dma_wait3A_169 : memref<50176x16xf32, #tpu.memory_space<vmem_shared>>)
        tpu.yield
      }) : () -> ()
    }
    %scan3A_146 = arith.constant 200 : i32
    %barrier3A_147 = arith.constant 0 : index
    tpu.barrier barrier_id(%barrier3A_147)
    %scan3A_148 = arith.constant 0 : i32
    %scan3A_149 = arith.constant 0 : i32
    %scan3A_150 = arith.constant 98 : i32
    %scan3A_151 = arith.addi %scan3A_149, %scan3A_150 : i32
    %scan3A_152 = arith.constant 1 : i32
    scf.for %scan3A_154 = %scan3A_149 to %scan3A_151 step %scan3A_152  : i32 {
      %mul3A_155 = arith.constant 32 : i32
      %mul3A_156 = arith.muli %scan3A_154, %mul3A_155 : i32
      %add3A_157 = arith.addi %mul3A_130, %mul3A_156 : i32
      "tpu.region"() ({
        %run_scoped3A = tpu.sem_alloc : memref<!tpu.dma_semaphore, #tpu.memory_space<semaphore_mem>>
        %dma_start3A = arith.constant 0 : i32
        %dma_start3A_158 = tpu.memref_slice %arg6[%arg0, %add3A_157, %dma_start3A] : memref<2x50176x16xf32, #tpu.memory_space<hbm>> -> memref<1x32x16xf32, #tpu.memory_space<hbm>>
        %dma_start3A_159 = tpu.memref_squeeze %dma_start3A_158 : memref<1x32x16xf32, #tpu.memory_space<hbm>> -> memref<32x16xf32, #tpu.memory_space<hbm>>
        %dma_start3A_160 = arith.constant 0 : i32
        %dma_start3A_161 = tpu.memref_slice %arg13[%add3A_157, %dma_start3A_160] : memref<50176x16xf32, #tpu.memory_space<vmem_shared>> -> memref<32x16xf32, #tpu.memory_space<vmem_shared>>
        tpu.enqueue_dma source(%dma_start3A_161 : memref<32x16xf32, #tpu.memory_space<vmem_shared>>) target(%dma_start3A_159 : memref<32x16xf32, #tpu.memory_space<hbm>>) target_semaphore(%run_scoped3A : memref<!tpu.dma_semaphore, #tpu.memory_space<semaphore_mem>>)
        %dma_wait3A = arith.constant 0 : i32
        %dma_wait3A_162 = tpu.memref_slice %arg6[%arg0, %add3A_157, %dma_wait3A] : memref<2x50176x16xf32, #tpu.memory_space<hbm>> -> memref<1x32x16xf32, #tpu.memory_space<hbm>>
        %dma_wait3A_163 = tpu.memref_squeeze %dma_wait3A_162 : memref<1x32x16xf32, #tpu.memory_space<hbm>> -> memref<32x16xf32, #tpu.memory_space<hbm>>
        %dma_wait3A_164 = arith.constant 0 : i32
        %dma_wait3A_165 = tpu.memref_slice %arg13[%add3A_157, %dma_wait3A_164] : memref<50176x16xf32, #tpu.memory_space<vmem_shared>> -> memref<32x16xf32, #tpu.memory_space<vmem_shared>>
        tpu.wait_dma2 semaphore(%run_scoped3A : memref<!tpu.dma_semaphore, #tpu.memory_space<semaphore_mem>>) src(%dma_wait3A_165 : memref<32x16xf32, #tpu.memory_space<vmem_shared>>) dst(%dma_wait3A_163 : memref<32x16xf32, #tpu.memory_space<hbm>>)
        tpu.yield
      }) : () -> ()
    }
    %scan3A_153 = arith.constant 98 : i32
    return
  }
}

#map = affine_map<(d0, d1) -> (0, 0)>
#map1 = affine_map<(d0, d1) -> (0)>
#map2 = affine_map<(d0, d1) -> (0, 0, 0)>
module attributes {stable_mosaic.version = 14 : i64} {
  func.func @k(%arg0: i32, %arg1: i32, %arg2: memref<50176x32xf32, #tpu.memory_space<hbm>>, %arg3: memref<50176xi32, #tpu.memory_space<hbm>>, %arg4: memref<2x65x32xf32, #tpu.memory_space<hbm>>, %arg5: memref<2x65x16xf32, #tpu.memory_space<hbm>>, %arg6: memref<112x32xf32, #tpu.memory_space<vmem>>, %arg7: memref<112x16xf32, #tpu.memory_space<vmem>>, %arg8: memref<112xi32, #tpu.memory_space<vmem>>, %arg9: memref<65x32xf32, #tpu.memory_space<vmem_shared>>, %arg10: memref<65x16xf32, #tpu.memory_space<vmem_shared>>) attributes {dimension_semantics = [#tpu.dimension_semantics<core_parallel>, #tpu.dimension_semantics<subcore_parallel>], iteration_bounds = array<i64: 2, 16>, scalar_prefetch = 0 : i64, scratch_operands = 5 : i64, tpu.core_type = #tpu.core_type<sc_vector_subcore>, window_params = [{transform_indices = #map}, {transform_indices = #map1}, {transform_indices = #map2}, {transform_indices = #map2}]} {
    %mul3A = arith.constant 2 : i32
    %mul3A_0 = arith.muli %arg1, %mul3A : i32
    %add3A = arith.addi %mul3A_0, %arg0 : i32
    %iota3A = tpu.iota {dimensions = array<i32: 0>} : vector<16xi32>
    %broadcast_in_dim3A = arith.constant 0.000000e+00 : f32
    %broadcast_in_dim3A_1 = vector.broadcast %broadcast_in_dim3A : f32 to vector<16xf32>
    %broadcast_in_dim3A_2 = arith.constant 0 : i32
    %broadcast_in_dim3A_3 = vector.broadcast %broadcast_in_dim3A_2 : i32 to vector<16xi32>
    %broadcast_in_dim3A_4 = arith.constant 1.000000e+00 : f32
    %broadcast_in_dim3A_5 = vector.broadcast %broadcast_in_dim3A_4 : f32 to vector<16xf32>
    %scan3A = arith.constant 0 : i32
    %scan3A_6 = arith.constant 0 : i32
    %scan3A_7 = arith.constant 112 : i32
    %scan3A_8 = arith.addi %scan3A_6, %scan3A_7 : i32
    %scan3A_9 = arith.constant 1 : i32
    scf.for %scan3A_27 = %scan3A_6 to %scan3A_8 step %scan3A_9  : i32 {
      %add3A_28 = vector.broadcast %scan3A_27 : i32 to vector<16xi32>
      %add3A_29 = arith.addi %broadcast_in_dim3A_3, %add3A_28 : vector<16xi32>
      tpu.vector_store_idx %arg6[%add3A_29, %iota3A], %broadcast_in_dim3A_1 : memref<112x32xf32, #tpu.memory_space<vmem>>[vector<16xi32>, vector<16xi32>], vector<16xf32>,
      %add3A_30 = vector.broadcast %scan3A_27 : i32 to vector<16xi32>
      %add3A_31 = arith.addi %broadcast_in_dim3A_3, %add3A_30 : vector<16xi32>
      %add3A_32 = arith.constant 16 : i32
      %add3A_33 = vector.broadcast %add3A_32 : i32 to vector<16xi32>
      %add3A_34 = arith.addi %iota3A, %add3A_33 : vector<16xi32>
      tpu.vector_store_idx %arg6[%add3A_31, %add3A_34], %broadcast_in_dim3A_1 : memref<112x32xf32, #tpu.memory_space<vmem>>[vector<16xi32>, vector<16xi32>], vector<16xf32>,
      %add3A_35 = vector.broadcast %scan3A_27 : i32 to vector<16xi32>
      %add3A_36 = arith.addi %broadcast_in_dim3A_3, %add3A_35 : vector<16xi32>
      tpu.vector_store_idx %arg7[%add3A_36, %iota3A], %broadcast_in_dim3A_5 : memref<112x16xf32, #tpu.memory_space<vmem>>[vector<16xi32>, vector<16xi32>], vector<16xf32>,
    }
    %scan3A_10 = arith.constant 112 : i32
    %eq3A = arith.constant 0 : i32
    %eq3A_11 = arith.cmpi eq, %arg1, %eq3A : i32
    %convert_element_type3A = arith.extui %eq3A_11 : i1 to i32
    %cond3A = arith.constant 0 : i32
    %cond3A_12 = arith.cmpi ne, %convert_element_type3A, %cond3A : i32
    scf.if %cond3A_12 {
      "tpu.region"() ({
        %run_scoped3A = tpu.sem_alloc : memref<!tpu.dma_semaphore, #tpu.memory_space<semaphore_mem>>
        %dma_start3A = arith.constant 0 : i32
        %dma_start3A_27 = arith.constant 0 : i32
        %dma_start3A_28 = tpu.memref_slice %arg6[%dma_start3A, %dma_start3A_27] : memref<112x32xf32, #tpu.memory_space<vmem>> -> memref<65x32xf32, #tpu.memory_space<vmem>>
        %dma_start3A_29 = arith.constant 0 : i32
        %dma_start3A_30 = arith.constant 0 : i32
        %dma_start3A_31 = tpu.memref_slice %arg6[%dma_start3A_29, %dma_start3A_30] : memref<112x32xf32, #tpu.memory_space<vmem>> -> memref<65x32xf32, #tpu.memory_space<vmem>>
        tpu.enqueue_dma source(%dma_start3A_31 : memref<65x32xf32, #tpu.memory_space<vmem>>) target(%arg9 : memref<65x32xf32, #tpu.memory_space<vmem_shared>>) target_semaphore(%run_scoped3A : memref<!tpu.dma_semaphore, #tpu.memory_space<semaphore_mem>>)
        %dma_wait3A = arith.constant 0 : i32
        %dma_wait3A_32 = arith.constant 0 : i32
        %dma_wait3A_33 = tpu.memref_slice %arg6[%dma_wait3A, %dma_wait3A_32] : memref<112x32xf32, #tpu.memory_space<vmem>> -> memref<65x32xf32, #tpu.memory_space<vmem>>
        %dma_wait3A_34 = arith.constant 0 : i32
        %dma_wait3A_35 = arith.constant 0 : i32
        %dma_wait3A_36 = tpu.memref_slice %arg6[%dma_wait3A_34, %dma_wait3A_35] : memref<112x32xf32, #tpu.memory_space<vmem>> -> memref<65x32xf32, #tpu.memory_space<vmem>>
        tpu.wait_dma2 semaphore(%run_scoped3A : memref<!tpu.dma_semaphore, #tpu.memory_space<semaphore_mem>>) src(%dma_wait3A_36 : memref<65x32xf32, #tpu.memory_space<vmem>>) dst(%arg9 : memref<65x32xf32, #tpu.memory_space<vmem_shared>>)
        tpu.yield
      }) : () -> ()
      "tpu.region"() ({
        %run_scoped3A = tpu.sem_alloc : memref<!tpu.dma_semaphore, #tpu.memory_space<semaphore_mem>>
        %dma_start3A = arith.constant 0 : i32
        %dma_start3A_27 = arith.constant 0 : i32
        %dma_start3A_28 = tpu.memref_slice %arg6[%dma_start3A, %dma_start3A_27] : memref<112x32xf32, #tpu.memory_space<vmem>> -> memref<65x16xf32, #tpu.memory_space<vmem>>
        %dma_start3A_29 = arith.constant 0 : i32
        %dma_start3A_30 = arith.constant 0 : i32
        %dma_start3A_31 = tpu.memref_slice %arg6[%dma_start3A_29, %dma_start3A_30] : memref<112x32xf32, #tpu.memory_space<vmem>> -> memref<65x16xf32, #tpu.memory_space<vmem>>
        tpu.enqueue_dma source(%dma_start3A_31 : memref<65x16xf32, #tpu.memory_space<vmem>>) target(%arg10 : memref<65x16xf32, #tpu.memory_space<vmem_shared>>) target_semaphore(%run_scoped3A : memref<!tpu.dma_semaphore, #tpu.memory_space<semaphore_mem>>)
        %dma_wait3A = arith.constant 0 : i32
        %dma_wait3A_32 = arith.constant 0 : i32
        %dma_wait3A_33 = tpu.memref_slice %arg6[%dma_wait3A, %dma_wait3A_32] : memref<112x32xf32, #tpu.memory_space<vmem>> -> memref<65x16xf32, #tpu.memory_space<vmem>>
        %dma_wait3A_34 = arith.constant 0 : i32
        %dma_wait3A_35 = arith.constant 0 : i32
        %dma_wait3A_36 = tpu.memref_slice %arg6[%dma_wait3A_34, %dma_wait3A_35] : memref<112x32xf32, #tpu.memory_space<vmem>> -> memref<65x16xf32, #tpu.memory_space<vmem>>
        tpu.wait_dma2 semaphore(%run_scoped3A : memref<!tpu.dma_semaphore, #tpu.memory_space<semaphore_mem>>) src(%dma_wait3A_36 : memref<65x16xf32, #tpu.memory_space<vmem>>) dst(%arg10 : memref<65x16xf32, #tpu.memory_space<vmem_shared>>)
        tpu.yield
      }) : () -> ()
    } else {
    }
    %barrier3A = arith.constant 0 : index
    tpu.barrier barrier_id(%barrier3A)
    %mul3A_13 = arith.constant 1568 : i32
    %mul3A_14 = arith.muli %add3A, %mul3A_13 : i32
    %scan3A_15 = arith.constant 0 : i32
    %scan3A_16 = arith.constant 0 : i32
    %scan3A_17 = arith.constant 14 : i32
    %scan3A_18 = arith.addi %scan3A_16, %scan3A_17 : i32
    %scan3A_19 = arith.constant 1 : i32
    scf.for %scan3A_27 = %scan3A_16 to %scan3A_18 step %scan3A_19  : i32 {
      %mul3A_28 = arith.constant 112 : i32
      %mul3A_29 = arith.muli %scan3A_27, %mul3A_28 : i32
      %add3A_30 = arith.addi %mul3A_14, %mul3A_29 : i32
      "tpu.region"() ({
        %run_scoped3A = tpu.sem_alloc : memref<!tpu.dma_semaphore, #tpu.memory_space<semaphore_mem>>
        %dma_start3A = arith.constant 0 : i32
        %dma_start3A_31 = tpu.memref_slice %arg2[%add3A_30, %dma_start3A] : memref<50176x32xf32, #tpu.memory_space<hbm>> -> memref<112x32xf32, #tpu.memory_space<hbm>>
        %dma_start3A_32 = arith.constant 0 : i32
        %dma_start3A_33 = tpu.memref_slice %arg2[%add3A_30, %dma_start3A_32] : memref<50176x32xf32, #tpu.memory_space<hbm>> -> memref<112x32xf32, #tpu.memory_space<hbm>>
        tpu.enqueue_dma source(%dma_start3A_33 : memref<112x32xf32, #tpu.memory_space<hbm>>) target(%arg6 : memref<112x32xf32, #tpu.memory_space<vmem>>) target_semaphore(%run_scoped3A : memref<!tpu.dma_semaphore, #tpu.memory_space<semaphore_mem>>)
        %dma_wait3A = arith.constant 0 : i32
        %dma_wait3A_34 = tpu.memref_slice %arg2[%add3A_30, %dma_wait3A] : memref<50176x32xf32, #tpu.memory_space<hbm>> -> memref<112x32xf32, #tpu.memory_space<hbm>>
        %dma_wait3A_35 = arith.constant 0 : i32
        %dma_wait3A_36 = tpu.memref_slice %arg2[%add3A_30, %dma_wait3A_35] : memref<50176x32xf32, #tpu.memory_space<hbm>> -> memref<112x32xf32, #tpu.memory_space<hbm>>
        tpu.wait_dma2 semaphore(%run_scoped3A : memref<!tpu.dma_semaphore, #tpu.memory_space<semaphore_mem>>) src(%dma_wait3A_36 : memref<112x32xf32, #tpu.memory_space<hbm>>) dst(%arg6 : memref<112x32xf32, #tpu.memory_space<vmem>>)
        tpu.yield
      }) : () -> ()
      "tpu.region"() ({
        %run_scoped3A = tpu.sem_alloc : memref<!tpu.dma_semaphore, #tpu.memory_space<semaphore_mem>>
        %dma_start3A = tpu.memref_slice %arg3[%add3A_30] : memref<50176xi32, #tpu.memory_space<hbm>> -> memref<112xi32, #tpu.memory_space<hbm>>
        %dma_start3A_31 = tpu.memref_slice %arg3[%add3A_30] : memref<50176xi32, #tpu.memory_space<hbm>> -> memref<112xi32, #tpu.memory_space<hbm>>
        tpu.enqueue_dma source(%dma_start3A_31 : memref<112xi32, #tpu.memory_space<hbm>>) target(%arg8 : memref<112xi32, #tpu.memory_space<vmem>>) target_semaphore(%run_scoped3A : memref<!tpu.dma_semaphore, #tpu.memory_space<semaphore_mem>>)
        %dma_wait3A = tpu.memref_slice %arg3[%add3A_30] : memref<50176xi32, #tpu.memory_space<hbm>> -> memref<112xi32, #tpu.memory_space<hbm>>
        %dma_wait3A_32 = tpu.memref_slice %arg3[%add3A_30] : memref<50176xi32, #tpu.memory_space<hbm>> -> memref<112xi32, #tpu.memory_space<hbm>>
        tpu.wait_dma2 semaphore(%run_scoped3A : memref<!tpu.dma_semaphore, #tpu.memory_space<semaphore_mem>>) src(%dma_wait3A_32 : memref<112xi32, #tpu.memory_space<hbm>>) dst(%arg8 : memref<112xi32, #tpu.memory_space<vmem>>)
        tpu.yield
      }) : () -> ()
      "tpu.region"() ({
        %run_scoped3A = tpu.sem_alloc : memref<!tpu.dma_semaphore, #tpu.memory_space<semaphore_mem>>
        %dma_start3A = arith.constant 0 : i32
        %dma_start3A_31 = arith.constant 0 : i32
        %dma_start3A_32 = tpu.memref_slice %arg9[%dma_start3A, %dma_start3A_31] : memref<65x32xf32, #tpu.memory_space<vmem_shared>> -> memref<65x32xf32, #tpu.memory_space<vmem_shared>>
        tpu.enqueue_indirect_dma source(%arg6 : memref<112x32xf32, #tpu.memory_space<vmem>>) target(%dma_start3A_32 : memref<65x32xf32, #tpu.memory_space<vmem_shared>>) offsets(%arg8 : memref<112xi32, #tpu.memory_space<vmem>>) semaphore(%run_scoped3A : memref<!tpu.dma_semaphore, #tpu.memory_space<semaphore_mem>>) {add = true}
        %dma_wait3A = arith.constant 0 : i32
        %dma_wait3A_33 = arith.constant 0 : i32
        %dma_wait3A_34 = tpu.memref_slice %arg9[%dma_wait3A, %dma_wait3A_33] : memref<65x32xf32, #tpu.memory_space<vmem_shared>> -> memref<65x32xf32, #tpu.memory_space<vmem_shared>>
        tpu.wait_indirect_dma semaphore(%run_scoped3A : memref<!tpu.dma_semaphore, #tpu.memory_space<semaphore_mem>>) src(%arg6 : memref<112x32xf32, #tpu.memory_space<vmem>>) dst(%dma_wait3A_34 : memref<65x32xf32, #tpu.memory_space<vmem_shared>>)
        tpu.yield
      }) : () -> ()
      "tpu.region"() ({
        %run_scoped3A = tpu.sem_alloc : memref<!tpu.dma_semaphore, #tpu.memory_space<semaphore_mem>>
        %dma_start3A = arith.constant 0 : i32
        %dma_start3A_31 = arith.constant 0 : i32
        %dma_start3A_32 = tpu.memref_slice %arg10[%dma_start3A, %dma_start3A_31] : memref<65x16xf32, #tpu.memory_space<vmem_shared>> -> memref<65x16xf32, #tpu.memory_space<vmem_shared>>
        tpu.enqueue_indirect_dma source(%arg7 : memref<112x16xf32, #tpu.memory_space<vmem>>) target(%dma_start3A_32 : memref<65x16xf32, #tpu.memory_space<vmem_shared>>) offsets(%arg8 : memref<112xi32, #tpu.memory_space<vmem>>) semaphore(%run_scoped3A : memref<!tpu.dma_semaphore, #tpu.memory_space<semaphore_mem>>) {add = true}
        %dma_wait3A = arith.constant 0 : i32
        %dma_wait3A_33 = arith.constant 0 : i32
        %dma_wait3A_34 = tpu.memref_slice %arg10[%dma_wait3A, %dma_wait3A_33] : memref<65x16xf32, #tpu.memory_space<vmem_shared>> -> memref<65x16xf32, #tpu.memory_space<vmem_shared>>
        tpu.wait_indirect_dma semaphore(%run_scoped3A : memref<!tpu.dma_semaphore, #tpu.memory_space<semaphore_mem>>) src(%arg7 : memref<112x16xf32, #tpu.memory_space<vmem>>) dst(%dma_wait3A_34 : memref<65x16xf32, #tpu.memory_space<vmem_shared>>)
        tpu.yield
      }) : () -> ()
    }
    %scan3A_20 = arith.constant 14 : i32
    %barrier3A_21 = arith.constant 0 : index
    tpu.barrier barrier_id(%barrier3A_21)
    %eq3A_22 = arith.constant 0 : i32
    %eq3A_23 = arith.cmpi eq, %arg1, %eq3A_22 : i32
    %convert_element_type3A_24 = arith.extui %eq3A_23 : i1 to i32
    %cond3A_25 = arith.constant 0 : i32
    %cond3A_26 = arith.cmpi ne, %convert_element_type3A_24, %cond3A_25 : i32
    scf.if %cond3A_26 {
      "tpu.region"() ({
        %run_scoped3A = tpu.sem_alloc : memref<!tpu.dma_semaphore, #tpu.memory_space<semaphore_mem>>
        %dma_start3A = arith.constant 0 : i32
        %dma_start3A_27 = arith.constant 0 : i32
        %dma_start3A_28 = tpu.memref_slice %arg4[%arg0, %dma_start3A, %dma_start3A_27] : memref<2x65x32xf32, #tpu.memory_space<hbm>> -> memref<1x65x32xf32, #tpu.memory_space<hbm>>
        %dma_start3A_29 = tpu.memref_squeeze %dma_start3A_28 : memref<1x65x32xf32, #tpu.memory_space<hbm>> -> memref<65x32xf32, #tpu.memory_space<hbm>>
        tpu.enqueue_dma source(%arg9 : memref<65x32xf32, #tpu.memory_space<vmem_shared>>) target(%dma_start3A_29 : memref<65x32xf32, #tpu.memory_space<hbm>>) target_semaphore(%run_scoped3A : memref<!tpu.dma_semaphore, #tpu.memory_space<semaphore_mem>>)
        %dma_wait3A = arith.constant 0 : i32
        %dma_wait3A_30 = arith.constant 0 : i32
        %dma_wait3A_31 = tpu.memref_slice %arg4[%arg0, %dma_wait3A, %dma_wait3A_30] : memref<2x65x32xf32, #tpu.memory_space<hbm>> -> memref<1x65x32xf32, #tpu.memory_space<hbm>>
        %dma_wait3A_32 = tpu.memref_squeeze %dma_wait3A_31 : memref<1x65x32xf32, #tpu.memory_space<hbm>> -> memref<65x32xf32, #tpu.memory_space<hbm>>
        tpu.wait_dma2 semaphore(%run_scoped3A : memref<!tpu.dma_semaphore, #tpu.memory_space<semaphore_mem>>) src(%arg9 : memref<65x32xf32, #tpu.memory_space<vmem_shared>>) dst(%dma_wait3A_32 : memref<65x32xf32, #tpu.memory_space<hbm>>)
        tpu.yield
      }) : () -> ()
      "tpu.region"() ({
        %run_scoped3A = tpu.sem_alloc : memref<!tpu.dma_semaphore, #tpu.memory_space<semaphore_mem>>
        %dma_start3A = arith.constant 0 : i32
        %dma_start3A_27 = arith.constant 0 : i32
        %dma_start3A_28 = tpu.memref_slice %arg5[%arg0, %dma_start3A, %dma_start3A_27] : memref<2x65x16xf32, #tpu.memory_space<hbm>> -> memref<1x65x16xf32, #tpu.memory_space<hbm>>
        %dma_start3A_29 = tpu.memref_squeeze %dma_start3A_28 : memref<1x65x16xf32, #tpu.memory_space<hbm>> -> memref<65x16xf32, #tpu.memory_space<hbm>>
        tpu.enqueue_dma source(%arg10 : memref<65x16xf32, #tpu.memory_space<vmem_shared>>) target(%dma_start3A_29 : memref<65x16xf32, #tpu.memory_space<hbm>>) target_semaphore(%run_scoped3A : memref<!tpu.dma_semaphore, #tpu.memory_space<semaphore_mem>>)
        %dma_wait3A = arith.constant 0 : i32
        %dma_wait3A_30 = arith.constant 0 : i32
        %dma_wait3A_31 = tpu.memref_slice %arg5[%arg0, %dma_wait3A, %dma_wait3A_30] : memref<2x65x16xf32, #tpu.memory_space<hbm>> -> memref<1x65x16xf32, #tpu.memory_space<hbm>>
        %dma_wait3A_32 = tpu.memref_squeeze %dma_wait3A_31 : memref<1x65x16xf32, #tpu.memory_space<hbm>> -> memref<65x16xf32, #tpu.memory_space<hbm>>
        tpu.wait_dma2 semaphore(%run_scoped3A : memref<!tpu.dma_semaphore, #tpu.memory_space<semaphore_mem>>) src(%arg10 : memref<65x16xf32, #tpu.memory_space<vmem_shared>>) dst(%dma_wait3A_32 : memref<65x16xf32, #tpu.memory_space<hbm>>)
        tpu.yield
      }) : () -> ()
    } else {
    }
    return
  }
}

#map = affine_map<(d0, d1) -> (0, 0)>
#map1 = affine_map<(d0, d1) -> (0)>
#map2 = affine_map<(d0, d1) -> (0, 0, 0)>
module attributes {stable_mosaic.version = 14 : i64} {
  func.func @k(%arg0: i32, %arg1: i32, %arg2: memref<50176x64xf32, #tpu.memory_space<hbm>>, %arg3: memref<819200xi32, #tpu.memory_space<hbm>>, %arg4: memref<819200xi32, #tpu.memory_space<hbm>>, %arg5: memref<819200x64xf32, #tpu.memory_space<hbm>>, %arg6: memref<2x50176x16xf32, #tpu.memory_space<hbm>>, %arg7: memref<128xi32, #tpu.memory_space<vmem>>, %arg8: memref<128xi32, #tpu.memory_space<vmem>>, %arg9: memref<128x64xf32, #tpu.memory_space<vmem>>, %arg10: memref<128x64xf32, #tpu.memory_space<vmem>>, %arg11: memref<128x16xf32, #tpu.memory_space<vmem>>, %arg12: memref<32x16xf32, #tpu.memory_space<vmem>>, %arg13: memref<50176x16xf32, #tpu.memory_space<vmem_shared>>, %arg14: memref<!tpu.dma_semaphore, #tpu.memory_space<semaphore_mem>>) attributes {dimension_semantics = [#tpu.dimension_semantics<core_parallel>, #tpu.dimension_semantics<subcore_parallel>], iteration_bounds = array<i64: 2, 16>, scalar_prefetch = 0 : i64, scratch_operands = 8 : i64, tpu.core_type = #tpu.core_type<sc_vector_subcore>, window_params = [{transform_indices = #map}, {transform_indices = #map1}, {transform_indices = #map1}, {transform_indices = #map}, {transform_indices = #map2}]} {
    %mul3A = arith.constant 2 : i32
    %mul3A_0 = arith.muli %arg1, %mul3A : i32
    %add3A = arith.addi %mul3A_0, %arg0 : i32
    %iota3A = tpu.iota {dimensions = array<i32: 0>} : vector<16xi32>
    %broadcast_in_dim3A = arith.constant 0.000000e+00 : f32
    %broadcast_in_dim3A_1 = vector.broadcast %broadcast_in_dim3A : f32 to vector<16xf32>
    %swap3A = arith.constant 0 : i32
    %swap3A_2 = arith.index_cast %swap3A : i32 to index
    %swap3A_3 = arith.constant 0 : index
    %swap3A_4 = tpu.vector_load %arg12[%swap3A_2, %swap3A_3] {strides = array<i32>} : memref<32x16xf32, #tpu.memory_space<vmem>>, vector<16xf32>,
    tpu.vector_store %arg12[%swap3A_2, %swap3A_3], %broadcast_in_dim3A_1 {strides = array<i32>} : memref<32x16xf32, #tpu.memory_space<vmem>>, vector<16xf32>,
    %swap3A_5 = arith.constant 1 : i32
    %swap3A_6 = arith.index_cast %swap3A_5 : i32 to index
    %swap3A_7 = arith.constant 0 : index
    %swap3A_8 = tpu.vector_load %arg12[%swap3A_6, %swap3A_7] {strides = array<i32>} : memref<32x16xf32, #tpu.memory_space<vmem>>, vector<16xf32>,
    tpu.vector_store %arg12[%swap3A_6, %swap3A_7], %broadcast_in_dim3A_1 {strides = array<i32>} : memref<32x16xf32, #tpu.memory_space<vmem>>, vector<16xf32>,
    %swap3A_9 = arith.constant 2 : i32
    %swap3A_10 = arith.index_cast %swap3A_9 : i32 to index
    %swap3A_11 = arith.constant 0 : index
    %swap3A_12 = tpu.vector_load %arg12[%swap3A_10, %swap3A_11] {strides = array<i32>} : memref<32x16xf32, #tpu.memory_space<vmem>>, vector<16xf32>,
    tpu.vector_store %arg12[%swap3A_10, %swap3A_11], %broadcast_in_dim3A_1 {strides = array<i32>} : memref<32x16xf32, #tpu.memory_space<vmem>>, vector<16xf32>,
    %swap3A_13 = arith.constant 3 : i32
    %swap3A_14 = arith.index_cast %swap3A_13 : i32 to index
    %swap3A_15 = arith.constant 0 : index
    %swap3A_16 = tpu.vector_load %arg12[%swap3A_14, %swap3A_15] {strides = array<i32>} : memref<32x16xf32, #tpu.memory_space<vmem>>, vector<16xf32>,
    tpu.vector_store %arg12[%swap3A_14, %swap3A_15], %broadcast_in_dim3A_1 {strides = array<i32>} : memref<32x16xf32, #tpu.memory_space<vmem>>, vector<16xf32>,
    %swap3A_17 = arith.constant 4 : i32
    %swap3A_18 = arith.index_cast %swap3A_17 : i32 to index
    %swap3A_19 = arith.constant 0 : index
    %swap3A_20 = tpu.vector_load %arg12[%swap3A_18, %swap3A_19] {strides = array<i32>} : memref<32x16xf32, #tpu.memory_space<vmem>>, vector<16xf32>,
    tpu.vector_store %arg12[%swap3A_18, %swap3A_19], %broadcast_in_dim3A_1 {strides = array<i32>} : memref<32x16xf32, #tpu.memory_space<vmem>>, vector<16xf32>,
    %swap3A_21 = arith.constant 5 : i32
    %swap3A_22 = arith.index_cast %swap3A_21 : i32 to index
    %swap3A_23 = arith.constant 0 : index
    %swap3A_24 = tpu.vector_load %arg12[%swap3A_22, %swap3A_23] {strides = array<i32>} : memref<32x16xf32, #tpu.memory_space<vmem>>, vector<16xf32>,
    tpu.vector_store %arg12[%swap3A_22, %swap3A_23], %broadcast_in_dim3A_1 {strides = array<i32>} : memref<32x16xf32, #tpu.memory_space<vmem>>, vector<16xf32>,
    %swap3A_25 = arith.constant 6 : i32
    %swap3A_26 = arith.index_cast %swap3A_25 : i32 to index
    %swap3A_27 = arith.constant 0 : index
    %swap3A_28 = tpu.vector_load %arg12[%swap3A_26, %swap3A_27] {strides = array<i32>} : memref<32x16xf32, #tpu.memory_space<vmem>>, vector<16xf32>,
    tpu.vector_store %arg12[%swap3A_26, %swap3A_27], %broadcast_in_dim3A_1 {strides = array<i32>} : memref<32x16xf32, #tpu.memory_space<vmem>>, vector<16xf32>,
    %swap3A_29 = arith.constant 7 : i32
    %swap3A_30 = arith.index_cast %swap3A_29 : i32 to index
    %swap3A_31 = arith.constant 0 : index
    %swap3A_32 = tpu.vector_load %arg12[%swap3A_30, %swap3A_31] {strides = array<i32>} : memref<32x16xf32, #tpu.memory_space<vmem>>, vector<16xf32>,
    tpu.vector_store %arg12[%swap3A_30, %swap3A_31], %broadcast_in_dim3A_1 {strides = array<i32>} : memref<32x16xf32, #tpu.memory_space<vmem>>, vector<16xf32>,
    %swap3A_33 = arith.constant 8 : i32
    %swap3A_34 = arith.index_cast %swap3A_33 : i32 to index
    %swap3A_35 = arith.constant 0 : index
    %swap3A_36 = tpu.vector_load %arg12[%swap3A_34, %swap3A_35] {strides = array<i32>} : memref<32x16xf32, #tpu.memory_space<vmem>>, vector<16xf32>,
    tpu.vector_store %arg12[%swap3A_34, %swap3A_35], %broadcast_in_dim3A_1 {strides = array<i32>} : memref<32x16xf32, #tpu.memory_space<vmem>>, vector<16xf32>,
    %swap3A_37 = arith.constant 9 : i32
    %swap3A_38 = arith.index_cast %swap3A_37 : i32 to index
    %swap3A_39 = arith.constant 0 : index
    %swap3A_40 = tpu.vector_load %arg12[%swap3A_38, %swap3A_39] {strides = array<i32>} : memref<32x16xf32, #tpu.memory_space<vmem>>, vector<16xf32>,
    tpu.vector_store %arg12[%swap3A_38, %swap3A_39], %broadcast_in_dim3A_1 {strides = array<i32>} : memref<32x16xf32, #tpu.memory_space<vmem>>, vector<16xf32>,
    %swap3A_41 = arith.constant 10 : i32
    %swap3A_42 = arith.index_cast %swap3A_41 : i32 to index
    %swap3A_43 = arith.constant 0 : index
    %swap3A_44 = tpu.vector_load %arg12[%swap3A_42, %swap3A_43] {strides = array<i32>} : memref<32x16xf32, #tpu.memory_space<vmem>>, vector<16xf32>,
    tpu.vector_store %arg12[%swap3A_42, %swap3A_43], %broadcast_in_dim3A_1 {strides = array<i32>} : memref<32x16xf32, #tpu.memory_space<vmem>>, vector<16xf32>,
    %swap3A_45 = arith.constant 11 : i32
    %swap3A_46 = arith.index_cast %swap3A_45 : i32 to index
    %swap3A_47 = arith.constant 0 : index
    %swap3A_48 = tpu.vector_load %arg12[%swap3A_46, %swap3A_47] {strides = array<i32>} : memref<32x16xf32, #tpu.memory_space<vmem>>, vector<16xf32>,
    tpu.vector_store %arg12[%swap3A_46, %swap3A_47], %broadcast_in_dim3A_1 {strides = array<i32>} : memref<32x16xf32, #tpu.memory_space<vmem>>, vector<16xf32>,
    %swap3A_49 = arith.constant 12 : i32
    %swap3A_50 = arith.index_cast %swap3A_49 : i32 to index
    %swap3A_51 = arith.constant 0 : index
    %swap3A_52 = tpu.vector_load %arg12[%swap3A_50, %swap3A_51] {strides = array<i32>} : memref<32x16xf32, #tpu.memory_space<vmem>>, vector<16xf32>,
    tpu.vector_store %arg12[%swap3A_50, %swap3A_51], %broadcast_in_dim3A_1 {strides = array<i32>} : memref<32x16xf32, #tpu.memory_space<vmem>>, vector<16xf32>,
    %swap3A_53 = arith.constant 13 : i32
    %swap3A_54 = arith.index_cast %swap3A_53 : i32 to index
    %swap3A_55 = arith.constant 0 : index
    %swap3A_56 = tpu.vector_load %arg12[%swap3A_54, %swap3A_55] {strides = array<i32>} : memref<32x16xf32, #tpu.memory_space<vmem>>, vector<16xf32>,
    tpu.vector_store %arg12[%swap3A_54, %swap3A_55], %broadcast_in_dim3A_1 {strides = array<i32>} : memref<32x16xf32, #tpu.memory_space<vmem>>, vector<16xf32>,
    %swap3A_57 = arith.constant 14 : i32
    %swap3A_58 = arith.index_cast %swap3A_57 : i32 to index
    %swap3A_59 = arith.constant 0 : index
    %swap3A_60 = tpu.vector_load %arg12[%swap3A_58, %swap3A_59] {strides = array<i32>} : memref<32x16xf32, #tpu.memory_space<vmem>>, vector<16xf32>,
    tpu.vector_store %arg12[%swap3A_58, %swap3A_59], %broadcast_in_dim3A_1 {strides = array<i32>} : memref<32x16xf32, #tpu.memory_space<vmem>>, vector<16xf32>,
    %swap3A_61 = arith.constant 15 : i32
    %swap3A_62 = arith.index_cast %swap3A_61 : i32 to index
    %swap3A_63 = arith.constant 0 : index
    %swap3A_64 = tpu.vector_load %arg12[%swap3A_62, %swap3A_63] {strides = array<i32>} : memref<32x16xf32, #tpu.memory_space<vmem>>, vector<16xf32>,
    tpu.vector_store %arg12[%swap3A_62, %swap3A_63], %broadcast_in_dim3A_1 {strides = array<i32>} : memref<32x16xf32, #tpu.memory_space<vmem>>, vector<16xf32>,
    %swap3A_65 = arith.constant 16 : i32
    %swap3A_66 = arith.index_cast %swap3A_65 : i32 to index
    %swap3A_67 = arith.constant 0 : index
    %swap3A_68 = tpu.vector_load %arg12[%swap3A_66, %swap3A_67] {strides = array<i32>} : memref<32x16xf32, #tpu.memory_space<vmem>>, vector<16xf32>,
    tpu.vector_store %arg12[%swap3A_66, %swap3A_67], %broadcast_in_dim3A_1 {strides = array<i32>} : memref<32x16xf32, #tpu.memory_space<vmem>>, vector<16xf32>,
    %swap3A_69 = arith.constant 17 : i32
    %swap3A_70 = arith.index_cast %swap3A_69 : i32 to index
    %swap3A_71 = arith.constant 0 : index
    %swap3A_72 = tpu.vector_load %arg12[%swap3A_70, %swap3A_71] {strides = array<i32>} : memref<32x16xf32, #tpu.memory_space<vmem>>, vector<16xf32>,
    tpu.vector_store %arg12[%swap3A_70, %swap3A_71], %broadcast_in_dim3A_1 {strides = array<i32>} : memref<32x16xf32, #tpu.memory_space<vmem>>, vector<16xf32>,
    %swap3A_73 = arith.constant 18 : i32
    %swap3A_74 = arith.index_cast %swap3A_73 : i32 to index
    %swap3A_75 = arith.constant 0 : index
    %swap3A_76 = tpu.vector_load %arg12[%swap3A_74, %swap3A_75] {strides = array<i32>} : memref<32x16xf32, #tpu.memory_space<vmem>>, vector<16xf32>,
    tpu.vector_store %arg12[%swap3A_74, %swap3A_75], %broadcast_in_dim3A_1 {strides = array<i32>} : memref<32x16xf32, #tpu.memory_space<vmem>>, vector<16xf32>,
    %swap3A_77 = arith.constant 19 : i32
    %swap3A_78 = arith.index_cast %swap3A_77 : i32 to index
    %swap3A_79 = arith.constant 0 : index
    %swap3A_80 = tpu.vector_load %arg12[%swap3A_78, %swap3A_79] {strides = array<i32>} : memref<32x16xf32, #tpu.memory_space<vmem>>, vector<16xf32>,
    tpu.vector_store %arg12[%swap3A_78, %swap3A_79], %broadcast_in_dim3A_1 {strides = array<i32>} : memref<32x16xf32, #tpu.memory_space<vmem>>, vector<16xf32>,
    %swap3A_81 = arith.constant 20 : i32
    %swap3A_82 = arith.index_cast %swap3A_81 : i32 to index
    %swap3A_83 = arith.constant 0 : index
    %swap3A_84 = tpu.vector_load %arg12[%swap3A_82, %swap3A_83] {strides = array<i32>} : memref<32x16xf32, #tpu.memory_space<vmem>>, vector<16xf32>,
    tpu.vector_store %arg12[%swap3A_82, %swap3A_83], %broadcast_in_dim3A_1 {strides = array<i32>} : memref<32x16xf32, #tpu.memory_space<vmem>>, vector<16xf32>,
    %swap3A_85 = arith.constant 21 : i32
    %swap3A_86 = arith.index_cast %swap3A_85 : i32 to index
    %swap3A_87 = arith.constant 0 : index
    %swap3A_88 = tpu.vector_load %arg12[%swap3A_86, %swap3A_87] {strides = array<i32>} : memref<32x16xf32, #tpu.memory_space<vmem>>, vector<16xf32>,
    tpu.vector_store %arg12[%swap3A_86, %swap3A_87], %broadcast_in_dim3A_1 {strides = array<i32>} : memref<32x16xf32, #tpu.memory_space<vmem>>, vector<16xf32>,
    %swap3A_89 = arith.constant 22 : i32
    %swap3A_90 = arith.index_cast %swap3A_89 : i32 to index
    %swap3A_91 = arith.constant 0 : index
    %swap3A_92 = tpu.vector_load %arg12[%swap3A_90, %swap3A_91] {strides = array<i32>} : memref<32x16xf32, #tpu.memory_space<vmem>>, vector<16xf32>,
    tpu.vector_store %arg12[%swap3A_90, %swap3A_91], %broadcast_in_dim3A_1 {strides = array<i32>} : memref<32x16xf32, #tpu.memory_space<vmem>>, vector<16xf32>,
    %swap3A_93 = arith.constant 23 : i32
    %swap3A_94 = arith.index_cast %swap3A_93 : i32 to index
    %swap3A_95 = arith.constant 0 : index
    %swap3A_96 = tpu.vector_load %arg12[%swap3A_94, %swap3A_95] {strides = array<i32>} : memref<32x16xf32, #tpu.memory_space<vmem>>, vector<16xf32>,
    tpu.vector_store %arg12[%swap3A_94, %swap3A_95], %broadcast_in_dim3A_1 {strides = array<i32>} : memref<32x16xf32, #tpu.memory_space<vmem>>, vector<16xf32>,
    %swap3A_97 = arith.constant 24 : i32
    %swap3A_98 = arith.index_cast %swap3A_97 : i32 to index
    %swap3A_99 = arith.constant 0 : index
    %swap3A_100 = tpu.vector_load %arg12[%swap3A_98, %swap3A_99] {strides = array<i32>} : memref<32x16xf32, #tpu.memory_space<vmem>>, vector<16xf32>,
    tpu.vector_store %arg12[%swap3A_98, %swap3A_99], %broadcast_in_dim3A_1 {strides = array<i32>} : memref<32x16xf32, #tpu.memory_space<vmem>>, vector<16xf32>,
    %swap3A_101 = arith.constant 25 : i32
    %swap3A_102 = arith.index_cast %swap3A_101 : i32 to index
    %swap3A_103 = arith.constant 0 : index
    %swap3A_104 = tpu.vector_load %arg12[%swap3A_102, %swap3A_103] {strides = array<i32>} : memref<32x16xf32, #tpu.memory_space<vmem>>, vector<16xf32>,
    tpu.vector_store %arg12[%swap3A_102, %swap3A_103], %broadcast_in_dim3A_1 {strides = array<i32>} : memref<32x16xf32, #tpu.memory_space<vmem>>, vector<16xf32>,
    %swap3A_105 = arith.constant 26 : i32
    %swap3A_106 = arith.index_cast %swap3A_105 : i32 to index
    %swap3A_107 = arith.constant 0 : index
    %swap3A_108 = tpu.vector_load %arg12[%swap3A_106, %swap3A_107] {strides = array<i32>} : memref<32x16xf32, #tpu.memory_space<vmem>>, vector<16xf32>,
    tpu.vector_store %arg12[%swap3A_106, %swap3A_107], %broadcast_in_dim3A_1 {strides = array<i32>} : memref<32x16xf32, #tpu.memory_space<vmem>>, vector<16xf32>,
    %swap3A_109 = arith.constant 27 : i32
    %swap3A_110 = arith.index_cast %swap3A_109 : i32 to index
    %swap3A_111 = arith.constant 0 : index
    %swap3A_112 = tpu.vector_load %arg12[%swap3A_110, %swap3A_111] {strides = array<i32>} : memref<32x16xf32, #tpu.memory_space<vmem>>, vector<16xf32>,
    tpu.vector_store %arg12[%swap3A_110, %swap3A_111], %broadcast_in_dim3A_1 {strides = array<i32>} : memref<32x16xf32, #tpu.memory_space<vmem>>, vector<16xf32>,
    %swap3A_113 = arith.constant 28 : i32
    %swap3A_114 = arith.index_cast %swap3A_113 : i32 to index
    %swap3A_115 = arith.constant 0 : index
    %swap3A_116 = tpu.vector_load %arg12[%swap3A_114, %swap3A_115] {strides = array<i32>} : memref<32x16xf32, #tpu.memory_space<vmem>>, vector<16xf32>,
    tpu.vector_store %arg12[%swap3A_114, %swap3A_115], %broadcast_in_dim3A_1 {strides = array<i32>} : memref<32x16xf32, #tpu.memory_space<vmem>>, vector<16xf32>,
    %swap3A_117 = arith.constant 29 : i32
    %swap3A_118 = arith.index_cast %swap3A_117 : i32 to index
    %swap3A_119 = arith.constant 0 : index
    %swap3A_120 = tpu.vector_load %arg12[%swap3A_118, %swap3A_119] {strides = array<i32>} : memref<32x16xf32, #tpu.memory_space<vmem>>, vector<16xf32>,
    tpu.vector_store %arg12[%swap3A_118, %swap3A_119], %broadcast_in_dim3A_1 {strides = array<i32>} : memref<32x16xf32, #tpu.memory_space<vmem>>, vector<16xf32>,
    %swap3A_121 = arith.constant 30 : i32
    %swap3A_122 = arith.index_cast %swap3A_121 : i32 to index
    %swap3A_123 = arith.constant 0 : index
    %swap3A_124 = tpu.vector_load %arg12[%swap3A_122, %swap3A_123] {strides = array<i32>} : memref<32x16xf32, #tpu.memory_space<vmem>>, vector<16xf32>,
    tpu.vector_store %arg12[%swap3A_122, %swap3A_123], %broadcast_in_dim3A_1 {strides = array<i32>} : memref<32x16xf32, #tpu.memory_space<vmem>>, vector<16xf32>,
    %swap3A_125 = arith.constant 31 : i32
    %swap3A_126 = arith.index_cast %swap3A_125 : i32 to index
    %swap3A_127 = arith.constant 0 : index
    %swap3A_128 = tpu.vector_load %arg12[%swap3A_126, %swap3A_127] {strides = array<i32>} : memref<32x16xf32, #tpu.memory_space<vmem>>, vector<16xf32>,
    tpu.vector_store %arg12[%swap3A_126, %swap3A_127], %broadcast_in_dim3A_1 {strides = array<i32>} : memref<32x16xf32, #tpu.memory_space<vmem>>, vector<16xf32>,
    %mul3A_129 = arith.constant 3136 : i32
    %mul3A_130 = arith.muli %arg1, %mul3A_129 : i32
    %scan3A = arith.constant 0 : i32
    %scan3A_131 = arith.constant 0 : i32
    %scan3A_132 = arith.constant 98 : i32
    %scan3A_133 = arith.addi %scan3A_131, %scan3A_132 : i32
    %scan3A_134 = arith.constant 1 : i32
    scf.for %scan3A_154 = %scan3A_131 to %scan3A_133 step %scan3A_134  : i32 {
      %mul3A_155 = arith.constant 32 : i32
      %mul3A_156 = arith.muli %scan3A_154, %mul3A_155 : i32
      %add3A_157 = arith.addi %mul3A_130, %mul3A_156 : i32
      "tpu.region"() ({
        %run_scoped3A = tpu.sem_alloc : memref<!tpu.dma_semaphore, #tpu.memory_space<semaphore_mem>>
        %dma_start3A = arith.constant 0 : i32
        %dma_start3A_158 = tpu.memref_slice %arg13[%add3A_157, %dma_start3A] : memref<50176x16xf32, #tpu.memory_space<vmem_shared>> -> memref<32x16xf32, #tpu.memory_space<vmem_shared>>
        %dma_start3A_159 = arith.constant 0 : i32
        %dma_start3A_160 = tpu.memref_slice %arg13[%add3A_157, %dma_start3A_159] : memref<50176x16xf32, #tpu.memory_space<vmem_shared>> -> memref<32x16xf32, #tpu.memory_space<vmem_shared>>
        tpu.enqueue_dma source(%arg12 : memref<32x16xf32, #tpu.memory_space<vmem>>) target(%dma_start3A_160 : memref<32x16xf32, #tpu.memory_space<vmem_shared>>) target_semaphore(%run_scoped3A : memref<!tpu.dma_semaphore, #tpu.memory_space<semaphore_mem>>)
        %dma_wait3A = arith.constant 0 : i32
        %dma_wait3A_161 = tpu.memref_slice %arg13[%add3A_157, %dma_wait3A] : memref<50176x16xf32, #tpu.memory_space<vmem_shared>> -> memref<32x16xf32, #tpu.memory_space<vmem_shared>>
        %dma_wait3A_162 = arith.constant 0 : i32
        %dma_wait3A_163 = tpu.memref_slice %arg13[%add3A_157, %dma_wait3A_162] : memref<50176x16xf32, #tpu.memory_space<vmem_shared>> -> memref<32x16xf32, #tpu.memory_space<vmem_shared>>
        tpu.wait_dma2 semaphore(%run_scoped3A : memref<!tpu.dma_semaphore, #tpu.memory_space<semaphore_mem>>) src(%arg12 : memref<32x16xf32, #tpu.memory_space<vmem>>) dst(%dma_wait3A_163 : memref<32x16xf32, #tpu.memory_space<vmem_shared>>)
        tpu.yield
      }) : () -> ()
    }
    %scan3A_135 = arith.constant 98 : i32
    %barrier3A = arith.constant 0 : index
    tpu.barrier barrier_id(%barrier3A)
    %mul3A_136 = arith.constant 25600 : i32
    %mul3A_137 = arith.muli %add3A, %mul3A_136 : i32
    %eq3A = arith.constant 8 : i32
    %eq3A_138 = vector.broadcast %eq3A : i32 to vector<16xi32>
    %eq3A_139 = arith.cmpi eq, %iota3A, %eq3A_138 : vector<16xi32>
    %convert_element_type3A = arith.extui %eq3A_139 : vector<16xi1> to vector<16xi32>
    %convert_element_type3A_140 = arith.sitofp %convert_element_type3A : vector<16xi32> to vector<16xf32>
    %scan3A_141 = arith.constant 0 : i32
    %scan3A_142 = arith.constant 0 : i32
    %scan3A_143 = arith.constant 200 : i32
    %scan3A_144 = arith.addi %scan3A_142, %scan3A_143 : i32
    %scan3A_145 = arith.constant 1 : i32
    scf.for %scan3A_154 = %scan3A_142 to %scan3A_144 step %scan3A_145  : i32 {
      %mul3A_155 = arith.constant 128 : i32
      %mul3A_156 = arith.muli %scan3A_154, %mul3A_155 : i32
      %add3A_157 = arith.addi %mul3A_137, %mul3A_156 : i32
      "tpu.region"() ({
        %run_scoped3A = tpu.sem_alloc : memref<!tpu.dma_semaphore, #tpu.memory_space<semaphore_mem>>
        %dma_start3A_164 = tpu.memref_slice %arg3[%add3A_157] : memref<819200xi32, #tpu.memory_space<hbm>> -> memref<128xi32, #tpu.memory_space<hbm>>
        %dma_start3A_165 = tpu.memref_slice %arg3[%add3A_157] : memref<819200xi32, #tpu.memory_space<hbm>> -> memref<128xi32, #tpu.memory_space<hbm>>
        tpu.enqueue_dma source(%dma_start3A_165 : memref<128xi32, #tpu.memory_space<hbm>>) target(%arg7 : memref<128xi32, #tpu.memory_space<vmem>>) target_semaphore(%run_scoped3A : memref<!tpu.dma_semaphore, #tpu.memory_space<semaphore_mem>>)
        %dma_wait3A_166 = tpu.memref_slice %arg3[%add3A_157] : memref<819200xi32, #tpu.memory_space<hbm>> -> memref<128xi32, #tpu.memory_space<hbm>>
        %dma_wait3A_167 = tpu.memref_slice %arg3[%add3A_157] : memref<819200xi32, #tpu.memory_space<hbm>> -> memref<128xi32, #tpu.memory_space<hbm>>
        tpu.wait_dma2 semaphore(%run_scoped3A : memref<!tpu.dma_semaphore, #tpu.memory_space<semaphore_mem>>) src(%dma_wait3A_167 : memref<128xi32, #tpu.memory_space<hbm>>) dst(%arg7 : memref<128xi32, #tpu.memory_space<vmem>>)
        tpu.yield
      }) : () -> ()
      %dma_start3A = arith.constant 0 : i32
      %dma_start3A_158 = arith.constant 0 : i32
      %dma_start3A_159 = tpu.memref_slice %arg2[%dma_start3A, %dma_start3A_158] : memref<50176x64xf32, #tpu.memory_space<hbm>> -> memref<50176x64xf32, #tpu.memory_space<hbm>>
      tpu.enqueue_indirect_dma source(%dma_start3A_159 : memref<50176x64xf32, #tpu.memory_space<hbm>>) target(%arg10 : memref<128x64xf32, #tpu.memory_space<vmem>>) offsets(%arg7 : memref<128xi32, #tpu.memory_space<vmem>>) semaphore(%arg14 : memref<!tpu.dma_semaphore, #tpu.memory_space<semaphore_mem>>)
      "tpu.region"() ({
        %run_scoped3A = tpu.sem_alloc : memref<!tpu.dma_semaphore, #tpu.memory_space<semaphore_mem>>
        %dma_start3A_164 = tpu.memref_slice %arg4[%add3A_157] : memref<819200xi32, #tpu.memory_space<hbm>> -> memref<128xi32, #tpu.memory_space<hbm>>
        %dma_start3A_165 = tpu.memref_slice %arg4[%add3A_157] : memref<819200xi32, #tpu.memory_space<hbm>> -> memref<128xi32, #tpu.memory_space<hbm>>
        tpu.enqueue_dma source(%dma_start3A_165 : memref<128xi32, #tpu.memory_space<hbm>>) target(%arg8 : memref<128xi32, #tpu.memory_space<vmem>>) target_semaphore(%run_scoped3A : memref<!tpu.dma_semaphore, #tpu.memory_space<semaphore_mem>>)
        %dma_wait3A_166 = tpu.memref_slice %arg4[%add3A_157] : memref<819200xi32, #tpu.memory_space<hbm>> -> memref<128xi32, #tpu.memory_space<hbm>>
        %dma_wait3A_167 = tpu.memref_slice %arg4[%add3A_157] : memref<819200xi32, #tpu.memory_space<hbm>> -> memref<128xi32, #tpu.memory_space<hbm>>
        tpu.wait_dma2 semaphore(%run_scoped3A : memref<!tpu.dma_semaphore, #tpu.memory_space<semaphore_mem>>) src(%dma_wait3A_167 : memref<128xi32, #tpu.memory_space<hbm>>) dst(%arg8 : memref<128xi32, #tpu.memory_space<vmem>>)
        tpu.yield
      }) : () -> ()
      "tpu.region"() ({
        %run_scoped3A = tpu.sem_alloc : memref<!tpu.dma_semaphore, #tpu.memory_space<semaphore_mem>>
        %dma_start3A_164 = arith.constant 0 : i32
        %dma_start3A_165 = tpu.memref_slice %arg5[%add3A_157, %dma_start3A_164] : memref<819200x64xf32, #tpu.memory_space<hbm>> -> memref<128x64xf32, #tpu.memory_space<hbm>>
        %dma_start3A_166 = arith.constant 0 : i32
        %dma_start3A_167 = tpu.memref_slice %arg5[%add3A_157, %dma_start3A_166] : memref<819200x64xf32, #tpu.memory_space<hbm>> -> memref<128x64xf32, #tpu.memory_space<hbm>>
        tpu.enqueue_dma source(%dma_start3A_167 : memref<128x64xf32, #tpu.memory_space<hbm>>) target(%arg9 : memref<128x64xf32, #tpu.memory_space<vmem>>) target_semaphore(%run_scoped3A : memref<!tpu.dma_semaphore, #tpu.memory_space<semaphore_mem>>)
        %dma_wait3A_168 = arith.constant 0 : i32
        %dma_wait3A_169 = tpu.memref_slice %arg5[%add3A_157, %dma_wait3A_168] : memref<819200x64xf32, #tpu.memory_space<hbm>> -> memref<128x64xf32, #tpu.memory_space<hbm>>
        %dma_wait3A_170 = arith.constant 0 : i32
        %dma_wait3A_171 = tpu.memref_slice %arg5[%add3A_157, %dma_wait3A_170] : memref<819200x64xf32, #tpu.memory_space<hbm>> -> memref<128x64xf32, #tpu.memory_space<hbm>>
        tpu.wait_dma2 semaphore(%run_scoped3A : memref<!tpu.dma_semaphore, #tpu.memory_space<semaphore_mem>>) src(%dma_wait3A_171 : memref<128x64xf32, #tpu.memory_space<hbm>>) dst(%arg9 : memref<128x64xf32, #tpu.memory_space<vmem>>)
        tpu.yield
      }) : () -> ()
      %dma_wait3A = arith.constant 0 : i32
      %dma_wait3A_160 = arith.constant 0 : i32
      %dma_wait3A_161 = tpu.memref_slice %arg2[%dma_wait3A, %dma_wait3A_160] : memref<50176x64xf32, #tpu.memory_space<hbm>> -> memref<50176x64xf32, #tpu.memory_space<hbm>>
      tpu.wait_indirect_dma semaphore(%arg14 : memref<!tpu.dma_semaphore, #tpu.memory_space<semaphore_mem>>) src(%dma_wait3A_161 : memref<50176x64xf32, #tpu.memory_space<hbm>>) dst(%arg10 : memref<128x64xf32, #tpu.memory_space<vmem>>)
      %parallel_loop3A = arith.constant 0 : i32
      %parallel_loop3A_162 = arith.constant 128 : i32
      %parallel_loop3A_163 = arith.constant 1 : i32
      scf.for %parallel_loop3A_164 = %parallel_loop3A to %parallel_loop3A_162 step %parallel_loop3A_163  : i32 {
        %parallel_loop3A_165 = arith.index_cast %parallel_loop3A_164 : i32 to index
        %parallel_loop3A_166 = arith.constant 0 : index
        %parallel_loop3A_167 = tpu.vector_load %arg9[%parallel_loop3A_165, %parallel_loop3A_166] {strides = array<i32>} : memref<128x64xf32, #tpu.memory_space<vmem>>, vector<16xf32>,
        %parallel_loop3A_168 = arith.index_cast %parallel_loop3A_164 : i32 to index
        %parallel_loop3A_169 = arith.constant 16 : index
        %parallel_loop3A_170 = tpu.vector_load %arg9[%parallel_loop3A_168, %parallel_loop3A_169] {strides = array<i32>} : memref<128x64xf32, #tpu.memory_space<vmem>>, vector<16xf32>,
        %parallel_loop3A_171 = arith.index_cast %parallel_loop3A_164 : i32 to index
        %parallel_loop3A_172 = arith.constant 32 : index
        %parallel_loop3A_173 = tpu.vector_load %arg9[%parallel_loop3A_171, %parallel_loop3A_172] {strides = array<i32>} : memref<128x64xf32, #tpu.memory_space<vmem>>, vector<16xf32>,
        %parallel_loop3A_174 = arith.index_cast %parallel_loop3A_164 : i32 to index
        %parallel_loop3A_175 = arith.constant 48 : index
        %parallel_loop3A_176 = tpu.vector_load %arg9[%parallel_loop3A_174, %parallel_loop3A_175] {strides = array<i32>} : memref<128x64xf32, #tpu.memory_space<vmem>>, vector<16xf32>,
        %parallel_loop3A_177 = arith.index_cast %parallel_loop3A_164 : i32 to index
        %parallel_loop3A_178 = arith.constant 0 : index
        %parallel_loop3A_179 = tpu.vector_load %arg10[%parallel_loop3A_177, %parallel_loop3A_178] {strides = array<i32>} : memref<128x64xf32, #tpu.memory_space<vmem>>, vector<16xf32>,
        %parallel_loop3A_180 = arith.mulf %parallel_loop3A_167, %parallel_loop3A_179 : vector<16xf32>
        %parallel_loop3A_181 = arith.index_cast %parallel_loop3A_164 : i32 to index
        %parallel_loop3A_182 = arith.constant 16 : index
        %parallel_loop3A_183 = tpu.vector_load %arg10[%parallel_loop3A_181, %parallel_loop3A_182] {strides = array<i32>} : memref<128x64xf32, #tpu.memory_space<vmem>>, vector<16xf32>,
        %parallel_loop3A_184 = arith.mulf %parallel_loop3A_170, %parallel_loop3A_183 : vector<16xf32>
        %parallel_loop3A_185 = arith.addf %parallel_loop3A_180, %parallel_loop3A_184 : vector<16xf32>
        %parallel_loop3A_186 = arith.index_cast %parallel_loop3A_164 : i32 to index
        %parallel_loop3A_187 = arith.constant 32 : index
        %parallel_loop3A_188 = tpu.vector_load %arg10[%parallel_loop3A_186, %parallel_loop3A_187] {strides = array<i32>} : memref<128x64xf32, #tpu.memory_space<vmem>>, vector<16xf32>,
        %parallel_loop3A_189 = arith.mulf %parallel_loop3A_173, %parallel_loop3A_188 : vector<16xf32>
        %parallel_loop3A_190 = arith.addf %parallel_loop3A_185, %parallel_loop3A_189 : vector<16xf32>
        %parallel_loop3A_191 = arith.index_cast %parallel_loop3A_164 : i32 to index
        %parallel_loop3A_192 = arith.constant 48 : index
        %parallel_loop3A_193 = tpu.vector_load %arg10[%parallel_loop3A_191, %parallel_loop3A_192] {strides = array<i32>} : memref<128x64xf32, #tpu.memory_space<vmem>>, vector<16xf32>,
        %parallel_loop3A_194 = arith.mulf %parallel_loop3A_176, %parallel_loop3A_193 : vector<16xf32>
        %parallel_loop3A_195 = arith.addf %parallel_loop3A_190, %parallel_loop3A_194 : vector<16xf32>
        %parallel_loop3A_196 = arith.index_cast %parallel_loop3A_164 : i32 to index
        %parallel_loop3A_197 = arith.constant 0 : index
        %parallel_loop3A_198 = tpu.vector_load %arg11[%parallel_loop3A_196, %parallel_loop3A_197] {strides = array<i32>} : memref<128x16xf32, #tpu.memory_space<vmem>>, vector<16xf32>,
        tpu.vector_store %arg11[%parallel_loop3A_196, %parallel_loop3A_197], %parallel_loop3A_195 {strides = array<i32>} : memref<128x16xf32, #tpu.memory_space<vmem>>, vector<16xf32>,
      } {sc.loop_unroll_factor = 8 : i64, sc.parallel_access}
      "tpu.region"() ({
        %run_scoped3A = tpu.sem_alloc : memref<!tpu.dma_semaphore, #tpu.memory_space<semaphore_mem>>
        %dma_start3A_164 = arith.constant 0 : i32
        %dma_start3A_165 = arith.constant 0 : i32
        %dma_start3A_166 = tpu.memref_slice %arg13[%dma_start3A_164, %dma_start3A_165] : memref<50176x16xf32, #tpu.memory_space<vmem_shared>> -> memref<50176x16xf32, #tpu.memory_space<vmem_shared>>
        tpu.enqueue_indirect_dma source(%arg11 : memref<128x16xf32, #tpu.memory_space<vmem>>) target(%dma_start3A_166 : memref<50176x16xf32, #tpu.memory_space<vmem_shared>>) offsets(%arg8 : memref<128xi32, #tpu.memory_space<vmem>>) semaphore(%run_scoped3A : memref<!tpu.dma_semaphore, #tpu.memory_space<semaphore_mem>>) {add = true}
        %dma_wait3A_167 = arith.constant 0 : i32
        %dma_wait3A_168 = arith.constant 0 : i32
        %dma_wait3A_169 = tpu.memref_slice %arg13[%dma_wait3A_167, %dma_wait3A_168] : memref<50176x16xf32, #tpu.memory_space<vmem_shared>> -> memref<50176x16xf32, #tpu.memory_space<vmem_shared>>
        tpu.wait_indirect_dma semaphore(%run_scoped3A : memref<!tpu.dma_semaphore, #tpu.memory_space<semaphore_mem>>) src(%arg11 : memref<128x16xf32, #tpu.memory_space<vmem>>) dst(%dma_wait3A_169 : memref<50176x16xf32, #tpu.memory_space<vmem_shared>>)
        tpu.yield
      }) : () -> ()
    }
    %scan3A_146 = arith.constant 200 : i32
    %barrier3A_147 = arith.constant 0 : index
    tpu.barrier barrier_id(%barrier3A_147)
    %scan3A_148 = arith.constant 0 : i32
    %scan3A_149 = arith.constant 0 : i32
    %scan3A_150 = arith.constant 98 : i32
    %scan3A_151 = arith.addi %scan3A_149, %scan3A_150 : i32
    %scan3A_152 = arith.constant 1 : i32
    scf.for %scan3A_154 = %scan3A_149 to %scan3A_151 step %scan3A_152  : i32 {
      %mul3A_155 = arith.constant 32 : i32
      %mul3A_156 = arith.muli %scan3A_154, %mul3A_155 : i32
      %add3A_157 = arith.addi %mul3A_130, %mul3A_156 : i32
      "tpu.region"() ({
        %run_scoped3A = tpu.sem_alloc : memref<!tpu.dma_semaphore, #tpu.memory_space<semaphore_mem>>
        %dma_start3A = arith.constant 0 : i32
        %dma_start3A_158 = tpu.memref_slice %arg6[%arg0, %add3A_157, %dma_start3A] : memref<2x50176x16xf32, #tpu.memory_space<hbm>> -> memref<1x32x16xf32, #tpu.memory_space<hbm>>
        %dma_start3A_159 = tpu.memref_squeeze %dma_start3A_158 : memref<1x32x16xf32, #tpu.memory_space<hbm>> -> memref<32x16xf32, #tpu.memory_space<hbm>>
        %dma_start3A_160 = arith.constant 0 : i32
        %dma_start3A_161 = tpu.memref_slice %arg13[%add3A_157, %dma_start3A_160] : memref<50176x16xf32, #tpu.memory_space<vmem_shared>> -> memref<32x16xf32, #tpu.memory_space<vmem_shared>>
        tpu.enqueue_dma source(%dma_start3A_161 : memref<32x16xf32, #tpu.memory_space<vmem_shared>>) target(%dma_start3A_159 : memref<32x16xf32, #tpu.memory_space<hbm>>) target_semaphore(%run_scoped3A : memref<!tpu.dma_semaphore, #tpu.memory_space<semaphore_mem>>)
        %dma_wait3A = arith.constant 0 : i32
        %dma_wait3A_162 = tpu.memref_slice %arg6[%arg0, %add3A_157, %dma_wait3A] : memref<2x50176x16xf32, #tpu.memory_space<hbm>> -> memref<1x32x16xf32, #tpu.memory_space<hbm>>
        %dma_wait3A_163 = tpu.memref_squeeze %dma_wait3A_162 : memref<1x32x16xf32, #tpu.memory_space<hbm>> -> memref<32x16xf32, #tpu.memory_space<hbm>>
        %dma_wait3A_164 = arith.constant 0 : i32
        %dma_wait3A_165 = tpu.memref_slice %arg13[%add3A_157, %dma_wait3A_164] : memref<50176x16xf32, #tpu.memory_space<vmem_shared>> -> memref<32x16xf32, #tpu.memory_space<vmem_shared>>
        tpu.wait_dma2 semaphore(%run_scoped3A : memref<!tpu.dma_semaphore, #tpu.memory_space<semaphore_mem>>) src(%dma_wait3A_165 : memref<32x16xf32, #tpu.memory_space<vmem_shared>>) dst(%dma_wait3A_163 : memref<32x16xf32, #tpu.memory_space<hbm>>)
        tpu.yield
      }) : () -> ()
    }
    %scan3A_153 = arith.constant 98 : i32
    return
  }
}

module attributes {stable_mosaic.version = 14 : i64} {
  func.func @_bex_body(%arg0: i32, %arg1: memref<2048x8xf32, #tpu.memory_space<vmem>>, %arg2: memref<2048x64xf32, #tpu.memory_space<vmem>>) attributes {dimension_semantics = [#tpu.dimension_semantics<arbitrary>], iteration_bounds = array<i64: 400>, scalar_prefetch = 0 : i64, scratch_operands = 0 : i64, tpu.core_type = #tpu.core_type<tc>, window_params = [{transform_indices = @transform_0, window_bounds = array<i64: 2048, 8>}, {transform_indices = @transform_1, window_bounds = array<i64: 2048, 64>}]} {
    %get3A = arith.constant 0 : index
    %get3A_0 = arith.constant 0 : index
    %get3A_1 = vector.load %arg1[%get3A, %get3A_0] : memref<2048x8xf32, #tpu.memory_space<vmem>>, vector<2048x1xf32>
    %get3A_2 = arith.constant 0 : index
    %get3A_3 = arith.constant 1 : index
    %get3A_4 = vector.load %arg1[%get3A_2, %get3A_3] : memref<2048x8xf32, #tpu.memory_space<vmem>>, vector<2048x1xf32>
    %sub3A = arith.constant 1.000000e+00 : f32
    %sub3A_5 = vector.broadcast %sub3A : f32 to vector<2048x1xf32>
    %sub3A_6 = arith.subf %sub3A_5, %get3A_1 : vector<2048x1xf32>
    %sub3A_7 = arith.constant 1.000000e+00 : f32
    %sub3A_8 = vector.broadcast %sub3A_7 : f32 to vector<2048x1xf32>
    %sub3A_9 = arith.subf %sub3A_8, %get3A_4 : vector<2048x1xf32>
    %mul3A = arith.mulf %sub3A_6, %sub3A_9 : vector<2048x1xf32>
    %sub3A_10 = arith.constant 1.000000e+00 : f32
    %sub3A_11 = vector.broadcast %sub3A_10 : f32 to vector<2048x1xf32>
    %sub3A_12 = arith.subf %sub3A_11, %get3A_4 : vector<2048x1xf32>
    %mul3A_13 = arith.mulf %get3A_1, %sub3A_12 : vector<2048x1xf32>
    %sub3A_14 = arith.constant 1.000000e+00 : f32
    %sub3A_15 = vector.broadcast %sub3A_14 : f32 to vector<2048x1xf32>
    %sub3A_16 = arith.subf %sub3A_15, %get3A_1 : vector<2048x1xf32>
    %mul3A_17 = arith.mulf %sub3A_16, %get3A_4 : vector<2048x1xf32>
    %mul3A_18 = arith.mulf %get3A_1, %get3A_4 : vector<2048x1xf32>
    %broadcast_in_dim3A = vector.shape_cast %mul3A : vector<2048x1xf32> to vector<2048x1xf32>
    %broadcast_in_dim3A_19 = vector.broadcast %broadcast_in_dim3A : vector<2048x1xf32> to vector<2048x16xf32>
    %broadcast_in_dim3A_20 = vector.shape_cast %mul3A_13 : vector<2048x1xf32> to vector<2048x1xf32>
    %broadcast_in_dim3A_21 = vector.broadcast %broadcast_in_dim3A_20 : vector<2048x1xf32> to vector<2048x16xf32>
    %broadcast_in_dim3A_22 = vector.shape_cast %mul3A_17 : vector<2048x1xf32> to vector<2048x1xf32>
    %broadcast_in_dim3A_23 = vector.broadcast %broadcast_in_dim3A_22 : vector<2048x1xf32> to vector<2048x16xf32>
    %broadcast_in_dim3A_24 = vector.shape_cast %mul3A_18 : vector<2048x1xf32> to vector<2048x1xf32>
    %broadcast_in_dim3A_25 = vector.broadcast %broadcast_in_dim3A_24 : vector<2048x1xf32> to vector<2048x16xf32>
    %concatenate3A = tpu.concatenate %broadcast_in_dim3A_19, %broadcast_in_dim3A_21, %broadcast_in_dim3A_23, %broadcast_in_dim3A_25 in 1 : vector<2048x16xf32>, vector<2048x16xf32>, vector<2048x16xf32>, vector<2048x16xf32> -> vector<2048x64xf32>
    %swap3A = arith.constant 0 : index
    %swap3A_26 = arith.constant 0 : index
    %swap3A_27 = vector.load %arg2[%swap3A, %swap3A_26] : memref<2048x64xf32, #tpu.memory_space<vmem>>, vector<2048x64xf32>
    tpu.vector_store %arg2[%swap3A, %swap3A_26], %concatenate3A {strides = array<i32>} : memref<2048x64xf32, #tpu.memory_space<vmem>>, vector<2048x64xf32>,
    return
  }
  func.func @transform_0(%arg0: i32) -> (i32, i32) {
    %c0_i32 = arith.constant 0 : i32
    %c0_i32_0 = arith.constant 0 : i32
    return %arg0, %c0_i32 : i32, i32
  }
  func.func @transform_1(%arg0: i32) -> (i32, i32) {
    %c0_i32 = arith.constant 0 : i32
    %c0_i32_0 = arith.constant 0 : i32
    return %arg0, %c0_i32 : i32, i32
  }
}

module attributes {stable_mosaic.version = 14 : i64} {
  func.func @_mm_body(%arg0: i32, %arg1: memref<1024x8xf32, #tpu.memory_space<vmem>>, %arg2: memref<8x64xf32, #tpu.memory_space<vmem>>, %arg3: memref<1024x64xf32, #tpu.memory_space<vmem>>) attributes {dimension_semantics = [#tpu.dimension_semantics<arbitrary>], iteration_bounds = array<i64: 49>, scalar_prefetch = 0 : i64, scratch_operands = 0 : i64, tpu.core_type = #tpu.core_type<tc>, window_params = [{transform_indices = @transform_0, window_bounds = array<i64: 1024, 8>}, {pipeline_mode = #tpu.pipeline_mode<synchronous>, transform_indices = @transform_1, window_bounds = array<i64: 8, 64>}, {transform_indices = @transform_2, window_bounds = array<i64: 1024, 64>}]} {
    %get3A = arith.constant 0 : index
    %get3A_0 = arith.constant 0 : index
    %get3A_1 = vector.load %arg1[%get3A, %get3A_0] : memref<1024x8xf32, #tpu.memory_space<vmem>>, vector<1024x8xf32>
    %get3A_2 = arith.constant 0 : index
    %get3A_3 = arith.constant 0 : index
    %get3A_4 = vector.load %arg2[%get3A_2, %get3A_3] : memref<8x64xf32, #tpu.memory_space<vmem>>, vector<8x64xf32>
    %dot_general3A = arith.constant dense<0.000000e+00> : vector<1024x64xf32>
    %dot_general3A_5 = tpu.matmul %get3A_1, %get3A_4, %dot_general3A {dimension_numbers = #tpu.dot_dimension_numbers<[1], [0], [0], [1], [0, 0, 1, 1], [], []>, transpose_lhs_hint = false} : vector<1024x8xf32>, vector<8x64xf32>, vector<1024x64xf32> -> vector<1024x64xf32>
    %swap3A = arith.constant 0 : index
    %swap3A_6 = arith.constant 0 : index
    %swap3A_7 = vector.load %arg3[%swap3A, %swap3A_6] : memref<1024x64xf32, #tpu.memory_space<vmem>>, vector<1024x64xf32>
    tpu.vector_store %arg3[%swap3A, %swap3A_6], %dot_general3A_5 {strides = array<i32>} : memref<1024x64xf32, #tpu.memory_space<vmem>>, vector<1024x64xf32>,
    return
  }
  func.func @transform_0(%arg0: i32) -> (i32, i32) {
    %c0_i32 = arith.constant 0 : i32
    %c0_i32_0 = arith.constant 0 : i32
    return %arg0, %c0_i32 : i32, i32
  }
  func.func @transform_1(%arg0: i32) -> (i32, i32) {
    %c0_i32 = arith.constant 0 : i32
    %c0_i32_0 = arith.constant 0 : i32
    %c0_i32_1 = arith.constant 0 : i32
    return %c0_i32, %c0_i32_0 : i32, i32
  }
  func.func @transform_2(%arg0: i32) -> (i32, i32) {
    %c0_i32 = arith.constant 0 : i32
    %c0_i32_0 = arith.constant 0 : i32
    return %arg0, %c0_i32 : i32, i32
  }
}

module attributes {stable_mosaic.version = 14 : i64} {
  func.func @_fin1_body(%arg0: i32, %arg1: memref<2x1024x16xf32, #tpu.memory_space<vmem>>, %arg2: memref<1024x16xf32, #tpu.memory_space<vmem>>, %arg3: memref<1024x16xf32, #tpu.memory_space<vmem>>, %arg4: memref<1x16xf32, #tpu.memory_space<vmem>>, %arg5: memref<1x16xf32, #tpu.memory_space<vmem>>) attributes {dimension_semantics = [#tpu.dimension_semantics<arbitrary>], iteration_bounds = array<i64: 49>, scalar_prefetch = 0 : i64, scratch_operands = 0 : i64, tpu.core_type = #tpu.core_type<tc>, window_params = [{transform_indices = @transform_0, window_bounds = array<i64: 2, 1024, 16>}, {transform_indices = @transform_1, window_bounds = array<i64: 1024, 16>}, {transform_indices = @transform_2, window_bounds = array<i64: 1024, 16>}, {pipeline_mode = #tpu.pipeline_mode<synchronous>, transform_indices = @transform_3, window_bounds = array<i64: 1, 16>}, {pipeline_mode = #tpu.pipeline_mode<synchronous>, transform_indices = @transform_4, window_bounds = array<i64: 1, 16>}]} {
    %get3A = arith.constant 0 : index
    %get3A_0 = arith.constant 0 : index
    %get3A_1 = arith.constant 0 : index
    %get3A_2 = vector.load %arg1[%get3A, %get3A_0, %get3A_1] : memref<2x1024x16xf32, #tpu.memory_space<vmem>>, vector<1x1024x16xf32>
    %get3A_3 = vector.shape_cast %get3A_2 : vector<1x1024x16xf32> to vector<1024x16xf32>
    %get3A_4 = arith.constant 1 : index
    %get3A_5 = arith.constant 0 : index
    %get3A_6 = arith.constant 0 : index
    %get3A_7 = vector.load %arg1[%get3A_4, %get3A_5, %get3A_6] : memref<2x1024x16xf32, #tpu.memory_space<vmem>>, vector<1x1024x16xf32>
    %get3A_8 = vector.shape_cast %get3A_7 : vector<1x1024x16xf32> to vector<1024x16xf32>
    %add3A = arith.addf %get3A_3, %get3A_8 : vector<1024x16xf32>
    %slice3A = vector.extract_strided_slice %add3A {offsets = [0, 8], sizes = [1024, 1], strides = [1, 1]} : vector<1024x16xf32> to vector<1024x1xf32>
    %max3A = arith.constant 1.000000e+00 : f32
    %max3A_9 = vector.broadcast %max3A : f32 to vector<1024x1xf32>
    %max3A_10 = arith.maximumf %slice3A, %max3A_9 : vector<1024x1xf32>
    %div3A = arith.constant 1.000000e+00 : f32
    %div3A_11 = vector.broadcast %div3A : f32 to vector<1024x1xf32>
    %div3A_12 = arith.divf %div3A_11, %max3A_10 : vector<1024x1xf32>
    %mul3A = arith.constant 1024 : i32
    %mul3A_13 = arith.muli %arg0, %mul3A : i32
    %iota3A = tpu.iota {dimensions = array<i32: 0>} : vector<1024x16xi32>
    %add3A_14 = vector.broadcast %mul3A_13 : i32 to vector<1024x16xi32>
    %add3A_15 = arith.addi %add3A_14, %iota3A : vector<1024x16xi32>
    %iota3A_16 = tpu.iota {dimensions = array<i32: 1>} : vector<1024x16xi32>
    %mul3A_17 = vector.broadcast %div3A_12 : vector<1024x1xf32> to vector<1024x16xf32>
    %mul3A_18 = arith.mulf %add3A, %mul3A_17 : vector<1024x16xf32>
    %gt3A = arith.constant 0.000000e+00 : f32
    %gt3A_19 = vector.broadcast %gt3A : f32 to vector<1024x16xf32>
    %gt3A_20 = arith.cmpf ogt, %mul3A_18, %gt3A_19 : vector<1024x16xf32>
    %gt3A_21 = arith.constant 0.000000e+00 : f32
    %gt3A_22 = vector.broadcast %gt3A_21 : f32 to vector<1024x16xf32>
    %gt3A_23 = arith.cmpf ogt, %mul3A_18, %gt3A_22 : vector<1024x16xf32>
    %jit3A = arith.constant 0.000000e+00 : f32
    %broadcast_in_dim3A = vector.broadcast %jit3A : f32 to vector<1024x16xf32>
    %select_n3A = arith.select %gt3A_23, %broadcast_in_dim3A, %mul3A_18 : vector<1024x16xi1>, vector<1024x16xf32>
    %exp3A = math.exp %select_n3A : vector<1024x16xf32>
    %sub3A = arith.constant 1.000000e+00 : f32
    %sub3A_24 = vector.broadcast %sub3A : f32 to vector<1024x16xf32>
    %sub3A_25 = arith.subf %exp3A, %sub3A_24 : vector<1024x16xf32>
    %select_n3A_26 = arith.select %gt3A_20, %mul3A_18, %sub3A_25 : vector<1024x16xi1>, vector<1024x16xf32>
    %lt3A = arith.constant 50000 : i32
    %lt3A_27 = vector.broadcast %lt3A : i32 to vector<1024x16xi32>
    %lt3A_28 = arith.cmpi slt, %add3A_15, %lt3A_27 : vector<1024x16xi32>
    %lt3A_29 = arith.constant 8 : i32
    %lt3A_30 = vector.broadcast %lt3A_29 : i32 to vector<1024x16xi32>
    %lt3A_31 = arith.cmpi slt, %iota3A_16, %lt3A_30 : vector<1024x16xi32>
    %and3A = arith.andi %lt3A_28, %lt3A_31 : vector<1024x16xi1>
    %jit3A_32 = arith.constant 0.000000e+00 : f32
    %broadcast_in_dim3A_33 = vector.broadcast %jit3A_32 : f32 to vector<1024x16xf32>
    %select_n3A_34 = arith.select %and3A, %select_n3A_26, %broadcast_in_dim3A_33 : vector<1024x16xi1>, vector<1024x16xf32>
    %swap3A = arith.constant 0 : index
    %swap3A_35 = arith.constant 0 : index
    %swap3A_36 = vector.load %arg2[%swap3A, %swap3A_35] : memref<1024x16xf32, #tpu.memory_space<vmem>>, vector<1024x16xf32>
    tpu.vector_store %arg2[%swap3A, %swap3A_35], %select_n3A_34 {strides = array<i32>} : memref<1024x16xf32, #tpu.memory_space<vmem>>, vector<1024x16xf32>,
    %broadcast_in_dim3A_37 = vector.shape_cast %div3A_12 : vector<1024x1xf32> to vector<1024x1xf32>
    %broadcast_in_dim3A_38 = vector.broadcast %broadcast_in_dim3A_37 : vector<1024x1xf32> to vector<1024x16xf32>
    %swap3A_39 = arith.constant 0 : index
    %swap3A_40 = arith.constant 0 : index
    %swap3A_41 = vector.load %arg3[%swap3A_39, %swap3A_40] : memref<1024x16xf32, #tpu.memory_space<vmem>>, vector<1024x16xf32>
    tpu.vector_store %arg3[%swap3A_39, %swap3A_40], %broadcast_in_dim3A_38 {strides = array<i32>} : memref<1024x16xf32, #tpu.memory_space<vmem>>, vector<1024x16xf32>,
    %eq3A = arith.constant 0 : i32
    %eq3A_42 = arith.cmpi eq, %arg0, %eq3A : i32
    %convert_element_type3A = arith.extui %eq3A_42 : i1 to i32
    %cond3A = arith.constant 0 : i32
    %cond3A_43 = arith.cmpi ne, %convert_element_type3A, %cond3A : i32
    scf.if %cond3A_43 {
      %broadcast_in_dim3A_64 = arith.constant 0.000000e+00 : f32
      %broadcast_in_dim3A_65 = vector.broadcast %broadcast_in_dim3A_64 : f32 to vector<1x16xf32>
      %swap3A_66 = arith.constant 0 : index
      %swap3A_67 = arith.constant 0 : index
      %swap3A_68 = vector.load %arg4[%swap3A_66, %swap3A_67] : memref<1x16xf32, #tpu.memory_space<vmem>>, vector<1x16xf32>
      tpu.vector_store %arg4[%swap3A_66, %swap3A_67], %broadcast_in_dim3A_65 {strides = array<i32>} : memref<1x16xf32, #tpu.memory_space<vmem>>, vector<1x16xf32>,
      %broadcast_in_dim3A_69 = arith.constant 0.000000e+00 : f32
      %broadcast_in_dim3A_70 = vector.broadcast %broadcast_in_dim3A_69 : f32 to vector<1x16xf32>
      %swap3A_71 = arith.constant 0 : index
      %swap3A_72 = arith.constant 0 : index
      %swap3A_73 = vector.load %arg5[%swap3A_71, %swap3A_72] : memref<1x16xf32, #tpu.memory_space<vmem>>, vector<1x16xf32>
      tpu.vector_store %arg5[%swap3A_71, %swap3A_72], %broadcast_in_dim3A_70 {strides = array<i32>} : memref<1x16xf32, #tpu.memory_space<vmem>>, vector<1x16xf32>,
    } else {
    }
    %get3A_44 = arith.constant 0 : index
    %get3A_45 = arith.constant 0 : index
    %get3A_46 = vector.load %arg4[%get3A_44, %get3A_45] : memref<1x16xf32, #tpu.memory_space<vmem>>, vector<1x16xf32>
    %reduce_sum3A = arith.constant dense<0.000000e+00> : vector<16xf32>
    %reduce_sum3A_47 = vector.multi_reduction <add>, %select_n3A_34, %reduce_sum3A [0] : vector<1024x16xf32> to vector<16xf32>
    %broadcast_in_dim3A_48 = vector.shape_cast %reduce_sum3A_47 : vector<16xf32> to vector<1x16xf32>
    %add3A_49 = arith.addf %get3A_46, %broadcast_in_dim3A_48 : vector<1x16xf32>
    %swap3A_50 = arith.constant 0 : index
    %swap3A_51 = arith.constant 0 : index
    %swap3A_52 = vector.load %arg4[%swap3A_50, %swap3A_51] : memref<1x16xf32, #tpu.memory_space<vmem>>, vector<1x16xf32>
    tpu.vector_store %arg4[%swap3A_50, %swap3A_51], %add3A_49 {strides = array<i32>} : memref<1x16xf32, #tpu.memory_space<vmem>>, vector<1x16xf32>,
    %get3A_53 = arith.constant 0 : index
    %get3A_54 = arith.constant 0 : index
    %get3A_55 = vector.load %arg5[%get3A_53, %get3A_54] : memref<1x16xf32, #tpu.memory_space<vmem>>, vector<1x16xf32>
    %mul3A_56 = arith.mulf %select_n3A_34, %select_n3A_34 : vector<1024x16xf32>
    %reduce_sum3A_57 = arith.constant dense<0.000000e+00> : vector<16xf32>
    %reduce_sum3A_58 = vector.multi_reduction <add>, %mul3A_56, %reduce_sum3A_57 [0] : vector<1024x16xf32> to vector<16xf32>
    %broadcast_in_dim3A_59 = vector.shape_cast %reduce_sum3A_58 : vector<16xf32> to vector<1x16xf32>
    %add3A_60 = arith.addf %get3A_55, %broadcast_in_dim3A_59 : vector<1x16xf32>
    %swap3A_61 = arith.constant 0 : index
    %swap3A_62 = arith.constant 0 : index
    %swap3A_63 = vector.load %arg5[%swap3A_61, %swap3A_62] : memref<1x16xf32, #tpu.memory_space<vmem>>, vector<1x16xf32>
    tpu.vector_store %arg5[%swap3A_61, %swap3A_62], %add3A_60 {strides = array<i32>} : memref<1x16xf32, #tpu.memory_space<vmem>>, vector<1x16xf32>,
    return
  }
  func.func @transform_0(%arg0: i32) -> (i32, i32, i32) {
    %c0_i32 = arith.constant 0 : i32
    %c0_i32_0 = arith.constant 0 : i32
    %c0_i32_1 = arith.constant 0 : i32
    return %c0_i32, %arg0, %c0_i32_0 : i32, i32, i32
  }
  func.func @transform_1(%arg0: i32) -> (i32, i32) {
    %c0_i32 = arith.constant 0 : i32
    %c0_i32_0 = arith.constant 0 : i32
    return %arg0, %c0_i32 : i32, i32
  }
  func.func @transform_2(%arg0: i32) -> (i32, i32) {
    %c0_i32 = arith.constant 0 : i32
    %c0_i32_0 = arith.constant 0 : i32
    return %arg0, %c0_i32 : i32, i32
  }
  func.func @transform_3(%arg0: i32) -> (i32, i32) {
    %c0_i32 = arith.constant 0 : i32
    %c0_i32_0 = arith.constant 0 : i32
    %c0_i32_1 = arith.constant 0 : i32
    return %c0_i32, %c0_i32_0 : i32, i32
  }
  func.func @transform_4(%arg0: i32) -> (i32, i32) {
    %c0_i32 = arith.constant 0 : i32
    %c0_i32_0 = arith.constant 0 : i32
    %c0_i32_1 = arith.constant 0 : i32
    return %c0_i32, %c0_i32_0 : i32, i32
  }
}

module attributes {stable_mosaic.version = 14 : i64} {
  func.func @_mm_bn_body(%arg0: i32, %arg1: memref<1024x16xf32, #tpu.memory_space<vmem>>, %arg2: memref<1x16xf32, #tpu.memory_space<vmem>>, %arg3: memref<1x16xf32, #tpu.memory_space<vmem>>, %arg4: memref<1x16xf32, #tpu.memory_space<vmem>>, %arg5: memref<1x16xf32, #tpu.memory_space<vmem>>, %arg6: memref<16x64xf32, #tpu.memory_space<vmem>>, %arg7: memref<1024x64xf32, #tpu.memory_space<vmem>>) attributes {dimension_semantics = [#tpu.dimension_semantics<arbitrary>], iteration_bounds = array<i64: 49>, scalar_prefetch = 0 : i64, scratch_operands = 0 : i64, tpu.core_type = #tpu.core_type<tc>, window_params = [{transform_indices = @transform_0, window_bounds = array<i64: 1024, 16>}, {pipeline_mode = #tpu.pipeline_mode<synchronous>, transform_indices = @transform_1, window_bounds = array<i64: 1, 16>}, {pipeline_mode = #tpu.pipeline_mode<synchronous>, transform_indices = @transform_2, window_bounds = array<i64: 1, 16>}, {pipeline_mode = #tpu.pipeline_mode<synchronous>, transform_indices = @transform_3, window_bounds = array<i64: 1, 16>}, {pipeline_mode = #tpu.pipeline_mode<synchronous>, transform_indices = @transform_4, window_bounds = array<i64: 1, 16>}, {pipeline_mode = #tpu.pipeline_mode<synchronous>, transform_indices = @transform_5, window_bounds = array<i64: 16, 64>}, {transform_indices = @transform_6, window_bounds = array<i64: 1024, 64>}]} {
    %get3A = arith.constant 0 : index
    %get3A_0 = arith.constant 0 : index
    %get3A_1 = vector.load %arg2[%get3A, %get3A_0] : memref<1x16xf32, #tpu.memory_space<vmem>>, vector<1x16xf32>
    %div3A = arith.constant 5.000000e+04 : f32
    %div3A_2 = vector.broadcast %div3A : f32 to vector<1x16xf32>
    %div3A_3 = arith.divf %get3A_1, %div3A_2 : vector<1x16xf32>
    %get3A_4 = arith.constant 0 : index
    %get3A_5 = arith.constant 0 : index
    %get3A_6 = vector.load %arg3[%get3A_4, %get3A_5] : memref<1x16xf32, #tpu.memory_space<vmem>>, vector<1x16xf32>
    %div3A_7 = arith.constant 5.000000e+04 : f32
    %div3A_8 = vector.broadcast %div3A_7 : f32 to vector<1x16xf32>
    %div3A_9 = arith.divf %get3A_6, %div3A_8 : vector<1x16xf32>
    %mul3A = arith.mulf %div3A_3, %div3A_3 : vector<1x16xf32>
    %sub3A = arith.subf %div3A_9, %mul3A : vector<1x16xf32>
    %get3A_10 = arith.constant 0 : index
    %get3A_11 = arith.constant 0 : index
    %get3A_12 = vector.load %arg4[%get3A_10, %get3A_11] : memref<1x16xf32, #tpu.memory_space<vmem>>, vector<1x16xf32>
    %add3A = arith.constant 9.99999974E-6 : f32
    %add3A_13 = vector.broadcast %add3A : f32 to vector<1x16xf32>
    %add3A_14 = arith.addf %sub3A, %add3A_13 : vector<1x16xf32>
    %rsqrt3A = math.rsqrt %add3A_14 : vector<1x16xf32>
    %mul3A_15 = arith.mulf %get3A_12, %rsqrt3A : vector<1x16xf32>
    %get3A_16 = arith.constant 0 : index
    %get3A_17 = arith.constant 0 : index
    %get3A_18 = vector.load %arg5[%get3A_16, %get3A_17] : memref<1x16xf32, #tpu.memory_space<vmem>>, vector<1x16xf32>
    %mul3A_19 = arith.mulf %div3A_3, %mul3A_15 : vector<1x16xf32>
    %sub3A_20 = arith.subf %get3A_18, %mul3A_19 : vector<1x16xf32>
    %get3A_21 = arith.constant 0 : index
    %get3A_22 = arith.constant 0 : index
    %get3A_23 = vector.load %arg1[%get3A_21, %get3A_22] : memref<1024x16xf32, #tpu.memory_space<vmem>>, vector<1024x16xf32>
    %mul3A_24 = vector.broadcast %mul3A_15 : vector<1x16xf32> to vector<1024x16xf32>
    %mul3A_25 = arith.mulf %get3A_23, %mul3A_24 : vector<1024x16xf32>
    %add3A_26 = vector.broadcast %sub3A_20 : vector<1x16xf32> to vector<1024x16xf32>
    %add3A_27 = arith.addf %mul3A_25, %add3A_26 : vector<1024x16xf32>
    %get3A_28 = arith.constant 0 : index
    %get3A_29 = arith.constant 0 : index
    %get3A_30 = vector.load %arg6[%get3A_28, %get3A_29] : memref<16x64xf32, #tpu.memory_space<vmem>>, vector<16x64xf32>
    %dot_general3A = arith.constant dense<0.000000e+00> : vector<1024x64xf32>
    %dot_general3A_31 = tpu.matmul %add3A_27, %get3A_30, %dot_general3A {dimension_numbers = #tpu.dot_dimension_numbers<[1], [0], [0], [1], [0, 0, 1, 1], [], []>, transpose_lhs_hint = false} : vector<1024x16xf32>, vector<16x64xf32>, vector<1024x64xf32> -> vector<1024x64xf32>
    %swap3A = arith.constant 0 : index
    %swap3A_32 = arith.constant 0 : index
    %swap3A_33 = vector.load %arg7[%swap3A, %swap3A_32] : memref<1024x64xf32, #tpu.memory_space<vmem>>, vector<1024x64xf32>
    tpu.vector_store %arg7[%swap3A, %swap3A_32], %dot_general3A_31 {strides = array<i32>} : memref<1024x64xf32, #tpu.memory_space<vmem>>, vector<1024x64xf32>,
    return
  }
  func.func @transform_0(%arg0: i32) -> (i32, i32) {
    %c0_i32 = arith.constant 0 : i32
    %c0_i32_0 = arith.constant 0 : i32
    return %arg0, %c0_i32 : i32, i32
  }
  func.func @transform_1(%arg0: i32) -> (i32, i32) {
    %c0_i32 = arith.constant 0 : i32
    %c0_i32_0 = arith.constant 0 : i32
    %c0_i32_1 = arith.constant 0 : i32
    return %c0_i32, %c0_i32_0 : i32, i32
  }
  func.func @transform_2(%arg0: i32) -> (i32, i32) {
    %c0_i32 = arith.constant 0 : i32
    %c0_i32_0 = arith.constant 0 : i32
    %c0_i32_1 = arith.constant 0 : i32
    return %c0_i32, %c0_i32_0 : i32, i32
  }
  func.func @transform_3(%arg0: i32) -> (i32, i32) {
    %c0_i32 = arith.constant 0 : i32
    %c0_i32_0 = arith.constant 0 : i32
    %c0_i32_1 = arith.constant 0 : i32
    return %c0_i32, %c0_i32_0 : i32, i32
  }
  func.func @transform_4(%arg0: i32) -> (i32, i32) {
    %c0_i32 = arith.constant 0 : i32
    %c0_i32_0 = arith.constant 0 : i32
    %c0_i32_1 = arith.constant 0 : i32
    return %c0_i32, %c0_i32_0 : i32, i32
  }
  func.func @transform_5(%arg0: i32) -> (i32, i32) {
    %c0_i32 = arith.constant 0 : i32
    %c0_i32_0 = arith.constant 0 : i32
    %c0_i32_1 = arith.constant 0 : i32
    return %c0_i32, %c0_i32_0 : i32, i32
  }
  func.func @transform_6(%arg0: i32) -> (i32, i32) {
    %c0_i32 = arith.constant 0 : i32
    %c0_i32_0 = arith.constant 0 : i32
    return %arg0, %c0_i32 : i32, i32
  }
}

module attributes {stable_mosaic.version = 14 : i64} {
  func.func @_fin23_body(%arg0: i32, %arg1: memref<2x1024x16xf32, #tpu.memory_space<vmem>>, %arg2: memref<1024x16xf32, #tpu.memory_space<vmem>>, %arg3: memref<1024x16xf32, #tpu.memory_space<vmem>>, %arg4: memref<1x16xf32, #tpu.memory_space<vmem>>, %arg5: memref<1x16xf32, #tpu.memory_space<vmem>>) attributes {dimension_semantics = [#tpu.dimension_semantics<arbitrary>], iteration_bounds = array<i64: 49>, scalar_prefetch = 0 : i64, scratch_operands = 0 : i64, tpu.core_type = #tpu.core_type<tc>, window_params = [{transform_indices = @transform_0, window_bounds = array<i64: 2, 1024, 16>}, {transform_indices = @transform_1, window_bounds = array<i64: 1024, 16>}, {transform_indices = @transform_2, window_bounds = array<i64: 1024, 16>}, {pipeline_mode = #tpu.pipeline_mode<synchronous>, transform_indices = @transform_3, window_bounds = array<i64: 1, 16>}, {pipeline_mode = #tpu.pipeline_mode<synchronous>, transform_indices = @transform_4, window_bounds = array<i64: 1, 16>}]} {
    %get3A = arith.constant 0 : index
    %get3A_0 = arith.constant 0 : index
    %get3A_1 = arith.constant 0 : index
    %get3A_2 = vector.load %arg1[%get3A, %get3A_0, %get3A_1] : memref<2x1024x16xf32, #tpu.memory_space<vmem>>, vector<1x1024x16xf32>
    %get3A_3 = vector.shape_cast %get3A_2 : vector<1x1024x16xf32> to vector<1024x16xf32>
    %get3A_4 = arith.constant 1 : index
    %get3A_5 = arith.constant 0 : index
    %get3A_6 = arith.constant 0 : index
    %get3A_7 = vector.load %arg1[%get3A_4, %get3A_5, %get3A_6] : memref<2x1024x16xf32, #tpu.memory_space<vmem>>, vector<1x1024x16xf32>
    %get3A_8 = vector.shape_cast %get3A_7 : vector<1x1024x16xf32> to vector<1024x16xf32>
    %add3A = arith.addf %get3A_3, %get3A_8 : vector<1024x16xf32>
    %get3A_9 = arith.constant 0 : index
    %get3A_10 = arith.constant 0 : index
    %get3A_11 = vector.load %arg2[%get3A_9, %get3A_10] : memref<1024x16xf32, #tpu.memory_space<vmem>>, vector<1024x1xf32>
    %mul3A = arith.constant 1024 : i32
    %mul3A_12 = arith.muli %arg0, %mul3A : i32
    %iota3A = tpu.iota {dimensions = array<i32: 0>} : vector<1024x16xi32>
    %add3A_13 = vector.broadcast %mul3A_12 : i32 to vector<1024x16xi32>
    %add3A_14 = arith.addi %add3A_13, %iota3A : vector<1024x16xi32>
    %mul3A_15 = vector.broadcast %get3A_11 : vector<1024x1xf32> to vector<1024x16xf32>
    %mul3A_16 = arith.mulf %add3A, %mul3A_15 : vector<1024x16xf32>
    %gt3A = arith.constant 0.000000e+00 : f32
    %gt3A_17 = vector.broadcast %gt3A : f32 to vector<1024x16xf32>
    %gt3A_18 = arith.cmpf ogt, %mul3A_16, %gt3A_17 : vector<1024x16xf32>
    %gt3A_19 = arith.constant 0.000000e+00 : f32
    %gt3A_20 = vector.broadcast %gt3A_19 : f32 to vector<1024x16xf32>
    %gt3A_21 = arith.cmpf ogt, %mul3A_16, %gt3A_20 : vector<1024x16xf32>
    %jit3A = arith.constant 0.000000e+00 : f32
    %broadcast_in_dim3A = vector.broadcast %jit3A : f32 to vector<1024x16xf32>
    %select_n3A = arith.select %gt3A_21, %broadcast_in_dim3A, %mul3A_16 : vector<1024x16xi1>, vector<1024x16xf32>
    %exp3A = math.exp %select_n3A : vector<1024x16xf32>
    %sub3A = arith.constant 1.000000e+00 : f32
    %sub3A_22 = vector.broadcast %sub3A : f32 to vector<1024x16xf32>
    %sub3A_23 = arith.subf %exp3A, %sub3A_22 : vector<1024x16xf32>
    %select_n3A_24 = arith.select %gt3A_18, %mul3A_16, %sub3A_23 : vector<1024x16xi1>, vector<1024x16xf32>
    %lt3A = arith.constant 50000 : i32
    %lt3A_25 = vector.broadcast %lt3A : i32 to vector<1024x16xi32>
    %lt3A_26 = arith.cmpi slt, %add3A_14, %lt3A_25 : vector<1024x16xi32>
    %jit3A_27 = arith.constant 0.000000e+00 : f32
    %broadcast_in_dim3A_28 = vector.broadcast %jit3A_27 : f32 to vector<1024x16xf32>
    %select_n3A_29 = arith.select %lt3A_26, %select_n3A_24, %broadcast_in_dim3A_28 : vector<1024x16xi1>, vector<1024x16xf32>
    %swap3A = arith.constant 0 : index
    %swap3A_30 = arith.constant 0 : index
    %swap3A_31 = vector.load %arg3[%swap3A, %swap3A_30] : memref<1024x16xf32, #tpu.memory_space<vmem>>, vector<1024x16xf32>
    tpu.vector_store %arg3[%swap3A, %swap3A_30], %select_n3A_29 {strides = array<i32>} : memref<1024x16xf32, #tpu.memory_space<vmem>>, vector<1024x16xf32>,
    %eq3A = arith.constant 0 : i32
    %eq3A_32 = arith.cmpi eq, %arg0, %eq3A : i32
    %convert_element_type3A = arith.extui %eq3A_32 : i1 to i32
    %cond3A = arith.constant 0 : i32
    %cond3A_33 = arith.cmpi ne, %convert_element_type3A, %cond3A : i32
    scf.if %cond3A_33 {
      %broadcast_in_dim3A_54 = arith.constant 0.000000e+00 : f32
      %broadcast_in_dim3A_55 = vector.broadcast %broadcast_in_dim3A_54 : f32 to vector<1x16xf32>
      %swap3A_56 = arith.constant 0 : index
      %swap3A_57 = arith.constant 0 : index
      %swap3A_58 = vector.load %arg4[%swap3A_56, %swap3A_57] : memref<1x16xf32, #tpu.memory_space<vmem>>, vector<1x16xf32>
      tpu.vector_store %arg4[%swap3A_56, %swap3A_57], %broadcast_in_dim3A_55 {strides = array<i32>} : memref<1x16xf32, #tpu.memory_space<vmem>>, vector<1x16xf32>,
      %broadcast_in_dim3A_59 = arith.constant 0.000000e+00 : f32
      %broadcast_in_dim3A_60 = vector.broadcast %broadcast_in_dim3A_59 : f32 to vector<1x16xf32>
      %swap3A_61 = arith.constant 0 : index
      %swap3A_62 = arith.constant 0 : index
      %swap3A_63 = vector.load %arg5[%swap3A_61, %swap3A_62] : memref<1x16xf32, #tpu.memory_space<vmem>>, vector<1x16xf32>
      tpu.vector_store %arg5[%swap3A_61, %swap3A_62], %broadcast_in_dim3A_60 {strides = array<i32>} : memref<1x16xf32, #tpu.memory_space<vmem>>, vector<1x16xf32>,
    } else {
    }
    %get3A_34 = arith.constant 0 : index
    %get3A_35 = arith.constant 0 : index
    %get3A_36 = vector.load %arg4[%get3A_34, %get3A_35] : memref<1x16xf32, #tpu.memory_space<vmem>>, vector<1x16xf32>
    %reduce_sum3A = arith.constant dense<0.000000e+00> : vector<16xf32>
    %reduce_sum3A_37 = vector.multi_reduction <add>, %select_n3A_29, %reduce_sum3A [0] : vector<1024x16xf32> to vector<16xf32>
    %broadcast_in_dim3A_38 = vector.shape_cast %reduce_sum3A_37 : vector<16xf32> to vector<1x16xf32>
    %add3A_39 = arith.addf %get3A_36, %broadcast_in_dim3A_38 : vector<1x16xf32>
    %swap3A_40 = arith.constant 0 : index
    %swap3A_41 = arith.constant 0 : index
    %swap3A_42 = vector.load %arg4[%swap3A_40, %swap3A_41] : memref<1x16xf32, #tpu.memory_space<vmem>>, vector<1x16xf32>
    tpu.vector_store %arg4[%swap3A_40, %swap3A_41], %add3A_39 {strides = array<i32>} : memref<1x16xf32, #tpu.memory_space<vmem>>, vector<1x16xf32>,
    %get3A_43 = arith.constant 0 : index
    %get3A_44 = arith.constant 0 : index
    %get3A_45 = vector.load %arg5[%get3A_43, %get3A_44] : memref<1x16xf32, #tpu.memory_space<vmem>>, vector<1x16xf32>
    %mul3A_46 = arith.mulf %select_n3A_29, %select_n3A_29 : vector<1024x16xf32>
    %reduce_sum3A_47 = arith.constant dense<0.000000e+00> : vector<16xf32>
    %reduce_sum3A_48 = vector.multi_reduction <add>, %mul3A_46, %reduce_sum3A_47 [0] : vector<1024x16xf32> to vector<16xf32>
    %broadcast_in_dim3A_49 = vector.shape_cast %reduce_sum3A_48 : vector<16xf32> to vector<1x16xf32>
    %add3A_50 = arith.addf %get3A_45, %broadcast_in_dim3A_49 : vector<1x16xf32>
    %swap3A_51 = arith.constant 0 : index
    %swap3A_52 = arith.constant 0 : index
    %swap3A_53 = vector.load %arg5[%swap3A_51, %swap3A_52] : memref<1x16xf32, #tpu.memory_space<vmem>>, vector<1x16xf32>
    tpu.vector_store %arg5[%swap3A_51, %swap3A_52], %add3A_50 {strides = array<i32>} : memref<1x16xf32, #tpu.memory_space<vmem>>, vector<1x16xf32>,
    return
  }
  func.func @transform_0(%arg0: i32) -> (i32, i32, i32) {
    %c0_i32 = arith.constant 0 : i32
    %c0_i32_0 = arith.constant 0 : i32
    %c0_i32_1 = arith.constant 0 : i32
    return %c0_i32, %arg0, %c0_i32_0 : i32, i32, i32
  }
  func.func @transform_1(%arg0: i32) -> (i32, i32) {
    %c0_i32 = arith.constant 0 : i32
    %c0_i32_0 = arith.constant 0 : i32
    return %arg0, %c0_i32 : i32, i32
  }
  func.func @transform_2(%arg0: i32) -> (i32, i32) {
    %c0_i32 = arith.constant 0 : i32
    %c0_i32_0 = arith.constant 0 : i32
    return %arg0, %c0_i32 : i32, i32
  }
  func.func @transform_3(%arg0: i32) -> (i32, i32) {
    %c0_i32 = arith.constant 0 : i32
    %c0_i32_0 = arith.constant 0 : i32
    %c0_i32_1 = arith.constant 0 : i32
    return %c0_i32, %c0_i32_0 : i32, i32
  }
  func.func @transform_4(%arg0: i32) -> (i32, i32) {
    %c0_i32 = arith.constant 0 : i32
    %c0_i32_0 = arith.constant 0 : i32
    %c0_i32_1 = arith.constant 0 : i32
    return %c0_i32, %c0_i32_0 : i32, i32
  }
}

module attributes {stable_mosaic.version = 14 : i64} {
  func.func @_mm_bn_body(%arg0: i32, %arg1: memref<1024x16xf32, #tpu.memory_space<vmem>>, %arg2: memref<1x16xf32, #tpu.memory_space<vmem>>, %arg3: memref<1x16xf32, #tpu.memory_space<vmem>>, %arg4: memref<1x16xf32, #tpu.memory_space<vmem>>, %arg5: memref<1x16xf32, #tpu.memory_space<vmem>>, %arg6: memref<16x128xf32, #tpu.memory_space<vmem>>, %arg7: memref<1024x128xf32, #tpu.memory_space<vmem>>) attributes {dimension_semantics = [#tpu.dimension_semantics<arbitrary>], iteration_bounds = array<i64: 49>, scalar_prefetch = 0 : i64, scratch_operands = 0 : i64, tpu.core_type = #tpu.core_type<tc>, window_params = [{transform_indices = @transform_0, window_bounds = array<i64: 1024, 16>}, {pipeline_mode = #tpu.pipeline_mode<synchronous>, transform_indices = @transform_1, window_bounds = array<i64: 1, 16>}, {pipeline_mode = #tpu.pipeline_mode<synchronous>, transform_indices = @transform_2, window_bounds = array<i64: 1, 16>}, {pipeline_mode = #tpu.pipeline_mode<synchronous>, transform_indices = @transform_3, window_bounds = array<i64: 1, 16>}, {pipeline_mode = #tpu.pipeline_mode<synchronous>, transform_indices = @transform_4, window_bounds = array<i64: 1, 16>}, {pipeline_mode = #tpu.pipeline_mode<synchronous>, transform_indices = @transform_5, window_bounds = array<i64: 16, 128>}, {transform_indices = @transform_6, window_bounds = array<i64: 1024, 128>}]} {
    %get3A = arith.constant 0 : index
    %get3A_0 = arith.constant 0 : index
    %get3A_1 = vector.load %arg2[%get3A, %get3A_0] : memref<1x16xf32, #tpu.memory_space<vmem>>, vector<1x16xf32>
    %div3A = arith.constant 5.000000e+04 : f32
    %div3A_2 = vector.broadcast %div3A : f32 to vector<1x16xf32>
    %div3A_3 = arith.divf %get3A_1, %div3A_2 : vector<1x16xf32>
    %get3A_4 = arith.constant 0 : index
    %get3A_5 = arith.constant 0 : index
    %get3A_6 = vector.load %arg3[%get3A_4, %get3A_5] : memref<1x16xf32, #tpu.memory_space<vmem>>, vector<1x16xf32>
    %div3A_7 = arith.constant 5.000000e+04 : f32
    %div3A_8 = vector.broadcast %div3A_7 : f32 to vector<1x16xf32>
    %div3A_9 = arith.divf %get3A_6, %div3A_8 : vector<1x16xf32>
    %mul3A = arith.mulf %div3A_3, %div3A_3 : vector<1x16xf32>
    %sub3A = arith.subf %div3A_9, %mul3A : vector<1x16xf32>
    %get3A_10 = arith.constant 0 : index
    %get3A_11 = arith.constant 0 : index
    %get3A_12 = vector.load %arg4[%get3A_10, %get3A_11] : memref<1x16xf32, #tpu.memory_space<vmem>>, vector<1x16xf32>
    %add3A = arith.constant 9.99999974E-6 : f32
    %add3A_13 = vector.broadcast %add3A : f32 to vector<1x16xf32>
    %add3A_14 = arith.addf %sub3A, %add3A_13 : vector<1x16xf32>
    %rsqrt3A = math.rsqrt %add3A_14 : vector<1x16xf32>
    %mul3A_15 = arith.mulf %get3A_12, %rsqrt3A : vector<1x16xf32>
    %get3A_16 = arith.constant 0 : index
    %get3A_17 = arith.constant 0 : index
    %get3A_18 = vector.load %arg5[%get3A_16, %get3A_17] : memref<1x16xf32, #tpu.memory_space<vmem>>, vector<1x16xf32>
    %mul3A_19 = arith.mulf %div3A_3, %mul3A_15 : vector<1x16xf32>
    %sub3A_20 = arith.subf %get3A_18, %mul3A_19 : vector<1x16xf32>
    %get3A_21 = arith.constant 0 : index
    %get3A_22 = arith.constant 0 : index
    %get3A_23 = vector.load %arg1[%get3A_21, %get3A_22] : memref<1024x16xf32, #tpu.memory_space<vmem>>, vector<1024x16xf32>
    %mul3A_24 = vector.broadcast %mul3A_15 : vector<1x16xf32> to vector<1024x16xf32>
    %mul3A_25 = arith.mulf %get3A_23, %mul3A_24 : vector<1024x16xf32>
    %add3A_26 = vector.broadcast %sub3A_20 : vector<1x16xf32> to vector<1024x16xf32>
    %add3A_27 = arith.addf %mul3A_25, %add3A_26 : vector<1024x16xf32>
    %get3A_28 = arith.constant 0 : index
    %get3A_29 = arith.constant 0 : index
    %get3A_30 = vector.load %arg6[%get3A_28, %get3A_29] : memref<16x128xf32, #tpu.memory_space<vmem>>, vector<16x128xf32>
    %dot_general3A = arith.constant dense<0.000000e+00> : vector<1024x128xf32>
    %dot_general3A_31 = tpu.matmul %add3A_27, %get3A_30, %dot_general3A {dimension_numbers = #tpu.dot_dimension_numbers<[1], [0], [0], [1], [0, 0, 1, 1], [], []>, transpose_lhs_hint = false} : vector<1024x16xf32>, vector<16x128xf32>, vector<1024x128xf32> -> vector<1024x128xf32>
    %swap3A = arith.constant 0 : index
    %swap3A_32 = arith.constant 0 : index
    %swap3A_33 = vector.load %arg7[%swap3A, %swap3A_32] : memref<1024x128xf32, #tpu.memory_space<vmem>>, vector<1024x128xf32>
    tpu.vector_store %arg7[%swap3A, %swap3A_32], %dot_general3A_31 {strides = array<i32>} : memref<1024x128xf32, #tpu.memory_space<vmem>>, vector<1024x128xf32>,
    return
  }
  func.func @transform_0(%arg0: i32) -> (i32, i32) {
    %c0_i32 = arith.constant 0 : i32
    %c0_i32_0 = arith.constant 0 : i32
    return %arg0, %c0_i32 : i32, i32
  }
  func.func @transform_1(%arg0: i32) -> (i32, i32) {
    %c0_i32 = arith.constant 0 : i32
    %c0_i32_0 = arith.constant 0 : i32
    %c0_i32_1 = arith.constant 0 : i32
    return %c0_i32, %c0_i32_0 : i32, i32
  }
  func.func @transform_2(%arg0: i32) -> (i32, i32) {
    %c0_i32 = arith.constant 0 : i32
    %c0_i32_0 = arith.constant 0 : i32
    %c0_i32_1 = arith.constant 0 : i32
    return %c0_i32, %c0_i32_0 : i32, i32
  }
  func.func @transform_3(%arg0: i32) -> (i32, i32) {
    %c0_i32 = arith.constant 0 : i32
    %c0_i32_0 = arith.constant 0 : i32
    %c0_i32_1 = arith.constant 0 : i32
    return %c0_i32, %c0_i32_0 : i32, i32
  }
  func.func @transform_4(%arg0: i32) -> (i32, i32) {
    %c0_i32 = arith.constant 0 : i32
    %c0_i32_0 = arith.constant 0 : i32
    %c0_i32_1 = arith.constant 0 : i32
    return %c0_i32, %c0_i32_0 : i32, i32
  }
  func.func @transform_5(%arg0: i32) -> (i32, i32) {
    %c0_i32 = arith.constant 0 : i32
    %c0_i32_0 = arith.constant 0 : i32
    %c0_i32_1 = arith.constant 0 : i32
    return %c0_i32, %c0_i32_0 : i32, i32
  }
  func.func @transform_6(%arg0: i32) -> (i32, i32) {
    %c0_i32 = arith.constant 0 : i32
    %c0_i32_0 = arith.constant 0 : i32
    return %arg0, %c0_i32 : i32, i32
  }
}

module attributes {stable_mosaic.version = 14 : i64} {
  func.func @_fin23_body(%arg0: i32, %arg1: memref<2x1024x32xf32, #tpu.memory_space<vmem>>, %arg2: memref<1024x16xf32, #tpu.memory_space<vmem>>, %arg3: memref<1024x32xf32, #tpu.memory_space<vmem>>, %arg4: memref<1x32xf32, #tpu.memory_space<vmem>>, %arg5: memref<1x32xf32, #tpu.memory_space<vmem>>) attributes {dimension_semantics = [#tpu.dimension_semantics<arbitrary>], iteration_bounds = array<i64: 49>, scalar_prefetch = 0 : i64, scratch_operands = 0 : i64, tpu.core_type = #tpu.core_type<tc>, window_params = [{transform_indices = @transform_0, window_bounds = array<i64: 2, 1024, 32>}, {transform_indices = @transform_1, window_bounds = array<i64: 1024, 16>}, {transform_indices = @transform_2, window_bounds = array<i64: 1024, 32>}, {pipeline_mode = #tpu.pipeline_mode<synchronous>, transform_indices = @transform_3, window_bounds = array<i64: 1, 32>}, {pipeline_mode = #tpu.pipeline_mode<synchronous>, transform_indices = @transform_4, window_bounds = array<i64: 1, 32>}]} {
    %get3A = arith.constant 0 : index
    %get3A_0 = arith.constant 0 : index
    %get3A_1 = arith.constant 0 : index
    %get3A_2 = vector.load %arg1[%get3A, %get3A_0, %get3A_1] : memref<2x1024x32xf32, #tpu.memory_space<vmem>>, vector<1x1024x32xf32>
    %get3A_3 = vector.shape_cast %get3A_2 : vector<1x1024x32xf32> to vector<1024x32xf32>
    %get3A_4 = arith.constant 1 : index
    %get3A_5 = arith.constant 0 : index
    %get3A_6 = arith.constant 0 : index
    %get3A_7 = vector.load %arg1[%get3A_4, %get3A_5, %get3A_6] : memref<2x1024x32xf32, #tpu.memory_space<vmem>>, vector<1x1024x32xf32>
    %get3A_8 = vector.shape_cast %get3A_7 : vector<1x1024x32xf32> to vector<1024x32xf32>
    %add3A = arith.addf %get3A_3, %get3A_8 : vector<1024x32xf32>
    %get3A_9 = arith.constant 0 : index
    %get3A_10 = arith.constant 0 : index
    %get3A_11 = vector.load %arg2[%get3A_9, %get3A_10] : memref<1024x16xf32, #tpu.memory_space<vmem>>, vector<1024x1xf32>
    %mul3A = arith.constant 1024 : i32
    %mul3A_12 = arith.muli %arg0, %mul3A : i32
    %iota3A = tpu.iota {dimensions = array<i32: 0>} : vector<1024x32xi32>
    %add3A_13 = vector.broadcast %mul3A_12 : i32 to vector<1024x32xi32>
    %add3A_14 = arith.addi %add3A_13, %iota3A : vector<1024x32xi32>
    %mul3A_15 = vector.broadcast %get3A_11 : vector<1024x1xf32> to vector<1024x32xf32>
    %mul3A_16 = arith.mulf %add3A, %mul3A_15 : vector<1024x32xf32>
    %gt3A = arith.constant 0.000000e+00 : f32
    %gt3A_17 = vector.broadcast %gt3A : f32 to vector<1024x32xf32>
    %gt3A_18 = arith.cmpf ogt, %mul3A_16, %gt3A_17 : vector<1024x32xf32>
    %gt3A_19 = arith.constant 0.000000e+00 : f32
    %gt3A_20 = vector.broadcast %gt3A_19 : f32 to vector<1024x32xf32>
    %gt3A_21 = arith.cmpf ogt, %mul3A_16, %gt3A_20 : vector<1024x32xf32>
    %jit3A = arith.constant 0.000000e+00 : f32
    %broadcast_in_dim3A = vector.broadcast %jit3A : f32 to vector<1024x32xf32>
    %select_n3A = arith.select %gt3A_21, %broadcast_in_dim3A, %mul3A_16 : vector<1024x32xi1>, vector<1024x32xf32>
    %exp3A = math.exp %select_n3A : vector<1024x32xf32>
    %sub3A = arith.constant 1.000000e+00 : f32
    %sub3A_22 = vector.broadcast %sub3A : f32 to vector<1024x32xf32>
    %sub3A_23 = arith.subf %exp3A, %sub3A_22 : vector<1024x32xf32>
    %select_n3A_24 = arith.select %gt3A_18, %mul3A_16, %sub3A_23 : vector<1024x32xi1>, vector<1024x32xf32>
    %lt3A = arith.constant 50000 : i32
    %lt3A_25 = vector.broadcast %lt3A : i32 to vector<1024x32xi32>
    %lt3A_26 = arith.cmpi slt, %add3A_14, %lt3A_25 : vector<1024x32xi32>
    %jit3A_27 = arith.constant 0.000000e+00 : f32
    %broadcast_in_dim3A_28 = vector.broadcast %jit3A_27 : f32 to vector<1024x32xf32>
    %select_n3A_29 = arith.select %lt3A_26, %select_n3A_24, %broadcast_in_dim3A_28 : vector<1024x32xi1>, vector<1024x32xf32>
    %swap3A = arith.constant 0 : index
    %swap3A_30 = arith.constant 0 : index
    %swap3A_31 = vector.load %arg3[%swap3A, %swap3A_30] : memref<1024x32xf32, #tpu.memory_space<vmem>>, vector<1024x32xf32>
    tpu.vector_store %arg3[%swap3A, %swap3A_30], %select_n3A_29 {strides = array<i32>} : memref<1024x32xf32, #tpu.memory_space<vmem>>, vector<1024x32xf32>,
    %eq3A = arith.constant 0 : i32
    %eq3A_32 = arith.cmpi eq, %arg0, %eq3A : i32
    %convert_element_type3A = arith.extui %eq3A_32 : i1 to i32
    %cond3A = arith.constant 0 : i32
    %cond3A_33 = arith.cmpi ne, %convert_element_type3A, %cond3A : i32
    scf.if %cond3A_33 {
      %broadcast_in_dim3A_54 = arith.constant 0.000000e+00 : f32
      %broadcast_in_dim3A_55 = vector.broadcast %broadcast_in_dim3A_54 : f32 to vector<1x32xf32>
      %swap3A_56 = arith.constant 0 : index
      %swap3A_57 = arith.constant 0 : index
      %swap3A_58 = vector.load %arg4[%swap3A_56, %swap3A_57] : memref<1x32xf32, #tpu.memory_space<vmem>>, vector<1x32xf32>
      tpu.vector_store %arg4[%swap3A_56, %swap3A_57], %broadcast_in_dim3A_55 {strides = array<i32>} : memref<1x32xf32, #tpu.memory_space<vmem>>, vector<1x32xf32>,
      %broadcast_in_dim3A_59 = arith.constant 0.000000e+00 : f32
      %broadcast_in_dim3A_60 = vector.broadcast %broadcast_in_dim3A_59 : f32 to vector<1x32xf32>
      %swap3A_61 = arith.constant 0 : index
      %swap3A_62 = arith.constant 0 : index
      %swap3A_63 = vector.load %arg5[%swap3A_61, %swap3A_62] : memref<1x32xf32, #tpu.memory_space<vmem>>, vector<1x32xf32>
      tpu.vector_store %arg5[%swap3A_61, %swap3A_62], %broadcast_in_dim3A_60 {strides = array<i32>} : memref<1x32xf32, #tpu.memory_space<vmem>>, vector<1x32xf32>,
    } else {
    }
    %get3A_34 = arith.constant 0 : index
    %get3A_35 = arith.constant 0 : index
    %get3A_36 = vector.load %arg4[%get3A_34, %get3A_35] : memref<1x32xf32, #tpu.memory_space<vmem>>, vector<1x32xf32>
    %reduce_sum3A = arith.constant dense<0.000000e+00> : vector<32xf32>
    %reduce_sum3A_37 = vector.multi_reduction <add>, %select_n3A_29, %reduce_sum3A [0] : vector<1024x32xf32> to vector<32xf32>
    %broadcast_in_dim3A_38 = vector.shape_cast %reduce_sum3A_37 : vector<32xf32> to vector<1x32xf32>
    %add3A_39 = arith.addf %get3A_36, %broadcast_in_dim3A_38 : vector<1x32xf32>
    %swap3A_40 = arith.constant 0 : index
    %swap3A_41 = arith.constant 0 : index
    %swap3A_42 = vector.load %arg4[%swap3A_40, %swap3A_41] : memref<1x32xf32, #tpu.memory_space<vmem>>, vector<1x32xf32>
    tpu.vector_store %arg4[%swap3A_40, %swap3A_41], %add3A_39 {strides = array<i32>} : memref<1x32xf32, #tpu.memory_space<vmem>>, vector<1x32xf32>,
    %get3A_43 = arith.constant 0 : index
    %get3A_44 = arith.constant 0 : index
    %get3A_45 = vector.load %arg5[%get3A_43, %get3A_44] : memref<1x32xf32, #tpu.memory_space<vmem>>, vector<1x32xf32>
    %mul3A_46 = arith.mulf %select_n3A_29, %select_n3A_29 : vector<1024x32xf32>
    %reduce_sum3A_47 = arith.constant dense<0.000000e+00> : vector<32xf32>
    %reduce_sum3A_48 = vector.multi_reduction <add>, %mul3A_46, %reduce_sum3A_47 [0] : vector<1024x32xf32> to vector<32xf32>
    %broadcast_in_dim3A_49 = vector.shape_cast %reduce_sum3A_48 : vector<32xf32> to vector<1x32xf32>
    %add3A_50 = arith.addf %get3A_45, %broadcast_in_dim3A_49 : vector<1x32xf32>
    %swap3A_51 = arith.constant 0 : index
    %swap3A_52 = arith.constant 0 : index
    %swap3A_53 = vector.load %arg5[%swap3A_51, %swap3A_52] : memref<1x32xf32, #tpu.memory_space<vmem>>, vector<1x32xf32>
    tpu.vector_store %arg5[%swap3A_51, %swap3A_52], %add3A_50 {strides = array<i32>} : memref<1x32xf32, #tpu.memory_space<vmem>>, vector<1x32xf32>,
    return
  }
  func.func @transform_0(%arg0: i32) -> (i32, i32, i32) {
    %c0_i32 = arith.constant 0 : i32
    %c0_i32_0 = arith.constant 0 : i32
    %c0_i32_1 = arith.constant 0 : i32
    return %c0_i32, %arg0, %c0_i32_0 : i32, i32, i32
  }
  func.func @transform_1(%arg0: i32) -> (i32, i32) {
    %c0_i32 = arith.constant 0 : i32
    %c0_i32_0 = arith.constant 0 : i32
    return %arg0, %c0_i32 : i32, i32
  }
  func.func @transform_2(%arg0: i32) -> (i32, i32) {
    %c0_i32 = arith.constant 0 : i32
    %c0_i32_0 = arith.constant 0 : i32
    return %arg0, %c0_i32 : i32, i32
  }
  func.func @transform_3(%arg0: i32) -> (i32, i32) {
    %c0_i32 = arith.constant 0 : i32
    %c0_i32_0 = arith.constant 0 : i32
    %c0_i32_1 = arith.constant 0 : i32
    return %c0_i32, %c0_i32_0 : i32, i32
  }
  func.func @transform_4(%arg0: i32) -> (i32, i32) {
    %c0_i32 = arith.constant 0 : i32
    %c0_i32_0 = arith.constant 0 : i32
    %c0_i32_1 = arith.constant 0 : i32
    return %c0_i32, %c0_i32_0 : i32, i32
  }
}

module attributes {stable_mosaic.version = 14 : i64} {
  func.func @_head_body(%arg0: memref<2x65x32xf32, #tpu.memory_space<vmem>>, %arg1: memref<2x65x16xf32, #tpu.memory_space<vmem>>, %arg2: memref<1x32xf32, #tpu.memory_space<vmem>>, %arg3: memref<1x32xf32, #tpu.memory_space<vmem>>, %arg4: memref<1x32xf32, #tpu.memory_space<vmem>>, %arg5: memref<1x32xf32, #tpu.memory_space<vmem>>, %arg6: memref<32x128xf32, #tpu.memory_space<vmem>>, %arg7: memref<64x128xf32, #tpu.memory_space<vmem>>) attributes {dimension_semantics = [], scalar_prefetch = 0 : i64, scratch_operands = 0 : i64, tpu.core_type = #tpu.core_type<tc>} {
    %get3A = arith.constant 0 : index
    %get3A_0 = arith.constant 0 : index
    %get3A_1 = arith.constant 0 : index
    %get3A_2 = vector.load %arg0[%get3A, %get3A_0, %get3A_1] : memref<2x65x32xf32, #tpu.memory_space<vmem>>, vector<1x65x32xf32>
    %get3A_3 = vector.shape_cast %get3A_2 : vector<1x65x32xf32> to vector<65x32xf32>
    %get3A_4 = arith.constant 1 : index
    %get3A_5 = arith.constant 0 : index
    %get3A_6 = arith.constant 0 : index
    %get3A_7 = vector.load %arg0[%get3A_4, %get3A_5, %get3A_6] : memref<2x65x32xf32, #tpu.memory_space<vmem>>, vector<1x65x32xf32>
    %get3A_8 = vector.shape_cast %get3A_7 : vector<1x65x32xf32> to vector<65x32xf32>
    %add3A = arith.addf %get3A_3, %get3A_8 : vector<65x32xf32>
    %slice3A = vector.extract_strided_slice %add3A {offsets = [0, 0], sizes = [64, 32], strides = [1, 1]} : vector<65x32xf32> to vector<64x32xf32>
    %get3A_9 = arith.constant 0 : index
    %get3A_10 = arith.constant 0 : index
    %get3A_11 = arith.constant 0 : index
    %get3A_12 = vector.load %arg1[%get3A_9, %get3A_10, %get3A_11] : memref<2x65x16xf32, #tpu.memory_space<vmem>>, vector<1x65x16xf32>
    %get3A_13 = vector.shape_cast %get3A_12 : vector<1x65x16xf32> to vector<65x16xf32>
    %get3A_14 = arith.constant 1 : index
    %get3A_15 = arith.constant 0 : index
    %get3A_16 = arith.constant 0 : index
    %get3A_17 = vector.load %arg1[%get3A_14, %get3A_15, %get3A_16] : memref<2x65x16xf32, #tpu.memory_space<vmem>>, vector<1x65x16xf32>
    %get3A_18 = vector.shape_cast %get3A_17 : vector<1x65x16xf32> to vector<65x16xf32>
    %add3A_19 = arith.addf %get3A_13, %get3A_18 : vector<65x16xf32>
    %slice3A_20 = vector.extract_strided_slice %add3A_19 {offsets = [0, 0], sizes = [64, 1], strides = [1, 1]} : vector<65x16xf32> to vector<64x1xf32>
    %max3A = arith.constant 1.000000e+00 : f32
    %max3A_21 = vector.broadcast %max3A : f32 to vector<64x1xf32>
    %max3A_22 = arith.maximumf %slice3A_20, %max3A_21 : vector<64x1xf32>
    %div3A = vector.broadcast %max3A_22 : vector<64x1xf32> to vector<64x32xf32>
    %div3A_23 = arith.divf %slice3A, %div3A : vector<64x32xf32>
    %get3A_24 = arith.constant 0 : index
    %get3A_25 = arith.constant 0 : index
    %get3A_26 = vector.load %arg2[%get3A_24, %get3A_25] : memref<1x32xf32, #tpu.memory_space<vmem>>, vector<1x32xf32>
    %div3A_27 = arith.constant 5.000000e+04 : f32
    %div3A_28 = vector.broadcast %div3A_27 : f32 to vector<1x32xf32>
    %div3A_29 = arith.divf %get3A_26, %div3A_28 : vector<1x32xf32>
    %get3A_30 = arith.constant 0 : index
    %get3A_31 = arith.constant 0 : index
    %get3A_32 = vector.load %arg3[%get3A_30, %get3A_31] : memref<1x32xf32, #tpu.memory_space<vmem>>, vector<1x32xf32>
    %div3A_33 = arith.constant 5.000000e+04 : f32
    %div3A_34 = vector.broadcast %div3A_33 : f32 to vector<1x32xf32>
    %div3A_35 = arith.divf %get3A_32, %div3A_34 : vector<1x32xf32>
    %mul3A = arith.mulf %div3A_29, %div3A_29 : vector<1x32xf32>
    %sub3A = arith.subf %div3A_35, %mul3A : vector<1x32xf32>
    %get3A_36 = arith.constant 0 : index
    %get3A_37 = arith.constant 0 : index
    %get3A_38 = vector.load %arg4[%get3A_36, %get3A_37] : memref<1x32xf32, #tpu.memory_space<vmem>>, vector<1x32xf32>
    %add3A_39 = arith.constant 9.99999974E-6 : f32
    %add3A_40 = vector.broadcast %add3A_39 : f32 to vector<1x32xf32>
    %add3A_41 = arith.addf %sub3A, %add3A_40 : vector<1x32xf32>
    %rsqrt3A = math.rsqrt %add3A_41 : vector<1x32xf32>
    %mul3A_42 = arith.mulf %get3A_38, %rsqrt3A : vector<1x32xf32>
    %get3A_43 = arith.constant 0 : index
    %get3A_44 = arith.constant 0 : index
    %get3A_45 = vector.load %arg5[%get3A_43, %get3A_44] : memref<1x32xf32, #tpu.memory_space<vmem>>, vector<1x32xf32>
    %mul3A_46 = arith.mulf %div3A_29, %mul3A_42 : vector<1x32xf32>
    %sub3A_47 = arith.subf %get3A_45, %mul3A_46 : vector<1x32xf32>
    %mul3A_48 = vector.broadcast %mul3A_42 : vector<1x32xf32> to vector<64x32xf32>
    %mul3A_49 = arith.mulf %div3A_23, %mul3A_48 : vector<64x32xf32>
    %add3A_50 = vector.broadcast %sub3A_47 : vector<1x32xf32> to vector<64x32xf32>
    %add3A_51 = arith.addf %mul3A_49, %add3A_50 : vector<64x32xf32>
    %get3A_52 = arith.constant 0 : index
    %get3A_53 = arith.constant 0 : index
    %get3A_54 = vector.load %arg6[%get3A_52, %get3A_53] : memref<32x128xf32, #tpu.memory_space<vmem>>, vector<32x128xf32>
    %dot_general3A = arith.constant dense<0.000000e+00> : vector<64x128xf32>
    %dot_general3A_55 = tpu.matmul %add3A_51, %get3A_54, %dot_general3A {dimension_numbers = #tpu.dot_dimension_numbers<[1], [0], [0], [1], [0, 0, 1, 1], [], []>, transpose_lhs_hint = false} : vector<64x32xf32>, vector<32x128xf32>, vector<64x128xf32> -> vector<64x128xf32>
    %swap3A = arith.constant 0 : index
    %swap3A_56 = arith.constant 0 : index
    %swap3A_57 = vector.load %arg7[%swap3A, %swap3A_56] : memref<64x128xf32, #tpu.memory_space<vmem>>, vector<64x128xf32>
    tpu.vector_store %arg7[%swap3A, %swap3A_56], %dot_general3A_55 {strides = array<i32>} : memref<64x128xf32, #tpu.memory_space<vmem>>, vector<64x128xf32>,
    return
  }
}

</mosaic_0001>

<sc_bundles>
// kernel: kernel.14.cloned.1.call-start
scs
__scs_entry_jumppad:
0x0: {  	(pc) =	sbr.rel $0x88, $3  }
0x1: {  	(tag) =	ssettag $0x0;
	lr =	simm.s32 $0x1  }
0x2: {  	[smem:$0x3F93] =	sst lr;
	_ =	strace $0xD0000000  }
0x3: {  	_ = 	snop  }
0x4: {  	_ = 	snop  }
0x5: {  	_ = 	snop  }
0x6: {  	_ = 	snop  }
0x7: {  	_ = 	snop  }
__scs_overlays_trampoline_lowered:
0x8: {  	[smem:$0x3FA2] =	sst s0  }
0x9: {  	[smem:$0x3FA3] =	sst s1  }
0xa: {  	[smem:$0x3FA4] =	sst s2  }
0xb: {  	[smem:$0x3FA5] =	sst s3  }
0xc: {  	[smem:$0x3FA6] =	sst s4  }
0xd: {  	[smem:$0x3FA7] =	sst s5  }
0xe: {  	[smem:$0x3FA8] =	sst s6  }
0xf: {  	[smem:$0x3FA9] =	sst s7  }
0x10: {  	[smem:$0x3FAA] =	sst s8  }
0x11: {  	[smem:$0x3FAB] =	sst s9;
	s0 =	simm.s32 @!p0 $0x0  }
0x12: {  	s1 =	sld [smem:$0x3F91];
	s0 =	simm.s32 @p0 $0x1  }
0x13: {  	[smem:$0x3FAC] =	sst s0;
	s0 =	simm.s32 @!p1 $0x0  }
0x14: {  	s2 =	sld [smem:$0x3F90];
	s0 =	simm.s32 @p1 $0x1  }
0x15: {  	[smem:$0x3FAD] =	sst s0;
	s0 =	simm.s32 @!p2 $0x0  }
0x16: {  	s3 =	sld [smem:$0x3FDB];
	s0 =	simm.s32 @p2 $0x1  }
0x17: {  	s4 =	simm.s32 $0x1BF5;
	[smem:$0x3FAF] =	sst s0  }
0x18: {  	s0 =	sld [smem:$0x3F92];
	_ =	swait.ge [sflag:s4], $0x0  }
0x19: {  	s7 =	sld [smem:$0x3F93]  }
0x1a: {  	s8 =	sadd.s32 $0xFFFFE003, lr  }
0x1b: {  	s9 =	sadd.s32 $0xFFFFFEF7, lr;
	s5 =	simm.s32 $0xFFFFFFFF;
	p2 =	slt.u32 s8, $0xFFFFF086  }
0x1c: {  	p1 =	slt.u32 s9, $0xF7A;
	s5 =	simm.s32 @!p2 $0x0  }
0x1d: {  	s5 =	simm.s32 @p1 $0x1;
	p0 =	seq.s32 s7, s2  }
0x1e: {  	s7 =	smul.u32 @!p0 $0xF7A, s2;
	p2 =	seq.s32 @!p0 s5, $0x0  }
0x1f: {  	s9 =	smul.u32 $0xF7A, s1;
	s8 =	simm.s32 @!p0 $0x1BF5;
	p2 =	por !p2, p0  }
0x20: {  	[sflag:s8] =	ssyncset.s32 @!p0 $0xFFFFF086;
	s6 =	sadd.s32 @!p0 s3, s7;
	s7 =	simm.s32 @!p0 $0x108  }
0x21: {  	s3 =	sadd.s32 s3, s9;
	s6 =	sadd.s32 @!p0 $0x88, s6;
	s7 =	simm.s32 @p2 $0x1082  }
0x22: {  	[simem:s7], [sflag:s8] =	dma.local @!p0 [hbm:s6], $0xF7A  }
0x23: {  	s9 =	sor.u32 $0xD0000000, s2;
	s6 =	simm.s32 $0x108;
	_ =	swait.ge @!p0 [sflag:s8], $0x0  }
0x24: {  	s3 =	sadd.s32 $0x88, s3;
	s6 =	simm.s32 @!p1 $0x1082;
	[sflag:s4] =	ssyncset.s32 $0xFFFFF086  }
0x25: {  	[simem:s6], [sflag:s4] =	dma.local [hbm:s3], $0xF7A  }
0x26: {  	[smem:$0x3F93] =	sst s1;
	(tag) =	ssettag s2;
	_ =	strace s9  }
0x27: {  	s1 =	sld [smem:$0x3FA3]  }
0x28: {  	s2 =	sld [smem:$0x3FA4]  }
0x29: {  	s4 =	sld [smem:$0x3FA6]  }
0x2a: {  	p0 =	seq.s32 s5, $0x0;
	s5 =	sld [smem:$0x3FA7]  }
0x2b: {  	s6 =	sld [smem:$0x3FA8]  }
0x2c: {  	s7 =	sld [smem:$0x3FA9]  }
0x2d: {  	s3 =	simm.s32 $0x108;
	s8 =	sld [smem:$0x3FAA]  }
0x2e: {  	s3 =	simm.s32 @!p0 $0x1082;
	s9 =	sld [smem:$0x3FAB]  }
0x2f: {  	lr =	sadd.s32 s0, s3;
	s0 =	sld [smem:$0x3FA2]  }
0x30: {  	s3 =	sld [smem:$0x3FA5]  }
0x31: {  	[smem:$0x3FAE] =	sst s10  }
0x32: {  	s10 =	sld [smem:$0x3FAC];
	_ =	sdelay $0x3  }
0x33: {  	p0 =	seq.s32 s10, $0x1;
	s10 =	sld [smem:$0x3FAE];
	_ =	sdelay $0x3  }
0x34: {  	[smem:$0x3FAE] =	sst s10  }
0x35: {  	s10 =	sld [smem:$0x3FAD];
	_ =	sdelay $0x3  }
0x36: {  	p1 =	seq.s32 s10, $0x1;
	s10 =	sld [smem:$0x3FAE];
	_ =	sdelay $0x3  }
0x37: {  	[smem:$0x3FAE] =	sst s10  }
0x38: {  	s10 =	sld [smem:$0x3FAF]  }
0x39: {  	_ = 	snop;
	(pc) =	sbr.ind lr, $3  }
0x3a: {  	_ = 	snop  }
0x3b: {  	_ = 	snop  }
0x3c: {  	p2 =	seq.s32 s10, $0x1;
	s10 =	sld [smem:$0x3FAE]  }
0x3d: {  	_ =	shalt  }
0x3e: {  	_ =	shalt  }
0x3f: {  	_ =	shalt  }
0x40: {  	_ =	shalt  }
0x41: {  	_ =	shalt  }
0x42: {  	_ =	shalt  }
0x43: {  	_ =	shalt  }
0x44: {  	_ =	shalt  }
0x45: {  	_ =	shalt  }
0x46: {  	_ =	shalt  }
0x47: {  	_ =	shalt  }
0x48: {  	_ =	shalt  }
0x49: {  	_ =	shalt  }
0x4a: {  	_ =	shalt  }
0x4b: {  	_ =	shalt  }
0x4c: {  	_ =	shalt  }
0x4d: {  	_ =	shalt  }
0x4e: {  	_ =	shalt  }
0x4f: {  	_ =	shalt  }
0x50: {  	_ =	shalt  }
0x51: {  	_ =	shalt  }
0x52: {  	_ =	shalt  }
0x53: {  	_ =	shalt  }
0x54: {  	_ =	shalt  }
0x55: {  	_ =	shalt  }
0x56: {  	_ =	shalt  }
0x57: {  	_ =	shalt  }
0x58: {  	_ =	shalt  }
0x59: {  	_ =	shalt  }
0x5a: {  	_ =	shalt  }
0x5b: {  	_ =	shalt  }
0x5c: {  	_ =	shalt  }
0x5d: {  	_ =	shalt  }
0x5e: {  	_ =	shalt  }
0x5f: {  	_ =	shalt  }
0x60: {  	_ =	shalt  }
0x61: {  	_ =	shalt  }
0x62: {  	_ =	shalt  }
0x63: {  	_ =	shalt  }
0x64: {  	_ =	shalt  }
0x65: {  	_ =	shalt  }
0x66: {  	_ =	shalt  }
0x67: {  	_ =	shalt  }
0x68: {  	_ =	shalt  }
0x69: {  	_ =	shalt  }
0x6a: {  	_ =	shalt  }
0x6b: {  	_ =	shalt  }
0x6c: {  	_ =	shalt  }
0x6d: {  	_ =	shalt  }
0x6e: {  	_ =	shalt  }
0x6f: {  	_ =	shalt  }
0x70: {  	_ =	shalt  }
0x71: {  	_ =	shalt  }
0x72: {  	_ =	shalt  }
0x73: {  	_ =	shalt  }
0x74: {  	_ =	shalt  }
0x75: {  	_ =	shalt  }
0x76: {  	_ =	shalt  }
0x77: {  	_ =	shalt  }
0x78: {  	_ =	shalt  }
0x79: {  	_ =	shalt  }
0x7a: {  	_ =	shalt  }
0x7b: {  	_ =	shalt  }
0x7c: {  	_ =	shalt  }
0x7d: {  	_ =	shalt  }
0x7e: {  	_ =	shalt  }
0x7f: {  	_ =	shalt  }
0x80: {  	_ =	shalt  }
0x81: {  	_ =	shalt  }
0x82: {  	_ =	shalt  }
0x83: {  	_ =	shalt  }
0x84: {  	_ =	shalt  }
0x85: {  	_ =	shalt  }
0x86: {  	_ =	shalt  }
0x87: {  	_ =	shalt  }
.Lfunc_end0:
.L_simem_size_0:
called_computation_lowered:
.L_overlay_start_0:
0x88: {  	s2 =	sld [smem:$0x3FD9]  }
0x89: {  	s3 =	sld [smem:$0x3FFE];
	_ =	sdelay $0x1  }
0x8a: {  	s1 =	srdreg.scid  }
0x8b: {  	s0 =	sand.u32 $0x1, s1  }
0x8c: {  	s16 =	sshll.u32 s0, $0xA;
	s2 =	sadd.s32 s3, s2  }
0x8d: {  	s2 =	sadd.s32 s2, s16  }
0x8e: {  	[smem:$0x3FBA] =	sst s2  }
0x8f: {  	_ = 	snop  }
0x90: {  	(tm) =	ssettm $0x1  }
0x91: {  	s17 =	sld [smem:$0x3FFB];
	_ =	sdelay $0x3  }
0x92: {  	_ =	strace s17  }
0x93: {  	s2 =	sld [smem:$0x3FFC];
	_ =	sdelay $0x3  }
0x94: {  	_ =	strace s2  }
0x95: {  	s2 =	sld [smem:$0x3FFD];
	_ =	sdelay $0x3  }
0x96: {  	_ =	strace s2  }
0x97: {  	_ =	strace $0x8FFFFFFF  }
0x98: {  	s18 =	sld [smem:$0x3FDB];
	_ =	sdelay $0x1  }
0x99: {  	s19 =	simm.s32 $_scs_section_size  }
0x9a: {  	s4 =	simm.s32 $_size__tile_overlayer_lowered;
	s5 =	simm.s32 $_tile_overlayer_lowered  }
0x9b: {  	s22 =	simm.s32 $0x1BFF;
	s21 =	sshll.u32 s5, $0x1;
	s2 =	sadd.s32 s19, s18  }
0x9c: {  	s6 =	simm.s32 $0x0;
	s20 =	sshll.u32 s4, $0x1;
	s4 =	sadd.s32 s21, s2  }
0x9d: {  	[timem:s6], [sflag:s22] =	dma.local [hbm:s4], s20  }
0x9e: {  	_ =	swait.ge [sflag:s22], s20  }
0x9f: {  	s3 =	ssub.s32 $0x0, s20;
	[sflag:s22] =	ssyncset.done $0x0  }
0xa0: {  	[sflag:s22] =	ssyncadd.s32 s3;
	_ =	sdelay $0x1  }
0xa1: {  	s23 =	simm.s32 $0x1B8B  }
0xa2: {  	_ =	swait.ge [sflag:s23], $0x1  }
0xa3: {  	[sflag:s23] =	ssyncset.done $0x0  }
0xa4: {  	s25 =	simm.s32 $0x1B8E;
	s24 =	sld [smem:$0x3FFE];
	[sflag:s23] =	ssyncadd.s32 $0xFFFFFFFF  }
0xa5: {  	s26 =	simm.s32 $execute0_lowered;
	[smem:$0x3FD2] =	sst s25  }
0xa6: {  	s4 =	sshll.u32 s26, $0x1;
	_ =	strace $0x80000046;
	[dreg:$0x1] =	wrdreg $0xFFFFFFFF  }
0xa7: {  	s28 =	simm.s32 $_size_execute0_lowered;
	s2 =	sadd.s32 s2, s4;
	[dreg:$0x0] =	wrdreg $0x0  }
0xa8: {  	s4 =	sshll.u32 s28, $0x1;
	[dreg:$0x2] =	wrdreg s2  }
0xa9: {  	[dreg:$0x3] =	wrdreg s4  }
0xaa: {  	[dreg:$0x4] =	wrdreg $0xC0  }
0xab: {  	_ =	task [dreg:s6], $0x5FFFF  }
0xac: {  	[dreg:$0x1] =	wrdreg $0xFFFFFFFF  }
0xad: {  	[dreg:$0x0] =	wrdreg $0x60  }
0xae: {  	[dreg:$0x2] =	wrdreg s24  }
0xaf: {  	[dreg:$0x3] =	wrdreg $0x4B000  }
0xb0: {  	[dreg:$0x4] =	wrdreg $0x9  }
0xb1: {  	_ =	task.clear_ibuf [dreg:s6], $0x5FFFF;
	_ =	strace $0x90000046  }
0xb2: {  	s29 =	simm.s32 $0x9;
	_ =	strace $0x80000048  }
0xb3: {  	_ =	swait.ge [sflag:s29], $0x1  }
0xb4: {  	[sflag:s29] =	ssyncadd.s32 $0xFFFFFFFF  }
0xb5: {  	_ =	strace $0x90000048  }
0xb6: {  	_ =	sfence  }
0xb7: {  	s30 =	sld [smem:$0x0];
	_ =	sdelay $0x2  }
0xb8: {  	s31 =	sshll.u32 s1, $0xD;
	s1 =	sshrl.u32 s1, $0x2  }
0xb9: {  	s3 =	sand.u32 $0x4000, s31;
	s1 =	sadd.s32 s1, s30  }
0xba: {  	s0 =	sor.u32 s3, s0;
	s1 =	sshll.u32 s1, $0x11  }
0xbb: {  	s0 =	sor.u32 s1, s0  }
0xbc: {  	s0 =	sadd.s32 $0x8F2B, s0  }
0xbd: {  	[sflag:s0] =	ssyncadd.remote.s32 $0x1  }
0xbe: {  	_ =	sfence.sel $0xFFFF  }
0xbf: {  	[dreg:$0x0] =	wrdreg $0xFFFFFFFF;
	(pc) =	sbr.abs _section_cstart, $3  }
0xc0: {  	[dreg:$0x1] =	wrdreg $0xFFFFFFFF  }
0xc1: {  	_ =	task.clear_ibuf [dreg:s6], $0x2FFFF;
	_ =	strace $0x9FFFFFFF  }
0xc2: {  	(tm) =	ssettm $0x7FFFFFFF  }
0xc3: {  	_ =	shalt  }
tec
execute0_lowered:
.L_overlay_start_1:
0x0: {  	(tag) =	ssettag $0x1  }
0x1: {  	s8 =	rddreg [dreg:$0x0]  }
0x2: {  	s1 =	rddreg [dreg:$0x1]  }
0x3: {  	s0 =	rddreg [dreg:$0x2];
	s3 =	simm.s32 $0x0  }
0x4: {  	s2 =	srdreg.scid;
	s14 =	simm.s32 $0x80;
	s15 =	simm.s32 $0x2100  }
0x5: {  	s16 =	simm.s32 $0x100;
	s17 =	simm.s32 $0x1;
	s18 =	simm.s32 $0x4100  }
0x6: {  	s19 =	simm.s32 $0x0;
	[smem:$0x7FF] =	sst s3;
	s9 =	sand.u32 $0x1, s2  }
0x7: {  	s2 =	stileid.u32;
	s4 =	sadd.s32 $0x674800, s8;
	s5 =	sadd.s32 $0x3800, s8  }
0x8: {  	s6 =	sadd.s32 $0x6D6800, s8;
	s7 =	sadd.s32 $0x34800, s8;
	s10 =	smul.u32 $0xC4000, s9  }
0x9: {  	_ =	strace $0x80000047;
	s11 =	smul.u32 $0xC400, s2;
	s28 =	ssub.s32 $0x2, s9  }
0xa: {  	s12 =	smul.u32 $0x31000, s2;
	s30 =	sshll.u32 s2, $0x1;
	s29 =	sshrl.u32 s28, $0x1  }
0xb: {  	s9 =	sor.u32 s9, s30;
	s10 =	sadd.s32 s11, s10;
	s11 =	ssub.s32 s28, s29  }
0xc: {  	s31 =	sshrl.u32 s12, $0x2;
	s9 =	smul.u32 $0x6400, s9;
	s10 =	sshrl.u32 s10, $0x3  }
0xd: {  	v0 =	vimm.f32 $0.0e+00;
	vm0 =	vcmask $0x2320;
	s12 =	simm.s32 $0x4900;
	s13 =	sadd.s32 s10, s8;
	s8 =	sadd.s32 s31, s1  }
0xe: {  	v1 =	vsel vm0, $0x3F800000, v0;
	s10 =	smax.u32 s11, $0x1;
	s11 =	sadd.s32 $0x6EF800, s13;
	s13 =	simm.s32 $0x2  }
.LBB2_1:
0xf: {  	[tilespmem:$0x4900] =	vst v0  }
0x10: {  	[tilespmem:$0x4910] =	vst v0  }
0x11: {  	[tilespmem:$0x4920] =	vst v0  }
0x12: {  	[tilespmem:$0x4930] =	vst v0  }
0x13: {  	[tilespmem:$0x4940] =	vst v0  }
0x14: {  	[tilespmem:$0x4950] =	vst v0  }
0x15: {  	[tilespmem:$0x4960] =	vst v0  }
0x16: {  	[tilespmem:$0x4970] =	vst v0  }
0x17: {  	[tilespmem:$0x4980] =	vst v0  }
0x18: {  	[tilespmem:$0x4990] =	vst v0  }
0x19: {  	[tilespmem:$0x49A0] =	vst v0  }
0x1a: {  	[tilespmem:$0x49B0] =	vst v0  }
0x1b: {  	[tilespmem:$0x49C0] =	vst v0  }
0x1c: {  	[tilespmem:$0x49D0] =	vst v0  }
0x1d: {  	[tilespmem:$0x49E0] =	vst v0  }
0x1e: {  	[tilespmem:$0x49F0] =	vst v0  }
0x1f: {  	[tilespmem:$0x4A00] =	vst v0  }
0x20: {  	[tilespmem:$0x4A10] =	vst v0  }
0x21: {  	[tilespmem:$0x4A20] =	vst v0  }
0x22: {  	[tilespmem:$0x4A30] =	vst v0  }
0x23: {  	[tilespmem:$0x4A40] =	vst v0  }
0x24: {  	[tilespmem:$0x4A50] =	vst v0  }
0x25: {  	[tilespmem:$0x4A60] =	vst v0  }
0x26: {  	[tilespmem:$0x4A70] =	vst v0  }
0x27: {  	[tilespmem:$0x4A80] =	vst v0  }
0x28: {  	[tilespmem:$0x4A90] =	vst v0  }
0x29: {  	[tilespmem:$0x4AA0] =	vst v0  }
0x2a: {  	[tilespmem:$0x4AB0] =	vst v0  }
0x2b: {  	[tilespmem:$0x4AC0] =	vst v0  }
0x2c: {  	[tilespmem:$0x4AD0] =	vst v0  }
0x2d: {  	[tilespmem:$0x4AE0] =	vst v0  }
0x2e: {  	[tilespmem:$0x4AF0] =	vst v0;
	s20 =	sadd.s32 $0x0, s8  }
0x2f: {  	[spmem:s20] =	stream.linear.scatter [tilespmem:s12], [sflag:$0x2], $0x200, $0x38;
	[tilespmem:$0x10F00] =	vst v63  }
0x30: {  	s20 =	simm.s32 $0x800;
	_ =	swait.ge [sflag:s13], $0x200  }
.LBB2_2:
0x31: {  	s21 =	sshra.s32 s20, $0x2;
	[sflag:s13] =	ssyncset.done $0x0;
	p0 =	sne.s32 s20, $0x30800  }
.Ltmp0:
0x32: {  	s21 =	sadd.s32 s21, s8;
	[sflag:s13] =	ssyncadd.s32 $0xFFFFFE00;
	(pc) =	sbr.rel @p0 .LBB2_2-.Ltmp0, $3  }
0x33: {  	[spmem:s21] =	stream.linear.scatter [tilespmem:s12], [sflag:$0x2], $0x200, $0x38;
	[tilespmem:$0x10F00] =	vst v63  }
0x34: {  	s20 =	sadd.s32 $0x800, s20;
	_ =	sdelay $0x1  }
0x35: {  	_ =	swait.ge [sflag:s13], $0x200  }
0x36: {  	[sflag:s13] =	ssyncset.done $0x0  }
0x37: {  	[sflag:s13] =	ssyncadd.s32 $0xFFFFFE00  }
0x38: {  	s20 =	simm.s32 $0x0;
	[bflag:$0x0] =	sbarrier.arrive $0xFFFF  }
.LBB2_4:
0x39: {  	s21 =	sshll.u32 s20, $0x7  }
0x3a: {  	s21 =	sadd.s32 s9, s21  }
0x3b: {  	s22 =	sshrl.u32 s21, $0x3  }
0x3c: {  	s23 =	sadd.s32 s5, s22  }
0x3d: {  	[tilespmem:s3], [sflag:$0x2] =	stream.linear.gather [hbm4b:s23+s3], $0x80, $0x38;
	[tilespmem:$0x10F00] =	vst v63  }
0x3e: {  	_ =	swait.ge [sflag:s13], $0x80  }
0x3f: {  	[sflag:s13] =	ssyncset.done $0x0  }
0x40: {  	[sflag:s13] =	ssyncadd.s32 $0xFFFFFF80  }
0x41: {  	[tilespmem:s15], [sflag:$0x1] =	stream.indirect.gather [hbm4b:s4+s14], $0x40, s3, s14, $0xb8;
	[tilespmem:$0x10F00] =	vst v63  }
0x42: {  	s22 =	sadd.s32 s6, s22  }
0x43: {  	[tilespmem:s14], [sflag:$0x2] =	stream.linear.gather [hbm4b:s22+s3], $0x80, $0x38;
	[tilespmem:$0x10F00] =	vst v63  }
0x44: {  	_ =	swait.ge [sflag:s13], $0x80  }
0x45: {  	s21 =	sshll.u32 s21, $0x3;
	[sflag:s13] =	ssyncset.done $0x0  }
0x46: {  	s21 =	sadd.s32 s7, s21;
	[sflag:s13] =	ssyncadd.s32 $0xFFFFFF80  }
0x47: {  	[tilespmem:s16], [sflag:$0x2] =	stream.linear.gather [hbm4b:s21+s3], $0x2000, $0x38;
	[tilespmem:$0x10F00] =	vst v63  }
0x48: {  	_ =	swait.ge [sflag:s13], $0x2000  }
0x49: {  	[sflag:s13] =	ssyncset.done $0x0  }
0x4a: {  	[sflag:s13] =	ssyncadd.s32 $0xFFFFE000  }
0x4b: {  	_ =	swait.ge [sflag:s17], $0x2000  }
0x4c: {  	[sflag:s17] =	ssyncset.done $0x0  }
0x4d: {  	s31 =	simm.s32 $0x200;
	[sflag:s17] =	ssyncadd.s32 $0xFFFFE000  }
0x4e: {  	v2 =	vld [tilespmem:s31+$0xC0]  }
0x4f: {  	s21 =	simm.s32 $0x2200;
	v3 =	vld [tilespmem:s31+$0xD0]  }
0x50: {  	v4 =	vld [tilespmem:s21+$0xC0]  }
0x51: {  	v5 =	vld [tilespmem:s21+$0xD0]  }
0x52: {  	v6 =	vld [tilespmem:s31+$0xE0]  }
0x53: {  	v7 =	vld [tilespmem:s21+$0xE0]  }
0x54: {  	v8 =	vld [tilespmem:s31+$0xF0]  }
0x55: {  	v9 =	vld [tilespmem:s21+$0xF0]  }
0x56: {  	v10 =	vld [tilespmem:s31+$0xFFFFFF10]  }
0x57: {  	v11 =	vld [tilespmem:s21+$0xFFFFFF00]  }
0x58: {  	v12 =	vld [tilespmem:s21+$0xFFFFFF10]  }
0x59: {  	v13 =	vld [tilespmem:s31+$0xFFFFFF40]  }
0x5a: {  	v14 =	vld [tilespmem:s31+$0xFFFFFF50]  }
0x5b: {  	v15 =	vld [tilespmem:s21+$0xFFFFFF40]  }
0x5c: {  	v16 =	vld [tilespmem:s21+$0xFFFFFF50]  }
0x5d: {  	v17 =	vld [tilespmem:s31+$0xFFFFFF80]  }
0x5e: {  	v18 =	vld [tilespmem:s31+$0xFFFFFF90]  }
0x5f: {  	v19 =	vld [tilespmem:s21+$0xFFFFFF80]  }
0x60: {  	v20 =	vld [tilespmem:s21+$0xFFFFFF90]  }
0x61: {  	v21 =	vld [tilespmem:s31+$0xFFFFFFC0]  }
0x62: {  	v22 =	vld [tilespmem:s31+$0xFFFFFFD0]  }
0x63: {  	v23 =	vld [tilespmem:s21+$0xFFFFFFC0]  }
0x64: {  	v24 =	vld [tilespmem:s21+$0xFFFFFFD0]  }
0x65: {  	v25 =	vld [tilespmem:s31+$0x0]  }
0x66: {  	v26 =	vld [tilespmem:s31+$0x10]  }
0x67: {  	v27 =	vld [tilespmem:s21+$0x0]  }
0x68: {  	v28 =	vld [tilespmem:s21+$0x10]  }
0x69: {  	v29 =	vld [tilespmem:s31+$0x40]  }
0x6a: {  	v30 =	vld [tilespmem:s31+$0x50]  }
0x6b: {  	v31 =	vld [tilespmem:s21+$0x40]  }
0x6c: {  	v32 =	vld [tilespmem:s21+$0x50]  }
0x6d: {  	v33 =	vld [tilespmem:s31+$0x80]  }
0x6e: {  	v34 =	vld [tilespmem:s31+$0x90]  }
0x6f: {  	v35 =	vld [tilespmem:s21+$0x80]  }
0x70: {  	v36 =	vld [tilespmem:s21+$0x90]  }
0x71: {  	v37 =	vld [tilespmem:s31+$0xFFFFFF00]  }
0x72: {  	v38 =	vld [tilespmem:s31+$0xFFFFFF20]  }
0x73: {  	v39 =	vld [tilespmem:s21+$0xFFFFFF20]  }
0x74: {  	v40 =	vld [tilespmem:s31+$0xFFFFFF60]  }
0x75: {  	v41 =	vld [tilespmem:s21+$0xFFFFFF60]  }
0x76: {  	v44 =	vld [tilespmem:s31+$0xFFFFFFE0]  }
0x77: {  	v45 =	vld [tilespmem:s21+$0xFFFFFFE0]  }
0x78: {  	v42 =	vld [tilespmem:s31+$0xFFFFFFA0]  }
0x79: {  	v51 =	vld [tilespmem:s31+$0xFFFFFF30];
	v2 =	vmul.f32 v4, v2  }
0x7a: {  	v53 =	vld [tilespmem:s21+$0xFFFFFF30];
	v3 =	vmul.f32 v5, v3;
	v52 =	vmul.f32 v31, v29  }
0x7b: {  	v4 =	vld [tilespmem:s31+$0x20];
	v11 =	vmul.f32 v11, v37;
	v55 =	vmul.f32 v36, v34  }
0x7c: {  	v5 =	vld [tilespmem:s21+$0x20];
	v57 =	vmul.f32 v41, v40;
	v59 =	vmul.f32 v45, v44  }
0x7d: {  	v43 =	vld [tilespmem:s21+$0xFFFFFFA0];
	v2 =	vadd.f32 v3, v2;
	v3 =	vmul.f32 v7, v6;
	v6 =	vmul.f32 v9, v8  }
0x7e: {  	v49 =	vld [tilespmem:s21+$0xA0];
	v8 =	vmul.f32 v12, v10;
	v9 =	vmul.f32 v15, v13  }
0x7f: {  	v54 =	vld [tilespmem:s31+$0xFFFFFF70];
	v12 =	vmul.f32 v19, v17;
	v15 =	vmul.f32 v23, v21;
	v2 =	vadd.f32 v3, v2  }
0x80: {  	v56 =	vld [tilespmem:s21+$0xFFFFFF70];
	v3 =	vmul.f32 v16, v14;
	v14 =	vmul.f32 v20, v18  }
0x81: {  	v58 =	vld [tilespmem:s21+$0xFFFFFFB0];
	v18 =	vmul.f32 v53, v51;
	v5 =	vmul.f32 v5, v4;
	v50 =	vadd.f32 v6, v2  }
0x82: {  	v13 =	vld [tilespmem:s31+$0xA0];
	v6 =	vmul.f32 v27, v25;
	v3 =	vadd.f32 v3, v9;
	v9 =	vmul.f32 v28, v26  }
0x83: {  	v7 =	vld [tilespmem:s31+$0x60];
	v2 =	vmul.f32 v24, v22;
	v12 =	vadd.f32 v14, v12;
	v14 =	vmul.f32 v32, v30  }
0x84: {  	v10 =	vld [tilespmem:s21+$0x60];
	v9 =	vadd.f32 v9, v6;
	v6 =	vadd.f32 v8, v11;
	v8 =	vmul.f32 v39, v38  }
0x85: {  	v2 =	vadd.f32 v2, v15;
	v15 =	vmul.f32 v35, v33;
	v11 =	vld [tilespmem:s31+$0xFFFFFFB0];
	v14 =	vadd.f32 v14, v52  }
0x86: {  	v60 =	vld [tilespmem:s31+$0xFFFFFFF0];
	v3 =	vadd.f32 v57, v3;
	v8 =	vadd.f32 v8, v6;
	v6 =	vmul.f32 v43, v42  }
0x87: {  	v61 =	vld [tilespmem:s21+$0xFFFFFFF0];
	v13 =	vmul.f32 v49, v13;
	v15 =	vadd.f32 v55, v15;
	v4 =	vadd.f32 v59, v2  }
0x88: {  	v2 =	vadd.f32 v5, v9;
	v9 =	vmul.f32 v56, v54;
	v62 =	vadd.f32 v6, v12;
	v6 =	vld [tilespmem:s31+$0x30]  }
0x89: {  	v17 =	vadd.f32 v1, v50;
	v5 =	vadd.f32 v18, v8;
	v8 =	vld [tilespmem:s21+$0x30];
	v12 =	vmul.f32 v10, v7  }
0x8a: {  	v7 =	vld [tilespmem:s31+$0x70];
	v63 =	vadd.f32 v9, v3;
	v3 =	vadd.f32 v13, v15;
	v11 =	vmul.f32 v58, v11  }
0x8b: {  	s22 =	simm.s32 $0x4140;
	v10 =	vld [tilespmem:s21+$0x70];
	v18 =	vadd.f32 v1, v5;
	v5 =	vadd.f32 v12, v14  }
0x8c: {  	[tilespmem:s22+$0x30] =	vst v17;
	v9 =	vld [tilespmem:s31+$0xB0];
	v12 =	vadd.f32 v1, v63;
	v14 =	vmul.f32 v61, v60;
	v13 =	vadd.f32 v11, v62  }
0x8d: {  	s24 =	simm.s32 $0x400;
	s23 =	simm.s32 $0x0;
	v11 =	vld [tilespmem:s21+$0xB0];
	[tilespmem:s22+$0xFFFFFFC0] =	vst v18  }
.LBB2_5:
0x8e: {  	v15 =	vld [tilespmem:s24+$0xC0];
	[tilespmem:s22+$0xFFFFFFD0] =	vst v12;
	v12 =	vadd.f32 v1, v13;
	v4 =	vadd.f32 v14, v4;
	v6 =	vmul.f32 v8, v6  }
0x8f: {  	s21 =	sadd.s32 $0x200, s21;
	v8 =	vld [tilespmem:s24+$0xD0]  }
0x90: {  	v13 =	vld [tilespmem:s21+$0xC0];
	[tilespmem:s22+$0xFFFFFFE0] =	vst v12;
	v4 =	vadd.f32 v1, v4;
	v2 =	vadd.f32 v6, v2;
	v6 =	vmul.f32 v10, v7  }
0x91: {  	s23 =	sadd.s32 $0x8, s23;
	v7 =	vld [tilespmem:s21+$0xD0]  }
0x92: {  	p0 =	slt.u32 s23, $0x78;
	v10 =	vld [tilespmem:s24+$0xE0];
	[tilespmem:s22+$0xFFFFFFF0] =	vst v4;
	v2 =	vadd.f32 v1, v2;
	v4 =	vadd.f32 v6, v5;
	v5 =	vmul.f32 v11, v9  }
0x93: {  	v6 =	vld [tilespmem:s21+$0xE0]  }
0x94: {  	v9 =	vld [tilespmem:s24+$0xF0];
	[tilespmem:s22+$0x0] =	vst v2;
	v2 =	vadd.f32 v1, v4;
	v3 =	vadd.f32 v5, v3  }
0x95: {  	v4 =	vld [tilespmem:s21+$0xF0]  }
0x96: {  	v11 =	vmul.f32 v13, v15;
	v5 =	vld [tilespmem:s24+$0xFFFFFF10];
	v7 =	vmul.f32 v7, v8;
	[tilespmem:s22+$0x10] =	vst v2;
	v2 =	vadd.f32 v1, v3  }
0x97: {  	v3 =	vld [tilespmem:s21+$0xFFFFFF00]  }
0x98: {  	v8 =	vld [tilespmem:s21+$0xFFFFFF10];
	v7 =	vadd.f32 v7, v11;
	v6 =	vmul.f32 v6, v10;
	[tilespmem:s22+$0x20] =	vst v2  }
0x99: {  	v2 =	vld [tilespmem:s24+$0xFFFFFF40]  }
0x9a: {  	v10 =	vld [tilespmem:s24+$0xFFFFFF50];
	v6 =	vadd.f32 v6, v7;
	v4 =	vmul.f32 v4, v9  }
0x9b: {  	v7 =	vld [tilespmem:s21+$0xFFFFFF40]  }
0x9c: {  	v9 =	vld [tilespmem:s21+$0xFFFFFF50];
	v4 =	vadd.f32 v4, v6  }
0x9d: {  	v5 =	vmul.f32 v8, v5;
	v6 =	vld [tilespmem:s24+$0xFFFFFF80]  }
0x9e: {  	v8 =	vld [tilespmem:s24+$0xFFFFFF90];
	v4 =	vadd.f32 v1, v4  }
0x9f: {  	s22 =	sadd.s32 $0x80, s22;
	v11 =	vld [tilespmem:s21+$0xFFFFFF80]  }
0xa0: {  	v2 =	vmul.f32 v7, v2;
	v7 =	vld [tilespmem:s21+$0xFFFFFF90];
	[tilespmem:s22+$0x30] =	vst v4  }
0xa1: {  	v4 =	vmul.f32 v9, v10;
	v9 =	vld [tilespmem:s24+$0xFFFFFFC0]  }
0xa2: {  	v10 =	vld [tilespmem:s24+$0xFFFFFFD0]  }
0xa3: {  	v2 =	vadd.f32 v4, v2;
	v4 =	vld [tilespmem:s21+$0xFFFFFFC0]  }
0xa4: {  	v6 =	vmul.f32 v11, v6;
	v11 =	vld [tilespmem:s21+$0xFFFFFFD0]  }
0xa5: {  	v7 =	vmul.f32 v7, v8;
	v8 =	vld [tilespmem:s24+$0x0]  }
0xa6: {  	v12 =	vld [tilespmem:s24+$0x10]  }
0xa7: {  	v6 =	vadd.f32 v7, v6;
	v7 =	vld [tilespmem:s21+$0x0]  }
0xa8: {  	v4 =	vmul.f32 v4, v9;
	v9 =	vld [tilespmem:s21+$0x10]  }
0xa9: {  	v10 =	vmul.f32 v11, v10;
	v11 =	vld [tilespmem:s24+$0x40]  }
0xaa: {  	v13 =	vld [tilespmem:s24+$0x50]  }
0xab: {  	v4 =	vadd.f32 v10, v4;
	v10 =	vld [tilespmem:s21+$0x40]  }
0xac: {  	v7 =	vmul.f32 v7, v8;
	v8 =	vld [tilespmem:s21+$0x50]  }
0xad: {  	v9 =	vmul.f32 v9, v12;
	v12 =	vld [tilespmem:s24+$0x80]  }
0xae: {  	v14 =	vld [tilespmem:s24+$0x90]  }
0xaf: {  	v7 =	vadd.f32 v9, v7;
	v9 =	vld [tilespmem:s21+$0x80]  }
0xb0: {  	v10 =	vmul.f32 v10, v11;
	v11 =	vld [tilespmem:s21+$0x90]  }
0xb1: {  	v15 =	vld [tilespmem:s24+$0xFFFFFF00];
	v8 =	vmul.f32 v8, v13  }
0xb2: {  	v13 =	vld [tilespmem:s24+$0xFFFFFF20]  }
0xb3: {  	v16 =	vld [tilespmem:s21+$0xFFFFFF20];
	v8 =	vadd.f32 v8, v10  }
0xb4: {  	v10 =	vld [tilespmem:s24+$0xFFFFFF60];
	v9 =	vmul.f32 v9, v12  }
0xb5: {  	v12 =	vld [tilespmem:s21+$0xFFFFFF60];
	v11 =	vmul.f32 v11, v14  }
0xb6: {  	v3 =	vmul.f32 v3, v15;
	v14 =	vld [tilespmem:s24+$0xFFFFFFA0]  }
0xb7: {  	v15 =	vld [tilespmem:s21+$0xFFFFFFA0];
	v9 =	vadd.f32 v11, v9  }
0xb8: {  	v3 =	vadd.f32 v5, v3;
	v5 =	vmul.f32 v16, v13;
	v11 =	vld [tilespmem:s24+$0xFFFFFFE0]  }
0xb9: {  	v13 =	vld [tilespmem:s21+$0xFFFFFFE0]  }
0xba: {  	v16 =	vadd.f32 v5, v3;
	v3 =	vmul.f32 v12, v10;
	v5 =	vld [tilespmem:s24+$0x20]  }
0xbb: {  	v10 =	vld [tilespmem:s21+$0x20]  }
0xbc: {  	v12 =	vadd.f32 v3, v2;
	v2 =	vmul.f32 v15, v14;
	v3 =	vld [tilespmem:s24+$0x60]  }
0xbd: {  	v14 =	vld [tilespmem:s21+$0x60]  }
0xbe: {  	v15 =	vadd.f32 v2, v6;
	v2 =	vmul.f32 v13, v11;
	v6 =	vld [tilespmem:s24+$0xA0]  }
0xbf: {  	v11 =	vld [tilespmem:s21+$0xA0]  }
0xc0: {  	v13 =	vld [tilespmem:s24+$0xFFFFFF30];
	v4 =	vadd.f32 v2, v4;
	v2 =	vmul.f32 v10, v5  }
0xc1: {  	v10 =	vld [tilespmem:s21+$0xFFFFFF30]  }
0xc2: {  	v17 =	vld [tilespmem:s24+$0xFFFFFF70];
	v2 =	vadd.f32 v2, v7;
	v3 =	vmul.f32 v14, v3  }
0xc3: {  	v7 =	vld [tilespmem:s21+$0xFFFFFF70]  }
0xc4: {  	v14 =	vld [tilespmem:s24+$0xFFFFFFB0];
	v5 =	vadd.f32 v3, v8;
	v3 =	vmul.f32 v11, v6  }
0xc5: {  	v11 =	vld [tilespmem:s21+$0xFFFFFFB0]  }
0xc6: {  	v6 =	vmul.f32 v10, v13;
	v18 =	vld [tilespmem:s24+$0xFFFFFFF0];
	v3 =	vadd.f32 v3, v9  }
0xc7: {  	v9 =	vld [tilespmem:s21+$0xFFFFFFF0]  }
0xc8: {  	v10 =	vadd.f32 v6, v16;
	v7 =	vmul.f32 v7, v17;
	v6 =	vld [tilespmem:s24+$0x30]  }
.Ltmp1:
0xc9: {  	v8 =	vld [tilespmem:s21+$0x30];
	(pc) =	sbr.rel @p0 .LBB2_5-.Ltmp1, $4  }
0xca: {  	v13 =	vadd.f32 v1, v10;
	v12 =	vadd.f32 v7, v12;
	v11 =	vmul.f32 v11, v14;
	v7 =	vld [tilespmem:s24+$0x70]  }
0xcb: {  	v10 =	vld [tilespmem:s21+$0x70]  }
0xcc: {  	[tilespmem:s22+$0xFFFFFFC0] =	vst v13;
	v12 =	vadd.f32 v1, v12;
	v13 =	vadd.f32 v11, v15;
	v14 =	vmul.f32 v9, v18;
	v9 =	vld [tilespmem:s24+$0xB0]  }
0xcd: {  	s24 =	sadd.s32 $0x200, s24;
	v11 =	vld [tilespmem:s21+$0xB0]  }
0xce: {  	_ =	sdelay $0x1  }
0xcf: {  	v6 =	vmul.f32 v8, v6  }
0xd0: {  	v4 =	vadd.f32 v14, v4;
	v7 =	vmul.f32 v10, v7  }
0xd1: {  	v61 =	vadd.f32 v1, v13;
	v2 =	vadd.f32 v6, v2;
	v62 =	vmul.f32 v11, v9  }
0xd2: {  	[tilespmem:s22+$0xFFFFFFD0] =	vst v12;
	v4 =	vadd.f32 v1, v4;
	v5 =	vadd.f32 v7, v5  }
0xd3: {  	[tilespmem:s22+$0xFFFFFFE0] =	vst v61;
	v2 =	vadd.f32 v1, v2;
	v3 =	vadd.f32 v62, v3  }
0xd4: {  	[tilespmem:s22+$0xFFFFFFF0] =	vst v4;
	v63 =	vadd.f32 v1, v5  }
0xd5: {  	s20 =	sadd.s32 $0x1, s20;
	[tilespmem:s22+$0x0] =	vst v2;
	v2 =	vadd.f32 v1, v3  }
0xd6: {  	p0 =	sne.s32 s20, $0xC8;
	[tilespmem:s22+$0x10] =	vst v63  }
.Ltmp2:
0xd7: {  	[tilespmem:s22+$0x20] =	vst v2;
	(pc) =	sbr.rel @p0 .LBB2_4-.Ltmp2, $4  }
0xd8: {  	[spmem:s1] =	stream.indirect.scatter.add.f32 [tilespmem:s18], [sflag:$0x2], $0x10, s14, s14, $0xb8;
	[tilespmem:$0x10F00] =	vst v63  }
0xd9: {  	_ =	swait.ge [sflag:s13], $0x800  }
0xda: {  	[sflag:s13] =	ssyncset.done $0x0  }
0xdb: {  	[sflag:s13] =	ssyncadd.s32 $0xFFFFF800  }
0xdc: {  	[bflag:$0x0] =	sbarrier.arrive $0xFFFF;
	s20 =	sshll.u32 s2, $0x6  }
0xdd: {  	s21 =	sadd.s32 $0x0, s11;
	s22 =	sshrl.u32 s8, $0x3;
	s20 =	sor.u32 $0x1C02, s20  }
0xde: {  	[hbm:s21], [sflag:s20] =	dma.local [spmem:s22], $0x40  }
0xdf: {  	s21 =	simm.s32 $0x40;
	s22 =	sadd.s32 $0x200, s8;
	_ =	swait.ge [sflag:s13], $0x40  }
.LBB2_8:
0xe0: {  	s23 =	sadd.s32 s21, s11;
	[sflag:s13] =	ssyncset.done $0x0;
	p0 =	sne.s32 s21, $0x1840  }
.Ltmp3:
0xe1: {  	s24 =	sshrl.u32 s22, $0x3;
	[sflag:s13] =	ssyncadd.s32 $0xFFFFFFC0;
	(pc) =	sbr.rel @p0 .LBB2_8-.Ltmp3, $3  }
0xe2: {  	[hbm:s23], [sflag:s20] =	dma.local [spmem:s24], $0x40  }
0xe3: {  	s21 =	sadd.s32 $0x40, s21;
	_ =	sdelay $0x1  }
0xe4: {  	s22 =	sadd.s32 $0x200, s22;
	_ =	swait.ge [sflag:s13], $0x40  }
0xe5: {  	s19 =	sadd.s32 $0x1, s19  }
0xe6: {  	p0 =	sne.s32 s19, s10  }
.Ltmp4:
0xe7: {  	_ = 	snop;
	(pc) =	sbr.rel @p0 .LBB2_1-.Ltmp4, $3  }
0xe8: {  	_ =	sdelay $0x1  }
0xe9: {  	[sflag:s13] =	ssyncset.done $0x0  }
0xea: {  	[sflag:s13] =	ssyncadd.s32 $0xFFFFFFC0  }
0xeb: {  	_ =	sfence.sel $0x180000  }
0xec: {  	[bflag:$0x0] =	sbarrier.arrive $0xFFFF  }
0xed: {  	p0 =	sne.s32 s2, $0x0;
	_ =	strace $0x90000047  }
0xee: {  	s0 =	sadd.s32 @!p0 $0x100000, s0;
	[bflag:$0x2] =	sbarrier.arrive $0xFFFF  }
0xef: {  	[sflag:s0] =	ssyncadd.tile.s32 @!p0 $0x1;
	_ =	shalt  }
.Lfunc_end2:
_tile_overlayer_lowered:
.L_overlay_start_2:
0xf0: {  	(tag) =	ssettag $0x2  }
0xf1: {  	s0 =	rddreg [dreg:$0x0];
	s2 =	stileid.u32  }
0xf2: {  	s1 =	rddreg [dreg:$0x1];
	p0 =	sne.s32 s2, $0x0  }
0xf3: {  	s3 =	rddreg [dreg:$0x2];
	[bflag:$0x3] =	sbarrier.arrive $0xFFFF;
	s2 =	simm.s32 @!p0 $0x1C02  }
0xf4: {  	[timem:s3], [sflag:s2] =	dma.local @!p0 [hbm:s0], s1  }
0xf5: {  	s0 =	simm.s32 @!p0 $0x2  }
0xf6: {  	_ =	swait.ge @!p0 [sflag:s0], s1  }
0xf7: {  	s1 =	ssub.s32 @!p0 $0x0, s1;
	[sflag:s0] =	ssyncset.done @!p0 $0x0  }
0xf8: {  	[sflag:s0] =	ssyncadd.s32 @!p0 s1  }
0xf9: {  	[bflag:$0x3] =	sbarrier.arrive $0xFFFF  }
0xfa: {  	_ =	shalt  }

// kernel: kernel.17.cloned.1.call-start
scs
__scs_entry_jumppad:
0x0: {  	(pc) =	sbr.rel $0x88, $3  }
0x1: {  	(tag) =	ssettag $0x0;
	lr =	simm.s32 $0x1  }
0x2: {  	[smem:$0x3F93] =	sst lr;
	_ =	strace $0xD0000000  }
0x3: {  	_ = 	snop  }
0x4: {  	_ = 	snop  }
0x5: {  	_ = 	snop  }
0x6: {  	_ = 	snop  }
0x7: {  	_ = 	snop  }
__scs_overlays_trampoline_lowered:
0x8: {  	[smem:$0x3FA2] =	sst s0  }
0x9: {  	[smem:$0x3FA3] =	sst s1  }
0xa: {  	[smem:$0x3FA4] =	sst s2  }
0xb: {  	[smem:$0x3FA5] =	sst s3  }
0xc: {  	[smem:$0x3FA6] =	sst s4  }
0xd: {  	[smem:$0x3FA7] =	sst s5  }
0xe: {  	[smem:$0x3FA8] =	sst s6  }
0xf: {  	[smem:$0x3FA9] =	sst s7  }
0x10: {  	[smem:$0x3FAA] =	sst s8  }
0x11: {  	[smem:$0x3FAB] =	sst s9;
	s0 =	simm.s32 @!p0 $0x0  }
0x12: {  	s1 =	sld [smem:$0x3F91];
	s0 =	simm.s32 @p0 $0x1  }
0x13: {  	[smem:$0x3FAC] =	sst s0;
	s0 =	simm.s32 @!p1 $0x0  }
0x14: {  	s2 =	sld [smem:$0x3F90];
	s0 =	simm.s32 @p1 $0x1  }
0x15: {  	[smem:$0x3FAD] =	sst s0;
	s0 =	simm.s32 @!p2 $0x0  }
0x16: {  	s3 =	sld [smem:$0x3FDB];
	s0 =	simm.s32 @p2 $0x1  }
0x17: {  	s4 =	simm.s32 $0x1BF5;
	[smem:$0x3FAF] =	sst s0  }
0x18: {  	s0 =	sld [smem:$0x3F92];
	_ =	swait.ge [sflag:s4], $0x0  }
0x19: {  	s7 =	sld [smem:$0x3F93]  }
0x1a: {  	s8 =	sadd.s32 $0xFFFFE003, lr  }
0x1b: {  	s9 =	sadd.s32 $0xFFFFFEF7, lr;
	s5 =	simm.s32 $0xFFFFFFFF;
	p2 =	slt.u32 s8, $0xFFFFF086  }
0x1c: {  	p1 =	slt.u32 s9, $0xF7A;
	s5 =	simm.s32 @!p2 $0x0  }
0x1d: {  	s5 =	simm.s32 @p1 $0x1;
	p0 =	seq.s32 s7, s2  }
0x1e: {  	s7 =	smul.u32 @!p0 $0xF7A, s2;
	p2 =	seq.s32 @!p0 s5, $0x0  }
0x1f: {  	s9 =	smul.u32 $0xF7A, s1;
	s8 =	simm.s32 @!p0 $0x1BF5;
	p2 =	por !p2, p0  }
0x20: {  	[sflag:s8] =	ssyncset.s32 @!p0 $0xFFFFF086;
	s6 =	sadd.s32 @!p0 s3, s7;
	s7 =	simm.s32 @!p0 $0x108  }
0x21: {  	s3 =	sadd.s32 s3, s9;
	s6 =	sadd.s32 @!p0 $0x88, s6;
	s7 =	simm.s32 @p2 $0x1082  }
0x22: {  	[simem:s7], [sflag:s8] =	dma.local @!p0 [hbm:s6], $0xF7A  }
0x23: {  	s9 =	sor.u32 $0xD0000000, s2;
	s6 =	simm.s32 $0x108;
	_ =	swait.ge @!p0 [sflag:s8], $0x0  }
0x24: {  	s3 =	sadd.s32 $0x88, s3;
	s6 =	simm.s32 @!p1 $0x1082;
	[sflag:s4] =	ssyncset.s32 $0xFFFFF086  }
0x25: {  	[simem:s6], [sflag:s4] =	dma.local [hbm:s3], $0xF7A  }
0x26: {  	[smem:$0x3F93] =	sst s1;
	(tag) =	ssettag s2;
	_ =	strace s9  }
0x27: {  	s1 =	sld [smem:$0x3FA3]  }
0x28: {  	s2 =	sld [smem:$0x3FA4]  }
0x29: {  	s4 =	sld [smem:$0x3FA6]  }
0x2a: {  	p0 =	seq.s32 s5, $0x0;
	s5 =	sld [smem:$0x3FA7]  }
0x2b: {  	s6 =	sld [smem:$0x3FA8]  }
0x2c: {  	s7 =	sld [smem:$0x3FA9]  }
0x2d: {  	s3 =	simm.s32 $0x108;
	s8 =	sld [smem:$0x3FAA]  }
0x2e: {  	s3 =	simm.s32 @!p0 $0x1082;
	s9 =	sld [smem:$0x3FAB]  }
0x2f: {  	lr =	sadd.s32 s0, s3;
	s0 =	sld [smem:$0x3FA2]  }
0x30: {  	s3 =	sld [smem:$0x3FA5]  }
0x31: {  	[smem:$0x3FAE] =	sst s10  }
0x32: {  	s10 =	sld [smem:$0x3FAC];
	_ =	sdelay $0x3  }
0x33: {  	p0 =	seq.s32 s10, $0x1;
	s10 =	sld [smem:$0x3FAE];
	_ =	sdelay $0x3  }
0x34: {  	[smem:$0x3FAE] =	sst s10  }
0x35: {  	s10 =	sld [smem:$0x3FAD];
	_ =	sdelay $0x3  }
0x36: {  	p1 =	seq.s32 s10, $0x1;
	s10 =	sld [smem:$0x3FAE];
	_ =	sdelay $0x3  }
0x37: {  	[smem:$0x3FAE] =	sst s10  }
0x38: {  	s10 =	sld [smem:$0x3FAF]  }
0x39: {  	_ = 	snop;
	(pc) =	sbr.ind lr, $3  }
0x3a: {  	_ = 	snop  }
0x3b: {  	_ = 	snop  }
0x3c: {  	p2 =	seq.s32 s10, $0x1;
	s10 =	sld [smem:$0x3FAE]  }
0x3d: {  	_ =	shalt  }
0x3e: {  	_ =	shalt  }
0x3f: {  	_ =	shalt  }
0x40: {  	_ =	shalt  }
0x41: {  	_ =	shalt  }
0x42: {  	_ =	shalt  }
0x43: {  	_ =	shalt  }
0x44: {  	_ =	shalt  }
0x45: {  	_ =	shalt  }
0x46: {  	_ =	shalt  }
0x47: {  	_ =	shalt  }
0x48: {  	_ =	shalt  }
0x49: {  	_ =	shalt  }
0x4a: {  	_ =	shalt  }
0x4b: {  	_ =	shalt  }
0x4c: {  	_ =	shalt  }
0x4d: {  	_ =	shalt  }
0x4e: {  	_ =	shalt  }
0x4f: {  	_ =	shalt  }
0x50: {  	_ =	shalt  }
0x51: {  	_ =	shalt  }
0x52: {  	_ =	shalt  }
0x53: {  	_ =	shalt  }
0x54: {  	_ =	shalt  }
0x55: {  	_ =	shalt  }
0x56: {  	_ =	shalt  }
0x57: {  	_ =	shalt  }
0x58: {  	_ =	shalt  }
0x59: {  	_ =	shalt  }
0x5a: {  	_ =	shalt  }
0x5b: {  	_ =	shalt  }
0x5c: {  	_ =	shalt  }
0x5d: {  	_ =	shalt  }
0x5e: {  	_ =	shalt  }
0x5f: {  	_ =	shalt  }
0x60: {  	_ =	shalt  }
0x61: {  	_ =	shalt  }
0x62: {  	_ =	shalt  }
0x63: {  	_ =	shalt  }
0x64: {  	_ =	shalt  }
0x65: {  	_ =	shalt  }
0x66: {  	_ =	shalt  }
0x67: {  	_ =	shalt  }
0x68: {  	_ =	shalt  }
0x69: {  	_ =	shalt  }
0x6a: {  	_ =	shalt  }
0x6b: {  	_ =	shalt  }
0x6c: {  	_ =	shalt  }
0x6d: {  	_ =	shalt  }
0x6e: {  	_ =	shalt  }
0x6f: {  	_ =	shalt  }
0x70: {  	_ =	shalt  }
0x71: {  	_ =	shalt  }
0x72: {  	_ =	shalt  }
0x73: {  	_ =	shalt  }
0x74: {  	_ =	shalt  }
0x75: {  	_ =	shalt  }
0x76: {  	_ =	shalt  }
0x77: {  	_ =	shalt  }
0x78: {  	_ =	shalt  }
0x79: {  	_ =	shalt  }
0x7a: {  	_ =	shalt  }
0x7b: {  	_ =	shalt  }
0x7c: {  	_ =	shalt  }
0x7d: {  	_ =	shalt  }
0x7e: {  	_ =	shalt  }
0x7f: {  	_ =	shalt  }
0x80: {  	_ =	shalt  }
0x81: {  	_ =	shalt  }
0x82: {  	_ =	shalt  }
0x83: {  	_ =	shalt  }
0x84: {  	_ =	shalt  }
0x85: {  	_ =	shalt  }
0x86: {  	_ =	shalt  }
0x87: {  	_ =	shalt  }
.Lfunc_end0:
.L_simem_size_0:
called_computation.1_lowered:
.L_overlay_start_0:
0x88: {  	s2 =	sld [smem:$0x3FD9]  }
0x89: {  	s3 =	sld [smem:$0x3FFE];
	_ =	sdelay $0x1  }
0x8a: {  	s1 =	srdreg.scid  }
0x8b: {  	s0 =	sand.u32 $0x1, s1  }
0x8c: {  	s16 =	sshll.u32 s0, $0xA;
	s2 =	sadd.s32 s3, s2  }
0x8d: {  	s2 =	sadd.s32 s2, s16  }
0x8e: {  	[smem:$0x3FBA] =	sst s2  }
0x8f: {  	_ = 	snop  }
0x90: {  	(tm) =	ssettm $0x1  }
0x91: {  	s17 =	sld [smem:$0x3FFB];
	_ =	sdelay $0x3  }
0x92: {  	_ =	strace s17  }
0x93: {  	s2 =	sld [smem:$0x3FFC];
	_ =	sdelay $0x3  }
0x94: {  	_ =	strace s2  }
0x95: {  	s2 =	sld [smem:$0x3FFD];
	_ =	sdelay $0x3  }
0x96: {  	_ =	strace s2  }
0x97: {  	_ =	strace $0x8FFFFFFF  }
0x98: {  	s18 =	sld [smem:$0x3FDB];
	_ =	sdelay $0x1  }
0x99: {  	s19 =	simm.s32 $_scs_section_size  }
0x9a: {  	s4 =	simm.s32 $_size__tile_overlayer_lowered;
	s5 =	simm.s32 $_tile_overlayer_lowered  }
0x9b: {  	s22 =	simm.s32 $0x1BFF;
	s21 =	sshll.u32 s5, $0x1;
	s2 =	sadd.s32 s19, s18  }
0x9c: {  	s6 =	simm.s32 $0x0;
	s20 =	sshll.u32 s4, $0x1;
	s4 =	sadd.s32 s21, s2  }
0x9d: {  	[timem:s6], [sflag:s22] =	dma.local [hbm:s4], s20  }
0x9e: {  	_ =	swait.ge [sflag:s22], s20  }
0x9f: {  	s3 =	ssub.s32 $0x0, s20;
	[sflag:s22] =	ssyncset.done $0x0  }
0xa0: {  	[sflag:s22] =	ssyncadd.s32 s3;
	_ =	sdelay $0x1  }
0xa1: {  	s23 =	simm.s32 $0x1B8B  }
0xa2: {  	_ =	swait.ge [sflag:s23], $0x1  }
0xa3: {  	[sflag:s23] =	ssyncset.done $0x0  }
0xa4: {  	s25 =	simm.s32 $0x1B8E;
	s24 =	sld [smem:$0x3FFE];
	[sflag:s23] =	ssyncadd.s32 $0xFFFFFFFF  }
0xa5: {  	s26 =	simm.s32 $execute0_lowered;
	[smem:$0x3FD2] =	sst s25  }
0xa6: {  	s4 =	sshll.u32 s26, $0x1;
	_ =	strace $0x80000049;
	[dreg:$0x1] =	wrdreg $0xFFFFFFFF  }
0xa7: {  	s28 =	simm.s32 $_size_execute0_lowered;
	s2 =	sadd.s32 s2, s4;
	[dreg:$0x0] =	wrdreg $0x0  }
0xa8: {  	s4 =	sshll.u32 s28, $0x1;
	[dreg:$0x2] =	wrdreg s2  }
0xa9: {  	[dreg:$0x3] =	wrdreg s4  }
0xaa: {  	[dreg:$0x4] =	wrdreg $0xC0  }
0xab: {  	_ =	task [dreg:s6], $0x5FFFF  }
0xac: {  	[dreg:$0x1] =	wrdreg $0xFFFFFFFF  }
0xad: {  	[dreg:$0x0] =	wrdreg $0x60  }
0xae: {  	[dreg:$0x2] =	wrdreg s24  }
0xaf: {  	[dreg:$0x3] =	wrdreg $0x4B000  }
0xb0: {  	[dreg:$0x4] =	wrdreg $0x9  }
0xb1: {  	_ =	task.clear_ibuf [dreg:s6], $0x5FFFF;
	_ =	strace $0x90000049  }
0xb2: {  	s29 =	simm.s32 $0x9;
	_ =	strace $0x8000004B  }
0xb3: {  	_ =	swait.ge [sflag:s29], $0x1  }
0xb4: {  	[sflag:s29] =	ssyncadd.s32 $0xFFFFFFFF  }
0xb5: {  	_ =	strace $0x9000004B  }
0xb6: {  	_ =	sfence  }
0xb7: {  	s30 =	sld [smem:$0x0];
	_ =	sdelay $0x2  }
0xb8: {  	s31 =	sshll.u32 s1, $0xD;
	s1 =	sshrl.u32 s1, $0x2  }
0xb9: {  	s3 =	sand.u32 $0x4000, s31;
	s1 =	sadd.s32 s1, s30  }
0xba: {  	s0 =	sor.u32 s3, s0;
	s1 =	sshll.u32 s1, $0x11  }
0xbb: {  	s0 =	sor.u32 s1, s0  }
0xbc: {  	s0 =	sadd.s32 $0x8F2B, s0  }
0xbd: {  	[sflag:s0] =	ssyncadd.remote.s32 $0x1  }
0xbe: {  	_ =	sfence.sel $0xFFFF  }
0xbf: {  	[dreg:$0x0] =	wrdreg $0xFFFFFFFF;
	(pc) =	sbr.abs _section_cstart, $3  }
0xc0: {  	[dreg:$0x1] =	wrdreg $0xFFFFFFFF  }
0xc1: {  	_ =	task.clear_ibuf [dreg:s6], $0x2FFFF;
	_ =	strace $0x9FFFFFFF  }
0xc2: {  	(tm) =	ssettm $0x7FFFFFFF  }
0xc3: {  	_ =	shalt  }
tec
execute0_lowered:
.L_overlay_start_1:
0x0: {  	(tag) =	ssettag $0x1  }
0x1: {  	s8 =	rddreg [dreg:$0x0]  }
0x2: {  	s1 =	rddreg [dreg:$0x1]  }
0x3: {  	s0 =	rddreg [dreg:$0x2];
	s3 =	simm.s32 $0x0  }
0x4: {  	s2 =	srdreg.scid;
	s14 =	simm.s32 $0x80;
	s15 =	simm.s32 $0x2100  }
0x5: {  	s16 =	simm.s32 $0x100;
	s17 =	simm.s32 $0x1;
	s18 =	simm.s32 $0x4100  }
0x6: {  	s19 =	simm.s32 $0x0;
	[smem:$0x7FF] =	sst s3;
	s9 =	sand.u32 $0x1, s2  }
0x7: {  	s2 =	stileid.u32;
	s4 =	sadd.s32 $0x674800, s8;
	s5 =	sadd.s32 $0x3800, s8  }
0x8: {  	s6 =	sadd.s32 $0x6D6800, s8;
	s7 =	sadd.s32 $0x34800, s8;
	s10 =	smul.u32 $0xC4000, s9  }
0x9: {  	_ =	strace $0x8000004A;
	s11 =	smul.u32 $0xC400, s2;
	s28 =	ssub.s32 $0x2, s9  }
0xa: {  	s12 =	smul.u32 $0x31000, s2;
	s30 =	sshll.u32 s2, $0x1;
	s29 =	sshrl.u32 s28, $0x1  }
0xb: {  	s9 =	sor.u32 s9, s30;
	s10 =	sadd.s32 s11, s10;
	s11 =	ssub.s32 s28, s29  }
0xc: {  	s31 =	sshrl.u32 s12, $0x2;
	s9 =	smul.u32 $0x6400, s9;
	s10 =	sshrl.u32 s10, $0x3  }
0xd: {  	s12 =	simm.s32 $0x4900;
	s13 =	sadd.s32 s10, s8;
	s8 =	sadd.s32 s31, s1  }
0xe: {  	v0 =	vimm.f32 $0.0e+00;
	s10 =	smax.u32 s11, $0x1;
	s11 =	sadd.s32 $0x6EF800, s13;
	s13 =	simm.s32 $0x2  }
.LBB2_1:
0xf: {  	[tilespmem:$0x4900] =	vst v0  }
0x10: {  	[tilespmem:$0x4910] =	vst v0  }
0x11: {  	[tilespmem:$0x4920] =	vst v0  }
0x12: {  	[tilespmem:$0x4930] =	vst v0  }
0x13: {  	[tilespmem:$0x4940] =	vst v0  }
0x14: {  	[tilespmem:$0x4950] =	vst v0  }
0x15: {  	[tilespmem:$0x4960] =	vst v0  }
0x16: {  	[tilespmem:$0x4970] =	vst v0  }
0x17: {  	[tilespmem:$0x4980] =	vst v0  }
0x18: {  	[tilespmem:$0x4990] =	vst v0  }
0x19: {  	[tilespmem:$0x49A0] =	vst v0  }
0x1a: {  	[tilespmem:$0x49B0] =	vst v0  }
0x1b: {  	[tilespmem:$0x49C0] =	vst v0  }
0x1c: {  	[tilespmem:$0x49D0] =	vst v0  }
0x1d: {  	[tilespmem:$0x49E0] =	vst v0  }
0x1e: {  	[tilespmem:$0x49F0] =	vst v0  }
0x1f: {  	[tilespmem:$0x4A00] =	vst v0  }
0x20: {  	[tilespmem:$0x4A10] =	vst v0  }
0x21: {  	[tilespmem:$0x4A20] =	vst v0  }
0x22: {  	[tilespmem:$0x4A30] =	vst v0  }
0x23: {  	[tilespmem:$0x4A40] =	vst v0  }
0x24: {  	[tilespmem:$0x4A50] =	vst v0  }
0x25: {  	[tilespmem:$0x4A60] =	vst v0  }
0x26: {  	[tilespmem:$0x4A70] =	vst v0  }
0x27: {  	[tilespmem:$0x4A80] =	vst v0  }
0x28: {  	[tilespmem:$0x4A90] =	vst v0  }
0x29: {  	[tilespmem:$0x4AA0] =	vst v0  }
0x2a: {  	[tilespmem:$0x4AB0] =	vst v0  }
0x2b: {  	[tilespmem:$0x4AC0] =	vst v0  }
0x2c: {  	[tilespmem:$0x4AD0] =	vst v0  }
0x2d: {  	[tilespmem:$0x4AE0] =	vst v0  }
0x2e: {  	[tilespmem:$0x4AF0] =	vst v0;
	s20 =	sadd.s32 $0x0, s8  }
0x2f: {  	[spmem:s20] =	stream.linear.scatter [tilespmem:s12], [sflag:$0x2], $0x200, $0x38;
	[tilespmem:$0x10F00] =	vst v63  }
0x30: {  	s20 =	simm.s32 $0x800;
	_ =	swait.ge [sflag:s13], $0x200  }
.LBB2_2:
0x31: {  	s21 =	sshra.s32 s20, $0x2;
	[sflag:s13] =	ssyncset.done $0x0;
	p0 =	sne.s32 s20, $0x30800  }
.Ltmp0:
0x32: {  	s21 =	sadd.s32 s21, s8;
	[sflag:s13] =	ssyncadd.s32 $0xFFFFFE00;
	(pc) =	sbr.rel @p0 .LBB2_2-.Ltmp0, $3  }
0x33: {  	[spmem:s21] =	stream.linear.scatter [tilespmem:s12], [sflag:$0x2], $0x200, $0x38;
	[tilespmem:$0x10F00] =	vst v63  }
0x34: {  	s20 =	sadd.s32 $0x800, s20;
	_ =	sdelay $0x1  }
0x35: {  	_ =	swait.ge [sflag:s13], $0x200  }
0x36: {  	[sflag:s13] =	ssyncset.done $0x0  }
0x37: {  	[sflag:s13] =	ssyncadd.s32 $0xFFFFFE00  }
0x38: {  	s20 =	simm.s32 $0x0;
	[bflag:$0x0] =	sbarrier.arrive $0xFFFF  }
.LBB2_4:
0x39: {  	s21 =	sshll.u32 s20, $0x7  }
0x3a: {  	s21 =	sadd.s32 s9, s21  }
0x3b: {  	s22 =	sshrl.u32 s21, $0x3  }
0x3c: {  	s23 =	sadd.s32 s5, s22  }
0x3d: {  	[tilespmem:s3], [sflag:$0x2] =	stream.linear.gather [hbm4b:s23+s3], $0x80, $0x38;
	[tilespmem:$0x10F00] =	vst v63  }
0x3e: {  	_ =	swait.ge [sflag:s13], $0x80  }
0x3f: {  	[sflag:s13] =	ssyncset.done $0x0  }
0x40: {  	[sflag:s13] =	ssyncadd.s32 $0xFFFFFF80  }
0x41: {  	[tilespmem:s15], [sflag:$0x1] =	stream.indirect.gather [hbm4b:s4+s14], $0x40, s3, s14, $0xb8;
	[tilespmem:$0x10F00] =	vst v63  }
0x42: {  	s22 =	sadd.s32 s6, s22  }
0x43: {  	[tilespmem:s14], [sflag:$0x2] =	stream.linear.gather [hbm4b:s22+s3], $0x80, $0x38;
	[tilespmem:$0x10F00] =	vst v63  }
0x44: {  	_ =	swait.ge [sflag:s13], $0x80  }
0x45: {  	s21 =	sshll.u32 s21, $0x3;
	[sflag:s13] =	ssyncset.done $0x0  }
0x46: {  	s21 =	sadd.s32 s7, s21;
	[sflag:s13] =	ssyncadd.s32 $0xFFFFFF80  }
0x47: {  	[tilespmem:s16], [sflag:$0x2] =	stream.linear.gather [hbm4b:s21+s3], $0x2000, $0x38;
	[tilespmem:$0x10F00] =	vst v63  }
0x48: {  	_ =	swait.ge [sflag:s13], $0x2000  }
0x49: {  	[sflag:s13] =	ssyncset.done $0x0  }
0x4a: {  	[sflag:s13] =	ssyncadd.s32 $0xFFFFE000  }
0x4b: {  	_ =	swait.ge [sflag:s17], $0x2000  }
0x4c: {  	[sflag:s17] =	ssyncset.done $0x0  }
0x4d: {  	s31 =	simm.s32 $0x200;
	[sflag:s17] =	ssyncadd.s32 $0xFFFFE000  }
0x4e: {  	v1 =	vld [tilespmem:s31+$0xC0]  }
0x4f: {  	s21 =	simm.s32 $0x2200;
	v2 =	vld [tilespmem:s31+$0xD0]  }
0x50: {  	v3 =	vld [tilespmem:s21+$0xC0]  }
0x51: {  	v4 =	vld [tilespmem:s21+$0xD0]  }
0x52: {  	v5 =	vld [tilespmem:s31+$0xE0]  }
0x53: {  	v6 =	vld [tilespmem:s21+$0xE0]  }
0x54: {  	v7 =	vld [tilespmem:s31+$0xF0]  }
0x55: {  	v8 =	vld [tilespmem:s21+$0xF0]  }
0x56: {  	v9 =	vld [tilespmem:s31+$0xFFFFFF10]  }
0x57: {  	v10 =	vld [tilespmem:s21+$0xFFFFFF00]  }
0x58: {  	v11 =	vld [tilespmem:s21+$0xFFFFFF10]  }
0x59: {  	v12 =	vld [tilespmem:s31+$0xFFFFFF40]  }
0x5a: {  	v13 =	vld [tilespmem:s31+$0xFFFFFF50]  }
0x5b: {  	v14 =	vld [tilespmem:s21+$0xFFFFFF40]  }
0x5c: {  	v15 =	vld [tilespmem:s21+$0xFFFFFF50]  }
0x5d: {  	v16 =	vld [tilespmem:s31+$0xFFFFFF80]  }
0x5e: {  	v17 =	vld [tilespmem:s31+$0xFFFFFF90]  }
0x5f: {  	v18 =	vld [tilespmem:s21+$0xFFFFFF80]  }
0x60: {  	v19 =	vld [tilespmem:s21+$0xFFFFFF90]  }
0x61: {  	v20 =	vld [tilespmem:s31+$0xFFFFFFC0]  }
0x62: {  	v21 =	vld [tilespmem:s31+$0xFFFFFFD0]  }
0x63: {  	v22 =	vld [tilespmem:s21+$0xFFFFFFC0]  }
0x64: {  	v23 =	vld [tilespmem:s21+$0xFFFFFFD0]  }
0x65: {  	v24 =	vld [tilespmem:s31+$0x0]  }
0x66: {  	v25 =	vld [tilespmem:s31+$0x10]  }
0x67: {  	v26 =	vld [tilespmem:s21+$0x0]  }
0x68: {  	v27 =	vld [tilespmem:s21+$0x10]  }
0x69: {  	v28 =	vld [tilespmem:s31+$0x40]  }
0x6a: {  	v29 =	vld [tilespmem:s31+$0x50]  }
0x6b: {  	v30 =	vld [tilespmem:s21+$0x40]  }
0x6c: {  	v31 =	vld [tilespmem:s21+$0x50]  }
0x6d: {  	v32 =	vld [tilespmem:s31+$0x80]  }
0x6e: {  	v33 =	vld [tilespmem:s31+$0x90]  }
0x6f: {  	v34 =	vld [tilespmem:s21+$0x80]  }
0x70: {  	v35 =	vld [tilespmem:s21+$0x90]  }
0x71: {  	v36 =	vld [tilespmem:s31+$0xFFFFFF00]  }
0x72: {  	v37 =	vld [tilespmem:s31+$0xFFFFFF20]  }
0x73: {  	v38 =	vld [tilespmem:s21+$0xFFFFFF20]  }
0x74: {  	v39 =	vld [tilespmem:s31+$0xFFFFFF60]  }
0x75: {  	v40 =	vld [tilespmem:s21+$0xFFFFFF60]  }
0x76: {  	v41 =	vld [tilespmem:s31+$0xFFFFFFA0]  }
0x77: {  	v42 =	vld [tilespmem:s21+$0xFFFFFFA0]  }
0x78: {  	v43 =	vld [tilespmem:s31+$0xFFFFFFE0]  }
0x79: {  	v44 =	vld [tilespmem:s21+$0xFFFFFFE0]  }
0x7a: {  	v45 =	vld [tilespmem:s31+$0x20]  }
0x7b: {  	v46 =	vld [tilespmem:s21+$0x60]  }
0x7c: {  	v53 =	vld [tilespmem:s31+$0xFFFFFF70];
	v1 =	vmul.f32 v3, v1;
	v2 =	vmul.f32 v4, v2  }
0x7d: {  	v55 =	vld [tilespmem:s21+$0xFFFFFF70];
	v52 =	vmul.f32 v27, v25;
	v54 =	vmul.f32 v31, v29  }
0x7e: {  	v57 =	vld [tilespmem:s21+$0xFFFFFFB0];
	v56 =	vmul.f32 v35, v33;
	v1 =	vadd.f32 v2, v1;
	v2 =	vmul.f32 v6, v5  }
0x7f: {  	v59 =	vld [tilespmem:s31+$0xFFFFFFF0];
	v58 =	vmul.f32 v40, v39;
	v5 =	vmul.f32 v8, v7  }
0x80: {  	v4 =	vld [tilespmem:s31+$0x60];
	v6 =	vmul.f32 v11, v9;
	v7 =	vmul.f32 v15, v13;
	v1 =	vadd.f32 v2, v1  }
0x81: {  	v11 =	vmul.f32 v18, v16;
	v13 =	vld [tilespmem:s31+$0xFFFFFF30];
	v2 =	vmul.f32 v14, v12  }
0x82: {  	v15 =	vld [tilespmem:s21+$0xFFFFFF30];
	v14 =	vadd.f32 v5, v1;
	v1 =	vmul.f32 v22, v20;
	v5 =	vmul.f32 v23, v21  }
0x83: {  	v8 =	vld [tilespmem:s31+$0xA0];
	v12 =	vmul.f32 v19, v17;
	v2 =	vadd.f32 v7, v2;
	v7 =	vmul.f32 v26, v24  }
0x84: {  	v60 =	vmul.f32 v44, v43;
	v9 =	vld [tilespmem:s21+$0xA0];
	v1 =	vadd.f32 v5, v1;
	v5 =	vmul.f32 v10, v36  }
0x85: {  	v11 =	vadd.f32 v12, v11;
	v12 =	vmul.f32 v30, v28;
	v16 =	vadd.f32 v52, v7;
	v10 =	vld [tilespmem:s31+$0xFFFFFFB0]  }
0x86: {  	v3 =	vld [tilespmem:s21+$0x20];
	v7 =	vmul.f32 v34, v32;
	v5 =	vadd.f32 v6, v5;
	v6 =	vmul.f32 v38, v37  }
0x87: {  	v61 =	vld [tilespmem:s21+$0xFFFFFFF0];
	v13 =	vmul.f32 v15, v13;
	v15 =	vmul.f32 v55, v53;
	v2 =	vadd.f32 v58, v2  }
0x88: {  	s22 =	simm.s32 $0x4140;
	v18 =	vadd.f32 v56, v7;
	v7 =	vmul.f32 v42, v41;
	v62 =	vadd.f32 v6, v5;
	v5 =	vld [tilespmem:s31+$0x30]  }
0x89: {  	v63 =	vmul.f32 v46, v4;
	v12 =	vadd.f32 v54, v12;
	[tilespmem:s22+$0x30] =	vst v14;
	v14 =	vmul.f32 v9, v8;
	v6 =	vld [tilespmem:s21+$0x30]  }
0x8a: {  	v9 =	vld [tilespmem:s21+$0x70];
	v15 =	vadd.f32 v15, v2;
	v11 =	vadd.f32 v7, v11;
	v10 =	vmul.f32 v57, v10  }
0x8b: {  	v3 =	vmul.f32 v3, v45;
	v1 =	vadd.f32 v60, v1;
	v7 =	vld [tilespmem:s31+$0x70];
	v13 =	vadd.f32 v13, v62  }
0x8c: {  	v8 =	vld [tilespmem:s31+$0xB0];
	v2 =	vadd.f32 v63, v12;
	v12 =	vmul.f32 v61, v59;
	[tilespmem:s22+$0xFFFFFFD0] =	vst v15;
	v11 =	vadd.f32 v10, v11  }
0x8d: {  	s24 =	simm.s32 $0x400;
	s23 =	simm.s32 $0x0;
	v4 =	vadd.f32 v3, v16;
	v3 =	vadd.f32 v14, v18;
	v10 =	vld [tilespmem:s21+$0xB0];
	[tilespmem:s22+$0xFFFFFFC0] =	vst v13  }
.LBB2_5:
0x8e: {  	v13 =	vld [tilespmem:s24+$0xC0];
	[tilespmem:s22+$0xFFFFFFE0] =	vst v11;
	v1 =	vadd.f32 v12, v1;
	v5 =	vmul.f32 v6, v5  }
0x8f: {  	s21 =	sadd.s32 $0x200, s21;
	v6 =	vld [tilespmem:s24+$0xD0]  }
0x90: {  	v11 =	vld [tilespmem:s21+$0xC0];
	[tilespmem:s22+$0xFFFFFFF0] =	vst v1;
	v1 =	vadd.f32 v5, v4;
	v4 =	vmul.f32 v9, v7  }
0x91: {  	s23 =	sadd.s32 $0x8, s23;
	v5 =	vld [tilespmem:s21+$0xD0]  }
0x92: {  	p0 =	slt.u32 s23, $0x78;
	v7 =	vld [tilespmem:s24+$0xE0];
	[tilespmem:s22+$0x0] =	vst v1;
	v1 =	vadd.f32 v4, v2;
	v2 =	vmul.f32 v10, v8  }
0x93: {  	v4 =	vld [tilespmem:s21+$0xE0]  }
0x94: {  	v8 =	vld [tilespmem:s24+$0xF0];
	[tilespmem:s22+$0x10] =	vst v1;
	v1 =	vadd.f32 v2, v3  }
0x95: {  	v2 =	vld [tilespmem:s21+$0xF0]  }
0x96: {  	v9 =	vmul.f32 v11, v13;
	v3 =	vld [tilespmem:s24+$0xFFFFFF10];
	v5 =	vmul.f32 v5, v6;
	[tilespmem:s22+$0x20] =	vst v1  }
0x97: {  	v1 =	vld [tilespmem:s21+$0xFFFFFF00]  }
0x98: {  	v6 =	vld [tilespmem:s21+$0xFFFFFF10];
	v5 =	vadd.f32 v5, v9;
	v4 =	vmul.f32 v4, v7  }
0x99: {  	v7 =	vld [tilespmem:s24+$0xFFFFFF40]  }
0x9a: {  	v9 =	vld [tilespmem:s24+$0xFFFFFF50];
	v4 =	vadd.f32 v4, v5;
	v2 =	vmul.f32 v2, v8  }
0x9b: {  	v5 =	vld [tilespmem:s21+$0xFFFFFF40]  }
0x9c: {  	v8 =	vld [tilespmem:s21+$0xFFFFFF50];
	v2 =	vadd.f32 v2, v4  }
0x9d: {  	s22 =	sadd.s32 $0x80, s22;
	v3 =	vmul.f32 v6, v3;
	v4 =	vld [tilespmem:s24+$0xFFFFFF80]  }
0x9e: {  	v6 =	vld [tilespmem:s24+$0xFFFFFF90];
	[tilespmem:s22+$0x30] =	vst v2  }
0x9f: {  	v2 =	vld [tilespmem:s21+$0xFFFFFF80]  }
0xa0: {  	v5 =	vmul.f32 v5, v7;
	v7 =	vld [tilespmem:s21+$0xFFFFFF90]  }
0xa1: {  	v8 =	vmul.f32 v8, v9;
	v9 =	vld [tilespmem:s24+$0xFFFFFFC0]  }
0xa2: {  	v10 =	vld [tilespmem:s24+$0xFFFFFFD0]  }
0xa3: {  	v5 =	vadd.f32 v8, v5;
	v8 =	vld [tilespmem:s21+$0xFFFFFFC0]  }
0xa4: {  	v2 =	vmul.f32 v2, v4;
	v4 =	vld [tilespmem:s21+$0xFFFFFFD0]  }
0xa5: {  	v6 =	vmul.f32 v7, v6;
	v7 =	vld [tilespmem:s24+$0x0]  }
0xa6: {  	v11 =	vld [tilespmem:s24+$0x10]  }
0xa7: {  	v2 =	vadd.f32 v6, v2;
	v6 =	vld [tilespmem:s21+$0x0]  }
0xa8: {  	v8 =	vmul.f32 v8, v9;
	v9 =	vld [tilespmem:s21+$0x10]  }
0xa9: {  	v4 =	vmul.f32 v4, v10;
	v10 =	vld [tilespmem:s24+$0x40]  }
0xaa: {  	v12 =	vld [tilespmem:s24+$0x50]  }
0xab: {  	v4 =	vadd.f32 v4, v8;
	v8 =	vld [tilespmem:s21+$0x40]  }
0xac: {  	v6 =	vmul.f32 v6, v7;
	v7 =	vld [tilespmem:s21+$0x50]  }
0xad: {  	v9 =	vmul.f32 v9, v11;
	v11 =	vld [tilespmem:s24+$0x80]  }
0xae: {  	v13 =	vld [tilespmem:s24+$0x90]  }
0xaf: {  	v6 =	vadd.f32 v9, v6;
	v9 =	vld [tilespmem:s21+$0x80]  }
0xb0: {  	v8 =	vmul.f32 v8, v10;
	v10 =	vld [tilespmem:s21+$0x90]  }
0xb1: {  	v14 =	vld [tilespmem:s24+$0xFFFFFF00];
	v7 =	vmul.f32 v7, v12  }
0xb2: {  	v12 =	vld [tilespmem:s24+$0xFFFFFF20]  }
0xb3: {  	v15 =	vld [tilespmem:s21+$0xFFFFFF20];
	v7 =	vadd.f32 v7, v8  }
0xb4: {  	v8 =	vld [tilespmem:s24+$0xFFFFFF60];
	v9 =	vmul.f32 v9, v11  }
0xb5: {  	v11 =	vld [tilespmem:s21+$0xFFFFFF60];
	v10 =	vmul.f32 v10, v13  }
0xb6: {  	v1 =	vmul.f32 v1, v14;
	v13 =	vld [tilespmem:s24+$0xFFFFFFA0]  }
0xb7: {  	v14 =	vld [tilespmem:s21+$0xFFFFFFA0];
	v9 =	vadd.f32 v10, v9  }
0xb8: {  	v1 =	vadd.f32 v3, v1;
	v3 =	vmul.f32 v15, v12;
	v10 =	vld [tilespmem:s24+$0xFFFFFFE0]  }
0xb9: {  	v12 =	vld [tilespmem:s21+$0xFFFFFFE0]  }
0xba: {  	v15 =	vadd.f32 v3, v1;
	v1 =	vmul.f32 v11, v8;
	v3 =	vld [tilespmem:s24+$0x20]  }
0xbb: {  	v8 =	vld [tilespmem:s21+$0x20]  }
0xbc: {  	v11 =	vadd.f32 v1, v5;
	v1 =	vmul.f32 v14, v13;
	v5 =	vld [tilespmem:s24+$0x60]  }
0xbd: {  	v13 =	vld [tilespmem:s21+$0x60]  }
0xbe: {  	v14 =	vadd.f32 v1, v2;
	v1 =	vmul.f32 v12, v10;
	v10 =	vld [tilespmem:s24+$0xA0]  }
0xbf: {  	v12 =	vld [tilespmem:s21+$0xA0]  }
0xc0: {  	v16 =	vld [tilespmem:s24+$0xFFFFFF30];
	v1 =	vadd.f32 v1, v4;
	v2 =	vmul.f32 v8, v3  }
0xc1: {  	v3 =	vld [tilespmem:s21+$0xFFFFFF30]  }
0xc2: {  	v8 =	vld [tilespmem:s24+$0xFFFFFF70];
	v4 =	vadd.f32 v2, v6;
	v2 =	vmul.f32 v13, v5  }
0xc3: {  	v5 =	vld [tilespmem:s21+$0xFFFFFF70]  }
0xc4: {  	v13 =	vld [tilespmem:s24+$0xFFFFFFB0];
	v2 =	vadd.f32 v2, v7;
	v6 =	vmul.f32 v12, v10  }
0xc5: {  	v7 =	vld [tilespmem:s21+$0xFFFFFFB0]  }
0xc6: {  	v10 =	vmul.f32 v3, v16;
	v12 =	vld [tilespmem:s24+$0xFFFFFFF0];
	v3 =	vadd.f32 v6, v9  }
0xc7: {  	v16 =	vld [tilespmem:s21+$0xFFFFFFF0]  }
0xc8: {  	v9 =	vadd.f32 v10, v15;
	v8 =	vmul.f32 v5, v8;
	v5 =	vld [tilespmem:s24+$0x30]  }
.Ltmp1:
0xc9: {  	v6 =	vld [tilespmem:s21+$0x30];
	(pc) =	sbr.rel @p0 .LBB2_5-.Ltmp1, $4  }
0xca: {  	[tilespmem:s22+$0xFFFFFFC0] =	vst v9;
	v8 =	vadd.f32 v8, v11;
	v10 =	vmul.f32 v7, v13;
	v7 =	vld [tilespmem:s24+$0x70]  }
0xcb: {  	v9 =	vld [tilespmem:s21+$0x70]  }
0xcc: {  	[tilespmem:s22+$0xFFFFFFD0] =	vst v8;
	v11 =	vadd.f32 v10, v14;
	v12 =	vmul.f32 v16, v12;
	v8 =	vld [tilespmem:s24+$0xB0]  }
0xcd: {  	s24 =	sadd.s32 $0x200, s24;
	v10 =	vld [tilespmem:s21+$0xB0]  }
0xce: {  	_ =	sdelay $0x1  }
0xcf: {  	v5 =	vmul.f32 v6, v5  }
0xd0: {  	v1 =	vadd.f32 v12, v1;
	v62 =	vmul.f32 v9, v7  }
0xd1: {  	[tilespmem:s22+$0xFFFFFFE0] =	vst v11;
	v4 =	vadd.f32 v5, v4;
	v63 =	vmul.f32 v10, v8  }
0xd2: {  	[tilespmem:s22+$0xFFFFFFF0] =	vst v1;
	v1 =	vadd.f32 v62, v2  }
0xd3: {  	s20 =	sadd.s32 $0x1, s20;
	[tilespmem:s22+$0x0] =	vst v4;
	v2 =	vadd.f32 v63, v3  }
0xd4: {  	p0 =	sne.s32 s20, $0xC8;
	[tilespmem:s22+$0x10] =	vst v1  }
.Ltmp2:
0xd5: {  	[tilespmem:s22+$0x20] =	vst v2;
	(pc) =	sbr.rel @p0 .LBB2_4-.Ltmp2, $4  }
0xd6: {  	[spmem:s1] =	stream.indirect.scatter.add.f32 [tilespmem:s18], [sflag:$0x2], $0x10, s14, s14, $0xb8;
	[tilespmem:$0x10F00] =	vst v63  }
0xd7: {  	_ =	swait.ge [sflag:s13], $0x800  }
0xd8: {  	[sflag:s13] =	ssyncset.done $0x0  }
0xd9: {  	[sflag:s13] =	ssyncadd.s32 $0xFFFFF800  }
0xda: {  	[bflag:$0x0] =	sbarrier.arrive $0xFFFF;
	s20 =	sshll.u32 s2, $0x6  }
0xdb: {  	s21 =	sadd.s32 $0x0, s11;
	s22 =	sshrl.u32 s8, $0x3;
	s20 =	sor.u32 $0x1C02, s20  }
0xdc: {  	[hbm:s21], [sflag:s20] =	dma.local [spmem:s22], $0x40  }
0xdd: {  	s21 =	simm.s32 $0x40;
	s22 =	sadd.s32 $0x200, s8;
	_ =	swait.ge [sflag:s13], $0x40  }
.LBB2_8:
0xde: {  	s23 =	sadd.s32 s21, s11;
	[sflag:s13] =	ssyncset.done $0x0;
	p0 =	sne.s32 s21, $0x1840  }
.Ltmp3:
0xdf: {  	s24 =	sshrl.u32 s22, $0x3;
	[sflag:s13] =	ssyncadd.s32 $0xFFFFFFC0;
	(pc) =	sbr.rel @p0 .LBB2_8-.Ltmp3, $3  }
0xe0: {  	[hbm:s23], [sflag:s20] =	dma.local [spmem:s24], $0x40  }
0xe1: {  	s21 =	sadd.s32 $0x40, s21;
	_ =	sdelay $0x1  }
0xe2: {  	s22 =	sadd.s32 $0x200, s22;
	_ =	swait.ge [sflag:s13], $0x40  }
0xe3: {  	s19 =	sadd.s32 $0x1, s19  }
0xe4: {  	p0 =	sne.s32 s19, s10  }
.Ltmp4:
0xe5: {  	_ = 	snop;
	(pc) =	sbr.rel @p0 .LBB2_1-.Ltmp4, $3  }
0xe6: {  	_ =	sdelay $0x1  }
0xe7: {  	[sflag:s13] =	ssyncset.done $0x0  }
0xe8: {  	[sflag:s13] =	ssyncadd.s32 $0xFFFFFFC0  }
0xe9: {  	_ =	sfence.sel $0x180000  }
0xea: {  	[bflag:$0x0] =	sbarrier.arrive $0xFFFF  }
0xeb: {  	p0 =	sne.s32 s2, $0x0;
	_ =	strace $0x9000004A  }
0xec: {  	s0 =	sadd.s32 @!p0 $0x100000, s0;
	[bflag:$0x2] =	sbarrier.arrive $0xFFFF  }
0xed: {  	[sflag:s0] =	ssyncadd.tile.s32 @!p0 $0x1;
	_ =	shalt  }
.Lfunc_end2:
_tile_overlayer_lowered:
.L_overlay_start_2:
0xee: {  	(tag) =	ssettag $0x2  }
0xef: {  	s0 =	rddreg [dreg:$0x0];
	s2 =	stileid.u32  }
0xf0: {  	s1 =	rddreg [dreg:$0x1];
	p0 =	sne.s32 s2, $0x0  }
0xf1: {  	s3 =	rddreg [dreg:$0x2];
	[bflag:$0x3] =	sbarrier.arrive $0xFFFF;
	s2 =	simm.s32 @!p0 $0x1C02  }
0xf2: {  	[timem:s3], [sflag:s2] =	dma.local @!p0 [hbm:s0], s1  }
0xf3: {  	s0 =	simm.s32 @!p0 $0x2  }
0xf4: {  	_ =	swait.ge @!p0 [sflag:s0], s1  }
0xf5: {  	s1 =	ssub.s32 @!p0 $0x0, s1;
	[sflag:s0] =	ssyncset.done @!p0 $0x0  }
0xf6: {  	[sflag:s0] =	ssyncadd.s32 @!p0 s1  }
0xf7: {  	[bflag:$0x3] =	sbarrier.arrive $0xFFFF  }
0xf8: {  	_ =	shalt  }

// kernel: kernel.20.cloned.1.call-start
scs
__scs_entry_jumppad:
0x0: {  	(pc) =	sbr.rel $0x88, $3  }
0x1: {  	(tag) =	ssettag $0x0;
	lr =	simm.s32 $0x1  }
0x2: {  	[smem:$0x3F93] =	sst lr;
	_ =	strace $0xD0000000  }
0x3: {  	_ = 	snop  }
0x4: {  	_ = 	snop  }
0x5: {  	_ = 	snop  }
0x6: {  	_ = 	snop  }
0x7: {  	_ = 	snop  }
__scs_overlays_trampoline_lowered:
0x8: {  	[smem:$0x3FA2] =	sst s0  }
0x9: {  	[smem:$0x3FA3] =	sst s1  }
0xa: {  	[smem:$0x3FA4] =	sst s2  }
0xb: {  	[smem:$0x3FA5] =	sst s3  }
0xc: {  	[smem:$0x3FA6] =	sst s4  }
0xd: {  	[smem:$0x3FA7] =	sst s5  }
0xe: {  	[smem:$0x3FA8] =	sst s6  }
0xf: {  	[smem:$0x3FA9] =	sst s7  }
0x10: {  	[smem:$0x3FAA] =	sst s8  }
0x11: {  	[smem:$0x3FAB] =	sst s9;
	s0 =	simm.s32 @!p0 $0x0  }
0x12: {  	s1 =	sld [smem:$0x3F91];
	s0 =	simm.s32 @p0 $0x1  }
0x13: {  	[smem:$0x3FAC] =	sst s0;
	s0 =	simm.s32 @!p1 $0x0  }
0x14: {  	s2 =	sld [smem:$0x3F90];
	s0 =	simm.s32 @p1 $0x1  }
0x15: {  	[smem:$0x3FAD] =	sst s0;
	s0 =	simm.s32 @!p2 $0x0  }
0x16: {  	s3 =	sld [smem:$0x3FDB];
	s0 =	simm.s32 @p2 $0x1  }
0x17: {  	s4 =	simm.s32 $0x1BF5;
	[smem:$0x3FAF] =	sst s0  }
0x18: {  	s0 =	sld [smem:$0x3F92];
	_ =	swait.ge [sflag:s4], $0x0  }
0x19: {  	s7 =	sld [smem:$0x3F93]  }
0x1a: {  	s8 =	sadd.s32 $0xFFFFE003, lr  }
0x1b: {  	s9 =	sadd.s32 $0xFFFFFEF7, lr;
	s5 =	simm.s32 $0xFFFFFFFF;
	p2 =	slt.u32 s8, $0xFFFFF086  }
0x1c: {  	p1 =	slt.u32 s9, $0xF7A;
	s5 =	simm.s32 @!p2 $0x0  }
0x1d: {  	s5 =	simm.s32 @p1 $0x1;
	p0 =	seq.s32 s7, s2  }
0x1e: {  	s7 =	smul.u32 @!p0 $0xF7A, s2;
	p2 =	seq.s32 @!p0 s5, $0x0  }
0x1f: {  	s9 =	smul.u32 $0xF7A, s1;
	s8 =	simm.s32 @!p0 $0x1BF5;
	p2 =	por !p2, p0  }
0x20: {  	[sflag:s8] =	ssyncset.s32 @!p0 $0xFFFFF086;
	s6 =	sadd.s32 @!p0 s3, s7;
	s7 =	simm.s32 @!p0 $0x108  }
0x21: {  	s3 =	sadd.s32 s3, s9;
	s6 =	sadd.s32 @!p0 $0x88, s6;
	s7 =	simm.s32 @p2 $0x1082  }
0x22: {  	[simem:s7], [sflag:s8] =	dma.local @!p0 [hbm:s6], $0xF7A  }
0x23: {  	s9 =	sor.u32 $0xD0000000, s2;
	s6 =	simm.s32 $0x108;
	_ =	swait.ge @!p0 [sflag:s8], $0x0  }
0x24: {  	s3 =	sadd.s32 $0x88, s3;
	s6 =	simm.s32 @!p1 $0x1082;
	[sflag:s4] =	ssyncset.s32 $0xFFFFF086  }
0x25: {  	[simem:s6], [sflag:s4] =	dma.local [hbm:s3], $0xF7A  }
0x26: {  	[smem:$0x3F93] =	sst s1;
	(tag) =	ssettag s2;
	_ =	strace s9  }
0x27: {  	s1 =	sld [smem:$0x3FA3]  }
0x28: {  	s2 =	sld [smem:$0x3FA4]  }
0x29: {  	s4 =	sld [smem:$0x3FA6]  }
0x2a: {  	p0 =	seq.s32 s5, $0x0;
	s5 =	sld [smem:$0x3FA7]  }
0x2b: {  	s6 =	sld [smem:$0x3FA8]  }
0x2c: {  	s7 =	sld [smem:$0x3FA9]  }
0x2d: {  	s3 =	simm.s32 $0x108;
	s8 =	sld [smem:$0x3FAA]  }
0x2e: {  	s3 =	simm.s32 @!p0 $0x1082;
	s9 =	sld [smem:$0x3FAB]  }
0x2f: {  	lr =	sadd.s32 s0, s3;
	s0 =	sld [smem:$0x3FA2]  }
0x30: {  	s3 =	sld [smem:$0x3FA5]  }
0x31: {  	[smem:$0x3FAE] =	sst s10  }
0x32: {  	s10 =	sld [smem:$0x3FAC];
	_ =	sdelay $0x3  }
0x33: {  	p0 =	seq.s32 s10, $0x1;
	s10 =	sld [smem:$0x3FAE];
	_ =	sdelay $0x3  }
0x34: {  	[smem:$0x3FAE] =	sst s10  }
0x35: {  	s10 =	sld [smem:$0x3FAD];
	_ =	sdelay $0x3  }
0x36: {  	p1 =	seq.s32 s10, $0x1;
	s10 =	sld [smem:$0x3FAE];
	_ =	sdelay $0x3  }
0x37: {  	[smem:$0x3FAE] =	sst s10  }
0x38: {  	s10 =	sld [smem:$0x3FAF]  }
0x39: {  	_ = 	snop;
	(pc) =	sbr.ind lr, $3  }
0x3a: {  	_ = 	snop  }
0x3b: {  	_ = 	snop  }
0x3c: {  	p2 =	seq.s32 s10, $0x1;
	s10 =	sld [smem:$0x3FAE]  }
0x3d: {  	_ =	shalt  }
0x3e: {  	_ =	shalt  }
0x3f: {  	_ =	shalt  }
0x40: {  	_ =	shalt  }
0x41: {  	_ =	shalt  }
0x42: {  	_ =	shalt  }
0x43: {  	_ =	shalt  }
0x44: {  	_ =	shalt  }
0x45: {  	_ =	shalt  }
0x46: {  	_ =	shalt  }
0x47: {  	_ =	shalt  }
0x48: {  	_ =	shalt  }
0x49: {  	_ =	shalt  }
0x4a: {  	_ =	shalt  }
0x4b: {  	_ =	shalt  }
0x4c: {  	_ =	shalt  }
0x4d: {  	_ =	shalt  }
0x4e: {  	_ =	shalt  }
0x4f: {  	_ =	shalt  }
0x50: {  	_ =	shalt  }
0x51: {  	_ =	shalt  }
0x52: {  	_ =	shalt  }
0x53: {  	_ =	shalt  }
0x54: {  	_ =	shalt  }
0x55: {  	_ =	shalt  }
0x56: {  	_ =	shalt  }
0x57: {  	_ =	shalt  }
0x58: {  	_ =	shalt  }
0x59: {  	_ =	shalt  }
0x5a: {  	_ =	shalt  }
0x5b: {  	_ =	shalt  }
0x5c: {  	_ =	shalt  }
0x5d: {  	_ =	shalt  }
0x5e: {  	_ =	shalt  }
0x5f: {  	_ =	shalt  }
0x60: {  	_ =	shalt  }
0x61: {  	_ =	shalt  }
0x62: {  	_ =	shalt  }
0x63: {  	_ =	shalt  }
0x64: {  	_ =	shalt  }
0x65: {  	_ =	shalt  }
0x66: {  	_ =	shalt  }
0x67: {  	_ =	shalt  }
0x68: {  	_ =	shalt  }
0x69: {  	_ =	shalt  }
0x6a: {  	_ =	shalt  }
0x6b: {  	_ =	shalt  }
0x6c: {  	_ =	shalt  }
0x6d: {  	_ =	shalt  }
0x6e: {  	_ =	shalt  }
0x6f: {  	_ =	shalt  }
0x70: {  	_ =	shalt  }
0x71: {  	_ =	shalt  }
0x72: {  	_ =	shalt  }
0x73: {  	_ =	shalt  }
0x74: {  	_ =	shalt  }
0x75: {  	_ =	shalt  }
0x76: {  	_ =	shalt  }
0x77: {  	_ =	shalt  }
0x78: {  	_ =	shalt  }
0x79: {  	_ =	shalt  }
0x7a: {  	_ =	shalt  }
0x7b: {  	_ =	shalt  }
0x7c: {  	_ =	shalt  }
0x7d: {  	_ =	shalt  }
0x7e: {  	_ =	shalt  }
0x7f: {  	_ =	shalt  }
0x80: {  	_ =	shalt  }
0x81: {  	_ =	shalt  }
0x82: {  	_ =	shalt  }
0x83: {  	_ =	shalt  }
0x84: {  	_ =	shalt  }
0x85: {  	_ =	shalt  }
0x86: {  	_ =	shalt  }
0x87: {  	_ =	shalt  }
.Lfunc_end0:
.L_simem_size_0:
called_computation.2_lowered:
.L_overlay_start_0:
0x88: {  	s2 =	sld [smem:$0x3FD9]  }
0x89: {  	s3 =	sld [smem:$0x3FFE];
	_ =	sdelay $0x1  }
0x8a: {  	s1 =	srdreg.scid  }
0x8b: {  	s0 =	sand.u32 $0x1, s1  }
0x8c: {  	s16 =	sshll.u32 s0, $0xA;
	s2 =	sadd.s32 s3, s2  }
0x8d: {  	s2 =	sadd.s32 s2, s16  }
0x8e: {  	[smem:$0x3FBA] =	sst s2  }
0x8f: {  	_ = 	snop  }
0x90: {  	(tm) =	ssettm $0x1  }
0x91: {  	s17 =	sld [smem:$0x3FFB];
	_ =	sdelay $0x3  }
0x92: {  	_ =	strace s17  }
0x93: {  	s2 =	sld [smem:$0x3FFC];
	_ =	sdelay $0x3  }
0x94: {  	_ =	strace s2  }
0x95: {  	s2 =	sld [smem:$0x3FFD];
	_ =	sdelay $0x3  }
0x96: {  	_ =	strace s2  }
0x97: {  	_ =	strace $0x8FFFFFFF  }
0x98: {  	s18 =	sld [smem:$0x3FDB];
	_ =	sdelay $0x1  }
0x99: {  	s19 =	simm.s32 $_scs_section_size  }
0x9a: {  	s4 =	simm.s32 $_size__tile_overlayer_lowered;
	s5 =	simm.s32 $_tile_overlayer_lowered  }
0x9b: {  	s22 =	simm.s32 $0x1BFF;
	s21 =	sshll.u32 s5, $0x1;
	s2 =	sadd.s32 s19, s18  }
0x9c: {  	s6 =	simm.s32 $0x0;
	s20 =	sshll.u32 s4, $0x1;
	s4 =	sadd.s32 s21, s2  }
0x9d: {  	[timem:s6], [sflag:s22] =	dma.local [hbm:s4], s20  }
0x9e: {  	_ =	swait.ge [sflag:s22], s20  }
0x9f: {  	s3 =	ssub.s32 $0x0, s20;
	[sflag:s22] =	ssyncset.done $0x0  }
0xa0: {  	[sflag:s22] =	ssyncadd.s32 s3;
	_ =	sdelay $0x1  }
0xa1: {  	s23 =	simm.s32 $0x1B8B  }
0xa2: {  	_ =	swait.ge [sflag:s23], $0x1  }
0xa3: {  	[sflag:s23] =	ssyncset.done $0x0  }
0xa4: {  	s25 =	simm.s32 $0x1B8E;
	s24 =	sld [smem:$0x3FFE];
	[sflag:s23] =	ssyncadd.s32 $0xFFFFFFFF  }
0xa5: {  	s26 =	simm.s32 $execute0_lowered;
	[smem:$0x3FD2] =	sst s25  }
0xa6: {  	s4 =	sshll.u32 s26, $0x1;
	_ =	strace $0x8000004C;
	[dreg:$0x1] =	wrdreg $0xFFFFFFFF  }
0xa7: {  	s28 =	simm.s32 $_size_execute0_lowered;
	s2 =	sadd.s32 s2, s4;
	[dreg:$0x0] =	wrdreg $0x0  }
0xa8: {  	s4 =	sshll.u32 s28, $0x1;
	[dreg:$0x2] =	wrdreg s2  }
0xa9: {  	[dreg:$0x3] =	wrdreg s4  }
0xaa: {  	[dreg:$0x4] =	wrdreg $0xC0  }
0xab: {  	_ =	task [dreg:s6], $0x5FFFF  }
0xac: {  	[dreg:$0x1] =	wrdreg $0xFFFFFFFF  }
0xad: {  	[dreg:$0x0] =	wrdreg $0x60  }
0xae: {  	[dreg:$0x2] =	wrdreg s24  }
0xaf: {  	[dreg:$0x3] =	wrdreg $0x75000  }
0xb0: {  	[dreg:$0x4] =	wrdreg $0x9  }
0xb1: {  	_ =	task.clear_ibuf [dreg:s6], $0x5FFFF;
	_ =	strace $0x9000004C  }
0xb2: {  	s29 =	simm.s32 $0x9;
	_ =	strace $0x8000004E  }
0xb3: {  	_ =	swait.ge [sflag:s29], $0x1  }
0xb4: {  	[sflag:s29] =	ssyncadd.s32 $0xFFFFFFFF  }
0xb5: {  	_ =	strace $0x9000004E  }
0xb6: {  	_ =	sfence  }
0xb7: {  	s30 =	sld [smem:$0x0];
	_ =	sdelay $0x2  }
0xb8: {  	s31 =	sshll.u32 s1, $0xD;
	s1 =	sshrl.u32 s1, $0x2  }
0xb9: {  	s3 =	sand.u32 $0x4000, s31;
	s1 =	sadd.s32 s1, s30  }
0xba: {  	s0 =	sor.u32 s3, s0;
	s1 =	sshll.u32 s1, $0x11  }
0xbb: {  	s0 =	sor.u32 s1, s0  }
0xbc: {  	s0 =	sadd.s32 $0x8F2B, s0  }
0xbd: {  	[sflag:s0] =	ssyncadd.remote.s32 $0x1  }
0xbe: {  	_ =	sfence.sel $0xFFFF  }
0xbf: {  	[dreg:$0x0] =	wrdreg $0xFFFFFFFF;
	(pc) =	sbr.abs _section_cstart, $3  }
0xc0: {  	[dreg:$0x1] =	wrdreg $0xFFFFFFFF  }
0xc1: {  	_ =	task.clear_ibuf [dreg:s6], $0x2FFFF;
	_ =	strace $0x9FFFFFFF  }
0xc2: {  	(tm) =	ssettm $0x7FFFFFFF  }
0xc3: {  	_ =	shalt  }
tec
execute0_lowered:
.L_overlay_start_1:
0x0: {  	(tag) =	ssettag $0x1  }
0x1: {  	s8 =	rddreg [dreg:$0x0]  }
0x2: {  	s1 =	rddreg [dreg:$0x1]  }
0x3: {  	s0 =	rddreg [dreg:$0x2];
	s3 =	simm.s32 $0x0  }
0x4: {  	s2 =	srdreg.scid;
	s14 =	simm.s32 $0x80;
	s15 =	simm.s32 $0x2100  }
0x5: {  	s16 =	simm.s32 $0x100;
	s17 =	simm.s32 $0x1;
	s18 =	simm.s32 $0x6100  }
0x6: {  	s19 =	simm.s32 $0x0;
	[smem:$0x7FF] =	sst s3;
	s9 =	sand.u32 $0x1, s2  }
0x7: {  	s2 =	stileid.u32;
	s4 =	sadd.s32 $0x6EF800, s8;
	s5 =	sadd.s32 $0x3800, s8  }
0x8: {  	s6 =	sadd.s32 $0x6D6800, s8;
	s7 =	sadd.s32 $0x34800, s8;
	s10 =	smul.u32 $0x188000, s9  }
0x9: {  	_ =	strace $0x8000004D;
	s11 =	smul.u32 $0x18800, s2;
	s28 =	ssub.s32 $0x2, s9  }
0xa: {  	s12 =	smul.u32 $0x62000, s2;
	s30 =	sshll.u32 s2, $0x1;
	s29 =	sshrl.u32 s28, $0x1  }
0xb: {  	s9 =	sor.u32 s9, s30;
	s10 =	sadd.s32 s11, s10;
	s11 =	ssub.s32 s28, s29  }
0xc: {  	s31 =	sshrl.u32 s12, $0x2;
	s9 =	smul.u32 $0x6400, s9;
	s10 =	sshrl.u32 s10, $0x3  }
0xd: {  	s12 =	simm.s32 $0x7100;
	s13 =	sadd.s32 s10, s8;
	s8 =	sadd.s32 s31, s1  }
0xe: {  	v0 =	vimm.f32 $0.0e+00;
	s10 =	smax.u32 s11, $0x1;
	s11 =	sadd.s32 $0x674800, s13;
	s13 =	simm.s32 $0x2  }
.LBB2_1:
0xf: {  	[tilespmem:$0x7100] =	vst v0  }
0x10: {  	[tilespmem:$0x7110] =	vst v0  }
0x11: {  	[tilespmem:$0x7120] =	vst v0  }
0x12: {  	[tilespmem:$0x7130] =	vst v0  }
0x13: {  	[tilespmem:$0x7140] =	vst v0  }
0x14: {  	[tilespmem:$0x7150] =	vst v0  }
0x15: {  	[tilespmem:$0x7160] =	vst v0  }
0x16: {  	[tilespmem:$0x7170] =	vst v0  }
0x17: {  	[tilespmem:$0x7180] =	vst v0  }
0x18: {  	[tilespmem:$0x7190] =	vst v0  }
0x19: {  	[tilespmem:$0x71A0] =	vst v0  }
0x1a: {  	[tilespmem:$0x71B0] =	vst v0  }
0x1b: {  	[tilespmem:$0x71C0] =	vst v0  }
0x1c: {  	[tilespmem:$0x71D0] =	vst v0  }
0x1d: {  	[tilespmem:$0x71E0] =	vst v0  }
0x1e: {  	[tilespmem:$0x71F0] =	vst v0  }
0x1f: {  	[tilespmem:$0x7200] =	vst v0  }
0x20: {  	[tilespmem:$0x7210] =	vst v0  }
0x21: {  	[tilespmem:$0x7220] =	vst v0  }
0x22: {  	[tilespmem:$0x7230] =	vst v0  }
0x23: {  	[tilespmem:$0x7240] =	vst v0  }
0x24: {  	[tilespmem:$0x7250] =	vst v0  }
0x25: {  	[tilespmem:$0x7260] =	vst v0  }
0x26: {  	[tilespmem:$0x7270] =	vst v0  }
0x27: {  	[tilespmem:$0x7280] =	vst v0  }
0x28: {  	[tilespmem:$0x7290] =	vst v0  }
0x29: {  	[tilespmem:$0x72A0] =	vst v0  }
0x2a: {  	[tilespmem:$0x72B0] =	vst v0  }
0x2b: {  	[tilespmem:$0x72C0] =	vst v0  }
0x2c: {  	[tilespmem:$0x72D0] =	vst v0  }
0x2d: {  	[tilespmem:$0x72E0] =	vst v0  }
0x2e: {  	[tilespmem:$0x72F0] =	vst v0  }
0x2f: {  	[tilespmem:$0x7300] =	vst v0  }
0x30: {  	[tilespmem:$0x7310] =	vst v0  }
0x31: {  	[tilespmem:$0x7320] =	vst v0  }
0x32: {  	[tilespmem:$0x7330] =	vst v0  }
0x33: {  	[tilespmem:$0x7340] =	vst v0  }
0x34: {  	[tilespmem:$0x7350] =	vst v0  }
0x35: {  	[tilespmem:$0x7360] =	vst v0  }
0x36: {  	[tilespmem:$0x7370] =	vst v0  }
0x37: {  	[tilespmem:$0x7380] =	vst v0  }
0x38: {  	[tilespmem:$0x7390] =	vst v0  }
0x39: {  	[tilespmem:$0x73A0] =	vst v0  }
0x3a: {  	[tilespmem:$0x73B0] =	vst v0  }
0x3b: {  	[tilespmem:$0x73C0] =	vst v0  }
0x3c: {  	[tilespmem:$0x73D0] =	vst v0  }
0x3d: {  	[tilespmem:$0x73E0] =	vst v0  }
0x3e: {  	[tilespmem:$0x73F0] =	vst v0  }
0x3f: {  	[tilespmem:$0x7400] =	vst v0  }
0x40: {  	[tilespmem:$0x7410] =	vst v0  }
0x41: {  	[tilespmem:$0x7420] =	vst v0  }
0x42: {  	[tilespmem:$0x7430] =	vst v0  }
0x43: {  	[tilespmem:$0x7440] =	vst v0  }
0x44: {  	[tilespmem:$0x7450] =	vst v0  }
0x45: {  	[tilespmem:$0x7460] =	vst v0  }
0x46: {  	[tilespmem:$0x7470] =	vst v0  }
0x47: {  	[tilespmem:$0x7480] =	vst v0  }
0x48: {  	[tilespmem:$0x7490] =	vst v0  }
0x49: {  	[tilespmem:$0x74A0] =	vst v0  }
0x4a: {  	[tilespmem:$0x74B0] =	vst v0  }
0x4b: {  	[tilespmem:$0x74C0] =	vst v0  }
0x4c: {  	[tilespmem:$0x74D0] =	vst v0  }
0x4d: {  	[tilespmem:$0x74E0] =	vst v0  }
0x4e: {  	[tilespmem:$0x74F0] =	vst v0;
	s20 =	sadd.s32 $0x0, s8  }
0x4f: {  	[spmem:s20] =	stream.linear.scatter [tilespmem:s12], [sflag:$0x2], $0x400, $0x38;
	[tilespmem:$0x1FD00] =	vst v63  }
0x50: {  	s20 =	simm.s32 $0x1000;
	_ =	swait.ge [sflag:s13], $0x400  }
.LBB2_2:
0x51: {  	s21 =	sshra.s32 s20, $0x2;
	[sflag:s13] =	ssyncset.done $0x0;
	p0 =	sne.s32 s20, $0x61000  }
.Ltmp0:
0x52: {  	s21 =	sadd.s32 s21, s8;
	[sflag:s13] =	ssyncadd.s32 $0xFFFFFC00;
	(pc) =	sbr.rel @p0 .LBB2_2-.Ltmp0, $3  }
0x53: {  	[spmem:s21] =	stream.linear.scatter [tilespmem:s12], [sflag:$0x2], $0x400, $0x38;
	[tilespmem:$0x1FD00] =	vst v63  }
0x54: {  	s20 =	sadd.s32 $0x1000, s20;
	_ =	sdelay $0x1  }
0x55: {  	_ =	swait.ge [sflag:s13], $0x400  }
0x56: {  	[sflag:s13] =	ssyncset.done $0x0  }
0x57: {  	[sflag:s13] =	ssyncadd.s32 $0xFFFFFC00  }
0x58: {  	s20 =	simm.s32 $0x0;
	[bflag:$0x0] =	sbarrier.arrive $0xFFFF  }
.LBB2_4:
0x59: {  	s21 =	sshll.u32 s20, $0x7  }
0x5a: {  	s21 =	sadd.s32 s9, s21  }
0x5b: {  	s22 =	sshrl.u32 s21, $0x3  }
0x5c: {  	s23 =	sadd.s32 s5, s22  }
0x5d: {  	[tilespmem:s3], [sflag:$0x2] =	stream.linear.gather [hbm4b:s23+s3], $0x80, $0x38;
	[tilespmem:$0x1FD00] =	vst v63  }
0x5e: {  	_ =	swait.ge [sflag:s13], $0x80  }
0x5f: {  	[sflag:s13] =	ssyncset.done $0x0  }
0x60: {  	[sflag:s13] =	ssyncadd.s32 $0xFFFFFF80  }
0x61: {  	[tilespmem:s15], [sflag:$0x1] =	stream.indirect.gather [hbm4b:s4+s14], $0x80, s3, s14, $0xb8;
	[tilespmem:$0x1FD00] =	vst v63  }
0x62: {  	s22 =	sadd.s32 s6, s22  }
0x63: {  	[tilespmem:s14], [sflag:$0x2] =	stream.linear.gather [hbm4b:s22+s3], $0x80, $0x38;
	[tilespmem:$0x1FD00] =	vst v63  }
0x64: {  	_ =	swait.ge [sflag:s13], $0x80  }
0x65: {  	s21 =	sshll.u32 s21, $0x3;
	[sflag:s13] =	ssyncset.done $0x0  }
0x66: {  	s21 =	sadd.s32 s7, s21;
	[sflag:s13] =	ssyncadd.s32 $0xFFFFFF80  }
0x67: {  	[tilespmem:s16], [sflag:$0x2] =	stream.linear.gather [hbm4b:s21+s3], $0x2000, $0x38;
	[tilespmem:$0x1FD00] =	vst v63  }
0x68: {  	_ =	swait.ge [sflag:s13], $0x2000  }
0x69: {  	[sflag:s13] =	ssyncset.done $0x0  }
0x6a: {  	[sflag:s13] =	ssyncadd.s32 $0xFFFFE000  }
0x6b: {  	_ =	swait.ge [sflag:s17], $0x4000  }
0x6c: {  	[sflag:s17] =	ssyncset.done $0x0  }
0x6d: {  	s31 =	simm.s32 $0x200;
	[sflag:s17] =	ssyncadd.s32 $0xFFFFC000  }
0x6e: {  	v9 =	vld [tilespmem:s31+$0xC0]  }
0x6f: {  	s21 =	simm.s32 $0x2300;
	v10 =	vld [tilespmem:s31+$0xD0]  }
0x70: {  	v1 =	vld [tilespmem:s21+$0x180]  }
0x71: {  	v2 =	vld [tilespmem:s21+$0x1A0]  }
0x72: {  	v7 =	vld [tilespmem:s31+$0xE0]  }
0x73: {  	v3 =	vld [tilespmem:s21+$0x1C0]  }
0x74: {  	v8 =	vld [tilespmem:s31+$0xF0]  }
0x75: {  	v4 =	vld [tilespmem:s21+$0x1E0]  }
0x76: {  	v6 =	vld [tilespmem:s31+$0xFFFFFF10]  }
0x77: {  	v5 =	vld [tilespmem:s21+$0xFFFFFE00]  }
0x78: {  	v32 =	vld [tilespmem:s21+$0xFFFFFE20]  }
0x79: {  	v12 =	vld [tilespmem:s31+$0xFFFFFF40]  }
0x7a: {  	v11 =	vld [tilespmem:s31+$0xFFFFFF50]  }
0x7b: {  	v15 =	vld [tilespmem:s31+$0xFFFFFF80]  }
0x7c: {  	v14 =	vld [tilespmem:s31+$0xFFFFFF90]  }
0x7d: {  	v36 =	vld [tilespmem:s21+$0xFFFFFF20]  }
0x7e: {  	v27 =	vld [tilespmem:s31+$0xFFFFFFC0]  }
0x7f: {  	v22 =	vld [tilespmem:s31+$0xFFFFFFD0]  }
0x80: {  	v38 =	vld [tilespmem:s21+$0xFFFFFF80]  }
0x81: {  	v39 =	vld [tilespmem:s21+$0xFFFFFFA0]  }
0x82: {  	v28 =	vld [tilespmem:s31+$0x0]  }
0x83: {  	v23 =	vld [tilespmem:s31+$0x10]  }
0x84: {  	v40 =	vld [tilespmem:s21+$0x0]  }
0x85: {  	v41 =	vld [tilespmem:s21+$0x20]  }
0x86: {  	v29 =	vld [tilespmem:s31+$0x40]  }
0x87: {  	v24 =	vld [tilespmem:s31+$0x50]  }
0x88: {  	v42 =	vld [tilespmem:s21+$0x80]  }
0x89: {  	v43 =	vld [tilespmem:s21+$0xA0]  }
0x8a: {  	v30 =	vld [tilespmem:s31+$0x80]  }
0x8b: {  	v25 =	vld [tilespmem:s31+$0x90]  }
0x8c: {  	v44 =	vld [tilespmem:s21+$0x100]  }
0x8d: {  	v45 =	vld [tilespmem:s21+$0x120]  }
0x8e: {  	v46 =	vld [tilespmem:s31+$0xFFFFFF00]  }
0x8f: {  	v31 =	vld [tilespmem:s31+$0xFFFFFF20]  }
0x90: {  	v47 =	vld [tilespmem:s21+$0xFFFFFE40]  }
0x91: {  	v26 =	vld [tilespmem:s31+$0xFFFFFF60]  }
0x92: {  	v48 =	vld [tilespmem:s21+$0xFFFFFEC0]  }
0x93: {  	v20 =	vld [tilespmem:s31+$0xFFFFFFA0]  }
0x94: {  	v49 =	vld [tilespmem:s21+$0xFFFFFF40]  }
0x95: {  	v17 =	vld [tilespmem:s31+$0xFFFFFFE0]  }
0x96: {  	v50 =	vld [tilespmem:s21+$0xFFFFFFC0]  }
0x97: {  	v21 =	vld [tilespmem:s31+$0x20]  }
0x98: {  	v51 =	vld [tilespmem:s21+$0x40]  }
0x99: {  	v18 =	vld [tilespmem:s31+$0x60]  }
0x9a: {  	v52 =	vld [tilespmem:s21+$0xC0]  }
0x9b: {  	v19 =	vld [tilespmem:s31+$0xA0]  }
0x9c: {  	v53 =	vld [tilespmem:s21+$0x140]  }
0x9d: {  	v16 =	vld [tilespmem:s31+$0xFFFFFF30]  }
0x9e: {  	v54 =	vld [tilespmem:s21+$0xFFFFFE60]  }
0x9f: {  	v13 =	vld [tilespmem:s31+$0xFFFFFF70]  }
0xa0: {  	v55 =	vld [tilespmem:s21+$0xFFFFFEE0];
	v1 =	vmul.f32 v1, v9;
	v2 =	vmul.f32 v2, v10  }
0xa1: {  	v56 =	vld [tilespmem:s21+$0xFFFFFF60];
	v32 =	vmul.f32 v32, v6;
	v5 =	vmul.f32 v5, v46  }
0xa2: {  	v62 =	vmul.f32 v38, v27;
	v38 =	vld [tilespmem:s21+$0xFFFFFFE0];
	v1 =	vadd.f32 v2, v1;
	v2 =	vmul.f32 v3, v7  }
0xa3: {  	v63 =	vmul.f32 v47, v31;
	v60 =	vmul.f32 v48, v26;
	v48 =	vld [tilespmem:s21+$0x60];
	v5 =	vadd.f32 v32, v5  }
0xa4: {  	v3 =	vld [tilespmem:s21+$0xFFFFFE80];
	v1 =	vadd.f32 v2, v1;
	v2 =	vmul.f32 v4, v8  }
0xa5: {  	v61 =	vmul.f32 v54, v16;
	v4 =	vld [tilespmem:s21+$0xFFFFFEA0];
	v5 =	vadd.f32 v63, v5  }
0xa6: {  	v1 =	vadd.f32 v2, v1;
	v2 =	vld [tilespmem:s21+$0xFFFFFF00]  }
0xa7: {  	s22 =	simm.s32 $0x6180;
	v59 =	vmul.f32 v40, v28;
	v40 =	vadd.f32 v61, v5;
	v5 =	vld [tilespmem:s31+$0xB0]  }
0xa8: {  	[tilespmem:s22+$0x60] =	vst v1;
	v1 =	vld [tilespmem:s31+$0xFFFFFFB0]  }
0xa9: {  	v33 =	vld [tilespmem:s21+$0x190]  }
0xaa: {  	v3 =	vmul.f32 v3, v12;
	v34 =	vld [tilespmem:s21+$0x1B0];
	v4 =	vmul.f32 v4, v11  }
0xab: {  	v35 =	vld [tilespmem:s21+$0x1D0]  }
0xac: {  	[tilespmem:s22+$0xFFFFFF80] =	vst v40;
	v37 =	vld [tilespmem:s21+$0x1F0];
	v57 =	vadd.f32 v4, v3;
	v3 =	vmul.f32 v2, v15;
	v4 =	vmul.f32 v36, v14  }
0xad: {  	v47 =	vld [tilespmem:s21+$0xFFFFFE10]  }
0xae: {  	v54 =	vmul.f32 v53, v19;
	v53 =	vld [tilespmem:s21+$0xFFFFFE50];
	v58 =	vadd.f32 v4, v3;
	v4 =	vmul.f32 v39, v22  }
0xaf: {  	v41 =	vmul.f32 v41, v23;
	v49 =	vmul.f32 v49, v20;
	v2 =	vld [tilespmem:s31+$0xFFFFFFF0]  }
0xb0: {  	v3 =	vld [tilespmem:s31+$0x30];
	v32 =	vadd.f32 v60, v57;
	v36 =	vadd.f32 v4, v62;
	v62 =	vmul.f32 v55, v13  }
0xb1: {  	v43 =	vmul.f32 v43, v24;
	v39 =	vadd.f32 v41, v59;
	v60 =	vld [tilespmem:s21+$0x160]  }
0xb2: {  	v59 =	vmul.f32 v56, v1;
	v4 =	vld [tilespmem:s31+$0x70];
	v63 =	vadd.f32 v49, v58;
	v32 =	vadd.f32 v62, v32  }
0xb3: {  	v44 =	vmul.f32 v44, v30;
	v57 =	vmul.f32 v50, v17;
	v55 =	vld [tilespmem:s21+$0xE0]  }
0xb4: {  	v61 =	vmul.f32 v51, v21;
	v58 =	vmul.f32 v42, v29;
	v42 =	vld [tilespmem:s21+$0xFFFFFE30];
	v41 =	vadd.f32 v59, v63;
	[tilespmem:s22+$0xFFFFFFA0] =	vst v32  }
0xb5: {  	v38 =	vmul.f32 v38, v2;
	v36 =	vadd.f32 v57, v36;
	v62 =	vmul.f32 v45, v25;
	v50 =	vld [tilespmem:s21+$0xFFFFFE90]  }
0xb6: {  	v40 =	vadd.f32 v43, v58;
	v32 =	vadd.f32 v61, v39;
	[tilespmem:s22+$0xFFFFFFC0] =	vst v41;
	v39 =	vld [tilespmem:s21+$0xFFFFFEB0]  }
0xb7: {  	v63 =	vmul.f32 v52, v18;
	v36 =	vadd.f32 v38, v36;
	v52 =	vadd.f32 v62, v44;
	v43 =	vld [tilespmem:s21+$0xFFFFFF10]  }
0xb8: {  	v51 =	vmul.f32 v48, v3;
	v56 =	vld [tilespmem:s21+$0xFFFFFF30]  }
0xb9: {  	[tilespmem:s22+$0xFFFFFFE0] =	vst v36;
	v41 =	vadd.f32 v54, v52;
	v54 =	vld [tilespmem:s21+$0xFFFFFF50]  }
0xba: {  	v40 =	vadd.f32 v63, v40;
	v55 =	vmul.f32 v55, v4;
	v32 =	vadd.f32 v51, v32;
	v57 =	vld [tilespmem:s21+$0xFFFFFF90]  }
0xbb: {  	v59 =	vmul.f32 v60, v5;
	v60 =	vld [tilespmem:s21+$0xFFFFFFB0]  }
0xbc: {  	v9 =	vmul.f32 v33, v9;
	v10 =	vmul.f32 v34, v10;
	v58 =	vadd.f32 v55, v40;
	v55 =	vld [tilespmem:s21+$0xFFFFFFD0];
	[tilespmem:s22+$0x0] =	vst v32  }
0xbd: {  	v61 =	vld [tilespmem:s21+$0x10]  }
0xbe: {  	v7 =	vmul.f32 v35, v7;
	v9 =	vadd.f32 v10, v9;
	[tilespmem:s22+$0x20] =	vst v58;
	v63 =	vld [tilespmem:s21+$0x30]  }
0xbf: {  	v62 =	vadd.f32 v59, v41;
	v48 =	vld [tilespmem:s21+$0x90]  }
0xc0: {  	v8 =	vmul.f32 v37, v8;
	v7 =	vadd.f32 v7, v9;
	v6 =	vmul.f32 v42, v6;
	v49 =	vld [tilespmem:s21+$0xB0]  }
0xc1: {  	v52 =	vmul.f32 v47, v46;
	[tilespmem:s22+$0x40] =	vst v62;
	v9 =	vmul.f32 v50, v12;
	v12 =	vld [tilespmem:s21+$0xFFFFFED0]  }
0xc2: {  	v7 =	vadd.f32 v8, v7;
	v11 =	vmul.f32 v39, v11;
	v8 =	vmul.f32 v56, v14;
	v51 =	vld [tilespmem:s21+$0x110]  }
0xc3: {  	v6 =	vadd.f32 v6, v52;
	v10 =	vld [tilespmem:s21+$0x130];
	v14 =	vmul.f32 v57, v27;
	v22 =	vmul.f32 v60, v22  }
0xc4: {  	v15 =	vmul.f32 v43, v15;
	v56 =	vld [tilespmem:s21+$0x50];
	v11 =	vadd.f32 v11, v9;
	v28 =	vmul.f32 v61, v28  }
0xc5: {  	v60 =	vld [tilespmem:s21+$0x150];
	v9 =	vmul.f32 v63, v23;
	v22 =	vadd.f32 v22, v14;
	v14 =	vmul.f32 v53, v31  }
0xc6: {  	v58 =	vld [tilespmem:s21+$0xD0];
	v8 =	vadd.f32 v8, v15;
	v57 =	vmul.f32 v48, v29;
	v15 =	vmul.f32 v49, v24  }
0xc7: {  	v61 =	vld [tilespmem:s21+$0xFFFFFE70];
	v12 =	vmul.f32 v12, v26;
	v59 =	vmul.f32 v51, v30  }
0xc8: {  	v62 =	vld [tilespmem:s21+$0xFFFFFEF0];
	v10 =	vmul.f32 v10, v25;
	v28 =	vadd.f32 v9, v28;
	v9 =	vadd.f32 v14, v6  }
0xc9: {  	v6 =	vmul.f32 v54, v20;
	v14 =	vld [tilespmem:s21+$0xFFFFFF70];
	v20 =	vmul.f32 v56, v21;
	v23 =	vadd.f32 v15, v57  }
0xca: {  	v12 =	vadd.f32 v12, v11;
	v11 =	vmul.f32 v55, v17;
	v17 =	vld [tilespmem:s21+$0xFFFFFFF0];
	v63 =	vmul.f32 v60, v19  }
0xcb: {  	v15 =	vld [tilespmem:s21+$0x70];
	v24 =	vadd.f32 v10, v59;
	v10 =	vadd.f32 v6, v8;
	v8 =	vmul.f32 v58, v18  }
0xcc: {  	v6 =	vadd.f32 v20, v28;
	v11 =	vadd.f32 v11, v22;
	v18 =	vmul.f32 v61, v16;
	v16 =	vld [tilespmem:s21+$0xF0]  }
0xcd: {  	s24 =	simm.s32 $0x400;
	s23 =	simm.s32 $0x0;
	[tilespmem:s22+$0x70] =	vst v7;
	v19 =	vmul.f32 v62, v13;
	v13 =	vld [tilespmem:s21+$0x170];
	v7 =	vadd.f32 v8, v23;
	v8 =	vadd.f32 v63, v24  }
.LBB2_5:
0xce: {  	v20 =	vld [tilespmem:s24+$0xC0];
	v9 =	vadd.f32 v18, v9;
	v1 =	vmul.f32 v14, v1  }
0xcf: {  	s21 =	sadd.s32 $0x400, s21;
	v14 =	vld [tilespmem:s24+$0xD0];
	v12 =	vadd.f32 v19, v12;
	v2 =	vmul.f32 v17, v2  }
0xd0: {  	v17 =	vld [tilespmem:s21+$0x180];
	[tilespmem:s22+$0xFFFFFF90] =	vst v9;
	v1 =	vadd.f32 v1, v10;
	v3 =	vmul.f32 v15, v3  }
0xd1: {  	v9 =	vld [tilespmem:s21+$0x1A0];
	[tilespmem:s22+$0xFFFFFFB0] =	vst v12;
	v2 =	vadd.f32 v2, v11;
	v4 =	vmul.f32 v16, v4  }
0xd2: {  	s23 =	sadd.s32 $0x8, s23;
	v15 =	vld [tilespmem:s24+$0xE0];
	[tilespmem:s22+$0xFFFFFFD0] =	vst v1;
	v1 =	vadd.f32 v3, v6;
	v3 =	vmul.f32 v13, v5  }
0xd3: {  	p0 =	slt.u32 s23, $0x78;
	v5 =	vld [tilespmem:s21+$0x1C0];
	[tilespmem:s22+$0xFFFFFFF0] =	vst v2;
	v2 =	vadd.f32 v4, v7  }
0xd4: {  	v4 =	vld [tilespmem:s24+$0xF0];
	[tilespmem:s22+$0x10] =	vst v1;
	v1 =	vadd.f32 v3, v8  }
0xd5: {  	v3 =	vld [tilespmem:s21+$0x1E0];
	[tilespmem:s22+$0x30] =	vst v2  }
0xd6: {  	v2 =	vmul.f32 v17, v20;
	v6 =	vld [tilespmem:s24+$0xFFFFFF10];
	v7 =	vmul.f32 v9, v14;
	[tilespmem:s22+$0x50] =	vst v1  }
0xd7: {  	v1 =	vld [tilespmem:s21+$0xFFFFFE00]  }
0xd8: {  	v9 =	vld [tilespmem:s21+$0xFFFFFE20];
	v2 =	vadd.f32 v7, v2;
	v5 =	vmul.f32 v5, v15  }
0xd9: {  	v8 =	vld [tilespmem:s24+$0xFFFFFF40]  }
0xda: {  	v7 =	vld [tilespmem:s24+$0xFFFFFF50];
	v2 =	vadd.f32 v5, v2;
	v3 =	vmul.f32 v3, v4  }
0xdb: {  	v5 =	vld [tilespmem:s21+$0xFFFFFE80]  }
0xdc: {  	v11 =	vld [tilespmem:s21+$0xFFFFFEA0];
	v2 =	vadd.f32 v3, v2  }
0xdd: {  	s22 =	sadd.s32 $0x100, s22;
	v3 =	vmul.f32 v9, v6;
	v10 =	vld [tilespmem:s24+$0xFFFFFF80]  }
0xde: {  	v9 =	vld [tilespmem:s24+$0xFFFFFF90];
	[tilespmem:s22+$0x60] =	vst v2  }
0xdf: {  	v2 =	vld [tilespmem:s21+$0x190]  }
0xe0: {  	v5 =	vmul.f32 v5, v8;
	v12 =	vld [tilespmem:s21+$0x1B0]  }
0xe1: {  	v11 =	vmul.f32 v11, v7;
	v13 =	vld [tilespmem:s21+$0xFFFFFF00]  }
0xe2: {  	v16 =	vld [tilespmem:s21+$0x1D0]  }
0xe3: {  	v5 =	vadd.f32 v11, v5;
	v17 =	vld [tilespmem:s21+$0xFFFFFF20]  }
0xe4: {  	v18 =	vld [tilespmem:s21+$0x1F0]  }
0xe5: {  	v2 =	vmul.f32 v2, v20;
	v11 =	vld [tilespmem:s24+$0xFFFFFFC0];
	v14 =	vmul.f32 v12, v14  }
0xe6: {  	v19 =	vmul.f32 v13, v10;
	v12 =	vld [tilespmem:s24+$0xFFFFFFD0]  }
0xe7: {  	v20 =	vld [tilespmem:s21+$0xFFFFFF80];
	v2 =	vadd.f32 v14, v2;
	v14 =	vmul.f32 v16, v15  }
0xe8: {  	v15 =	vmul.f32 v17, v9;
	v16 =	vld [tilespmem:s21+$0xFFFFFFA0]  }
0xe9: {  	v13 =	vld [tilespmem:s24+$0x0];
	v2 =	vadd.f32 v14, v2;
	v4 =	vmul.f32 v18, v4  }
0xea: {  	v25 =	vadd.f32 v15, v19;
	v14 =	vld [tilespmem:s24+$0x10]  }
0xeb: {  	v17 =	vld [tilespmem:s21+$0x0];
	v2 =	vadd.f32 v4, v2  }
0xec: {  	v4 =	vmul.f32 v20, v11;
	v18 =	vld [tilespmem:s21+$0x20]  }
0xed: {  	v19 =	vmul.f32 v16, v12;
	v16 =	vld [tilespmem:s24+$0x40];
	[tilespmem:s22+$0x70] =	vst v2  }
0xee: {  	v15 =	vld [tilespmem:s24+$0x50]  }
0xef: {  	v2 =	vadd.f32 v19, v4;
	v4 =	vld [tilespmem:s21+$0x80]  }
0xf0: {  	v19 =	vmul.f32 v17, v13;
	v20 =	vld [tilespmem:s21+$0xA0]  }
0xf1: {  	v21 =	vmul.f32 v18, v14;
	v18 =	vld [tilespmem:s24+$0x80]  }
0xf2: {  	v17 =	vld [tilespmem:s24+$0x90]  }
0xf3: {  	v28 =	vadd.f32 v21, v19;
	v21 =	vld [tilespmem:s21+$0x100]  }
0xf4: {  	v4 =	vmul.f32 v4, v16;
	v22 =	vld [tilespmem:s21+$0x120]  }
0xf5: {  	v29 =	vld [tilespmem:s24+$0xFFFFFF00];
	v20 =	vmul.f32 v20, v15  }
0xf6: {  	v19 =	vld [tilespmem:s24+$0xFFFFFF20]  }
0xf7: {  	v23 =	vld [tilespmem:s21+$0xFFFFFE40];
	v4 =	vadd.f32 v20, v4  }
0xf8: {  	v20 =	vld [tilespmem:s24+$0xFFFFFF60];
	v24 =	vmul.f32 v21, v18  }
0xf9: {  	v26 =	vld [tilespmem:s21+$0xFFFFFEC0];
	v22 =	vmul.f32 v22, v17  }
0xfa: {  	v1 =	vmul.f32 v1, v29;
	v21 =	vld [tilespmem:s24+$0xFFFFFFA0]  }
0xfb: {  	v27 =	vld [tilespmem:s21+$0xFFFFFF40];
	v30 =	vadd.f32 v22, v24  }
0xfc: {  	v1 =	vadd.f32 v3, v1;
	v3 =	vmul.f32 v23, v19;
	v22 =	vld [tilespmem:s24+$0xFFFFFFE0]  }
0xfd: {  	v31 =	vld [tilespmem:s21+$0xFFFFFFC0]  }
0xfe: {  	v3 =	vadd.f32 v3, v1;
	v1 =	vmul.f32 v26, v20;
	v23 =	vld [tilespmem:s24+$0x20]  }
0xff: {  	v32 =	vld [tilespmem:s21+$0x40]  }
0x100: {  	v5 =	vadd.f32 v1, v5;
	v1 =	vmul.f32 v27, v21;
	v24 =	vld [tilespmem:s24+$0x60]  }
0x101: {  	v33 =	vld [tilespmem:s21+$0xC0]  }
0x102: {  	v34 =	vadd.f32 v1, v25;
	v1 =	vmul.f32 v31, v22;
	v25 =	vld [tilespmem:s24+$0xA0]  }
0x103: {  	v31 =	vld [tilespmem:s21+$0x140]  }
0x104: {  	v26 =	vld [tilespmem:s24+$0xFFFFFF30];
	v35 =	vadd.f32 v1, v2;
	v1 =	vmul.f32 v32, v23  }
0x105: {  	v2 =	vld [tilespmem:s21+$0xFFFFFE60]  }
0x106: {  	v27 =	vld [tilespmem:s24+$0xFFFFFF70];
	v28 =	vadd.f32 v1, v28;
	v32 =	vmul.f32 v33, v24  }
0x107: {  	v33 =	vld [tilespmem:s21+$0xFFFFFEE0]  }
0x108: {  	v1 =	vld [tilespmem:s24+$0xFFFFFFB0];
	v32 =	vadd.f32 v32, v4;
	v4 =	vmul.f32 v31, v25  }
0x109: {  	v31 =	vld [tilespmem:s21+$0xFFFFFF60]  }
0x10a: {  	v36 =	vmul.f32 v2, v26;
	v2 =	vld [tilespmem:s24+$0xFFFFFFF0];
	v30 =	vadd.f32 v4, v30  }
0x10b: {  	v37 =	vld [tilespmem:s21+$0xFFFFFFE0]  }
0x10c: {  	v4 =	vadd.f32 v36, v3;
	v33 =	vmul.f32 v33, v27;
	v3 =	vld [tilespmem:s24+$0x30]  }
0x10d: {  	v36 =	vld [tilespmem:s21+$0x60]  }
0x10e: {  	[tilespmem:s22+$0xFFFFFF80] =	vst v4;
	v5 =	vadd.f32 v33, v5;
	v31 =	vmul.f32 v31, v1;
	v4 =	vld [tilespmem:s24+$0x70]  }
0x10f: {  	v33 =	vld [tilespmem:s21+$0xE0]  }
0x110: {  	[tilespmem:s22+$0xFFFFFFA0] =	vst v5;
	v31 =	vadd.f32 v31, v34;
	v34 =	vmul.f32 v37, v2;
	v5 =	vld [tilespmem:s24+$0xB0]  }
0x111: {  	v37 =	vld [tilespmem:s21+$0x160]  }
0x112: {  	v38 =	vld [tilespmem:s21+$0xFFFFFE10];
	[tilespmem:s22+$0xFFFFFFC0] =	vst v31;
	v31 =	vadd.f32 v34, v35;
	v34 =	vmul.f32 v36, v3  }
0x113: {  	v35 =	vld [tilespmem:s21+$0xFFFFFE30]  }
0x114: {  	v36 =	vld [tilespmem:s21+$0xFFFFFE90];
	[tilespmem:s22+$0xFFFFFFE0] =	vst v31;
	v28 =	vadd.f32 v34, v28;
	v31 =	vmul.f32 v33, v4  }
0x115: {  	v33 =	vld [tilespmem:s21+$0xFFFFFEB0]  }
0x116: {  	v34 =	vld [tilespmem:s21+$0xFFFFFF10];
	[tilespmem:s22+$0x0] =	vst v28;
	v28 =	vadd.f32 v31, v32;
	v31 =	vmul.f32 v37, v5  }
0x117: {  	v29 =	vmul.f32 v38, v29;
	v32 =	vld [tilespmem:s21+$0xFFFFFF30]  }
0x118: {  	v6 =	vmul.f32 v35, v6;
	v35 =	vld [tilespmem:s21+$0xFFFFFF90];
	[tilespmem:s22+$0x20] =	vst v28;
	v28 =	vadd.f32 v31, v30  }
0x119: {  	v8 =	vmul.f32 v36, v8;
	v30 =	vld [tilespmem:s21+$0xFFFFFFB0]  }
0x11a: {  	v6 =	vadd.f32 v6, v29;
	v7 =	vmul.f32 v33, v7;
	v29 =	vld [tilespmem:s21+$0x10];
	[tilespmem:s22+$0x40] =	vst v28  }
0x11b: {  	v10 =	vmul.f32 v34, v10;
	v28 =	vld [tilespmem:s21+$0x30]  }
0x11c: {  	v7 =	vadd.f32 v7, v8;
	v8 =	vmul.f32 v32, v9;
	v9 =	vld [tilespmem:s21+$0x90]  }
0x11d: {  	v11 =	vmul.f32 v35, v11;
	v31 =	vld [tilespmem:s21+$0xB0]  }
0x11e: {  	v8 =	vadd.f32 v8, v10;
	v10 =	vmul.f32 v30, v12;
	v12 =	vld [tilespmem:s21+$0x110]  }
0x11f: {  	v13 =	vmul.f32 v29, v13;
	v29 =	vld [tilespmem:s21+$0x130]  }
0x120: {  	v30 =	vld [tilespmem:s21+$0xFFFFFE50];
	v11 =	vadd.f32 v10, v11;
	v10 =	vmul.f32 v28, v14  }
0x121: {  	v14 =	vld [tilespmem:s21+$0xFFFFFED0];
	v9 =	vmul.f32 v9, v16  }
0x122: {  	v16 =	vld [tilespmem:s21+$0xFFFFFF50];
	v13 =	vadd.f32 v10, v13;
	v10 =	vmul.f32 v31, v15  }
0x123: {  	v15 =	vld [tilespmem:s21+$0xFFFFFFD0];
	v12 =	vmul.f32 v12, v18  }
0x124: {  	v18 =	vld [tilespmem:s21+$0x50];
	v28 =	vadd.f32 v10, v9;
	v9 =	vmul.f32 v29, v17  }
0x125: {  	v10 =	vmul.f32 v30, v19;
	v19 =	vld [tilespmem:s21+$0xD0]  }
0x126: {  	v14 =	vmul.f32 v14, v20;
	v20 =	vadd.f32 v9, v12;
	v29 =	vld [tilespmem:s21+$0x150]  }
0x127: {  	v9 =	vadd.f32 v10, v6;
	v30 =	vld [tilespmem:s21+$0xFFFFFE70];
	v6 =	vmul.f32 v16, v21  }
0x128: {  	v12 =	vadd.f32 v14, v7;
	v21 =	vld [tilespmem:s21+$0xFFFFFEF0];
	v7 =	vmul.f32 v15, v22  }
.Ltmp1:
0x129: {  	v10 =	vadd.f32 v6, v8;
	v14 =	vld [tilespmem:s21+$0xFFFFFF70];
	v6 =	vmul.f32 v18, v23;
	(pc) =	sbr.rel @p0 .LBB2_5-.Ltmp1, $4  }
0x12a: {  	v11 =	vadd.f32 v7, v11;
	v17 =	vld [tilespmem:s21+$0xFFFFFFF0];
	v7 =	vmul.f32 v19, v24  }
0x12b: {  	v6 =	vadd.f32 v6, v13;
	v15 =	vld [tilespmem:s21+$0x70];
	v8 =	vmul.f32 v29, v25  }
0x12c: {  	v18 =	vmul.f32 v30, v26;
	v7 =	vadd.f32 v7, v28;
	v16 =	vld [tilespmem:s21+$0xF0]  }
0x12d: {  	s24 =	sadd.s32 $0x200, s24;
	v19 =	vmul.f32 v21, v27;
	v8 =	vadd.f32 v8, v20;
	v13 =	vld [tilespmem:s21+$0x170]  }
0x12e: {  	v9 =	vadd.f32 v18, v9;
	v1 =	vmul.f32 v14, v1  }
0x12f: {  	v12 =	vadd.f32 v19, v12;
	v2 =	vmul.f32 v17, v2  }
0x130: {  	[tilespmem:s22+$0xFFFFFF90] =	vst v9;
	v1 =	vadd.f32 v1, v10;
	v3 =	vmul.f32 v15, v3  }
0x131: {  	[tilespmem:s22+$0xFFFFFFB0] =	vst v12;
	v2 =	vadd.f32 v2, v11;
	v4 =	vmul.f32 v16, v4  }
0x132: {  	[tilespmem:s22+$0xFFFFFFD0] =	vst v1;
	v1 =	vadd.f32 v3, v6;
	v3 =	vmul.f32 v13, v5  }
0x133: {  	[tilespmem:s22+$0xFFFFFFF0] =	vst v2;
	v2 =	vadd.f32 v4, v7  }
0x134: {  	s20 =	sadd.s32 $0x1, s20;
	[tilespmem:s22+$0x10] =	vst v1;
	v1 =	vadd.f32 v3, v8  }
0x135: {  	p0 =	sne.s32 s20, $0xC8;
	[tilespmem:s22+$0x30] =	vst v2  }
.Ltmp2:
0x136: {  	[tilespmem:s22+$0x50] =	vst v1;
	(pc) =	sbr.rel @p0 .LBB2_4-.Ltmp2, $4  }
0x137: {  	[spmem:s1] =	stream.indirect.scatter.add.f32 [tilespmem:s18], [sflag:$0x2], $0x20, s14, s14, $0xb8;
	[tilespmem:$0x1FD00] =	vst v63  }
0x138: {  	_ =	swait.ge [sflag:s13], $0x1000  }
0x139: {  	[sflag:s13] =	ssyncset.done $0x0  }
0x13a: {  	[sflag:s13] =	ssyncadd.s32 $0xFFFFF000  }
0x13b: {  	[bflag:$0x0] =	sbarrier.arrive $0xFFFF;
	s20 =	sshll.u32 s2, $0x6  }
0x13c: {  	s21 =	sadd.s32 $0x0, s11;
	s22 =	sshrl.u32 s8, $0x3;
	s20 =	sor.u32 $0x1C02, s20  }
0x13d: {  	[hbm:s21], [sflag:s20] =	dma.local [spmem:s22], $0x80  }
0x13e: {  	s21 =	simm.s32 $0x80;
	s22 =	sadd.s32 $0x400, s8;
	_ =	swait.ge [sflag:s13], $0x80  }
.LBB2_8:
0x13f: {  	s23 =	sadd.s32 s21, s11;
	[sflag:s13] =	ssyncset.done $0x0;
	p0 =	sne.s32 s21, $0x3080  }
.Ltmp3:
0x140: {  	s24 =	sshrl.u32 s22, $0x3;
	[sflag:s13] =	ssyncadd.s32 $0xFFFFFF80;
	(pc) =	sbr.rel @p0 .LBB2_8-.Ltmp3, $3  }
0x141: {  	[hbm:s23], [sflag:s20] =	dma.local [spmem:s24], $0x80  }
0x142: {  	s21 =	sadd.s32 $0x80, s21;
	_ =	sdelay $0x1  }
0x143: {  	s22 =	sadd.s32 $0x400, s22;
	_ =	swait.ge [sflag:s13], $0x80  }
0x144: {  	s19 =	sadd.s32 $0x1, s19  }
0x145: {  	p0 =	sne.s32 s19, s10  }
.Ltmp4:
0x146: {  	_ = 	snop;
	(pc) =	sbr.rel @p0 .LBB2_1-.Ltmp4, $3  }
0x147: {  	_ =	sdelay $0x1  }
0x148: {  	[sflag:s13] =	ssyncset.done $0x0  }
0x149: {  	[sflag:s13] =	ssyncadd.s32 $0xFFFFFF80  }
0x14a: {  	_ =	sfence.sel $0x180000  }
0x14b: {  	[bflag:$0x0] =	sbarrier.arrive $0xFFFF  }
0x14c: {  	p0 =	sne.s32 s2, $0x0;
	_ =	strace $0x9000004D  }
0x14d: {  	s0 =	sadd.s32 @!p0 $0x100000, s0;
	[bflag:$0x2] =	sbarrier.arrive $0xFFFF  }
0x14e: {  	[sflag:s0] =	ssyncadd.tile.s32 @!p0 $0x1;
	_ =	shalt  }
.Lfunc_end2:
_tile_overlayer_lowered:
.L_overlay_start_2:
0x14f: {  	(tag) =	ssettag $0x2  }
0x150: {  	s0 =	rddreg [dreg:$0x0];
	s2 =	stileid.u32  }
0x151: {  	s1 =	rddreg [dreg:$0x1];
	p0 =	sne.s32 s2, $0x0  }
0x152: {  	s3 =	rddreg [dreg:$0x2];
	[bflag:$0x3] =	sbarrier.arrive $0xFFFF;
	s2 =	simm.s32 @!p0 $0x1C02  }
0x153: {  	[timem:s3], [sflag:s2] =	dma.local @!p0 [hbm:s0], s1  }
0x154: {  	s0 =	simm.s32 @!p0 $0x2  }
0x155: {  	_ =	swait.ge @!p0 [sflag:s0], s1  }
0x156: {  	s1 =	ssub.s32 @!p0 $0x0, s1;
	[sflag:s0] =	ssyncset.done @!p0 $0x0  }
0x157: {  	[sflag:s0] =	ssyncadd.s32 @!p0 s1  }
0x158: {  	[bflag:$0x3] =	sbarrier.arrive $0xFFFF  }
0x159: {  	_ =	shalt  }

// kernel: kernel.23.cloned.1.call-start
scs
__scs_entry_jumppad:
0x0: {  	(pc) =	sbr.rel $0x88, $3  }
0x1: {  	(tag) =	ssettag $0x0;
	lr =	simm.s32 $0x1  }
0x2: {  	[smem:$0x3F93] =	sst lr;
	_ =	strace $0xD0000000  }
0x3: {  	_ = 	snop  }
0x4: {  	_ = 	snop  }
0x5: {  	_ = 	snop  }
0x6: {  	_ = 	snop  }
0x7: {  	_ = 	snop  }
__scs_overlays_trampoline_lowered:
0x8: {  	[smem:$0x3FA2] =	sst s0  }
0x9: {  	[smem:$0x3FA3] =	sst s1  }
0xa: {  	[smem:$0x3FA4] =	sst s2  }
0xb: {  	[smem:$0x3FA5] =	sst s3  }
0xc: {  	[smem:$0x3FA6] =	sst s4  }
0xd: {  	[smem:$0x3FA7] =	sst s5  }
0xe: {  	[smem:$0x3FA8] =	sst s6  }
0xf: {  	[smem:$0x3FA9] =	sst s7  }
0x10: {  	[smem:$0x3FAA] =	sst s8  }
0x11: {  	[smem:$0x3FAB] =	sst s9;
	s0 =	simm.s32 @!p0 $0x0  }
0x12: {  	s1 =	sld [smem:$0x3F91];
	s0 =	simm.s32 @p0 $0x1  }
0x13: {  	[smem:$0x3FAC] =	sst s0;
	s0 =	simm.s32 @!p1 $0x0  }
0x14: {  	s2 =	sld [smem:$0x3F90];
	s0 =	simm.s32 @p1 $0x1  }
0x15: {  	[smem:$0x3FAD] =	sst s0;
	s0 =	simm.s32 @!p2 $0x0  }
0x16: {  	s3 =	sld [smem:$0x3FDB];
	s0 =	simm.s32 @p2 $0x1  }
0x17: {  	s4 =	simm.s32 $0x1BF5;
	[smem:$0x3FAF] =	sst s0  }
0x18: {  	s0 =	sld [smem:$0x3F92];
	_ =	swait.ge [sflag:s4], $0x0  }
0x19: {  	s7 =	sld [smem:$0x3F93]  }
0x1a: {  	s8 =	sadd.s32 $0xFFFFE003, lr  }
0x1b: {  	s9 =	sadd.s32 $0xFFFFFEF7, lr;
	s5 =	simm.s32 $0xFFFFFFFF;
	p2 =	slt.u32 s8, $0xFFFFF086  }
0x1c: {  	p1 =	slt.u32 s9, $0xF7A;
	s5 =	simm.s32 @!p2 $0x0  }
0x1d: {  	s5 =	simm.s32 @p1 $0x1;
	p0 =	seq.s32 s7, s2  }
0x1e: {  	s7 =	smul.u32 @!p0 $0xF7A, s2;
	p2 =	seq.s32 @!p0 s5, $0x0  }
0x1f: {  	s9 =	smul.u32 $0xF7A, s1;
	s8 =	simm.s32 @!p0 $0x1BF5;
	p2 =	por !p2, p0  }
0x20: {  	[sflag:s8] =	ssyncset.s32 @!p0 $0xFFFFF086;
	s6 =	sadd.s32 @!p0 s3, s7;
	s7 =	simm.s32 @!p0 $0x108  }
0x21: {  	s3 =	sadd.s32 s3, s9;
	s6 =	sadd.s32 @!p0 $0x88, s6;
	s7 =	simm.s32 @p2 $0x1082  }
0x22: {  	[simem:s7], [sflag:s8] =	dma.local @!p0 [hbm:s6], $0xF7A  }
0x23: {  	s9 =	sor.u32 $0xD0000000, s2;
	s6 =	simm.s32 $0x108;
	_ =	swait.ge @!p0 [sflag:s8], $0x0  }
0x24: {  	s3 =	sadd.s32 $0x88, s3;
	s6 =	simm.s32 @!p1 $0x1082;
	[sflag:s4] =	ssyncset.s32 $0xFFFFF086  }
0x25: {  	[simem:s6], [sflag:s4] =	dma.local [hbm:s3], $0xF7A  }
0x26: {  	[smem:$0x3F93] =	sst s1;
	(tag) =	ssettag s2;
	_ =	strace s9  }
0x27: {  	s1 =	sld [smem:$0x3FA3]  }
0x28: {  	s2 =	sld [smem:$0x3FA4]  }
0x29: {  	s4 =	sld [smem:$0x3FA6]  }
0x2a: {  	p0 =	seq.s32 s5, $0x0;
	s5 =	sld [smem:$0x3FA7]  }
0x2b: {  	s6 =	sld [smem:$0x3FA8]  }
0x2c: {  	s7 =	sld [smem:$0x3FA9]  }
0x2d: {  	s3 =	simm.s32 $0x108;
	s8 =	sld [smem:$0x3FAA]  }
0x2e: {  	s3 =	simm.s32 @!p0 $0x1082;
	s9 =	sld [smem:$0x3FAB]  }
0x2f: {  	lr =	sadd.s32 s0, s3;
	s0 =	sld [smem:$0x3FA2]  }
0x30: {  	s3 =	sld [smem:$0x3FA5]  }
0x31: {  	[smem:$0x3FAE] =	sst s10  }
0x32: {  	s10 =	sld [smem:$0x3FAC];
	_ =	sdelay $0x3  }
0x33: {  	p0 =	seq.s32 s10, $0x1;
	s10 =	sld [smem:$0x3FAE];
	_ =	sdelay $0x3  }
0x34: {  	[smem:$0x3FAE] =	sst s10  }
0x35: {  	s10 =	sld [smem:$0x3FAD];
	_ =	sdelay $0x3  }
0x36: {  	p1 =	seq.s32 s10, $0x1;
	s10 =	sld [smem:$0x3FAE];
	_ =	sdelay $0x3  }
0x37: {  	[smem:$0x3FAE] =	sst s10  }
0x38: {  	s10 =	sld [smem:$0x3FAF]  }
0x39: {  	_ = 	snop;
	(pc) =	sbr.ind lr, $3  }
0x3a: {  	_ = 	snop  }
0x3b: {  	_ = 	snop  }
0x3c: {  	p2 =	seq.s32 s10, $0x1;
	s10 =	sld [smem:$0x3FAE]  }
0x3d: {  	_ =	shalt  }
0x3e: {  	_ =	shalt  }
0x3f: {  	_ =	shalt  }
0x40: {  	_ =	shalt  }
0x41: {  	_ =	shalt  }
0x42: {  	_ =	shalt  }
0x43: {  	_ =	shalt  }
0x44: {  	_ =	shalt  }
0x45: {  	_ =	shalt  }
0x46: {  	_ =	shalt  }
0x47: {  	_ =	shalt  }
0x48: {  	_ =	shalt  }
0x49: {  	_ =	shalt  }
0x4a: {  	_ =	shalt  }
0x4b: {  	_ =	shalt  }
0x4c: {  	_ =	shalt  }
0x4d: {  	_ =	shalt  }
0x4e: {  	_ =	shalt  }
0x4f: {  	_ =	shalt  }
0x50: {  	_ =	shalt  }
0x51: {  	_ =	shalt  }
0x52: {  	_ =	shalt  }
0x53: {  	_ =	shalt  }
0x54: {  	_ =	shalt  }
0x55: {  	_ =	shalt  }
0x56: {  	_ =	shalt  }
0x57: {  	_ =	shalt  }
0x58: {  	_ =	shalt  }
0x59: {  	_ =	shalt  }
0x5a: {  	_ =	shalt  }
0x5b: {  	_ =	shalt  }
0x5c: {  	_ =	shalt  }
0x5d: {  	_ =	shalt  }
0x5e: {  	_ =	shalt  }
0x5f: {  	_ =	shalt  }
0x60: {  	_ =	shalt  }
0x61: {  	_ =	shalt  }
0x62: {  	_ =	shalt  }
0x63: {  	_ =	shalt  }
0x64: {  	_ =	shalt  }
0x65: {  	_ =	shalt  }
0x66: {  	_ =	shalt  }
0x67: {  	_ =	shalt  }
0x68: {  	_ =	shalt  }
0x69: {  	_ =	shalt  }
0x6a: {  	_ =	shalt  }
0x6b: {  	_ =	shalt  }
0x6c: {  	_ =	shalt  }
0x6d: {  	_ =	shalt  }
0x6e: {  	_ =	shalt  }
0x6f: {  	_ =	shalt  }
0x70: {  	_ =	shalt  }
0x71: {  	_ =	shalt  }
0x72: {  	_ =	shalt  }
0x73: {  	_ =	shalt  }
0x74: {  	_ =	shalt  }
0x75: {  	_ =	shalt  }
0x76: {  	_ =	shalt  }
0x77: {  	_ =	shalt  }
0x78: {  	_ =	shalt  }
0x79: {  	_ =	shalt  }
0x7a: {  	_ =	shalt  }
0x7b: {  	_ =	shalt  }
0x7c: {  	_ =	shalt  }
0x7d: {  	_ =	shalt  }
0x7e: {  	_ =	shalt  }
0x7f: {  	_ =	shalt  }
0x80: {  	_ =	shalt  }
0x81: {  	_ =	shalt  }
0x82: {  	_ =	shalt  }
0x83: {  	_ =	shalt  }
0x84: {  	_ =	shalt  }
0x85: {  	_ =	shalt  }
0x86: {  	_ =	shalt  }
0x87: {  	_ =	shalt  }
.Lfunc_end0:
.L_simem_size_0:
called_computation.3_lowered:
.L_overlay_start_0:
0x88: {  	s2 =	sld [smem:$0x3FD9]  }
0x89: {  	s3 =	sld [smem:$0x3FFE];
	_ =	sdelay $0x1  }
0x8a: {  	s1 =	srdreg.scid  }
0x8b: {  	s0 =	sand.u32 $0x1, s1  }
0x8c: {  	s16 =	sshll.u32 s0, $0xA;
	s2 =	sadd.s32 s3, s2  }
0x8d: {  	s2 =	sadd.s32 s2, s16  }
0x8e: {  	[smem:$0x3FBA] =	sst s2  }
0x8f: {  	_ = 	snop  }
0x90: {  	(tm) =	ssettm $0x1  }
0x91: {  	s17 =	sld [smem:$0x3FFB];
	_ =	sdelay $0x3  }
0x92: {  	_ =	strace s17  }
0x93: {  	s2 =	sld [smem:$0x3FFC];
	_ =	sdelay $0x3  }
0x94: {  	_ =	strace s2  }
0x95: {  	s2 =	sld [smem:$0x3FFD];
	_ =	sdelay $0x3  }
0x96: {  	_ =	strace s2  }
0x97: {  	_ =	strace $0x8FFFFFFF  }
0x98: {  	s18 =	sld [smem:$0x3FDB];
	_ =	sdelay $0x1  }
0x99: {  	s19 =	simm.s32 $_scs_section_size  }
0x9a: {  	s4 =	simm.s32 $_size__tile_overlayer_lowered;
	s5 =	simm.s32 $_tile_overlayer_lowered  }
0x9b: {  	s22 =	simm.s32 $0x1BFF;
	s21 =	sshll.u32 s5, $0x1;
	s2 =	sadd.s32 s19, s18  }
0x9c: {  	s6 =	simm.s32 $0x0;
	s20 =	sshll.u32 s4, $0x1;
	s4 =	sadd.s32 s21, s2  }
0x9d: {  	[timem:s6], [sflag:s22] =	dma.local [hbm:s4], s20  }
0x9e: {  	_ =	swait.ge [sflag:s22], s20  }
0x9f: {  	s3 =	ssub.s32 $0x0, s20;
	[sflag:s22] =	ssyncset.done $0x0  }
0xa0: {  	[sflag:s22] =	ssyncadd.s32 s3;
	_ =	sdelay $0x1  }
0xa1: {  	s23 =	simm.s32 $0x1B8B  }
0xa2: {  	_ =	swait.ge [sflag:s23], $0x1  }
0xa3: {  	[sflag:s23] =	ssyncset.done $0x0  }
0xa4: {  	s25 =	simm.s32 $0x1B8E;
	s24 =	sld [smem:$0x3FFE];
	[sflag:s23] =	ssyncadd.s32 $0xFFFFFFFF  }
0xa5: {  	s26 =	simm.s32 $execute0_lowered;
	[smem:$0x3FD2] =	sst s25  }
0xa6: {  	s4 =	sshll.u32 s26, $0x1;
	_ =	strace $0x8000004F;
	[dreg:$0x1] =	wrdreg $0xFFFFFFFF  }
0xa7: {  	s28 =	simm.s32 $_size_execute0_lowered;
	s2 =	sadd.s32 s2, s4;
	[dreg:$0x0] =	wrdreg $0x0  }
0xa8: {  	s4 =	sshll.u32 s28, $0x1;
	[dreg:$0x2] =	wrdreg s2  }
0xa9: {  	[dreg:$0x3] =	wrdreg s4  }
0xaa: {  	[dreg:$0x4] =	wrdreg $0xC0  }
0xab: {  	_ =	task [dreg:s6], $0x5FFFF  }
0xac: {  	[dreg:$0x1] =	wrdreg $0xFFFFFFFF  }
0xad: {  	[dreg:$0x0] =	wrdreg $0x60  }
0xae: {  	[dreg:$0x2] =	wrdreg s24  }
0xaf: {  	[dreg:$0x3] =	wrdreg $0x15700  }
0xb0: {  	[dreg:$0x4] =	wrdreg $0x15F80  }
0xb1: {  	[dreg:$0x5] =	wrdreg $0x9  }
0xb2: {  	_ =	task.clear_ibuf [dreg:s6], $0x6FFFF;
	_ =	strace $0x9000004F  }
0xb3: {  	s29 =	simm.s32 $0x9;
	_ =	strace $0x80000051  }
0xb4: {  	_ =	swait.ge [sflag:s29], $0x1  }
0xb5: {  	[sflag:s29] =	ssyncadd.s32 $0xFFFFFFFF  }
0xb6: {  	_ =	strace $0x90000051  }
0xb7: {  	_ =	sfence  }
0xb8: {  	s30 =	sld [smem:$0x0];
	_ =	sdelay $0x2  }
0xb9: {  	s31 =	sshll.u32 s1, $0xD;
	s1 =	sshrl.u32 s1, $0x2  }
0xba: {  	s3 =	sand.u32 $0x4000, s31;
	s1 =	sadd.s32 s1, s30  }
0xbb: {  	s0 =	sor.u32 s3, s0;
	s1 =	sshll.u32 s1, $0x11  }
0xbc: {  	s0 =	sor.u32 s1, s0  }
0xbd: {  	s0 =	sadd.s32 $0x8F2B, s0  }
0xbe: {  	[sflag:s0] =	ssyncadd.remote.s32 $0x1  }
0xbf: {  	_ =	sfence.sel $0xFFFF  }
0xc0: {  	[dreg:$0x0] =	wrdreg $0xFFFFFFFF;
	(pc) =	sbr.abs _section_cstart, $3  }
0xc1: {  	[dreg:$0x1] =	wrdreg $0xFFFFFFFF  }
0xc2: {  	_ =	task.clear_ibuf [dreg:s6], $0x2FFFF;
	_ =	strace $0x9FFFFFFF  }
0xc3: {  	(tm) =	ssettm $0x7FFFFFFF  }
tec
execute0_lowered:
.L_overlay_start_1:
0x0: {  	(tag) =	ssettag $0x1  }
0x1: {  	s4 =	rddreg [dreg:$0x0]  }
0x2: {  	s0 =	rddreg [dreg:$0x1]  }
0x3: {  	s10 =	stileid.u32;
	s1 =	srdreg.scid  }
0x4: {  	s2 =	rddreg [dreg:$0x2];
	s6 =	smul.u32 $0xC40, s10  }
0x5: {  	s3 =	simm.s32 $0x0;
	s5 =	sand.u32 $0x1, s1;
	s8 =	smul.u32 $0x3100, s10  }
0x6: {  	s15 =	simm.s32 $0x0;
	s1 =	rddreg [dreg:$0x3];
	s7 =	smul.u32 $0x620, s5  }
0x7: {  	[smem:$0x7FF] =	sst s3;
	p0 =	sne.s32 s10, $0x0;
	s28 =	smul.u32 $0x104, s5  }
0x8: {  	s10 =	simm.s32 $0x1;
	_ =	strace $0x80000050;
	s9 =	smul.u32 $0x82, s5  }
0x9: {  	s30 =	ssub.s32 $0x2, s5;
	s12 =	smul.u32 $0x1880, s5;
	s13 =	sshrl.u32 @!p0 s0, $0x3  }
0xa: {  	s14 =	sshrl.u32 @!p0 s2, $0x3;
	s8 =	sadd.s32 s8, s4;
	s31 =	sshrl.u32 s30, $0x1  }
0xb: {  	s6 =	sadd.s32 s7, s6;
	s29 =	sadd.s32 s28, s4;
	s9 =	sadd.s32 s9, s4  }
0xc: {  	s7 =	ssub.s32 s30, s31;
	s8 =	sadd.s32 s12, s8;
	s12 =	simm.s32 $0x70  }
0xd: {  	s6 =	sshrl.u32 s6, $0x3;
	s5 =	sadd.s32 $0x3800, s9;
	s8 =	sadd.s32 $0x1E200, s8  }
0xe: {  	v0 =	vlaneseq.u32;
	s9 =	simm.s32 $0xE00;
	s11 =	sadd.s32 s6, s4;
	s4 =	sadd.s32 $0x3A00, s29  }
0xf: {  	v1 =	vimm.f32 $0.0e+00;
	v3 =	vimm.f32 $1.000000000e+00;
	v2 =	vor.u32 $0x10, v0;
	s6 =	smax.u32 s7, $0x1;
	s7 =	sadd.s32 $0x1C800, s11;
	s11 =	simm.s32 $0x1500  }
.LBB2_1:
0x10: {  	v4 =	vmov s3  }
0x11: {  	v5 =	vshll.u32 v4, $0x5  }
0x12: {  	v6 =	vshll.u32 v4, $0x4;
	v4 =	vor.u32 v0, v5  }
0x13: {  	v5 =	vor.u32 v2, v5  }
0x14: {  	s16 =	simm.s32 $0x1;
	v6 =	vor.u32 v0, v6  }
.LBB2_2:
0x15: {  	p1 =	sne.s32 s16, $0x6F  }
.Ltmp0:
0x16: {  	v7 =	vmov s16;
	(pc) =	sbr.rel @p1 .LBB2_2-.Ltmp0, $4  }
0x17: {  	v8 =	vshll.u32 v7, $0x5;
	[tilespmem:v4+s3+$0x0] =	vst.idx.msk $0xffff, v1  }
0x18: {  	s16 =	sadd.s32 $0x1, s16;
	v4 =	vor.u32 v0, v8;
	[tilespmem:v5+s3+$0x0] =	vst.idx.msk $0xffff, v1  }
0x19: {  	v7 =	vshll.u32 v7, $0x4;
	v5 =	vor.u32 v2, v8;
	[tilespmem:v6+s9+$0x0] =	vst.idx.msk $0xffff, v3  }
0x1a: {  	v6 =	vor.u32 v0, v7  }
0x1b: {  	_ =	sdelay $0x1  }
.Ltmp1:
0x1c: {  	_ = 	snop;
	(pc) =	sbr.rel @p0 .LBB2_7-.Ltmp1, $4  }
0x1d: {  	_ = 	snop  }
0x1e: {  	[tilespmem:v4+s3+$0x0] =	vst.idx.msk $0xffff, v1  }
0x1f: {  	[tilespmem:v5+s3+$0x0] =	vst.idx.msk $0xffff, v1  }
0x20: {  	[tilespmem:v6+s9+$0x0] =	vst.idx.msk $0xffff, v3  }
0x21: {  	s16 =	simm.s32 $0x0  }
0x22: {  	[spmem:s0] =	stream.linear.scatter [tilespmem:s16], [sflag:$0x1], $0x820, $0x38;
	[tilespmem:$0x1640] =	vst v63  }
0x23: {  	_ =	swait.ge [sflag:s10], $0x820  }
0x24: {  	[sflag:s10] =	ssyncset.done $0x0  }
0x25: {  	s17 =	sadd.s32 $0x0, s2;
	[sflag:s10] =	ssyncadd.s32 $0xFFFFF7E0  }
0x26: {  	[spmem:s17] =	stream.linear.scatter [tilespmem:s16], [sflag:$0x1], $0x10, $0x38;
	[tilespmem:$0x1640] =	vst v63  }
0x27: {  	s17 =	simm.s32 $0x40  }
.LBB2_5:
0x28: {  	p1 =	sne.s32 s17, $0x1000  }
.Ltmp2:
0x29: {  	_ = 	snop;
	(pc) =	sbr.rel @p1 .LBB2_5-.Ltmp2, $4  }
0x2a: {  	_ = 	snop  }
0x2b: {  	s18 =	sshra.s32 s17, $0x2;
	s17 =	sadd.s32 $0x40, s17  }
0x2c: {  	s16 =	sadd.s32 $0x20, s16;
	s18 =	sadd.s32 s18, s2  }
0x2d: {  	[spmem:s18] =	stream.linear.scatter [tilespmem:s16], [sflag:$0x1], $0x10, $0x38;
	[tilespmem:$0x1640] =	vst v63  }
0x2e: {  	_ =	swait.ge [sflag:s10], $0x410  }
0x2f: {  	[sflag:s10] =	ssyncset.done $0x0  }
0x30: {  	[sflag:s10] =	ssyncadd.s32 $0xFFFFFBF0  }
.LBB2_7:
0x31: {  	[bflag:$0x0] =	sbarrier.arrive $0xFFFF  }
0x32: {  	[tilespmem:s3], [sflag:$0x1] =	stream.linear.gather [hbm4b:s8+s3], $0xE00, $0x38;
	[tilespmem:$0x1640] =	vst v63  }
0x33: {  	_ =	swait.ge [sflag:s10], $0xE00  }
0x34: {  	[sflag:s10] =	ssyncset.done $0x0  }
0x35: {  	s16 =	sadd.s32 $0x0, s7;
	[sflag:s10] =	ssyncadd.s32 $0xFFFFF200  }
0x36: {  	[tilespmem:s11], [sflag:$0x1] =	stream.linear.gather [hbm4b:s16+s3], $0x70, $0x38;
	[tilespmem:$0x1640] =	vst v63  }
0x37: {  	_ =	swait.ge [sflag:s10], $0x70  }
0x38: {  	[sflag:s10] =	ssyncset.done $0x0  }
0x39: {  	[sflag:s10] =	ssyncadd.s32 $0xFFFFFF90  }
0x3a: {  	[spmem:s0] =	stream.indirect.scatter.add.f32 [tilespmem:s3], [sflag:$0x1], $0x20, s11, s12, $0xb8;
	[tilespmem:$0x1640] =	vst v63  }
0x3b: {  	_ =	swait.ge [sflag:s10], $0xE00  }
0x3c: {  	[sflag:s10] =	ssyncset.done $0x0  }
0x3d: {  	[sflag:s10] =	ssyncadd.s32 $0xFFFFF200  }
0x3e: {  	[spmem:s2] =	stream.indirect.scatter.add.f32 [tilespmem:s9], [sflag:$0x1], $0x10, s11, s12, $0xb8;
	[tilespmem:$0x1640] =	vst v63  }
0x3f: {  	_ =	swait.ge [sflag:s10], $0x700  }
0x40: {  	s17 =	smov.u32 s8;
	s16 =	simm.s32 $0xE;
	[sflag:s10] =	ssyncset.done $0x0  }
.LBB2_8:
0x41: {  	p1 =	sne.s32 s16, $0xB6;
	[sflag:s10] =	ssyncadd.s32 $0xFFFFF900;
	s17 =	sadd.s32 $0x1C0, s17  }
0x42: {  	[tilespmem:s3], [sflag:$0x1] =	stream.linear.gather [hbm4b:s17+s3], $0xE00, $0x38;
	[tilespmem:$0x1640] =	vst v63  }
0x43: {  	s18 =	smov.u32 s16;
	s16 =	sadd.s32 $0xE, s16;
	_ =	swait.ge [sflag:s10], $0xE00  }
0x44: {  	[sflag:s10] =	ssyncset.done $0x0  }
0x45: {  	s18 =	sadd.s32 s18, s7;
	[sflag:s10] =	ssyncadd.s32 $0xFFFFF200  }
0x46: {  	[tilespmem:s11], [sflag:$0x1] =	stream.linear.gather [hbm4b:s18+s3], $0x70, $0x38;
	[tilespmem:$0x1640] =	vst v63  }
0x47: {  	_ =	swait.ge [sflag:s10], $0x70  }
0x48: {  	[sflag:s10] =	ssyncset.done $0x0  }
0x49: {  	[sflag:s10] =	ssyncadd.s32 $0xFFFFFF90  }
0x4a: {  	[spmem:s0] =	stream.indirect.scatter.add.f32 [tilespmem:s3], [sflag:$0x1], $0x20, s11, s12, $0xb8;
	[tilespmem:$0x1640] =	vst v63  }
0x4b: {  	_ =	swait.ge [sflag:s10], $0xE00  }
.Ltmp3:
0x4c: {  	[sflag:s10] =	ssyncset.done $0x0;
	(pc) =	sbr.rel @p1 .LBB2_8-.Ltmp3, $4  }
0x4d: {  	[sflag:s10] =	ssyncadd.s32 $0xFFFFF200  }
0x4e: {  	[spmem:s2] =	stream.indirect.scatter.add.f32 [tilespmem:s9], [sflag:$0x1], $0x10, s11, s12, $0xb8;
	[tilespmem:$0x1640] =	vst v63  }
0x4f: {  	_ =	swait.ge [sflag:s10], $0x700  }
0x50: {  	[sflag:s10] =	ssyncset.done $0x0  }
0x51: {  	[sflag:s10] =	ssyncadd.s32 $0xFFFFF900  }
0x52: {  	s16 =	simm.s32 @!p0 $0x1C01;
	s17 =	simm.s32 @!p0 $0x1;
	[bflag:$0x0] =	sbarrier.arrive $0xFFFF  }
0x53: {  	[hbm:s4], [sflag:s16] =	dma.local @!p0 [spmem:s13], $0x104  }
0x54: {  	s15 =	sadd.s32 $0x1, s15;
	_ =	swait.ge @!p0 [sflag:s17], $0x104  }
0x55: {  	p1 =	sne.s32 s15, s6;
	[sflag:s17] =	ssyncset.done @!p0 $0x0  }
.Ltmp4:
0x56: {  	[sflag:s17] =	ssyncadd.s32 @!p0 $0xFFFFFEFC;
	(pc) =	sbr.rel @p1 .LBB2_1-.Ltmp4, $4  }
0x57: {  	[hbm:s5], [sflag:s16] =	dma.local @!p0 [spmem:s14], $0x82  }
0x58: {  	_ =	swait.ge @!p0 [sflag:s17], $0x82  }
0x59: {  	[sflag:s17] =	ssyncset.done @!p0 $0x0  }
0x5a: {  	[sflag:s17] =	ssyncadd.s32 @!p0 $0xFFFFFF7E  }
0x5b: {  	_ =	sfence.sel $0x180000  }
0x5c: {  	[bflag:$0x0] =	sbarrier.arrive $0xFFFF  }
0x5d: {  	_ =	strace $0x90000050  }
0x5e: {  	s0 =	sadd.s32 @!p0 $0x100000, s1;
	[bflag:$0x2] =	sbarrier.arrive $0xFFFF  }
0x5f: {  	[sflag:s0] =	ssyncadd.tile.s32 @!p0 $0x1;
	_ =	shalt  }
.Lfunc_end2:
_tile_overlayer_lowered:
.L_overlay_start_2:
0x60: {  	(tag) =	ssettag $0x2  }
0x61: {  	s0 =	rddreg [dreg:$0x0];
	s2 =	stileid.u32  }
0x62: {  	s1 =	rddreg [dreg:$0x1];
	p0 =	sne.s32 s2, $0x0  }
0x63: {  	s3 =	rddreg [dreg:$0x2];
	[bflag:$0x3] =	sbarrier.arrive $0xFFFF;
	s2 =	simm.s32 @!p0 $0x1C01  }
0x64: {  	[timem:s3], [sflag:s2] =	dma.local @!p0 [hbm:s0], s1  }
0x65: {  	s0 =	simm.s32 @!p0 $0x1  }
0x66: {  	_ =	swait.ge @!p0 [sflag:s0], s1  }
0x67: {  	s1 =	ssub.s32 @!p0 $0x0, s1;
	[sflag:s0] =	ssyncset.done @!p0 $0x0  }
0x68: {  	[sflag:s0] =	ssyncadd.s32 @!p0 s1  }
0x69: {  	[bflag:$0x3] =	sbarrier.arrive $0xFFFF  }
0x6a: {  	_ =	shalt  }

</sc_bundles>
